<compile_context>
chip_gen: v7x
topology: tpu7x:2x2x1
jax: 0.10.2.dev20260603
libtpu: 0.0.44.dev20260713+nightly
codegen_flags: <defaults>
</compile_context>

<pallas_src>
import jax
import jax.numpy as jnp
from jax import lax
from jax.experimental import pallas as pl
from jax.experimental.pallas import tpu as pltpu
from jax.experimental.pallas import tpu_sc as plsc

GRID_H, GRID_W = 10, 11
NSLOT = GRID_H * GRID_W
NW = 32
NRING = 4


def _sc_scatter(x3, ct_pad, pz_pad, zeros_src, B, C, T, nz):
    nb = B // NW
    nm = C
    rows = nb

    mesh = plsc.VectorSubcoreMesh(core_axis_name="c", subcore_axis_name="s")

    @pl.kernel(
        out_type=jax.ShapeDtypeStruct((NSLOT * B, T), jnp.float32),
        mesh=mesh,
        scratch_types=[
            pltpu.VMEM((rows, T), jnp.float32),
            pltpu.VMEM((rows, T), jnp.float32),
            pltpu.VMEM((rows, T), jnp.float32),
            pltpu.VMEM((rows, T), jnp.float32),
            pltpu.VMEM((64,), jnp.int32),
            pltpu.VMEM((48,), jnp.int32),
            pltpu.VMEM_SHARED((rows, T), jnp.float32),
            pltpu.SemaphoreType.DMA,
            pltpu.SemaphoreType.DMA,
            pltpu.SemaphoreType.DMA,
            pltpu.SemaphoreType.DMA,
            pltpu.SemaphoreType.DMA,
            pltpu.SemaphoreType.DMA,
            pltpu.SemaphoreType.DMA,
            pltpu.SemaphoreType.DMA,
            pltpu.SemaphoreType.DMA,
        ],
    )
    def k(x_hbm, ct_hbm, pz_hbm, z_hbm, out_hbm,
          buf0, buf1, buf2, buf3, ctv, pzv, zshared,
          semL0, semL1, semL2, semL3,
          semD0, semD1, semD2, semD3, semZ):
        wid = lax.axis_index("s") * 2 + lax.axis_index("c")
        b_lo = wid * nb

        bufs = (buf0, buf1, buf2, buf3)
        semL = (semL0, semL1, semL2, semL3)
        semD = (semD0, semD1, semD2, semD3)

        pltpu.sync_copy(ct_hbm, ctv)
        pltpu.sync_copy(pz_hbm, pzv)

        @pl.when(lax.axis_index("s") == 0)
        def _():
            pltpu.sync_copy(z_hbm, zshared)

        plsc.subcore_barrier()

        for kz in range(nz):
            vec = pzv[pl.ds((kz // 16) * 16, 16)]
            slot = vec[kz % 16]
            dst = slot * B + b_lo
            pltpu.async_copy(zshared, out_hbm.at[pl.ds(dst, rows)], semZ)

        def slot_of(c):
            vec = ctv[pl.ds((c // 16) * 16, 16)]
            return vec[c % 16]

        def start_load(m, j):
            return pltpu.async_copy(
                x_hbm.at[pl.ds(b_lo, nb), m], bufs[j], semL[j])

        def start_dscatter(m, j):
            dst = slot_of(m) * B + b_lo
            return pltpu.async_copy(
                bufs[j], out_hbm.at[pl.ds(dst, nb)], semD[j])

        def wait_load(j):
            pltpu.make_async_copy(
                x_hbm.at[pl.ds(0, nb), 0], bufs[j], semL[j]).wait()

        def wait_dscatter(j):
            pltpu.make_async_copy(
                bufs[j], out_hbm.at[pl.ds(0, nb)], semD[j]).wait()

        for m in range(NRING):
            start_load(m, m)
        for m in range(NRING - 3):
            wait_load(m)
            start_dscatter(m, m)

        for m in range(NRING, nm):
            j = m % NRING
            jp = (m - 3) % NRING
            wait_load(jp)
            start_dscatter(m - 3, jp)
            wait_dscatter(j)
            start_load(m, j)

        for d in (3, 2, 1):
            jp = (NRING - d) % NRING
            wait_load(jp)
            start_dscatter(nm - d, jp)
        for j in range(NRING):
            wait_dscatter(j)

        for _kz in range(nz):
            pltpu.make_async_copy(
                zshared, out_hbm.at[pl.ds(0, rows)], semZ).wait()

    return k(x3, ct_pad, pz_pad, zeros_src)


def kernel(x, channel_transformation):
    B, C, T = x.shape
    ct = channel_transformation.astype(jnp.int32)

    slots = jnp.arange(NSLOT, dtype=jnp.int32)
    occupied = (slots[:, None] == ct[None, :]).any(axis=1)
    pz = jnp.where(~occupied, size=NSLOT - C, fill_value=0)[0].astype(jnp.int32)

    nb = B // NW
    nz = NSLOT - C
    pz_pad = jnp.concatenate([pz, pz[-2:]])

    zeros_src = jnp.zeros((nb, T), jnp.float32)

    out_rows = _sc_scatter(x, ct,
                           pz_pad.astype(jnp.int32), zeros_src, B, C, T, nz)
    return jnp.transpose(out_rows.reshape(GRID_H, GRID_W, B, T), (2, 0, 1, 3))

# --- scband reference (transcript-rebuilt; emitter-appended) ---
"""Pipeline reference for scband-spatial-transform-layer-50560355008971 (READ-ONLY COPY).

The authoritative reference and input builder live on the scoring server;
editing this copy changes nothing except your own understanding.
"""

import jax, jax.numpy as jnp
import numpy as np

GRID_H, GRID_W = 10, 11

def setup_inputs(seed: int = 0) -> dict:
    key = jax.random.key(seed)
    B, C, T = 4096, 64, 128
    x = jax.random.normal(key, (B, C, T), dtype=jnp.float32)
    # Physionet CHANNEL_TRANSFORMATION: 64 distinct grid slots out of 10*11=110.
    # Real constant not available here; use a fixed seeded permutation (distinct, in-range).
    idx = np.random.default_rng(0).permutation(GRID_H * GRID_W)[:C]
    channel_transformation = jnp.asarray(idx, dtype=jnp.int64)
    return {"x": x, "channel_transformation": channel_transformation}

def reference(x, channel_transformation):
    # x: [B, 64, T]. Original layer splits by timepoint, scatters 64 channels into
    # a zero-initialized length-110 vector (y[:, ind] = tens[:, i]), reshapes to
    # (10, 11), expands dims and concatenates over timepoints -> [B, 10, 11, T].
    # Vectorized over timepoints: scatter-overwrite along the channel axis.
    B, C, T = x.shape
    y = jnp.zeros((B, GRID_H * GRID_W, T), dtype=x.dtype)
    y = y.at[:, channel_transformation, :].set(x)
    return y.reshape(B, GRID_H, GRID_W, T)

if __name__ == "__main__":
    import jax
    _d = setup_inputs()
    print(jax.jit(kernel)(*tuple(_d.values())))

</pallas_src>

<mosaic_0001>
#map = affine_map<(d0, d1) -> (0, 0, 0)>
#map1 = affine_map<(d0, d1) -> (0)>
#map2 = affine_map<(d0, d1) -> (0, 0)>
module attributes {stable_mosaic.version = 14 : i64} {
  func.func @k(%arg0: i32, %arg1: i32, %arg2: memref<4096x64x128xf32, #tpu.memory_space<hbm>>, %arg3: memref<64xi32, #tpu.memory_space<hbm>>, %arg4: memref<48xi32, #tpu.memory_space<hbm>>, %arg5: memref<128x128xf32, #tpu.memory_space<hbm>>, %arg6: memref<450560x128xf32, #tpu.memory_space<hbm>>, %arg7: memref<128x128xf32, #tpu.memory_space<vmem>>, %arg8: memref<128x128xf32, #tpu.memory_space<vmem>>, %arg9: memref<128x128xf32, #tpu.memory_space<vmem>>, %arg10: memref<128x128xf32, #tpu.memory_space<vmem>>, %arg11: memref<64xi32, #tpu.memory_space<vmem>>, %arg12: memref<48xi32, #tpu.memory_space<vmem>>, %arg13: memref<128x128xf32, #tpu.memory_space<vmem_shared>>, %arg14: memref<!tpu.dma_semaphore, #tpu.memory_space<semaphore_mem>>, %arg15: memref<!tpu.dma_semaphore, #tpu.memory_space<semaphore_mem>>, %arg16: memref<!tpu.dma_semaphore, #tpu.memory_space<semaphore_mem>>, %arg17: memref<!tpu.dma_semaphore, #tpu.memory_space<semaphore_mem>>, %arg18: memref<!tpu.dma_semaphore, #tpu.memory_space<semaphore_mem>>, %arg19: memref<!tpu.dma_semaphore, #tpu.memory_space<semaphore_mem>>, %arg20: memref<!tpu.dma_semaphore, #tpu.memory_space<semaphore_mem>>, %arg21: memref<!tpu.dma_semaphore, #tpu.memory_space<semaphore_mem>>, %arg22: memref<!tpu.dma_semaphore, #tpu.memory_space<semaphore_mem>>) attributes {dimension_semantics = [#tpu.dimension_semantics<core_parallel>, #tpu.dimension_semantics<subcore_parallel>], iteration_bounds = array<i64: 2, 16>, scalar_prefetch = 0 : i64, scratch_operands = 16 : i64, tpu.core_type = #tpu.core_type<sc_vector_subcore>, window_params = [{transform_indices = #map}, {transform_indices = #map1}, {transform_indices = #map1}, {transform_indices = #map2}, {transform_indices = #map2}]} {
    %mul3A = arith.constant 2 : i32
    %mul3A_0 = arith.muli %arg1, %mul3A : i32
    %add3A = arith.addi %mul3A_0, %arg0 : i32
    %mul3A_1 = arith.constant 128 : i32
    %mul3A_2 = arith.muli %add3A, %mul3A_1 : i32
    "tpu.region"() ({
      %run_scoped3A = tpu.sem_alloc : memref<!tpu.dma_semaphore, #tpu.memory_space<semaphore_mem>>
      tpu.enqueue_dma source(%arg3 : memref<64xi32, #tpu.memory_space<hbm>>) target(%arg11 : memref<64xi32, #tpu.memory_space<vmem>>) target_semaphore(%run_scoped3A : memref<!tpu.dma_semaphore, #tpu.memory_space<semaphore_mem>>)
      tpu.wait_dma2 semaphore(%run_scoped3A : memref<!tpu.dma_semaphore, #tpu.memory_space<semaphore_mem>>) src(%arg3 : memref<64xi32, #tpu.memory_space<hbm>>) dst(%arg11 : memref<64xi32, #tpu.memory_space<vmem>>)
      tpu.yield
    }) : () -> ()
    "tpu.region"() ({
      %run_scoped3A = tpu.sem_alloc : memref<!tpu.dma_semaphore, #tpu.memory_space<semaphore_mem>>
      tpu.enqueue_dma source(%arg4 : memref<48xi32, #tpu.memory_space<hbm>>) target(%arg12 : memref<48xi32, #tpu.memory_space<vmem>>) target_semaphore(%run_scoped3A : memref<!tpu.dma_semaphore, #tpu.memory_space<semaphore_mem>>)
      tpu.wait_dma2 semaphore(%run_scoped3A : memref<!tpu.dma_semaphore, #tpu.memory_space<semaphore_mem>>) src(%arg4 : memref<48xi32, #tpu.memory_space<hbm>>) dst(%arg12 : memref<48xi32, #tpu.memory_space<vmem>>)
      tpu.yield
    }) : () -> ()
    %eq3A = arith.constant 0 : i32
    %eq3A_3 = arith.cmpi eq, %arg1, %eq3A : i32
    %convert_element_type3A = arith.extui %eq3A_3 : i1 to i32
    %cond3A = arith.constant 0 : i32
    %cond3A_4 = arith.cmpi ne, %convert_element_type3A, %cond3A : i32
    scf.if %cond3A_4 {
      "tpu.region"() ({
        %run_scoped3A = tpu.sem_alloc : memref<!tpu.dma_semaphore, #tpu.memory_space<semaphore_mem>>
        tpu.enqueue_dma source(%arg5 : memref<128x128xf32, #tpu.memory_space<hbm>>) target(%arg13 : memref<128x128xf32, #tpu.memory_space<vmem_shared>>) target_semaphore(%run_scoped3A : memref<!tpu.dma_semaphore, #tpu.memory_space<semaphore_mem>>)
        tpu.wait_dma2 semaphore(%run_scoped3A : memref<!tpu.dma_semaphore, #tpu.memory_space<semaphore_mem>>) src(%arg5 : memref<128x128xf32, #tpu.memory_space<hbm>>) dst(%arg13 : memref<128x128xf32, #tpu.memory_space<vmem_shared>>)
        tpu.yield
      }) : () -> ()
    } else {
    }
    %barrier3A = arith.constant 0 : index
    tpu.barrier barrier_id(%barrier3A)
    %get3A = arith.constant 0 : index
    %get3A_5 = tpu.vector_load %arg12[%get3A] {strides = array<i32>} : memref<48xi32, #tpu.memory_space<vmem>>, vector<16xi32>,
    %get3A_6 = vector.shape_cast %get3A_5 : vector<16xi32> to vector<16xi32>
    %slice3A = vector.extract_strided_slice %get3A_6 {offsets = [0], sizes = [1], strides = [1]} : vector<16xi32> to vector<1xi32>
    %squeeze3A = vector.extract %slice3A[0] : i32 from vector<1xi32>
    %mul3A_7 = arith.constant 4096 : i32
    %mul3A_8 = arith.muli %squeeze3A, %mul3A_7 : i32
    %add3A_9 = arith.addi %mul3A_8, %mul3A_2 : i32
    %dma_start3A = arith.constant 0 : i32
    %dma_start3A_10 = tpu.memref_slice %arg6[%add3A_9, %dma_start3A] : memref<450560x128xf32, #tpu.memory_space<hbm>> -> memref<128x128xf32, #tpu.memory_space<hbm>>
    tpu.enqueue_dma source(%arg13 : memref<128x128xf32, #tpu.memory_space<vmem_shared>>) target(%dma_start3A_10 : memref<128x128xf32, #tpu.memory_space<hbm>>) target_semaphore(%arg22 : memref<!tpu.dma_semaphore, #tpu.memory_space<semaphore_mem>>)
    %get3A_11 = arith.constant 0 : index
    %get3A_12 = tpu.vector_load %arg12[%get3A_11] {strides = array<i32>} : memref<48xi32, #tpu.memory_space<vmem>>, vector<16xi32>,
    %get3A_13 = vector.shape_cast %get3A_12 : vector<16xi32> to vector<16xi32>
    %slice3A_14 = vector.extract_strided_slice %get3A_13 {offsets = [1], sizes = [1], strides = [1]} : vector<16xi32> to vector<1xi32>
    %squeeze3A_15 = vector.extract %slice3A_14[0] : i32 from vector<1xi32>
    %mul3A_16 = arith.constant 4096 : i32
    %mul3A_17 = arith.muli %squeeze3A_15, %mul3A_16 : i32
    %add3A_18 = arith.addi %mul3A_17, %mul3A_2 : i32
    %dma_start3A_19 = arith.constant 0 : i32
    %dma_start3A_20 = tpu.memref_slice %arg6[%add3A_18, %dma_start3A_19] : memref<450560x128xf32, #tpu.memory_space<hbm>> -> memref<128x128xf32, #tpu.memory_space<hbm>>
    tpu.enqueue_dma source(%arg13 : memref<128x128xf32, #tpu.memory_space<vmem_shared>>) target(%dma_start3A_20 : memref<128x128xf32, #tpu.memory_space<hbm>>) target_semaphore(%arg22 : memref<!tpu.dma_semaphore, #tpu.memory_space<semaphore_mem>>)
    %get3A_21 = arith.constant 0 : index
    %get3A_22 = tpu.vector_load %arg12[%get3A_21] {strides = array<i32>} : memref<48xi32, #tpu.memory_space<vmem>>, vector<16xi32>,
    %get3A_23 = vector.shape_cast %get3A_22 : vector<16xi32> to vector<16xi32>
    %slice3A_24 = vector.extract_strided_slice %get3A_23 {offsets = [2], sizes = [1], strides = [1]} : vector<16xi32> to vector<1xi32>
    %squeeze3A_25 = vector.extract %slice3A_24[0] : i32 from vector<1xi32>
    %mul3A_26 = arith.constant 4096 : i32
    %mul3A_27 = arith.muli %squeeze3A_25, %mul3A_26 : i32
    %add3A_28 = arith.addi %mul3A_27, %mul3A_2 : i32
    %dma_start3A_29 = arith.constant 0 : i32
    %dma_start3A_30 = tpu.memref_slice %arg6[%add3A_28, %dma_start3A_29] : memref<450560x128xf32, #tpu.memory_space<hbm>> -> memref<128x128xf32, #tpu.memory_space<hbm>>
    tpu.enqueue_dma source(%arg13 : memref<128x128xf32, #tpu.memory_space<vmem_shared>>) target(%dma_start3A_30 : memref<128x128xf32, #tpu.memory_space<hbm>>) target_semaphore(%arg22 : memref<!tpu.dma_semaphore, #tpu.memory_space<semaphore_mem>>)
    %get3A_31 = arith.constant 0 : index
    %get3A_32 = tpu.vector_load %arg12[%get3A_31] {strides = array<i32>} : memref<48xi32, #tpu.memory_space<vmem>>, vector<16xi32>,
    %get3A_33 = vector.shape_cast %get3A_32 : vector<16xi32> to vector<16xi32>
    %slice3A_34 = vector.extract_strided_slice %get3A_33 {offsets = [3], sizes = [1], strides = [1]} : vector<16xi32> to vector<1xi32>
    %squeeze3A_35 = vector.extract %slice3A_34[0] : i32 from vector<1xi32>
    %mul3A_36 = arith.constant 4096 : i32
    %mul3A_37 = arith.muli %squeeze3A_35, %mul3A_36 : i32
    %add3A_38 = arith.addi %mul3A_37, %mul3A_2 : i32
    %dma_start3A_39 = arith.constant 0 : i32
    %dma_start3A_40 = tpu.memref_slice %arg6[%add3A_38, %dma_start3A_39] : memref<450560x128xf32, #tpu.memory_space<hbm>> -> memref<128x128xf32, #tpu.memory_space<hbm>>
    tpu.enqueue_dma source(%arg13 : memref<128x128xf32, #tpu.memory_space<vmem_shared>>) target(%dma_start3A_40 : memref<128x128xf32, #tpu.memory_space<hbm>>) target_semaphore(%arg22 : memref<!tpu.dma_semaphore, #tpu.memory_space<semaphore_mem>>)
    %get3A_41 = arith.constant 0 : index
    %get3A_42 = tpu.vector_load %arg12[%get3A_41] {strides = array<i32>} : memref<48xi32, #tpu.memory_space<vmem>>, vector<16xi32>,
    %get3A_43 = vector.shape_cast %get3A_42 : vector<16xi32> to vector<16xi32>
    %slice3A_44 = vector.extract_strided_slice %get3A_43 {offsets = [4], sizes = [1], strides = [1]} : vector<16xi32> to vector<1xi32>
    %squeeze3A_45 = vector.extract %slice3A_44[0] : i32 from vector<1xi32>
    %mul3A_46 = arith.constant 4096 : i32
    %mul3A_47 = arith.muli %squeeze3A_45, %mul3A_46 : i32
    %add3A_48 = arith.addi %mul3A_47, %mul3A_2 : i32
    %dma_start3A_49 = arith.constant 0 : i32
    %dma_start3A_50 = tpu.memref_slice %arg6[%add3A_48, %dma_start3A_49] : memref<450560x128xf32, #tpu.memory_space<hbm>> -> memref<128x128xf32, #tpu.memory_space<hbm>>
    tpu.enqueue_dma source(%arg13 : memref<128x128xf32, #tpu.memory_space<vmem_shared>>) target(%dma_start3A_50 : memref<128x128xf32, #tpu.memory_space<hbm>>) target_semaphore(%arg22 : memref<!tpu.dma_semaphore, #tpu.memory_space<semaphore_mem>>)
    %get3A_51 = arith.constant 0 : index
    %get3A_52 = tpu.vector_load %arg12[%get3A_51] {strides = array<i32>} : memref<48xi32, #tpu.memory_space<vmem>>, vector<16xi32>,
    %get3A_53 = vector.shape_cast %get3A_52 : vector<16xi32> to vector<16xi32>
    %slice3A_54 = vector.extract_strided_slice %get3A_53 {offsets = [5], sizes = [1], strides = [1]} : vector<16xi32> to vector<1xi32>
    %squeeze3A_55 = vector.extract %slice3A_54[0] : i32 from vector<1xi32>
    %mul3A_56 = arith.constant 4096 : i32
    %mul3A_57 = arith.muli %squeeze3A_55, %mul3A_56 : i32
    %add3A_58 = arith.addi %mul3A_57, %mul3A_2 : i32
    %dma_start3A_59 = arith.constant 0 : i32
    %dma_start3A_60 = tpu.memref_slice %arg6[%add3A_58, %dma_start3A_59] : memref<450560x128xf32, #tpu.memory_space<hbm>> -> memref<128x128xf32, #tpu.memory_space<hbm>>
    tpu.enqueue_dma source(%arg13 : memref<128x128xf32, #tpu.memory_space<vmem_shared>>) target(%dma_start3A_60 : memref<128x128xf32, #tpu.memory_space<hbm>>) target_semaphore(%arg22 : memref<!tpu.dma_semaphore, #tpu.memory_space<semaphore_mem>>)
    %get3A_61 = arith.constant 0 : index
    %get3A_62 = tpu.vector_load %arg12[%get3A_61] {strides = array<i32>} : memref<48xi32, #tpu.memory_space<vmem>>, vector<16xi32>,
    %get3A_63 = vector.shape_cast %get3A_62 : vector<16xi32> to vector<16xi32>
    %slice3A_64 = vector.extract_strided_slice %get3A_63 {offsets = [6], sizes = [1], strides = [1]} : vector<16xi32> to vector<1xi32>
    %squeeze3A_65 = vector.extract %slice3A_64[0] : i32 from vector<1xi32>
    %mul3A_66 = arith.constant 4096 : i32
    %mul3A_67 = arith.muli %squeeze3A_65, %mul3A_66 : i32
    %add3A_68 = arith.addi %mul3A_67, %mul3A_2 : i32
    %dma_start3A_69 = arith.constant 0 : i32
    %dma_start3A_70 = tpu.memref_slice %arg6[%add3A_68, %dma_start3A_69] : memref<450560x128xf32, #tpu.memory_space<hbm>> -> memref<128x128xf32, #tpu.memory_space<hbm>>
    tpu.enqueue_dma source(%arg13 : memref<128x128xf32, #tpu.memory_space<vmem_shared>>) target(%dma_start3A_70 : memref<128x128xf32, #tpu.memory_space<hbm>>) target_semaphore(%arg22 : memref<!tpu.dma_semaphore, #tpu.memory_space<semaphore_mem>>)
    %get3A_71 = arith.constant 0 : index
    %get3A_72 = tpu.vector_load %arg12[%get3A_71] {strides = array<i32>} : memref<48xi32, #tpu.memory_space<vmem>>, vector<16xi32>,
    %get3A_73 = vector.shape_cast %get3A_72 : vector<16xi32> to vector<16xi32>
    %slice3A_74 = vector.extract_strided_slice %get3A_73 {offsets = [7], sizes = [1], strides = [1]} : vector<16xi32> to vector<1xi32>
    %squeeze3A_75 = vector.extract %slice3A_74[0] : i32 from vector<1xi32>
    %mul3A_76 = arith.constant 4096 : i32
    %mul3A_77 = arith.muli %squeeze3A_75, %mul3A_76 : i32
    %add3A_78 = arith.addi %mul3A_77, %mul3A_2 : i32
    %dma_start3A_79 = arith.constant 0 : i32
    %dma_start3A_80 = tpu.memref_slice %arg6[%add3A_78, %dma_start3A_79] : memref<450560x128xf32, #tpu.memory_space<hbm>> -> memref<128x128xf32, #tpu.memory_space<hbm>>
    tpu.enqueue_dma source(%arg13 : memref<128x128xf32, #tpu.memory_space<vmem_shared>>) target(%dma_start3A_80 : memref<128x128xf32, #tpu.memory_space<hbm>>) target_semaphore(%arg22 : memref<!tpu.dma_semaphore, #tpu.memory_space<semaphore_mem>>)
    %get3A_81 = arith.constant 0 : index
    %get3A_82 = tpu.vector_load %arg12[%get3A_81] {strides = array<i32>} : memref<48xi32, #tpu.memory_space<vmem>>, vector<16xi32>,
    %get3A_83 = vector.shape_cast %get3A_82 : vector<16xi32> to vector<16xi32>
    %slice3A_84 = vector.extract_strided_slice %get3A_83 {offsets = [8], sizes = [1], strides = [1]} : vector<16xi32> to vector<1xi32>
    %squeeze3A_85 = vector.extract %slice3A_84[0] : i32 from vector<1xi32>
    %mul3A_86 = arith.constant 4096 : i32
    %mul3A_87 = arith.muli %squeeze3A_85, %mul3A_86 : i32
    %add3A_88 = arith.addi %mul3A_87, %mul3A_2 : i32
    %dma_start3A_89 = arith.constant 0 : i32
    %dma_start3A_90 = tpu.memref_slice %arg6[%add3A_88, %dma_start3A_89] : memref<450560x128xf32, #tpu.memory_space<hbm>> -> memref<128x128xf32, #tpu.memory_space<hbm>>
    tpu.enqueue_dma source(%arg13 : memref<128x128xf32, #tpu.memory_space<vmem_shared>>) target(%dma_start3A_90 : memref<128x128xf32, #tpu.memory_space<hbm>>) target_semaphore(%arg22 : memref<!tpu.dma_semaphore, #tpu.memory_space<semaphore_mem>>)
    %get3A_91 = arith.constant 0 : index
    %get3A_92 = tpu.vector_load %arg12[%get3A_91] {strides = array<i32>} : memref<48xi32, #tpu.memory_space<vmem>>, vector<16xi32>,
    %get3A_93 = vector.shape_cast %get3A_92 : vector<16xi32> to vector<16xi32>
    %slice3A_94 = vector.extract_strided_slice %get3A_93 {offsets = [9], sizes = [1], strides = [1]} : vector<16xi32> to vector<1xi32>
    %squeeze3A_95 = vector.extract %slice3A_94[0] : i32 from vector<1xi32>
    %mul3A_96 = arith.constant 4096 : i32
    %mul3A_97 = arith.muli %squeeze3A_95, %mul3A_96 : i32
    %add3A_98 = arith.addi %mul3A_97, %mul3A_2 : i32
    %dma_start3A_99 = arith.constant 0 : i32
    %dma_start3A_100 = tpu.memref_slice %arg6[%add3A_98, %dma_start3A_99] : memref<450560x128xf32, #tpu.memory_space<hbm>> -> memref<128x128xf32, #tpu.memory_space<hbm>>
    tpu.enqueue_dma source(%arg13 : memref<128x128xf32, #tpu.memory_space<vmem_shared>>) target(%dma_start3A_100 : memref<128x128xf32, #tpu.memory_space<hbm>>) target_semaphore(%arg22 : memref<!tpu.dma_semaphore, #tpu.memory_space<semaphore_mem>>)
    %get3A_101 = arith.constant 0 : index
    %get3A_102 = tpu.vector_load %arg12[%get3A_101] {strides = array<i32>} : memref<48xi32, #tpu.memory_space<vmem>>, vector<16xi32>,
    %get3A_103 = vector.shape_cast %get3A_102 : vector<16xi32> to vector<16xi32>
    %slice3A_104 = vector.extract_strided_slice %get3A_103 {offsets = [10], sizes = [1], strides = [1]} : vector<16xi32> to vector<1xi32>
    %squeeze3A_105 = vector.extract %slice3A_104[0] : i32 from vector<1xi32>
    %mul3A_106 = arith.constant 4096 : i32
    %mul3A_107 = arith.muli %squeeze3A_105, %mul3A_106 : i32
    %add3A_108 = arith.addi %mul3A_107, %mul3A_2 : i32
    %dma_start3A_109 = arith.constant 0 : i32
    %dma_start3A_110 = tpu.memref_slice %arg6[%add3A_108, %dma_start3A_109] : memref<450560x128xf32, #tpu.memory_space<hbm>> -> memref<128x128xf32, #tpu.memory_space<hbm>>
    tpu.enqueue_dma source(%arg13 : memref<128x128xf32, #tpu.memory_space<vmem_shared>>) target(%dma_start3A_110 : memref<128x128xf32, #tpu.memory_space<hbm>>) target_semaphore(%arg22 : memref<!tpu.dma_semaphore, #tpu.memory_space<semaphore_mem>>)
    %get3A_111 = arith.constant 0 : index
    %get3A_112 = tpu.vector_load %arg12[%get3A_111] {strides = array<i32>} : memref<48xi32, #tpu.memory_space<vmem>>, vector<16xi32>,
    %get3A_113 = vector.shape_cast %get3A_112 : vector<16xi32> to vector<16xi32>
    %slice3A_114 = vector.extract_strided_slice %get3A_113 {offsets = [11], sizes = [1], strides = [1]} : vector<16xi32> to vector<1xi32>
    %squeeze3A_115 = vector.extract %slice3A_114[0] : i32 from vector<1xi32>
    %mul3A_116 = arith.constant 4096 : i32
    %mul3A_117 = arith.muli %squeeze3A_115, %mul3A_116 : i32
    %add3A_118 = arith.addi %mul3A_117, %mul3A_2 : i32
    %dma_start3A_119 = arith.constant 0 : i32
    %dma_start3A_120 = tpu.memref_slice %arg6[%add3A_118, %dma_start3A_119] : memref<450560x128xf32, #tpu.memory_space<hbm>> -> memref<128x128xf32, #tpu.memory_space<hbm>>
    tpu.enqueue_dma source(%arg13 : memref<128x128xf32, #tpu.memory_space<vmem_shared>>) target(%dma_start3A_120 : memref<128x128xf32, #tpu.memory_space<hbm>>) target_semaphore(%arg22 : memref<!tpu.dma_semaphore, #tpu.memory_space<semaphore_mem>>)
    %get3A_121 = arith.constant 0 : index
    %get3A_122 = tpu.vector_load %arg12[%get3A_121] {strides = array<i32>} : memref<48xi32, #tpu.memory_space<vmem>>, vector<16xi32>,
    %get3A_123 = vector.shape_cast %get3A_122 : vector<16xi32> to vector<16xi32>
    %slice3A_124 = vector.extract_strided_slice %get3A_123 {offsets = [12], sizes = [1], strides = [1]} : vector<16xi32> to vector<1xi32>
    %squeeze3A_125 = vector.extract %slice3A_124[0] : i32 from vector<1xi32>
    %mul3A_126 = arith.constant 4096 : i32
    %mul3A_127 = arith.muli %squeeze3A_125, %mul3A_126 : i32
    %add3A_128 = arith.addi %mul3A_127, %mul3A_2 : i32
    %dma_start3A_129 = arith.constant 0 : i32
    %dma_start3A_130 = tpu.memref_slice %arg6[%add3A_128, %dma_start3A_129] : memref<450560x128xf32, #tpu.memory_space<hbm>> -> memref<128x128xf32, #tpu.memory_space<hbm>>
    tpu.enqueue_dma source(%arg13 : memref<128x128xf32, #tpu.memory_space<vmem_shared>>) target(%dma_start3A_130 : memref<128x128xf32, #tpu.memory_space<hbm>>) target_semaphore(%arg22 : memref<!tpu.dma_semaphore, #tpu.memory_space<semaphore_mem>>)
    %get3A_131 = arith.constant 0 : index
    %get3A_132 = tpu.vector_load %arg12[%get3A_131] {strides = array<i32>} : memref<48xi32, #tpu.memory_space<vmem>>, vector<16xi32>,
    %get3A_133 = vector.shape_cast %get3A_132 : vector<16xi32> to vector<16xi32>
    %slice3A_134 = vector.extract_strided_slice %get3A_133 {offsets = [13], sizes = [1], strides = [1]} : vector<16xi32> to vector<1xi32>
    %squeeze3A_135 = vector.extract %slice3A_134[0] : i32 from vector<1xi32>
    %mul3A_136 = arith.constant 4096 : i32
    %mul3A_137 = arith.muli %squeeze3A_135, %mul3A_136 : i32
    %add3A_138 = arith.addi %mul3A_137, %mul3A_2 : i32
    %dma_start3A_139 = arith.constant 0 : i32
    %dma_start3A_140 = tpu.memref_slice %arg6[%add3A_138, %dma_start3A_139] : memref<450560x128xf32, #tpu.memory_space<hbm>> -> memref<128x128xf32, #tpu.memory_space<hbm>>
    tpu.enqueue_dma source(%arg13 : memref<128x128xf32, #tpu.memory_space<vmem_shared>>) target(%dma_start3A_140 : memref<128x128xf32, #tpu.memory_space<hbm>>) target_semaphore(%arg22 : memref<!tpu.dma_semaphore, #tpu.memory_space<semaphore_mem>>)
    %get3A_141 = arith.constant 0 : index
    %get3A_142 = tpu.vector_load %arg12[%get3A_141] {strides = array<i32>} : memref<48xi32, #tpu.memory_space<vmem>>, vector<16xi32>,
    %get3A_143 = vector.shape_cast %get3A_142 : vector<16xi32> to vector<16xi32>
    %slice3A_144 = vector.extract_strided_slice %get3A_143 {offsets = [14], sizes = [1], strides = [1]} : vector<16xi32> to vector<1xi32>
    %squeeze3A_145 = vector.extract %slice3A_144[0] : i32 from vector<1xi32>
    %mul3A_146 = arith.constant 4096 : i32
    %mul3A_147 = arith.muli %squeeze3A_145, %mul3A_146 : i32
    %add3A_148 = arith.addi %mul3A_147, %mul3A_2 : i32
    %dma_start3A_149 = arith.constant 0 : i32
    %dma_start3A_150 = tpu.memref_slice %arg6[%add3A_148, %dma_start3A_149] : memref<450560x128xf32, #tpu.memory_space<hbm>> -> memref<128x128xf32, #tpu.memory_space<hbm>>
    tpu.enqueue_dma source(%arg13 : memref<128x128xf32, #tpu.memory_space<vmem_shared>>) target(%dma_start3A_150 : memref<128x128xf32, #tpu.memory_space<hbm>>) target_semaphore(%arg22 : memref<!tpu.dma_semaphore, #tpu.memory_space<semaphore_mem>>)
    %get3A_151 = arith.constant 0 : index
    %get3A_152 = tpu.vector_load %arg12[%get3A_151] {strides = array<i32>} : memref<48xi32, #tpu.memory_space<vmem>>, vector<16xi32>,
    %get3A_153 = vector.shape_cast %get3A_152 : vector<16xi32> to vector<16xi32>
    %slice3A_154 = vector.extract_strided_slice %get3A_153 {offsets = [15], sizes = [1], strides = [1]} : vector<16xi32> to vector<1xi32>
    %squeeze3A_155 = vector.extract %slice3A_154[0] : i32 from vector<1xi32>
    %mul3A_156 = arith.constant 4096 : i32
    %mul3A_157 = arith.muli %squeeze3A_155, %mul3A_156 : i32
    %add3A_158 = arith.addi %mul3A_157, %mul3A_2 : i32
    %dma_start3A_159 = arith.constant 0 : i32
    %dma_start3A_160 = tpu.memref_slice %arg6[%add3A_158, %dma_start3A_159] : memref<450560x128xf32, #tpu.memory_space<hbm>> -> memref<128x128xf32, #tpu.memory_space<hbm>>
    tpu.enqueue_dma source(%arg13 : memref<128x128xf32, #tpu.memory_space<vmem_shared>>) target(%dma_start3A_160 : memref<128x128xf32, #tpu.memory_space<hbm>>) target_semaphore(%arg22 : memref<!tpu.dma_semaphore, #tpu.memory_space<semaphore_mem>>)
    %get3A_161 = arith.constant 16 : index
    %get3A_162 = tpu.vector_load %arg12[%get3A_161] {strides = array<i32>} : memref<48xi32, #tpu.memory_space<vmem>>, vector<16xi32>,
    %get3A_163 = vector.shape_cast %get3A_162 : vector<16xi32> to vector<16xi32>
    %slice3A_164 = vector.extract_strided_slice %get3A_163 {offsets = [0], sizes = [1], strides = [1]} : vector<16xi32> to vector<1xi32>
    %squeeze3A_165 = vector.extract %slice3A_164[0] : i32 from vector<1xi32>
    %mul3A_166 = arith.constant 4096 : i32
    %mul3A_167 = arith.muli %squeeze3A_165, %mul3A_166 : i32
    %add3A_168 = arith.addi %mul3A_167, %mul3A_2 : i32
    %dma_start3A_169 = arith.constant 0 : i32
    %dma_start3A_170 = tpu.memref_slice %arg6[%add3A_168, %dma_start3A_169] : memref<450560x128xf32, #tpu.memory_space<hbm>> -> memref<128x128xf32, #tpu.memory_space<hbm>>
    tpu.enqueue_dma source(%arg13 : memref<128x128xf32, #tpu.memory_space<vmem_shared>>) target(%dma_start3A_170 : memref<128x128xf32, #tpu.memory_space<hbm>>) target_semaphore(%arg22 : memref<!tpu.dma_semaphore, #tpu.memory_space<semaphore_mem>>)
    %get3A_171 = arith.constant 16 : index
    %get3A_172 = tpu.vector_load %arg12[%get3A_171] {strides = array<i32>} : memref<48xi32, #tpu.memory_space<vmem>>, vector<16xi32>,
    %get3A_173 = vector.shape_cast %get3A_172 : vector<16xi32> to vector<16xi32>
    %slice3A_174 = vector.extract_strided_slice %get3A_173 {offsets = [1], sizes = [1], strides = [1]} : vector<16xi32> to vector<1xi32>
    %squeeze3A_175 = vector.extract %slice3A_174[0] : i32 from vector<1xi32>
    %mul3A_176 = arith.constant 4096 : i32
    %mul3A_177 = arith.muli %squeeze3A_175, %mul3A_176 : i32
    %add3A_178 = arith.addi %mul3A_177, %mul3A_2 : i32
    %dma_start3A_179 = arith.constant 0 : i32
    %dma_start3A_180 = tpu.memref_slice %arg6[%add3A_178, %dma_start3A_179] : memref<450560x128xf32, #tpu.memory_space<hbm>> -> memref<128x128xf32, #tpu.memory_space<hbm>>
    tpu.enqueue_dma source(%arg13 : memref<128x128xf32, #tpu.memory_space<vmem_shared>>) target(%dma_start3A_180 : memref<128x128xf32, #tpu.memory_space<hbm>>) target_semaphore(%arg22 : memref<!tpu.dma_semaphore, #tpu.memory_space<semaphore_mem>>)
    %get3A_181 = arith.constant 16 : index
    %get3A_182 = tpu.vector_load %arg12[%get3A_181] {strides = array<i32>} : memref<48xi32, #tpu.memory_space<vmem>>, vector<16xi32>,
    %get3A_183 = vector.shape_cast %get3A_182 : vector<16xi32> to vector<16xi32>
    %slice3A_184 = vector.extract_strided_slice %get3A_183 {offsets = [2], sizes = [1], strides = [1]} : vector<16xi32> to vector<1xi32>
    %squeeze3A_185 = vector.extract %slice3A_184[0] : i32 from vector<1xi32>
    %mul3A_186 = arith.constant 4096 : i32
    %mul3A_187 = arith.muli %squeeze3A_185, %mul3A_186 : i32
    %add3A_188 = arith.addi %mul3A_187, %mul3A_2 : i32
    %dma_start3A_189 = arith.constant 0 : i32
    %dma_start3A_190 = tpu.memref_slice %arg6[%add3A_188, %dma_start3A_189] : memref<450560x128xf32, #tpu.memory_space<hbm>> -> memref<128x128xf32, #tpu.memory_space<hbm>>
    tpu.enqueue_dma source(%arg13 : memref<128x128xf32, #tpu.memory_space<vmem_shared>>) target(%dma_start3A_190 : memref<128x128xf32, #tpu.memory_space<hbm>>) target_semaphore(%arg22 : memref<!tpu.dma_semaphore, #tpu.memory_space<semaphore_mem>>)
    %get3A_191 = arith.constant 16 : index
    %get3A_192 = tpu.vector_load %arg12[%get3A_191] {strides = array<i32>} : memref<48xi32, #tpu.memory_space<vmem>>, vector<16xi32>,
    %get3A_193 = vector.shape_cast %get3A_192 : vector<16xi32> to vector<16xi32>
    %slice3A_194 = vector.extract_strided_slice %get3A_193 {offsets = [3], sizes = [1], strides = [1]} : vector<16xi32> to vector<1xi32>
    %squeeze3A_195 = vector.extract %slice3A_194[0] : i32 from vector<1xi32>
    %mul3A_196 = arith.constant 4096 : i32
    %mul3A_197 = arith.muli %squeeze3A_195, %mul3A_196 : i32
    %add3A_198 = arith.addi %mul3A_197, %mul3A_2 : i32
    %dma_start3A_199 = arith.constant 0 : i32
    %dma_start3A_200 = tpu.memref_slice %arg6[%add3A_198, %dma_start3A_199] : memref<450560x128xf32, #tpu.memory_space<hbm>> -> memref<128x128xf32, #tpu.memory_space<hbm>>
    tpu.enqueue_dma source(%arg13 : memref<128x128xf32, #tpu.memory_space<vmem_shared>>) target(%dma_start3A_200 : memref<128x128xf32, #tpu.memory_space<hbm>>) target_semaphore(%arg22 : memref<!tpu.dma_semaphore, #tpu.memory_space<semaphore_mem>>)
    %get3A_201 = arith.constant 16 : index
    %get3A_202 = tpu.vector_load %arg12[%get3A_201] {strides = array<i32>} : memref<48xi32, #tpu.memory_space<vmem>>, vector<16xi32>,
    %get3A_203 = vector.shape_cast %get3A_202 : vector<16xi32> to vector<16xi32>
    %slice3A_204 = vector.extract_strided_slice %get3A_203 {offsets = [4], sizes = [1], strides = [1]} : vector<16xi32> to vector<1xi32>
    %squeeze3A_205 = vector.extract %slice3A_204[0] : i32 from vector<1xi32>
    %mul3A_206 = arith.constant 4096 : i32
    %mul3A_207 = arith.muli %squeeze3A_205, %mul3A_206 : i32
    %add3A_208 = arith.addi %mul3A_207, %mul3A_2 : i32
    %dma_start3A_209 = arith.constant 0 : i32
    %dma_start3A_210 = tpu.memref_slice %arg6[%add3A_208, %dma_start3A_209] : memref<450560x128xf32, #tpu.memory_space<hbm>> -> memref<128x128xf32, #tpu.memory_space<hbm>>
    tpu.enqueue_dma source(%arg13 : memref<128x128xf32, #tpu.memory_space<vmem_shared>>) target(%dma_start3A_210 : memref<128x128xf32, #tpu.memory_space<hbm>>) target_semaphore(%arg22 : memref<!tpu.dma_semaphore, #tpu.memory_space<semaphore_mem>>)
    %get3A_211 = arith.constant 16 : index
    %get3A_212 = tpu.vector_load %arg12[%get3A_211] {strides = array<i32>} : memref<48xi32, #tpu.memory_space<vmem>>, vector<16xi32>,
    %get3A_213 = vector.shape_cast %get3A_212 : vector<16xi32> to vector<16xi32>
    %slice3A_214 = vector.extract_strided_slice %get3A_213 {offsets = [5], sizes = [1], strides = [1]} : vector<16xi32> to vector<1xi32>
    %squeeze3A_215 = vector.extract %slice3A_214[0] : i32 from vector<1xi32>
    %mul3A_216 = arith.constant 4096 : i32
    %mul3A_217 = arith.muli %squeeze3A_215, %mul3A_216 : i32
    %add3A_218 = arith.addi %mul3A_217, %mul3A_2 : i32
    %dma_start3A_219 = arith.constant 0 : i32
    %dma_start3A_220 = tpu.memref_slice %arg6[%add3A_218, %dma_start3A_219] : memref<450560x128xf32, #tpu.memory_space<hbm>> -> memref<128x128xf32, #tpu.memory_space<hbm>>
    tpu.enqueue_dma source(%arg13 : memref<128x128xf32, #tpu.memory_space<vmem_shared>>) target(%dma_start3A_220 : memref<128x128xf32, #tpu.memory_space<hbm>>) target_semaphore(%arg22 : memref<!tpu.dma_semaphore, #tpu.memory_space<semaphore_mem>>)
    %get3A_221 = arith.constant 16 : index
    %get3A_222 = tpu.vector_load %arg12[%get3A_221] {strides = array<i32>} : memref<48xi32, #tpu.memory_space<vmem>>, vector<16xi32>,
    %get3A_223 = vector.shape_cast %get3A_222 : vector<16xi32> to vector<16xi32>
    %slice3A_224 = vector.extract_strided_slice %get3A_223 {offsets = [6], sizes = [1], strides = [1]} : vector<16xi32> to vector<1xi32>
    %squeeze3A_225 = vector.extract %slice3A_224[0] : i32 from vector<1xi32>
    %mul3A_226 = arith.constant 4096 : i32
    %mul3A_227 = arith.muli %squeeze3A_225, %mul3A_226 : i32
    %add3A_228 = arith.addi %mul3A_227, %mul3A_2 : i32
    %dma_start3A_229 = arith.constant 0 : i32
    %dma_start3A_230 = tpu.memref_slice %arg6[%add3A_228, %dma_start3A_229] : memref<450560x128xf32, #tpu.memory_space<hbm>> -> memref<128x128xf32, #tpu.memory_space<hbm>>
    tpu.enqueue_dma source(%arg13 : memref<128x128xf32, #tpu.memory_space<vmem_shared>>) target(%dma_start3A_230 : memref<128x128xf32, #tpu.memory_space<hbm>>) target_semaphore(%arg22 : memref<!tpu.dma_semaphore, #tpu.memory_space<semaphore_mem>>)
    %get3A_231 = arith.constant 16 : index
    %get3A_232 = tpu.vector_load %arg12[%get3A_231] {strides = array<i32>} : memref<48xi32, #tpu.memory_space<vmem>>, vector<16xi32>,
    %get3A_233 = vector.shape_cast %get3A_232 : vector<16xi32> to vector<16xi32>
    %slice3A_234 = vector.extract_strided_slice %get3A_233 {offsets = [7], sizes = [1], strides = [1]} : vector<16xi32> to vector<1xi32>
    %squeeze3A_235 = vector.extract %slice3A_234[0] : i32 from vector<1xi32>
    %mul3A_236 = arith.constant 4096 : i32
    %mul3A_237 = arith.muli %squeeze3A_235, %mul3A_236 : i32
    %add3A_238 = arith.addi %mul3A_237, %mul3A_2 : i32
    %dma_start3A_239 = arith.constant 0 : i32
    %dma_start3A_240 = tpu.memref_slice %arg6[%add3A_238, %dma_start3A_239] : memref<450560x128xf32, #tpu.memory_space<hbm>> -> memref<128x128xf32, #tpu.memory_space<hbm>>
    tpu.enqueue_dma source(%arg13 : memref<128x128xf32, #tpu.memory_space<vmem_shared>>) target(%dma_start3A_240 : memref<128x128xf32, #tpu.memory_space<hbm>>) target_semaphore(%arg22 : memref<!tpu.dma_semaphore, #tpu.memory_space<semaphore_mem>>)
    %get3A_241 = arith.constant 16 : index
    %get3A_242 = tpu.vector_load %arg12[%get3A_241] {strides = array<i32>} : memref<48xi32, #tpu.memory_space<vmem>>, vector<16xi32>,
    %get3A_243 = vector.shape_cast %get3A_242 : vector<16xi32> to vector<16xi32>
    %slice3A_244 = vector.extract_strided_slice %get3A_243 {offsets = [8], sizes = [1], strides = [1]} : vector<16xi32> to vector<1xi32>
    %squeeze3A_245 = vector.extract %slice3A_244[0] : i32 from vector<1xi32>
    %mul3A_246 = arith.constant 4096 : i32
    %mul3A_247 = arith.muli %squeeze3A_245, %mul3A_246 : i32
    %add3A_248 = arith.addi %mul3A_247, %mul3A_2 : i32
    %dma_start3A_249 = arith.constant 0 : i32
    %dma_start3A_250 = tpu.memref_slice %arg6[%add3A_248, %dma_start3A_249] : memref<450560x128xf32, #tpu.memory_space<hbm>> -> memref<128x128xf32, #tpu.memory_space<hbm>>
    tpu.enqueue_dma source(%arg13 : memref<128x128xf32, #tpu.memory_space<vmem_shared>>) target(%dma_start3A_250 : memref<128x128xf32, #tpu.memory_space<hbm>>) target_semaphore(%arg22 : memref<!tpu.dma_semaphore, #tpu.memory_space<semaphore_mem>>)
    %get3A_251 = arith.constant 16 : index
    %get3A_252 = tpu.vector_load %arg12[%get3A_251] {strides = array<i32>} : memref<48xi32, #tpu.memory_space<vmem>>, vector<16xi32>,
    %get3A_253 = vector.shape_cast %get3A_252 : vector<16xi32> to vector<16xi32>
    %slice3A_254 = vector.extract_strided_slice %get3A_253 {offsets = [9], sizes = [1], strides = [1]} : vector<16xi32> to vector<1xi32>
    %squeeze3A_255 = vector.extract %slice3A_254[0] : i32 from vector<1xi32>
    %mul3A_256 = arith.constant 4096 : i32
    %mul3A_257 = arith.muli %squeeze3A_255, %mul3A_256 : i32
    %add3A_258 = arith.addi %mul3A_257, %mul3A_2 : i32
    %dma_start3A_259 = arith.constant 0 : i32
    %dma_start3A_260 = tpu.memref_slice %arg6[%add3A_258, %dma_start3A_259] : memref<450560x128xf32, #tpu.memory_space<hbm>> -> memref<128x128xf32, #tpu.memory_space<hbm>>
    tpu.enqueue_dma source(%arg13 : memref<128x128xf32, #tpu.memory_space<vmem_shared>>) target(%dma_start3A_260 : memref<128x128xf32, #tpu.memory_space<hbm>>) target_semaphore(%arg22 : memref<!tpu.dma_semaphore, #tpu.memory_space<semaphore_mem>>)
    %get3A_261 = arith.constant 16 : index
    %get3A_262 = tpu.vector_load %arg12[%get3A_261] {strides = array<i32>} : memref<48xi32, #tpu.memory_space<vmem>>, vector<16xi32>,
    %get3A_263 = vector.shape_cast %get3A_262 : vector<16xi32> to vector<16xi32>
    %slice3A_264 = vector.extract_strided_slice %get3A_263 {offsets = [10], sizes = [1], strides = [1]} : vector<16xi32> to vector<1xi32>
    %squeeze3A_265 = vector.extract %slice3A_264[0] : i32 from vector<1xi32>
    %mul3A_266 = arith.constant 4096 : i32
    %mul3A_267 = arith.muli %squeeze3A_265, %mul3A_266 : i32
    %add3A_268 = arith.addi %mul3A_267, %mul3A_2 : i32
    %dma_start3A_269 = arith.constant 0 : i32
    %dma_start3A_270 = tpu.memref_slice %arg6[%add3A_268, %dma_start3A_269] : memref<450560x128xf32, #tpu.memory_space<hbm>> -> memref<128x128xf32, #tpu.memory_space<hbm>>
    tpu.enqueue_dma source(%arg13 : memref<128x128xf32, #tpu.memory_space<vmem_shared>>) target(%dma_start3A_270 : memref<128x128xf32, #tpu.memory_space<hbm>>) target_semaphore(%arg22 : memref<!tpu.dma_semaphore, #tpu.memory_space<semaphore_mem>>)
    %get3A_271 = arith.constant 16 : index
    %get3A_272 = tpu.vector_load %arg12[%get3A_271] {strides = array<i32>} : memref<48xi32, #tpu.memory_space<vmem>>, vector<16xi32>,
    %get3A_273 = vector.shape_cast %get3A_272 : vector<16xi32> to vector<16xi32>
    %slice3A_274 = vector.extract_strided_slice %get3A_273 {offsets = [11], sizes = [1], strides = [1]} : vector<16xi32> to vector<1xi32>
    %squeeze3A_275 = vector.extract %slice3A_274[0] : i32 from vector<1xi32>
    %mul3A_276 = arith.constant 4096 : i32
    %mul3A_277 = arith.muli %squeeze3A_275, %mul3A_276 : i32
    %add3A_278 = arith.addi %mul3A_277, %mul3A_2 : i32
    %dma_start3A_279 = arith.constant 0 : i32
    %dma_start3A_280 = tpu.memref_slice %arg6[%add3A_278, %dma_start3A_279] : memref<450560x128xf32, #tpu.memory_space<hbm>> -> memref<128x128xf32, #tpu.memory_space<hbm>>
    tpu.enqueue_dma source(%arg13 : memref<128x128xf32, #tpu.memory_space<vmem_shared>>) target(%dma_start3A_280 : memref<128x128xf32, #tpu.memory_space<hbm>>) target_semaphore(%arg22 : memref<!tpu.dma_semaphore, #tpu.memory_space<semaphore_mem>>)
    %get3A_281 = arith.constant 16 : index
    %get3A_282 = tpu.vector_load %arg12[%get3A_281] {strides = array<i32>} : memref<48xi32, #tpu.memory_space<vmem>>, vector<16xi32>,
    %get3A_283 = vector.shape_cast %get3A_282 : vector<16xi32> to vector<16xi32>
    %slice3A_284 = vector.extract_strided_slice %get3A_283 {offsets = [12], sizes = [1], strides = [1]} : vector<16xi32> to vector<1xi32>
    %squeeze3A_285 = vector.extract %slice3A_284[0] : i32 from vector<1xi32>
    %mul3A_286 = arith.constant 4096 : i32
    %mul3A_287 = arith.muli %squeeze3A_285, %mul3A_286 : i32
    %add3A_288 = arith.addi %mul3A_287, %mul3A_2 : i32
    %dma_start3A_289 = arith.constant 0 : i32
    %dma_start3A_290 = tpu.memref_slice %arg6[%add3A_288, %dma_start3A_289] : memref<450560x128xf32, #tpu.memory_space<hbm>> -> memref<128x128xf32, #tpu.memory_space<hbm>>
    tpu.enqueue_dma source(%arg13 : memref<128x128xf32, #tpu.memory_space<vmem_shared>>) target(%dma_start3A_290 : memref<128x128xf32, #tpu.memory_space<hbm>>) target_semaphore(%arg22 : memref<!tpu.dma_semaphore, #tpu.memory_space<semaphore_mem>>)
    %get3A_291 = arith.constant 16 : index
    %get3A_292 = tpu.vector_load %arg12[%get3A_291] {strides = array<i32>} : memref<48xi32, #tpu.memory_space<vmem>>, vector<16xi32>,
    %get3A_293 = vector.shape_cast %get3A_292 : vector<16xi32> to vector<16xi32>
    %slice3A_294 = vector.extract_strided_slice %get3A_293 {offsets = [13], sizes = [1], strides = [1]} : vector<16xi32> to vector<1xi32>
    %squeeze3A_295 = vector.extract %slice3A_294[0] : i32 from vector<1xi32>
    %mul3A_296 = arith.constant 4096 : i32
    %mul3A_297 = arith.muli %squeeze3A_295, %mul3A_296 : i32
    %add3A_298 = arith.addi %mul3A_297, %mul3A_2 : i32
    %dma_start3A_299 = arith.constant 0 : i32
    %dma_start3A_300 = tpu.memref_slice %arg6[%add3A_298, %dma_start3A_299] : memref<450560x128xf32, #tpu.memory_space<hbm>> -> memref<128x128xf32, #tpu.memory_space<hbm>>
    tpu.enqueue_dma source(%arg13 : memref<128x128xf32, #tpu.memory_space<vmem_shared>>) target(%dma_start3A_300 : memref<128x128xf32, #tpu.memory_space<hbm>>) target_semaphore(%arg22 : memref<!tpu.dma_semaphore, #tpu.memory_space<semaphore_mem>>)
    %get3A_301 = arith.constant 16 : index
    %get3A_302 = tpu.vector_load %arg12[%get3A_301] {strides = array<i32>} : memref<48xi32, #tpu.memory_space<vmem>>, vector<16xi32>,
    %get3A_303 = vector.shape_cast %get3A_302 : vector<16xi32> to vector<16xi32>
    %slice3A_304 = vector.extract_strided_slice %get3A_303 {offsets = [14], sizes = [1], strides = [1]} : vector<16xi32> to vector<1xi32>
    %squeeze3A_305 = vector.extract %slice3A_304[0] : i32 from vector<1xi32>
    %mul3A_306 = arith.constant 4096 : i32
    %mul3A_307 = arith.muli %squeeze3A_305, %mul3A_306 : i32
    %add3A_308 = arith.addi %mul3A_307, %mul3A_2 : i32
    %dma_start3A_309 = arith.constant 0 : i32
    %dma_start3A_310 = tpu.memref_slice %arg6[%add3A_308, %dma_start3A_309] : memref<450560x128xf32, #tpu.memory_space<hbm>> -> memref<128x128xf32, #tpu.memory_space<hbm>>
    tpu.enqueue_dma source(%arg13 : memref<128x128xf32, #tpu.memory_space<vmem_shared>>) target(%dma_start3A_310 : memref<128x128xf32, #tpu.memory_space<hbm>>) target_semaphore(%arg22 : memref<!tpu.dma_semaphore, #tpu.memory_space<semaphore_mem>>)
    %get3A_311 = arith.constant 16 : index
    %get3A_312 = tpu.vector_load %arg12[%get3A_311] {strides = array<i32>} : memref<48xi32, #tpu.memory_space<vmem>>, vector<16xi32>,
    %get3A_313 = vector.shape_cast %get3A_312 : vector<16xi32> to vector<16xi32>
    %slice3A_314 = vector.extract_strided_slice %get3A_313 {offsets = [15], sizes = [1], strides = [1]} : vector<16xi32> to vector<1xi32>
    %squeeze3A_315 = vector.extract %slice3A_314[0] : i32 from vector<1xi32>
    %mul3A_316 = arith.constant 4096 : i32
    %mul3A_317 = arith.muli %squeeze3A_315, %mul3A_316 : i32
    %add3A_318 = arith.addi %mul3A_317, %mul3A_2 : i32
    %dma_start3A_319 = arith.constant 0 : i32
    %dma_start3A_320 = tpu.memref_slice %arg6[%add3A_318, %dma_start3A_319] : memref<450560x128xf32, #tpu.memory_space<hbm>> -> memref<128x128xf32, #tpu.memory_space<hbm>>
    tpu.enqueue_dma source(%arg13 : memref<128x128xf32, #tpu.memory_space<vmem_shared>>) target(%dma_start3A_320 : memref<128x128xf32, #tpu.memory_space<hbm>>) target_semaphore(%arg22 : memref<!tpu.dma_semaphore, #tpu.memory_space<semaphore_mem>>)
    %get3A_321 = arith.constant 32 : index
    %get3A_322 = tpu.vector_load %arg12[%get3A_321] {strides = array<i32>} : memref<48xi32, #tpu.memory_space<vmem>>, vector<16xi32>,
    %get3A_323 = vector.shape_cast %get3A_322 : vector<16xi32> to vector<16xi32>
    %slice3A_324 = vector.extract_strided_slice %get3A_323 {offsets = [0], sizes = [1], strides = [1]} : vector<16xi32> to vector<1xi32>
    %squeeze3A_325 = vector.extract %slice3A_324[0] : i32 from vector<1xi32>
    %mul3A_326 = arith.constant 4096 : i32
    %mul3A_327 = arith.muli %squeeze3A_325, %mul3A_326 : i32
    %add3A_328 = arith.addi %mul3A_327, %mul3A_2 : i32
    %dma_start3A_329 = arith.constant 0 : i32
    %dma_start3A_330 = tpu.memref_slice %arg6[%add3A_328, %dma_start3A_329] : memref<450560x128xf32, #tpu.memory_space<hbm>> -> memref<128x128xf32, #tpu.memory_space<hbm>>
    tpu.enqueue_dma source(%arg13 : memref<128x128xf32, #tpu.memory_space<vmem_shared>>) target(%dma_start3A_330 : memref<128x128xf32, #tpu.memory_space<hbm>>) target_semaphore(%arg22 : memref<!tpu.dma_semaphore, #tpu.memory_space<semaphore_mem>>)
    %get3A_331 = arith.constant 32 : index
    %get3A_332 = tpu.vector_load %arg12[%get3A_331] {strides = array<i32>} : memref<48xi32, #tpu.memory_space<vmem>>, vector<16xi32>,
    %get3A_333 = vector.shape_cast %get3A_332 : vector<16xi32> to vector<16xi32>
    %slice3A_334 = vector.extract_strided_slice %get3A_333 {offsets = [1], sizes = [1], strides = [1]} : vector<16xi32> to vector<1xi32>
    %squeeze3A_335 = vector.extract %slice3A_334[0] : i32 from vector<1xi32>
    %mul3A_336 = arith.constant 4096 : i32
    %mul3A_337 = arith.muli %squeeze3A_335, %mul3A_336 : i32
    %add3A_338 = arith.addi %mul3A_337, %mul3A_2 : i32
    %dma_start3A_339 = arith.constant 0 : i32
    %dma_start3A_340 = tpu.memref_slice %arg6[%add3A_338, %dma_start3A_339] : memref<450560x128xf32, #tpu.memory_space<hbm>> -> memref<128x128xf32, #tpu.memory_space<hbm>>
    tpu.enqueue_dma source(%arg13 : memref<128x128xf32, #tpu.memory_space<vmem_shared>>) target(%dma_start3A_340 : memref<128x128xf32, #tpu.memory_space<hbm>>) target_semaphore(%arg22 : memref<!tpu.dma_semaphore, #tpu.memory_space<semaphore_mem>>)
    %get3A_341 = arith.constant 32 : index
    %get3A_342 = tpu.vector_load %arg12[%get3A_341] {strides = array<i32>} : memref<48xi32, #tpu.memory_space<vmem>>, vector<16xi32>,
    %get3A_343 = vector.shape_cast %get3A_342 : vector<16xi32> to vector<16xi32>
    %slice3A_344 = vector.extract_strided_slice %get3A_343 {offsets = [2], sizes = [1], strides = [1]} : vector<16xi32> to vector<1xi32>
    %squeeze3A_345 = vector.extract %slice3A_344[0] : i32 from vector<1xi32>
    %mul3A_346 = arith.constant 4096 : i32
    %mul3A_347 = arith.muli %squeeze3A_345, %mul3A_346 : i32
    %add3A_348 = arith.addi %mul3A_347, %mul3A_2 : i32
    %dma_start3A_349 = arith.constant 0 : i32
    %dma_start3A_350 = tpu.memref_slice %arg6[%add3A_348, %dma_start3A_349] : memref<450560x128xf32, #tpu.memory_space<hbm>> -> memref<128x128xf32, #tpu.memory_space<hbm>>
    tpu.enqueue_dma source(%arg13 : memref<128x128xf32, #tpu.memory_space<vmem_shared>>) target(%dma_start3A_350 : memref<128x128xf32, #tpu.memory_space<hbm>>) target_semaphore(%arg22 : memref<!tpu.dma_semaphore, #tpu.memory_space<semaphore_mem>>)
    %get3A_351 = arith.constant 32 : index
    %get3A_352 = tpu.vector_load %arg12[%get3A_351] {strides = array<i32>} : memref<48xi32, #tpu.memory_space<vmem>>, vector<16xi32>,
    %get3A_353 = vector.shape_cast %get3A_352 : vector<16xi32> to vector<16xi32>
    %slice3A_354 = vector.extract_strided_slice %get3A_353 {offsets = [3], sizes = [1], strides = [1]} : vector<16xi32> to vector<1xi32>
    %squeeze3A_355 = vector.extract %slice3A_354[0] : i32 from vector<1xi32>
    %mul3A_356 = arith.constant 4096 : i32
    %mul3A_357 = arith.muli %squeeze3A_355, %mul3A_356 : i32
    %add3A_358 = arith.addi %mul3A_357, %mul3A_2 : i32
    %dma_start3A_359 = arith.constant 0 : i32
    %dma_start3A_360 = tpu.memref_slice %arg6[%add3A_358, %dma_start3A_359] : memref<450560x128xf32, #tpu.memory_space<hbm>> -> memref<128x128xf32, #tpu.memory_space<hbm>>
    tpu.enqueue_dma source(%arg13 : memref<128x128xf32, #tpu.memory_space<vmem_shared>>) target(%dma_start3A_360 : memref<128x128xf32, #tpu.memory_space<hbm>>) target_semaphore(%arg22 : memref<!tpu.dma_semaphore, #tpu.memory_space<semaphore_mem>>)
    %get3A_361 = arith.constant 32 : index
    %get3A_362 = tpu.vector_load %arg12[%get3A_361] {strides = array<i32>} : memref<48xi32, #tpu.memory_space<vmem>>, vector<16xi32>,
    %get3A_363 = vector.shape_cast %get3A_362 : vector<16xi32> to vector<16xi32>
    %slice3A_364 = vector.extract_strided_slice %get3A_363 {offsets = [4], sizes = [1], strides = [1]} : vector<16xi32> to vector<1xi32>
    %squeeze3A_365 = vector.extract %slice3A_364[0] : i32 from vector<1xi32>
    %mul3A_366 = arith.constant 4096 : i32
    %mul3A_367 = arith.muli %squeeze3A_365, %mul3A_366 : i32
    %add3A_368 = arith.addi %mul3A_367, %mul3A_2 : i32
    %dma_start3A_369 = arith.constant 0 : i32
    %dma_start3A_370 = tpu.memref_slice %arg6[%add3A_368, %dma_start3A_369] : memref<450560x128xf32, #tpu.memory_space<hbm>> -> memref<128x128xf32, #tpu.memory_space<hbm>>
    tpu.enqueue_dma source(%arg13 : memref<128x128xf32, #tpu.memory_space<vmem_shared>>) target(%dma_start3A_370 : memref<128x128xf32, #tpu.memory_space<hbm>>) target_semaphore(%arg22 : memref<!tpu.dma_semaphore, #tpu.memory_space<semaphore_mem>>)
    %get3A_371 = arith.constant 32 : index
    %get3A_372 = tpu.vector_load %arg12[%get3A_371] {strides = array<i32>} : memref<48xi32, #tpu.memory_space<vmem>>, vector<16xi32>,
    %get3A_373 = vector.shape_cast %get3A_372 : vector<16xi32> to vector<16xi32>
    %slice3A_374 = vector.extract_strided_slice %get3A_373 {offsets = [5], sizes = [1], strides = [1]} : vector<16xi32> to vector<1xi32>
    %squeeze3A_375 = vector.extract %slice3A_374[0] : i32 from vector<1xi32>
    %mul3A_376 = arith.constant 4096 : i32
    %mul3A_377 = arith.muli %squeeze3A_375, %mul3A_376 : i32
    %add3A_378 = arith.addi %mul3A_377, %mul3A_2 : i32
    %dma_start3A_379 = arith.constant 0 : i32
    %dma_start3A_380 = tpu.memref_slice %arg6[%add3A_378, %dma_start3A_379] : memref<450560x128xf32, #tpu.memory_space<hbm>> -> memref<128x128xf32, #tpu.memory_space<hbm>>
    tpu.enqueue_dma source(%arg13 : memref<128x128xf32, #tpu.memory_space<vmem_shared>>) target(%dma_start3A_380 : memref<128x128xf32, #tpu.memory_space<hbm>>) target_semaphore(%arg22 : memref<!tpu.dma_semaphore, #tpu.memory_space<semaphore_mem>>)
    %get3A_381 = arith.constant 32 : index
    %get3A_382 = tpu.vector_load %arg12[%get3A_381] {strides = array<i32>} : memref<48xi32, #tpu.memory_space<vmem>>, vector<16xi32>,
    %get3A_383 = vector.shape_cast %get3A_382 : vector<16xi32> to vector<16xi32>
    %slice3A_384 = vector.extract_strided_slice %get3A_383 {offsets = [6], sizes = [1], strides = [1]} : vector<16xi32> to vector<1xi32>
    %squeeze3A_385 = vector.extract %slice3A_384[0] : i32 from vector<1xi32>
    %mul3A_386 = arith.constant 4096 : i32
    %mul3A_387 = arith.muli %squeeze3A_385, %mul3A_386 : i32
    %add3A_388 = arith.addi %mul3A_387, %mul3A_2 : i32
    %dma_start3A_389 = arith.constant 0 : i32
    %dma_start3A_390 = tpu.memref_slice %arg6[%add3A_388, %dma_start3A_389] : memref<450560x128xf32, #tpu.memory_space<hbm>> -> memref<128x128xf32, #tpu.memory_space<hbm>>
    tpu.enqueue_dma source(%arg13 : memref<128x128xf32, #tpu.memory_space<vmem_shared>>) target(%dma_start3A_390 : memref<128x128xf32, #tpu.memory_space<hbm>>) target_semaphore(%arg22 : memref<!tpu.dma_semaphore, #tpu.memory_space<semaphore_mem>>)
    %get3A_391 = arith.constant 32 : index
    %get3A_392 = tpu.vector_load %arg12[%get3A_391] {strides = array<i32>} : memref<48xi32, #tpu.memory_space<vmem>>, vector<16xi32>,
    %get3A_393 = vector.shape_cast %get3A_392 : vector<16xi32> to vector<16xi32>
    %slice3A_394 = vector.extract_strided_slice %get3A_393 {offsets = [7], sizes = [1], strides = [1]} : vector<16xi32> to vector<1xi32>
    %squeeze3A_395 = vector.extract %slice3A_394[0] : i32 from vector<1xi32>
    %mul3A_396 = arith.constant 4096 : i32
    %mul3A_397 = arith.muli %squeeze3A_395, %mul3A_396 : i32
    %add3A_398 = arith.addi %mul3A_397, %mul3A_2 : i32
    %dma_start3A_399 = arith.constant 0 : i32
    %dma_start3A_400 = tpu.memref_slice %arg6[%add3A_398, %dma_start3A_399] : memref<450560x128xf32, #tpu.memory_space<hbm>> -> memref<128x128xf32, #tpu.memory_space<hbm>>
    tpu.enqueue_dma source(%arg13 : memref<128x128xf32, #tpu.memory_space<vmem_shared>>) target(%dma_start3A_400 : memref<128x128xf32, #tpu.memory_space<hbm>>) target_semaphore(%arg22 : memref<!tpu.dma_semaphore, #tpu.memory_space<semaphore_mem>>)
    %get3A_401 = arith.constant 32 : index
    %get3A_402 = tpu.vector_load %arg12[%get3A_401] {strides = array<i32>} : memref<48xi32, #tpu.memory_space<vmem>>, vector<16xi32>,
    %get3A_403 = vector.shape_cast %get3A_402 : vector<16xi32> to vector<16xi32>
    %slice3A_404 = vector.extract_strided_slice %get3A_403 {offsets = [8], sizes = [1], strides = [1]} : vector<16xi32> to vector<1xi32>
    %squeeze3A_405 = vector.extract %slice3A_404[0] : i32 from vector<1xi32>
    %mul3A_406 = arith.constant 4096 : i32
    %mul3A_407 = arith.muli %squeeze3A_405, %mul3A_406 : i32
    %add3A_408 = arith.addi %mul3A_407, %mul3A_2 : i32
    %dma_start3A_409 = arith.constant 0 : i32
    %dma_start3A_410 = tpu.memref_slice %arg6[%add3A_408, %dma_start3A_409] : memref<450560x128xf32, #tpu.memory_space<hbm>> -> memref<128x128xf32, #tpu.memory_space<hbm>>
    tpu.enqueue_dma source(%arg13 : memref<128x128xf32, #tpu.memory_space<vmem_shared>>) target(%dma_start3A_410 : memref<128x128xf32, #tpu.memory_space<hbm>>) target_semaphore(%arg22 : memref<!tpu.dma_semaphore, #tpu.memory_space<semaphore_mem>>)
    %get3A_411 = arith.constant 32 : index
    %get3A_412 = tpu.vector_load %arg12[%get3A_411] {strides = array<i32>} : memref<48xi32, #tpu.memory_space<vmem>>, vector<16xi32>,
    %get3A_413 = vector.shape_cast %get3A_412 : vector<16xi32> to vector<16xi32>
    %slice3A_414 = vector.extract_strided_slice %get3A_413 {offsets = [9], sizes = [1], strides = [1]} : vector<16xi32> to vector<1xi32>
    %squeeze3A_415 = vector.extract %slice3A_414[0] : i32 from vector<1xi32>
    %mul3A_416 = arith.constant 4096 : i32
    %mul3A_417 = arith.muli %squeeze3A_415, %mul3A_416 : i32
    %add3A_418 = arith.addi %mul3A_417, %mul3A_2 : i32
    %dma_start3A_419 = arith.constant 0 : i32
    %dma_start3A_420 = tpu.memref_slice %arg6[%add3A_418, %dma_start3A_419] : memref<450560x128xf32, #tpu.memory_space<hbm>> -> memref<128x128xf32, #tpu.memory_space<hbm>>
    tpu.enqueue_dma source(%arg13 : memref<128x128xf32, #tpu.memory_space<vmem_shared>>) target(%dma_start3A_420 : memref<128x128xf32, #tpu.memory_space<hbm>>) target_semaphore(%arg22 : memref<!tpu.dma_semaphore, #tpu.memory_space<semaphore_mem>>)
    %get3A_421 = arith.constant 32 : index
    %get3A_422 = tpu.vector_load %arg12[%get3A_421] {strides = array<i32>} : memref<48xi32, #tpu.memory_space<vmem>>, vector<16xi32>,
    %get3A_423 = vector.shape_cast %get3A_422 : vector<16xi32> to vector<16xi32>
    %slice3A_424 = vector.extract_strided_slice %get3A_423 {offsets = [10], sizes = [1], strides = [1]} : vector<16xi32> to vector<1xi32>
    %squeeze3A_425 = vector.extract %slice3A_424[0] : i32 from vector<1xi32>
    %mul3A_426 = arith.constant 4096 : i32
    %mul3A_427 = arith.muli %squeeze3A_425, %mul3A_426 : i32
    %add3A_428 = arith.addi %mul3A_427, %mul3A_2 : i32
    %dma_start3A_429 = arith.constant 0 : i32
    %dma_start3A_430 = tpu.memref_slice %arg6[%add3A_428, %dma_start3A_429] : memref<450560x128xf32, #tpu.memory_space<hbm>> -> memref<128x128xf32, #tpu.memory_space<hbm>>
    tpu.enqueue_dma source(%arg13 : memref<128x128xf32, #tpu.memory_space<vmem_shared>>) target(%dma_start3A_430 : memref<128x128xf32, #tpu.memory_space<hbm>>) target_semaphore(%arg22 : memref<!tpu.dma_semaphore, #tpu.memory_space<semaphore_mem>>)
    %get3A_431 = arith.constant 32 : index
    %get3A_432 = tpu.vector_load %arg12[%get3A_431] {strides = array<i32>} : memref<48xi32, #tpu.memory_space<vmem>>, vector<16xi32>,
    %get3A_433 = vector.shape_cast %get3A_432 : vector<16xi32> to vector<16xi32>
    %slice3A_434 = vector.extract_strided_slice %get3A_433 {offsets = [11], sizes = [1], strides = [1]} : vector<16xi32> to vector<1xi32>
    %squeeze3A_435 = vector.extract %slice3A_434[0] : i32 from vector<1xi32>
    %mul3A_436 = arith.constant 4096 : i32
    %mul3A_437 = arith.muli %squeeze3A_435, %mul3A_436 : i32
    %add3A_438 = arith.addi %mul3A_437, %mul3A_2 : i32
    %dma_start3A_439 = arith.constant 0 : i32
    %dma_start3A_440 = tpu.memref_slice %arg6[%add3A_438, %dma_start3A_439] : memref<450560x128xf32, #tpu.memory_space<hbm>> -> memref<128x128xf32, #tpu.memory_space<hbm>>
    tpu.enqueue_dma source(%arg13 : memref<128x128xf32, #tpu.memory_space<vmem_shared>>) target(%dma_start3A_440 : memref<128x128xf32, #tpu.memory_space<hbm>>) target_semaphore(%arg22 : memref<!tpu.dma_semaphore, #tpu.memory_space<semaphore_mem>>)
    %get3A_441 = arith.constant 32 : index
    %get3A_442 = tpu.vector_load %arg12[%get3A_441] {strides = array<i32>} : memref<48xi32, #tpu.memory_space<vmem>>, vector<16xi32>,
    %get3A_443 = vector.shape_cast %get3A_442 : vector<16xi32> to vector<16xi32>
    %slice3A_444 = vector.extract_strided_slice %get3A_443 {offsets = [12], sizes = [1], strides = [1]} : vector<16xi32> to vector<1xi32>
    %squeeze3A_445 = vector.extract %slice3A_444[0] : i32 from vector<1xi32>
    %mul3A_446 = arith.constant 4096 : i32
    %mul3A_447 = arith.muli %squeeze3A_445, %mul3A_446 : i32
    %add3A_448 = arith.addi %mul3A_447, %mul3A_2 : i32
    %dma_start3A_449 = arith.constant 0 : i32
    %dma_start3A_450 = tpu.memref_slice %arg6[%add3A_448, %dma_start3A_449] : memref<450560x128xf32, #tpu.memory_space<hbm>> -> memref<128x128xf32, #tpu.memory_space<hbm>>
    tpu.enqueue_dma source(%arg13 : memref<128x128xf32, #tpu.memory_space<vmem_shared>>) target(%dma_start3A_450 : memref<128x128xf32, #tpu.memory_space<hbm>>) target_semaphore(%arg22 : memref<!tpu.dma_semaphore, #tpu.memory_space<semaphore_mem>>)
    %get3A_451 = arith.constant 32 : index
    %get3A_452 = tpu.vector_load %arg12[%get3A_451] {strides = array<i32>} : memref<48xi32, #tpu.memory_space<vmem>>, vector<16xi32>,
    %get3A_453 = vector.shape_cast %get3A_452 : vector<16xi32> to vector<16xi32>
    %slice3A_454 = vector.extract_strided_slice %get3A_453 {offsets = [13], sizes = [1], strides = [1]} : vector<16xi32> to vector<1xi32>
    %squeeze3A_455 = vector.extract %slice3A_454[0] : i32 from vector<1xi32>
    %mul3A_456 = arith.constant 4096 : i32
    %mul3A_457 = arith.muli %squeeze3A_455, %mul3A_456 : i32
    %add3A_458 = arith.addi %mul3A_457, %mul3A_2 : i32
    %dma_start3A_459 = arith.constant 0 : i32
    %dma_start3A_460 = tpu.memref_slice %arg6[%add3A_458, %dma_start3A_459] : memref<450560x128xf32, #tpu.memory_space<hbm>> -> memref<128x128xf32, #tpu.memory_space<hbm>>
    tpu.enqueue_dma source(%arg13 : memref<128x128xf32, #tpu.memory_space<vmem_shared>>) target(%dma_start3A_460 : memref<128x128xf32, #tpu.memory_space<hbm>>) target_semaphore(%arg22 : memref<!tpu.dma_semaphore, #tpu.memory_space<semaphore_mem>>)
    %dma_start3A_461 = arith.constant 0 : i32
    %dma_start3A_462 = arith.constant 0 : i32
    %dma_start3A_463 = tpu.memref_slice %arg2[%mul3A_2, %dma_start3A_461, %dma_start3A_462] : memref<4096x64x128xf32, #tpu.memory_space<hbm>> -> memref<128x1x128xf32, #tpu.memory_space<hbm>>
    %dma_start3A_464 = tpu.memref_squeeze %dma_start3A_463 : memref<128x1x128xf32, #tpu.memory_space<hbm>> -> memref<128x128xf32, #tpu.memory_space<hbm>>
    %dma_start3A_465 = arith.constant 0 : i32
    %dma_start3A_466 = tpu.memref_slice %arg2[%mul3A_2, %dma_start3A_461, %dma_start3A_465] : memref<4096x64x128xf32, #tpu.memory_space<hbm>> -> memref<128x1x128xf32, #tpu.memory_space<hbm>>
    %dma_start3A_467 = tpu.memref_squeeze %dma_start3A_466 : memref<128x1x128xf32, #tpu.memory_space<hbm>> -> memref<128x128xf32, #tpu.memory_space<hbm>>
    tpu.enqueue_dma source(%dma_start3A_467 : memref<128x128xf32, #tpu.memory_space<hbm>>) target(%arg7 : memref<128x128xf32, #tpu.memory_space<vmem>>) target_semaphore(%arg14 : memref<!tpu.dma_semaphore, #tpu.memory_space<semaphore_mem>>)
    %dma_start3A_468 = arith.constant 1 : i32
    %dma_start3A_469 = arith.constant 0 : i32
    %dma_start3A_470 = tpu.memref_slice %arg2[%mul3A_2, %dma_start3A_468, %dma_start3A_469] : memref<4096x64x128xf32, #tpu.memory_space<hbm>> -> memref<128x1x128xf32, #tpu.memory_space<hbm>>
    %dma_start3A_471 = tpu.memref_squeeze %dma_start3A_470 : memref<128x1x128xf32, #tpu.memory_space<hbm>> -> memref<128x128xf32, #tpu.memory_space<hbm>>
    %dma_start3A_472 = arith.constant 0 : i32
    %dma_start3A_473 = tpu.memref_slice %arg2[%mul3A_2, %dma_start3A_468, %dma_start3A_472] : memref<4096x64x128xf32, #tpu.memory_space<hbm>> -> memref<128x1x128xf32, #tpu.memory_space<hbm>>
    %dma_start3A_474 = tpu.memref_squeeze %dma_start3A_473 : memref<128x1x128xf32, #tpu.memory_space<hbm>> -> memref<128x128xf32, #tpu.memory_space<hbm>>
    tpu.enqueue_dma source(%dma_start3A_474 : memref<128x128xf32, #tpu.memory_space<hbm>>) target(%arg8 : memref<128x128xf32, #tpu.memory_space<vmem>>) target_semaphore(%arg15 : memref<!tpu.dma_semaphore, #tpu.memory_space<semaphore_mem>>)
    %dma_start3A_475 = arith.constant 2 : i32
    %dma_start3A_476 = arith.constant 0 : i32
    %dma_start3A_477 = tpu.memref_slice %arg2[%mul3A_2, %dma_start3A_475, %dma_start3A_476] : memref<4096x64x128xf32, #tpu.memory_space<hbm>> -> memref<128x1x128xf32, #tpu.memory_space<hbm>>
    %dma_start3A_478 = tpu.memref_squeeze %dma_start3A_477 : memref<128x1x128xf32, #tpu.memory_space<hbm>> -> memref<128x128xf32, #tpu.memory_space<hbm>>
    %dma_start3A_479 = arith.constant 0 : i32
    %dma_start3A_480 = tpu.memref_slice %arg2[%mul3A_2, %dma_start3A_475, %dma_start3A_479] : memref<4096x64x128xf32, #tpu.memory_space<hbm>> -> memref<128x1x128xf32, #tpu.memory_space<hbm>>
    %dma_start3A_481 = tpu.memref_squeeze %dma_start3A_480 : memref<128x1x128xf32, #tpu.memory_space<hbm>> -> memref<128x128xf32, #tpu.memory_space<hbm>>
    tpu.enqueue_dma source(%dma_start3A_481 : memref<128x128xf32, #tpu.memory_space<hbm>>) target(%arg9 : memref<128x128xf32, #tpu.memory_space<vmem>>) target_semaphore(%arg16 : memref<!tpu.dma_semaphore, #tpu.memory_space<semaphore_mem>>)
    %dma_start3A_482 = arith.constant 3 : i32
    %dma_start3A_483 = arith.constant 0 : i32
    %dma_start3A_484 = tpu.memref_slice %arg2[%mul3A_2, %dma_start3A_482, %dma_start3A_483] : memref<4096x64x128xf32, #tpu.memory_space<hbm>> -> memref<128x1x128xf32, #tpu.memory_space<hbm>>
    %dma_start3A_485 = tpu.memref_squeeze %dma_start3A_484 : memref<128x1x128xf32, #tpu.memory_space<hbm>> -> memref<128x128xf32, #tpu.memory_space<hbm>>
    %dma_start3A_486 = arith.constant 0 : i32
    %dma_start3A_487 = tpu.memref_slice %arg2[%mul3A_2, %dma_start3A_482, %dma_start3A_486] : memref<4096x64x128xf32, #tpu.memory_space<hbm>> -> memref<128x1x128xf32, #tpu.memory_space<hbm>>
    %dma_start3A_488 = tpu.memref_squeeze %dma_start3A_487 : memref<128x1x128xf32, #tpu.memory_space<hbm>> -> memref<128x128xf32, #tpu.memory_space<hbm>>
    tpu.enqueue_dma source(%dma_start3A_488 : memref<128x128xf32, #tpu.memory_space<hbm>>) target(%arg10 : memref<128x128xf32, #tpu.memory_space<vmem>>) target_semaphore(%arg17 : memref<!tpu.dma_semaphore, #tpu.memory_space<semaphore_mem>>)
    %dma_wait3A = arith.constant 0 : i32
    %dma_wait3A_489 = arith.constant 0 : i32
    %dma_wait3A_490 = arith.constant 0 : i32
    %dma_wait3A_491 = tpu.memref_slice %arg2[%dma_wait3A_489, %dma_wait3A, %dma_wait3A_490] : memref<4096x64x128xf32, #tpu.memory_space<hbm>> -> memref<128x1x128xf32, #tpu.memory_space<hbm>>
    %dma_wait3A_492 = tpu.memref_squeeze %dma_wait3A_491 : memref<128x1x128xf32, #tpu.memory_space<hbm>> -> memref<128x128xf32, #tpu.memory_space<hbm>>
    %dma_wait3A_493 = arith.constant 0 : i32
    %dma_wait3A_494 = arith.constant 0 : i32
    %dma_wait3A_495 = tpu.memref_slice %arg2[%dma_wait3A_493, %dma_wait3A, %dma_wait3A_494] : memref<4096x64x128xf32, #tpu.memory_space<hbm>> -> memref<128x1x128xf32, #tpu.memory_space<hbm>>
    %dma_wait3A_496 = tpu.memref_squeeze %dma_wait3A_495 : memref<128x1x128xf32, #tpu.memory_space<hbm>> -> memref<128x128xf32, #tpu.memory_space<hbm>>
    tpu.wait_dma2 semaphore(%arg14 : memref<!tpu.dma_semaphore, #tpu.memory_space<semaphore_mem>>) src(%dma_wait3A_496 : memref<128x128xf32, #tpu.memory_space<hbm>>) dst(%arg7 : memref<128x128xf32, #tpu.memory_space<vmem>>)
    %get3A_497 = arith.constant 0 : index
    %get3A_498 = tpu.vector_load %arg11[%get3A_497] {strides = array<i32>} : memref<64xi32, #tpu.memory_space<vmem>>, vector<16xi32>,
    %get3A_499 = vector.shape_cast %get3A_498 : vector<16xi32> to vector<16xi32>
    %slice3A_500 = vector.extract_strided_slice %get3A_499 {offsets = [0], sizes = [1], strides = [1]} : vector<16xi32> to vector<1xi32>
    %squeeze3A_501 = vector.extract %slice3A_500[0] : i32 from vector<1xi32>
    %mul3A_502 = arith.constant 4096 : i32
    %mul3A_503 = arith.muli %squeeze3A_501, %mul3A_502 : i32
    %add3A_504 = arith.addi %mul3A_503, %mul3A_2 : i32
    %dma_start3A_505 = arith.constant 0 : i32
    %dma_start3A_506 = tpu.memref_slice %arg6[%add3A_504, %dma_start3A_505] : memref<450560x128xf32, #tpu.memory_space<hbm>> -> memref<128x128xf32, #tpu.memory_space<hbm>>
    %dma_start3A_507 = arith.constant 0 : i32
    %dma_start3A_508 = tpu.memref_slice %arg6[%add3A_504, %dma_start3A_507] : memref<450560x128xf32, #tpu.memory_space<hbm>> -> memref<128x128xf32, #tpu.memory_space<hbm>>
    tpu.enqueue_dma source(%arg7 : memref<128x128xf32, #tpu.memory_space<vmem>>) target(%dma_start3A_508 : memref<128x128xf32, #tpu.memory_space<hbm>>) target_semaphore(%arg18 : memref<!tpu.dma_semaphore, #tpu.memory_space<semaphore_mem>>)
    %dma_wait3A_509 = arith.constant 0 : i32
    %dma_wait3A_510 = arith.constant 0 : i32
    %dma_wait3A_511 = arith.constant 0 : i32
    %dma_wait3A_512 = tpu.memref_slice %arg2[%dma_wait3A_510, %dma_wait3A_509, %dma_wait3A_511] : memref<4096x64x128xf32, #tpu.memory_space<hbm>> -> memref<128x1x128xf32, #tpu.memory_space<hbm>>
    %dma_wait3A_513 = tpu.memref_squeeze %dma_wait3A_512 : memref<128x1x128xf32, #tpu.memory_space<hbm>> -> memref<128x128xf32, #tpu.memory_space<hbm>>
    %dma_wait3A_514 = arith.constant 0 : i32
    %dma_wait3A_515 = arith.constant 0 : i32
    %dma_wait3A_516 = tpu.memref_slice %arg2[%dma_wait3A_514, %dma_wait3A_509, %dma_wait3A_515] : memref<4096x64x128xf32, #tpu.memory_space<hbm>> -> memref<128x1x128xf32, #tpu.memory_space<hbm>>
    %dma_wait3A_517 = tpu.memref_squeeze %dma_wait3A_516 : memref<128x1x128xf32, #tpu.memory_space<hbm>> -> memref<128x128xf32, #tpu.memory_space<hbm>>
    tpu.wait_dma2 semaphore(%arg15 : memref<!tpu.dma_semaphore, #tpu.memory_space<semaphore_mem>>) src(%dma_wait3A_517 : memref<128x128xf32, #tpu.memory_space<hbm>>) dst(%arg8 : memref<128x128xf32, #tpu.memory_space<vmem>>)
    %get3A_518 = arith.constant 0 : index
    %get3A_519 = tpu.vector_load %arg11[%get3A_518] {strides = array<i32>} : memref<64xi32, #tpu.memory_space<vmem>>, vector<16xi32>,
    %get3A_520 = vector.shape_cast %get3A_519 : vector<16xi32> to vector<16xi32>
    %slice3A_521 = vector.extract_strided_slice %get3A_520 {offsets = [1], sizes = [1], strides = [1]} : vector<16xi32> to vector<1xi32>
    %squeeze3A_522 = vector.extract %slice3A_521[0] : i32 from vector<1xi32>
    %mul3A_523 = arith.constant 4096 : i32
    %mul3A_524 = arith.muli %squeeze3A_522, %mul3A_523 : i32
    %add3A_525 = arith.addi %mul3A_524, %mul3A_2 : i32
    %dma_start3A_526 = arith.constant 0 : i32
    %dma_start3A_527 = tpu.memref_slice %arg6[%add3A_525, %dma_start3A_526] : memref<450560x128xf32, #tpu.memory_space<hbm>> -> memref<128x128xf32, #tpu.memory_space<hbm>>
    %dma_start3A_528 = arith.constant 0 : i32
    %dma_start3A_529 = tpu.memref_slice %arg6[%add3A_525, %dma_start3A_528] : memref<450560x128xf32, #tpu.memory_space<hbm>> -> memref<128x128xf32, #tpu.memory_space<hbm>>
    tpu.enqueue_dma source(%arg8 : memref<128x128xf32, #tpu.memory_space<vmem>>) target(%dma_start3A_529 : memref<128x128xf32, #tpu.memory_space<hbm>>) target_semaphore(%arg19 : memref<!tpu.dma_semaphore, #tpu.memory_space<semaphore_mem>>)
    %dma_wait3A_530 = arith.constant 0 : i32
    %dma_wait3A_531 = arith.constant 0 : i32
    %dma_wait3A_532 = tpu.memref_slice %arg6[%dma_wait3A_530, %dma_wait3A_531] : memref<450560x128xf32, #tpu.memory_space<hbm>> -> memref<128x128xf32, #tpu.memory_space<hbm>>
    %dma_wait3A_533 = arith.constant 0 : i32
    %dma_wait3A_534 = arith.constant 0 : i32
    %dma_wait3A_535 = tpu.memref_slice %arg6[%dma_wait3A_533, %dma_wait3A_534] : memref<450560x128xf32, #tpu.memory_space<hbm>> -> memref<128x128xf32, #tpu.memory_space<hbm>>
    tpu.wait_dma2 semaphore(%arg18 : memref<!tpu.dma_semaphore, #tpu.memory_space<semaphore_mem>>) src(%arg7 : memref<128x128xf32, #tpu.memory_space<vmem>>) dst(%dma_wait3A_535 : memref<128x128xf32, #tpu.memory_space<hbm>>)
    %dma_start3A_536 = arith.constant 4 : i32
    %dma_start3A_537 = arith.constant 0 : i32
    %dma_start3A_538 = tpu.memref_slice %arg2[%mul3A_2, %dma_start3A_536, %dma_start3A_537] : memref<4096x64x128xf32, #tpu.memory_space<hbm>> -> memref<128x1x128xf32, #tpu.memory_space<hbm>>
    %dma_start3A_539 = tpu.memref_squeeze %dma_start3A_538 : memref<128x1x128xf32, #tpu.memory_space<hbm>> -> memref<128x128xf32, #tpu.memory_space<hbm>>
    %dma_start3A_540 = arith.constant 0 : i32
    %dma_start3A_541 = tpu.memref_slice %arg2[%mul3A_2, %dma_start3A_536, %dma_start3A_540] : memref<4096x64x128xf32, #tpu.memory_space<hbm>> -> memref<128x1x128xf32, #tpu.memory_space<hbm>>
    %dma_start3A_542 = tpu.memref_squeeze %dma_start3A_541 : memref<128x1x128xf32, #tpu.memory_space<hbm>> -> memref<128x128xf32, #tpu.memory_space<hbm>>
    tpu.enqueue_dma source(%dma_start3A_542 : memref<128x128xf32, #tpu.memory_space<hbm>>) target(%arg7 : memref<128x128xf32, #tpu.memory_space<vmem>>) target_semaphore(%arg14 : memref<!tpu.dma_semaphore, #tpu.memory_space<semaphore_mem>>)
    %dma_wait3A_543 = arith.constant 0 : i32
    %dma_wait3A_544 = arith.constant 0 : i32
    %dma_wait3A_545 = arith.constant 0 : i32
    %dma_wait3A_546 = tpu.memref_slice %arg2[%dma_wait3A_544, %dma_wait3A_543, %dma_wait3A_545] : memref<4096x64x128xf32, #tpu.memory_space<hbm>> -> memref<128x1x128xf32, #tpu.memory_space<hbm>>
    %dma_wait3A_547 = tpu.memref_squeeze %dma_wait3A_546 : memref<128x1x128xf32, #tpu.memory_space<hbm>> -> memref<128x128xf32, #tpu.memory_space<hbm>>
    %dma_wait3A_548 = arith.constant 0 : i32
    %dma_wait3A_549 = arith.constant 0 : i32
    %dma_wait3A_550 = tpu.memref_slice %arg2[%dma_wait3A_548, %dma_wait3A_543, %dma_wait3A_549] : memref<4096x64x128xf32, #tpu.memory_space<hbm>> -> memref<128x1x128xf32, #tpu.memory_space<hbm>>
    %dma_wait3A_551 = tpu.memref_squeeze %dma_wait3A_550 : memref<128x1x128xf32, #tpu.memory_space<hbm>> -> memref<128x128xf32, #tpu.memory_space<hbm>>
    tpu.wait_dma2 semaphore(%arg16 : memref<!tpu.dma_semaphore, #tpu.memory_space<semaphore_mem>>) src(%dma_wait3A_551 : memref<128x128xf32, #tpu.memory_space<hbm>>) dst(%arg9 : memref<128x128xf32, #tpu.memory_space<vmem>>)
    %get3A_552 = arith.constant 0 : index
    %get3A_553 = tpu.vector_load %arg11[%get3A_552] {strides = array<i32>} : memref<64xi32, #tpu.memory_space<vmem>>, vector<16xi32>,
    %get3A_554 = vector.shape_cast %get3A_553 : vector<16xi32> to vector<16xi32>
    %slice3A_555 = vector.extract_strided_slice %get3A_554 {offsets = [2], sizes = [1], strides = [1]} : vector<16xi32> to vector<1xi32>
    %squeeze3A_556 = vector.extract %slice3A_555[0] : i32 from vector<1xi32>
    %mul3A_557 = arith.constant 4096 : i32
    %mul3A_558 = arith.muli %squeeze3A_556, %mul3A_557 : i32
    %add3A_559 = arith.addi %mul3A_558, %mul3A_2 : i32
    %dma_start3A_560 = arith.constant 0 : i32
    %dma_start3A_561 = tpu.memref_slice %arg6[%add3A_559, %dma_start3A_560] : memref<450560x128xf32, #tpu.memory_space<hbm>> -> memref<128x128xf32, #tpu.memory_space<hbm>>
    %dma_start3A_562 = arith.constant 0 : i32
    %dma_start3A_563 = tpu.memref_slice %arg6[%add3A_559, %dma_start3A_562] : memref<450560x128xf32, #tpu.memory_space<hbm>> -> memref<128x128xf32, #tpu.memory_space<hbm>>
    tpu.enqueue_dma source(%arg9 : memref<128x128xf32, #tpu.memory_space<vmem>>) target(%dma_start3A_563 : memref<128x128xf32, #tpu.memory_space<hbm>>) target_semaphore(%arg20 : memref<!tpu.dma_semaphore, #tpu.memory_space<semaphore_mem>>)
    %dma_wait3A_564 = arith.constant 0 : i32
    %dma_wait3A_565 = arith.constant 0 : i32
    %dma_wait3A_566 = tpu.memref_slice %arg6[%dma_wait3A_564, %dma_wait3A_565] : memref<450560x128xf32, #tpu.memory_space<hbm>> -> memref<128x128xf32, #tpu.memory_space<hbm>>
    %dma_wait3A_567 = arith.constant 0 : i32
    %dma_wait3A_568 = arith.constant 0 : i32
    %dma_wait3A_569 = tpu.memref_slice %arg6[%dma_wait3A_567, %dma_wait3A_568] : memref<450560x128xf32, #tpu.memory_space<hbm>> -> memref<128x128xf32, #tpu.memory_space<hbm>>
    tpu.wait_dma2 semaphore(%arg19 : memref<!tpu.dma_semaphore, #tpu.memory_space<semaphore_mem>>) src(%arg8 : memref<128x128xf32, #tpu.memory_space<vmem>>) dst(%dma_wait3A_569 : memref<128x128xf32, #tpu.memory_space<hbm>>)
    %dma_start3A_570 = arith.constant 5 : i32
    %dma_start3A_571 = arith.constant 0 : i32
    %dma_start3A_572 = tpu.memref_slice %arg2[%mul3A_2, %dma_start3A_570, %dma_start3A_571] : memref<4096x64x128xf32, #tpu.memory_space<hbm>> -> memref<128x1x128xf32, #tpu.memory_space<hbm>>
    %dma_start3A_573 = tpu.memref_squeeze %dma_start3A_572 : memref<128x1x128xf32, #tpu.memory_space<hbm>> -> memref<128x128xf32, #tpu.memory_space<hbm>>
    %dma_start3A_574 = arith.constant 0 : i32
    %dma_start3A_575 = tpu.memref_slice %arg2[%mul3A_2, %dma_start3A_570, %dma_start3A_574] : memref<4096x64x128xf32, #tpu.memory_space<hbm>> -> memref<128x1x128xf32, #tpu.memory_space<hbm>>
    %dma_start3A_576 = tpu.memref_squeeze %dma_start3A_575 : memref<128x1x128xf32, #tpu.memory_space<hbm>> -> memref<128x128xf32, #tpu.memory_space<hbm>>
    tpu.enqueue_dma source(%dma_start3A_576 : memref<128x128xf32, #tpu.memory_space<hbm>>) target(%arg8 : memref<128x128xf32, #tpu.memory_space<vmem>>) target_semaphore(%arg15 : memref<!tpu.dma_semaphore, #tpu.memory_space<semaphore_mem>>)
    %dma_wait3A_577 = arith.constant 0 : i32
    %dma_wait3A_578 = arith.constant 0 : i32
    %dma_wait3A_579 = arith.constant 0 : i32
    %dma_wait3A_580 = tpu.memref_slice %arg2[%dma_wait3A_578, %dma_wait3A_577, %dma_wait3A_579] : memref<4096x64x128xf32, #tpu.memory_space<hbm>> -> memref<128x1x128xf32, #tpu.memory_space<hbm>>
    %dma_wait3A_581 = tpu.memref_squeeze %dma_wait3A_580 : memref<128x1x128xf32, #tpu.memory_space<hbm>> -> memref<128x128xf32, #tpu.memory_space<hbm>>
    %dma_wait3A_582 = arith.constant 0 : i32
    %dma_wait3A_583 = arith.constant 0 : i32
    %dma_wait3A_584 = tpu.memref_slice %arg2[%dma_wait3A_582, %dma_wait3A_577, %dma_wait3A_583] : memref<4096x64x128xf32, #tpu.memory_space<hbm>> -> memref<128x1x128xf32, #tpu.memory_space<hbm>>
    %dma_wait3A_585 = tpu.memref_squeeze %dma_wait3A_584 : memref<128x1x128xf32, #tpu.memory_space<hbm>> -> memref<128x128xf32, #tpu.memory_space<hbm>>
    tpu.wait_dma2 semaphore(%arg17 : memref<!tpu.dma_semaphore, #tpu.memory_space<semaphore_mem>>) src(%dma_wait3A_585 : memref<128x128xf32, #tpu.memory_space<hbm>>) dst(%arg10 : memref<128x128xf32, #tpu.memory_space<vmem>>)
    %get3A_586 = arith.constant 0 : index
    %get3A_587 = tpu.vector_load %arg11[%get3A_586] {strides = array<i32>} : memref<64xi32, #tpu.memory_space<vmem>>, vector<16xi32>,
    %get3A_588 = vector.shape_cast %get3A_587 : vector<16xi32> to vector<16xi32>
    %slice3A_589 = vector.extract_strided_slice %get3A_588 {offsets = [3], sizes = [1], strides = [1]} : vector<16xi32> to vector<1xi32>
    %squeeze3A_590 = vector.extract %slice3A_589[0] : i32 from vector<1xi32>
    %mul3A_591 = arith.constant 4096 : i32
    %mul3A_592 = arith.muli %squeeze3A_590, %mul3A_591 : i32
    %add3A_593 = arith.addi %mul3A_592, %mul3A_2 : i32
    %dma_start3A_594 = arith.constant 0 : i32
    %dma_start3A_595 = tpu.memref_slice %arg6[%add3A_593, %dma_start3A_594] : memref<450560x128xf32, #tpu.memory_space<hbm>> -> memref<128x128xf32, #tpu.memory_space<hbm>>
    %dma_start3A_596 = arith.constant 0 : i32
    %dma_start3A_597 = tpu.memref_slice %arg6[%add3A_593, %dma_start3A_596] : memref<450560x128xf32, #tpu.memory_space<hbm>> -> memref<128x128xf32, #tpu.memory_space<hbm>>
    tpu.enqueue_dma source(%arg10 : memref<128x128xf32, #tpu.memory_space<vmem>>) target(%dma_start3A_597 : memref<128x128xf32, #tpu.memory_space<hbm>>) target_semaphore(%arg21 : memref<!tpu.dma_semaphore, #tpu.memory_space<semaphore_mem>>)
    %dma_wait3A_598 = arith.constant 0 : i32
    %dma_wait3A_599 = arith.constant 0 : i32
    %dma_wait3A_600 = tpu.memref_slice %arg6[%dma_wait3A_598, %dma_wait3A_599] : memref<450560x128xf32, #tpu.memory_space<hbm>> -> memref<128x128xf32, #tpu.memory_space<hbm>>
    %dma_wait3A_601 = arith.constant 0 : i32
    %dma_wait3A_602 = arith.constant 0 : i32
    %dma_wait3A_603 = tpu.memref_slice %arg6[%dma_wait3A_601, %dma_wait3A_602] : memref<450560x128xf32, #tpu.memory_space<hbm>> -> memref<128x128xf32, #tpu.memory_space<hbm>>
    tpu.wait_dma2 semaphore(%arg20 : memref<!tpu.dma_semaphore, #tpu.memory_space<semaphore_mem>>) src(%arg9 : memref<128x128xf32, #tpu.memory_space<vmem>>) dst(%dma_wait3A_603 : memref<128x128xf32, #tpu.memory_space<hbm>>)
    %dma_start3A_604 = arith.constant 6 : i32
    %dma_start3A_605 = arith.constant 0 : i32
    %dma_start3A_606 = tpu.memref_slice %arg2[%mul3A_2, %dma_start3A_604, %dma_start3A_605] : memref<4096x64x128xf32, #tpu.memory_space<hbm>> -> memref<128x1x128xf32, #tpu.memory_space<hbm>>
    %dma_start3A_607 = tpu.memref_squeeze %dma_start3A_606 : memref<128x1x128xf32, #tpu.memory_space<hbm>> -> memref<128x128xf32, #tpu.memory_space<hbm>>
    %dma_start3A_608 = arith.constant 0 : i32
    %dma_start3A_609 = tpu.memref_slice %arg2[%mul3A_2, %dma_start3A_604, %dma_start3A_608] : memref<4096x64x128xf32, #tpu.memory_space<hbm>> -> memref<128x1x128xf32, #tpu.memory_space<hbm>>
    %dma_start3A_610 = tpu.memref_squeeze %dma_start3A_609 : memref<128x1x128xf32, #tpu.memory_space<hbm>> -> memref<128x128xf32, #tpu.memory_space<hbm>>
    tpu.enqueue_dma source(%dma_start3A_610 : memref<128x128xf32, #tpu.memory_space<hbm>>) target(%arg9 : memref<128x128xf32, #tpu.memory_space<vmem>>) target_semaphore(%arg16 : memref<!tpu.dma_semaphore, #tpu.memory_space<semaphore_mem>>)
    %dma_wait3A_611 = arith.constant 0 : i32
    %dma_wait3A_612 = arith.constant 0 : i32
    %dma_wait3A_613 = arith.constant 0 : i32
    %dma_wait3A_614 = tpu.memref_slice %arg2[%dma_wait3A_612, %dma_wait3A_611, %dma_wait3A_613] : memref<4096x64x128xf32, #tpu.memory_space<hbm>> -> memref<128x1x128xf32, #tpu.memory_space<hbm>>
    %dma_wait3A_615 = tpu.memref_squeeze %dma_wait3A_614 : memref<128x1x128xf32, #tpu.memory_space<hbm>> -> memref<128x128xf32, #tpu.memory_space<hbm>>
    %dma_wait3A_616 = arith.constant 0 : i32
    %dma_wait3A_617 = arith.constant 0 : i32
    %dma_wait3A_618 = tpu.memref_slice %arg2[%dma_wait3A_616, %dma_wait3A_611, %dma_wait3A_617] : memref<4096x64x128xf32, #tpu.memory_space<hbm>> -> memref<128x1x128xf32, #tpu.memory_space<hbm>>
    %dma_wait3A_619 = tpu.memref_squeeze %dma_wait3A_618 : memref<128x1x128xf32, #tpu.memory_space<hbm>> -> memref<128x128xf32, #tpu.memory_space<hbm>>
    tpu.wait_dma2 semaphore(%arg14 : memref<!tpu.dma_semaphore, #tpu.memory_space<semaphore_mem>>) src(%dma_wait3A_619 : memref<128x128xf32, #tpu.memory_space<hbm>>) dst(%arg7 : memref<128x128xf32, #tpu.memory_space<vmem>>)
    %get3A_620 = arith.constant 0 : index
    %get3A_621 = tpu.vector_load %arg11[%get3A_620] {strides = array<i32>} : memref<64xi32, #tpu.memory_space<vmem>>, vector<16xi32>,
    %get3A_622 = vector.shape_cast %get3A_621 : vector<16xi32> to vector<16xi32>
    %slice3A_623 = vector.extract_strided_slice %get3A_622 {offsets = [4], sizes = [1], strides = [1]} : vector<16xi32> to vector<1xi32>
    %squeeze3A_624 = vector.extract %slice3A_623[0] : i32 from vector<1xi32>
    %mul3A_625 = arith.constant 4096 : i32
    %mul3A_626 = arith.muli %squeeze3A_624, %mul3A_625 : i32
    %add3A_627 = arith.addi %mul3A_626, %mul3A_2 : i32
    %dma_start3A_628 = arith.constant 0 : i32
    %dma_start3A_629 = tpu.memref_slice %arg6[%add3A_627, %dma_start3A_628] : memref<450560x128xf32, #tpu.memory_space<hbm>> -> memref<128x128xf32, #tpu.memory_space<hbm>>
    %dma_start3A_630 = arith.constant 0 : i32
    %dma_start3A_631 = tpu.memref_slice %arg6[%add3A_627, %dma_start3A_630] : memref<450560x128xf32, #tpu.memory_space<hbm>> -> memref<128x128xf32, #tpu.memory_space<hbm>>
    tpu.enqueue_dma source(%arg7 : memref<128x128xf32, #tpu.memory_space<vmem>>) target(%dma_start3A_631 : memref<128x128xf32, #tpu.memory_space<hbm>>) target_semaphore(%arg18 : memref<!tpu.dma_semaphore, #tpu.memory_space<semaphore_mem>>)
    %dma_wait3A_632 = arith.constant 0 : i32
    %dma_wait3A_633 = arith.constant 0 : i32
    %dma_wait3A_634 = tpu.memref_slice %arg6[%dma_wait3A_632, %dma_wait3A_633] : memref<450560x128xf32, #tpu.memory_space<hbm>> -> memref<128x128xf32, #tpu.memory_space<hbm>>
    %dma_wait3A_635 = arith.constant 0 : i32
    %dma_wait3A_636 = arith.constant 0 : i32
    %dma_wait3A_637 = tpu.memref_slice %arg6[%dma_wait3A_635, %dma_wait3A_636] : memref<450560x128xf32, #tpu.memory_space<hbm>> -> memref<128x128xf32, #tpu.memory_space<hbm>>
    tpu.wait_dma2 semaphore(%arg21 : memref<!tpu.dma_semaphore, #tpu.memory_space<semaphore_mem>>) src(%arg10 : memref<128x128xf32, #tpu.memory_space<vmem>>) dst(%dma_wait3A_637 : memref<128x128xf32, #tpu.memory_space<hbm>>)
    %dma_start3A_638 = arith.constant 7 : i32
    %dma_start3A_639 = arith.constant 0 : i32
    %dma_start3A_640 = tpu.memref_slice %arg2[%mul3A_2, %dma_start3A_638, %dma_start3A_639] : memref<4096x64x128xf32, #tpu.memory_space<hbm>> -> memref<128x1x128xf32, #tpu.memory_space<hbm>>
    %dma_start3A_641 = tpu.memref_squeeze %dma_start3A_640 : memref<128x1x128xf32, #tpu.memory_space<hbm>> -> memref<128x128xf32, #tpu.memory_space<hbm>>
    %dma_start3A_642 = arith.constant 0 : i32
    %dma_start3A_643 = tpu.memref_slice %arg2[%mul3A_2, %dma_start3A_638, %dma_start3A_642] : memref<4096x64x128xf32, #tpu.memory_space<hbm>> -> memref<128x1x128xf32, #tpu.memory_space<hbm>>
    %dma_start3A_644 = tpu.memref_squeeze %dma_start3A_643 : memref<128x1x128xf32, #tpu.memory_space<hbm>> -> memref<128x128xf32, #tpu.memory_space<hbm>>
    tpu.enqueue_dma source(%dma_start3A_644 : memref<128x128xf32, #tpu.memory_space<hbm>>) target(%arg10 : memref<128x128xf32, #tpu.memory_space<vmem>>) target_semaphore(%arg17 : memref<!tpu.dma_semaphore, #tpu.memory_space<semaphore_mem>>)
    %dma_wait3A_645 = arith.constant 0 : i32
    %dma_wait3A_646 = arith.constant 0 : i32
    %dma_wait3A_647 = arith.constant 0 : i32
    %dma_wait3A_648 = tpu.memref_slice %arg2[%dma_wait3A_646, %dma_wait3A_645, %dma_wait3A_647] : memref<4096x64x128xf32, #tpu.memory_space<hbm>> -> memref<128x1x128xf32, #tpu.memory_space<hbm>>
    %dma_wait3A_649 = tpu.memref_squeeze %dma_wait3A_648 : memref<128x1x128xf32, #tpu.memory_space<hbm>> -> memref<128x128xf32, #tpu.memory_space<hbm>>
    %dma_wait3A_650 = arith.constant 0 : i32
    %dma_wait3A_651 = arith.constant 0 : i32
    %dma_wait3A_652 = tpu.memref_slice %arg2[%dma_wait3A_650, %dma_wait3A_645, %dma_wait3A_651] : memref<4096x64x128xf32, #tpu.memory_space<hbm>> -> memref<128x1x128xf32, #tpu.memory_space<hbm>>
    %dma_wait3A_653 = tpu.memref_squeeze %dma_wait3A_652 : memref<128x1x128xf32, #tpu.memory_space<hbm>> -> memref<128x128xf32, #tpu.memory_space<hbm>>
    tpu.wait_dma2 semaphore(%arg15 : memref<!tpu.dma_semaphore, #tpu.memory_space<semaphore_mem>>) src(%dma_wait3A_653 : memref<128x128xf32, #tpu.memory_space<hbm>>) dst(%arg8 : memref<128x128xf32, #tpu.memory_space<vmem>>)
    %get3A_654 = arith.constant 0 : index
    %get3A_655 = tpu.vector_load %arg11[%get3A_654] {strides = array<i32>} : memref<64xi32, #tpu.memory_space<vmem>>, vector<16xi32>,
    %get3A_656 = vector.shape_cast %get3A_655 : vector<16xi32> to vector<16xi32>
    %slice3A_657 = vector.extract_strided_slice %get3A_656 {offsets = [5], sizes = [1], strides = [1]} : vector<16xi32> to vector<1xi32>
    %squeeze3A_658 = vector.extract %slice3A_657[0] : i32 from vector<1xi32>
    %mul3A_659 = arith.constant 4096 : i32
    %mul3A_660 = arith.muli %squeeze3A_658, %mul3A_659 : i32
    %add3A_661 = arith.addi %mul3A_660, %mul3A_2 : i32
    %dma_start3A_662 = arith.constant 0 : i32
    %dma_start3A_663 = tpu.memref_slice %arg6[%add3A_661, %dma_start3A_662] : memref<450560x128xf32, #tpu.memory_space<hbm>> -> memref<128x128xf32, #tpu.memory_space<hbm>>
    %dma_start3A_664 = arith.constant 0 : i32
    %dma_start3A_665 = tpu.memref_slice %arg6[%add3A_661, %dma_start3A_664] : memref<450560x128xf32, #tpu.memory_space<hbm>> -> memref<128x128xf32, #tpu.memory_space<hbm>>
    tpu.enqueue_dma source(%arg8 : memref<128x128xf32, #tpu.memory_space<vmem>>) target(%dma_start3A_665 : memref<128x128xf32, #tpu.memory_space<hbm>>) target_semaphore(%arg19 : memref<!tpu.dma_semaphore, #tpu.memory_space<semaphore_mem>>)
    %dma_wait3A_666 = arith.constant 0 : i32
    %dma_wait3A_667 = arith.constant 0 : i32
    %dma_wait3A_668 = tpu.memref_slice %arg6[%dma_wait3A_666, %dma_wait3A_667] : memref<450560x128xf32, #tpu.memory_space<hbm>> -> memref<128x128xf32, #tpu.memory_space<hbm>>
    %dma_wait3A_669 = arith.constant 0 : i32
    %dma_wait3A_670 = arith.constant 0 : i32
    %dma_wait3A_671 = tpu.memref_slice %arg6[%dma_wait3A_669, %dma_wait3A_670] : memref<450560x128xf32, #tpu.memory_space<hbm>> -> memref<128x128xf32, #tpu.memory_space<hbm>>
    tpu.wait_dma2 semaphore(%arg18 : memref<!tpu.dma_semaphore, #tpu.memory_space<semaphore_mem>>) src(%arg7 : memref<128x128xf32, #tpu.memory_space<vmem>>) dst(%dma_wait3A_671 : memref<128x128xf32, #tpu.memory_space<hbm>>)
    %dma_start3A_672 = arith.constant 8 : i32
    %dma_start3A_673 = arith.constant 0 : i32
    %dma_start3A_674 = tpu.memref_slice %arg2[%mul3A_2, %dma_start3A_672, %dma_start3A_673] : memref<4096x64x128xf32, #tpu.memory_space<hbm>> -> memref<128x1x128xf32, #tpu.memory_space<hbm>>
    %dma_start3A_675 = tpu.memref_squeeze %dma_start3A_674 : memref<128x1x128xf32, #tpu.memory_space<hbm>> -> memref<128x128xf32, #tpu.memory_space<hbm>>
    %dma_start3A_676 = arith.constant 0 : i32
    %dma_start3A_677 = tpu.memref_slice %arg2[%mul3A_2, %dma_start3A_672, %dma_start3A_676] : memref<4096x64x128xf32, #tpu.memory_space<hbm>> -> memref<128x1x128xf32, #tpu.memory_space<hbm>>
    %dma_start3A_678 = tpu.memref_squeeze %dma_start3A_677 : memref<128x1x128xf32, #tpu.memory_space<hbm>> -> memref<128x128xf32, #tpu.memory_space<hbm>>
    tpu.enqueue_dma source(%dma_start3A_678 : memref<128x128xf32, #tpu.memory_space<hbm>>) target(%arg7 : memref<128x128xf32, #tpu.memory_space<vmem>>) target_semaphore(%arg14 : memref<!tpu.dma_semaphore, #tpu.memory_space<semaphore_mem>>)
    %dma_wait3A_679 = arith.constant 0 : i32
    %dma_wait3A_680 = arith.constant 0 : i32
    %dma_wait3A_681 = arith.constant 0 : i32
    %dma_wait3A_682 = tpu.memref_slice %arg2[%dma_wait3A_680, %dma_wait3A_679, %dma_wait3A_681] : memref<4096x64x128xf32, #tpu.memory_space<hbm>> -> memref<128x1x128xf32, #tpu.memory_space<hbm>>
    %dma_wait3A_683 = tpu.memref_squeeze %dma_wait3A_682 : memref<128x1x128xf32, #tpu.memory_space<hbm>> -> memref<128x128xf32, #tpu.memory_space<hbm>>
    %dma_wait3A_684 = arith.constant 0 : i32
    %dma_wait3A_685 = arith.constant 0 : i32
    %dma_wait3A_686 = tpu.memref_slice %arg2[%dma_wait3A_684, %dma_wait3A_679, %dma_wait3A_685] : memref<4096x64x128xf32, #tpu.memory_space<hbm>> -> memref<128x1x128xf32, #tpu.memory_space<hbm>>
    %dma_wait3A_687 = tpu.memref_squeeze %dma_wait3A_686 : memref<128x1x128xf32, #tpu.memory_space<hbm>> -> memref<128x128xf32, #tpu.memory_space<hbm>>
    tpu.wait_dma2 semaphore(%arg16 : memref<!tpu.dma_semaphore, #tpu.memory_space<semaphore_mem>>) src(%dma_wait3A_687 : memref<128x128xf32, #tpu.memory_space<hbm>>) dst(%arg9 : memref<128x128xf32, #tpu.memory_space<vmem>>)
    %get3A_688 = arith.constant 0 : index
    %get3A_689 = tpu.vector_load %arg11[%get3A_688] {strides = array<i32>} : memref<64xi32, #tpu.memory_space<vmem>>, vector<16xi32>,
    %get3A_690 = vector.shape_cast %get3A_689 : vector<16xi32> to vector<16xi32>
    %slice3A_691 = vector.extract_strided_slice %get3A_690 {offsets = [6], sizes = [1], strides = [1]} : vector<16xi32> to vector<1xi32>
    %squeeze3A_692 = vector.extract %slice3A_691[0] : i32 from vector<1xi32>
    %mul3A_693 = arith.constant 4096 : i32
    %mul3A_694 = arith.muli %squeeze3A_692, %mul3A_693 : i32
    %add3A_695 = arith.addi %mul3A_694, %mul3A_2 : i32
    %dma_start3A_696 = arith.constant 0 : i32
    %dma_start3A_697 = tpu.memref_slice %arg6[%add3A_695, %dma_start3A_696] : memref<450560x128xf32, #tpu.memory_space<hbm>> -> memref<128x128xf32, #tpu.memory_space<hbm>>
    %dma_start3A_698 = arith.constant 0 : i32
    %dma_start3A_699 = tpu.memref_slice %arg6[%add3A_695, %dma_start3A_698] : memref<450560x128xf32, #tpu.memory_space<hbm>> -> memref<128x128xf32, #tpu.memory_space<hbm>>
    tpu.enqueue_dma source(%arg9 : memref<128x128xf32, #tpu.memory_space<vmem>>) target(%dma_start3A_699 : memref<128x128xf32, #tpu.memory_space<hbm>>) target_semaphore(%arg20 : memref<!tpu.dma_semaphore, #tpu.memory_space<semaphore_mem>>)
    %dma_wait3A_700 = arith.constant 0 : i32
    %dma_wait3A_701 = arith.constant 0 : i32
    %dma_wait3A_702 = tpu.memref_slice %arg6[%dma_wait3A_700, %dma_wait3A_701] : memref<450560x128xf32, #tpu.memory_space<hbm>> -> memref<128x128xf32, #tpu.memory_space<hbm>>
    %dma_wait3A_703 = arith.constant 0 : i32
    %dma_wait3A_704 = arith.constant 0 : i32
    %dma_wait3A_705 = tpu.memref_slice %arg6[%dma_wait3A_703, %dma_wait3A_704] : memref<450560x128xf32, #tpu.memory_space<hbm>> -> memref<128x128xf32, #tpu.memory_space<hbm>>
    tpu.wait_dma2 semaphore(%arg19 : memref<!tpu.dma_semaphore, #tpu.memory_space<semaphore_mem>>) src(%arg8 : memref<128x128xf32, #tpu.memory_space<vmem>>) dst(%dma_wait3A_705 : memref<128x128xf32, #tpu.memory_space<hbm>>)
    %dma_start3A_706 = arith.constant 9 : i32
    %dma_start3A_707 = arith.constant 0 : i32
    %dma_start3A_708 = tpu.memref_slice %arg2[%mul3A_2, %dma_start3A_706, %dma_start3A_707] : memref<4096x64x128xf32, #tpu.memory_space<hbm>> -> memref<128x1x128xf32, #tpu.memory_space<hbm>>
    %dma_start3A_709 = tpu.memref_squeeze %dma_start3A_708 : memref<128x1x128xf32, #tpu.memory_space<hbm>> -> memref<128x128xf32, #tpu.memory_space<hbm>>
    %dma_start3A_710 = arith.constant 0 : i32
    %dma_start3A_711 = tpu.memref_slice %arg2[%mul3A_2, %dma_start3A_706, %dma_start3A_710] : memref<4096x64x128xf32, #tpu.memory_space<hbm>> -> memref<128x1x128xf32, #tpu.memory_space<hbm>>
    %dma_start3A_712 = tpu.memref_squeeze %dma_start3A_711 : memref<128x1x128xf32, #tpu.memory_space<hbm>> -> memref<128x128xf32, #tpu.memory_space<hbm>>
    tpu.enqueue_dma source(%dma_start3A_712 : memref<128x128xf32, #tpu.memory_space<hbm>>) target(%arg8 : memref<128x128xf32, #tpu.memory_space<vmem>>) target_semaphore(%arg15 : memref<!tpu.dma_semaphore, #tpu.memory_space<semaphore_mem>>)
    %dma_wait3A_713 = arith.constant 0 : i32
    %dma_wait3A_714 = arith.constant 0 : i32
    %dma_wait3A_715 = arith.constant 0 : i32
    %dma_wait3A_716 = tpu.memref_slice %arg2[%dma_wait3A_714, %dma_wait3A_713, %dma_wait3A_715] : memref<4096x64x128xf32, #tpu.memory_space<hbm>> -> memref<128x1x128xf32, #tpu.memory_space<hbm>>
    %dma_wait3A_717 = tpu.memref_squeeze %dma_wait3A_716 : memref<128x1x128xf32, #tpu.memory_space<hbm>> -> memref<128x128xf32, #tpu.memory_space<hbm>>
    %dma_wait3A_718 = arith.constant 0 : i32
    %dma_wait3A_719 = arith.constant 0 : i32
    %dma_wait3A_720 = tpu.memref_slice %arg2[%dma_wait3A_718, %dma_wait3A_713, %dma_wait3A_719] : memref<4096x64x128xf32, #tpu.memory_space<hbm>> -> memref<128x1x128xf32, #tpu.memory_space<hbm>>
    %dma_wait3A_721 = tpu.memref_squeeze %dma_wait3A_720 : memref<128x1x128xf32, #tpu.memory_space<hbm>> -> memref<128x128xf32, #tpu.memory_space<hbm>>
    tpu.wait_dma2 semaphore(%arg17 : memref<!tpu.dma_semaphore, #tpu.memory_space<semaphore_mem>>) src(%dma_wait3A_721 : memref<128x128xf32, #tpu.memory_space<hbm>>) dst(%arg10 : memref<128x128xf32, #tpu.memory_space<vmem>>)
    %get3A_722 = arith.constant 0 : index
    %get3A_723 = tpu.vector_load %arg11[%get3A_722] {strides = array<i32>} : memref<64xi32, #tpu.memory_space<vmem>>, vector<16xi32>,
    %get3A_724 = vector.shape_cast %get3A_723 : vector<16xi32> to vector<16xi32>
    %slice3A_725 = vector.extract_strided_slice %get3A_724 {offsets = [7], sizes = [1], strides = [1]} : vector<16xi32> to vector<1xi32>
    %squeeze3A_726 = vector.extract %slice3A_725[0] : i32 from vector<1xi32>
    %mul3A_727 = arith.constant 4096 : i32
    %mul3A_728 = arith.muli %squeeze3A_726, %mul3A_727 : i32
    %add3A_729 = arith.addi %mul3A_728, %mul3A_2 : i32
    %dma_start3A_730 = arith.constant 0 : i32
    %dma_start3A_731 = tpu.memref_slice %arg6[%add3A_729, %dma_start3A_730] : memref<450560x128xf32, #tpu.memory_space<hbm>> -> memref<128x128xf32, #tpu.memory_space<hbm>>
    %dma_start3A_732 = arith.constant 0 : i32
    %dma_start3A_733 = tpu.memref_slice %arg6[%add3A_729, %dma_start3A_732] : memref<450560x128xf32, #tpu.memory_space<hbm>> -> memref<128x128xf32, #tpu.memory_space<hbm>>
    tpu.enqueue_dma source(%arg10 : memref<128x128xf32, #tpu.memory_space<vmem>>) target(%dma_start3A_733 : memref<128x128xf32, #tpu.memory_space<hbm>>) target_semaphore(%arg21 : memref<!tpu.dma_semaphore, #tpu.memory_space<semaphore_mem>>)
    %dma_wait3A_734 = arith.constant 0 : i32
    %dma_wait3A_735 = arith.constant 0 : i32
    %dma_wait3A_736 = tpu.memref_slice %arg6[%dma_wait3A_734, %dma_wait3A_735] : memref<450560x128xf32, #tpu.memory_space<hbm>> -> memref<128x128xf32, #tpu.memory_space<hbm>>
    %dma_wait3A_737 = arith.constant 0 : i32
    %dma_wait3A_738 = arith.constant 0 : i32
    %dma_wait3A_739 = tpu.memref_slice %arg6[%dma_wait3A_737, %dma_wait3A_738] : memref<450560x128xf32, #tpu.memory_space<hbm>> -> memref<128x128xf32, #tpu.memory_space<hbm>>
    tpu.wait_dma2 semaphore(%arg20 : memref<!tpu.dma_semaphore, #tpu.memory_space<semaphore_mem>>) src(%arg9 : memref<128x128xf32, #tpu.memory_space<vmem>>) dst(%dma_wait3A_739 : memref<128x128xf32, #tpu.memory_space<hbm>>)
    %dma_start3A_740 = arith.constant 10 : i32
    %dma_start3A_741 = arith.constant 0 : i32
    %dma_start3A_742 = tpu.memref_slice %arg2[%mul3A_2, %dma_start3A_740, %dma_start3A_741] : memref<4096x64x128xf32, #tpu.memory_space<hbm>> -> memref<128x1x128xf32, #tpu.memory_space<hbm>>
    %dma_start3A_743 = tpu.memref_squeeze %dma_start3A_742 : memref<128x1x128xf32, #tpu.memory_space<hbm>> -> memref<128x128xf32, #tpu.memory_space<hbm>>
    %dma_start3A_744 = arith.constant 0 : i32
    %dma_start3A_745 = tpu.memref_slice %arg2[%mul3A_2, %dma_start3A_740, %dma_start3A_744] : memref<4096x64x128xf32, #tpu.memory_space<hbm>> -> memref<128x1x128xf32, #tpu.memory_space<hbm>>
    %dma_start3A_746 = tpu.memref_squeeze %dma_start3A_745 : memref<128x1x128xf32, #tpu.memory_space<hbm>> -> memref<128x128xf32, #tpu.memory_space<hbm>>
    tpu.enqueue_dma source(%dma_start3A_746 : memref<128x128xf32, #tpu.memory_space<hbm>>) target(%arg9 : memref<128x128xf32, #tpu.memory_space<vmem>>) target_semaphore(%arg16 : memref<!tpu.dma_semaphore, #tpu.memory_space<semaphore_mem>>)
    %dma_wait3A_747 = arith.constant 0 : i32
    %dma_wait3A_748 = arith.constant 0 : i32
    %dma_wait3A_749 = arith.constant 0 : i32
    %dma_wait3A_750 = tpu.memref_slice %arg2[%dma_wait3A_748, %dma_wait3A_747, %dma_wait3A_749] : memref<4096x64x128xf32, #tpu.memory_space<hbm>> -> memref<128x1x128xf32, #tpu.memory_space<hbm>>
    %dma_wait3A_751 = tpu.memref_squeeze %dma_wait3A_750 : memref<128x1x128xf32, #tpu.memory_space<hbm>> -> memref<128x128xf32, #tpu.memory_space<hbm>>
    %dma_wait3A_752 = arith.constant 0 : i32
    %dma_wait3A_753 = arith.constant 0 : i32
    %dma_wait3A_754 = tpu.memref_slice %arg2[%dma_wait3A_752, %dma_wait3A_747, %dma_wait3A_753] : memref<4096x64x128xf32, #tpu.memory_space<hbm>> -> memref<128x1x128xf32, #tpu.memory_space<hbm>>
    %dma_wait3A_755 = tpu.memref_squeeze %dma_wait3A_754 : memref<128x1x128xf32, #tpu.memory_space<hbm>> -> memref<128x128xf32, #tpu.memory_space<hbm>>
    tpu.wait_dma2 semaphore(%arg14 : memref<!tpu.dma_semaphore, #tpu.memory_space<semaphore_mem>>) src(%dma_wait3A_755 : memref<128x128xf32, #tpu.memory_space<hbm>>) dst(%arg7 : memref<128x128xf32, #tpu.memory_space<vmem>>)
    %get3A_756 = arith.constant 0 : index
    %get3A_757 = tpu.vector_load %arg11[%get3A_756] {strides = array<i32>} : memref<64xi32, #tpu.memory_space<vmem>>, vector<16xi32>,
    %get3A_758 = vector.shape_cast %get3A_757 : vector<16xi32> to vector<16xi32>
    %slice3A_759 = vector.extract_strided_slice %get3A_758 {offsets = [8], sizes = [1], strides = [1]} : vector<16xi32> to vector<1xi32>
    %squeeze3A_760 = vector.extract %slice3A_759[0] : i32 from vector<1xi32>
    %mul3A_761 = arith.constant 4096 : i32
    %mul3A_762 = arith.muli %squeeze3A_760, %mul3A_761 : i32
    %add3A_763 = arith.addi %mul3A_762, %mul3A_2 : i32
    %dma_start3A_764 = arith.constant 0 : i32
    %dma_start3A_765 = tpu.memref_slice %arg6[%add3A_763, %dma_start3A_764] : memref<450560x128xf32, #tpu.memory_space<hbm>> -> memref<128x128xf32, #tpu.memory_space<hbm>>
    %dma_start3A_766 = arith.constant 0 : i32
    %dma_start3A_767 = tpu.memref_slice %arg6[%add3A_763, %dma_start3A_766] : memref<450560x128xf32, #tpu.memory_space<hbm>> -> memref<128x128xf32, #tpu.memory_space<hbm>>
    tpu.enqueue_dma source(%arg7 : memref<128x128xf32, #tpu.memory_space<vmem>>) target(%dma_start3A_767 : memref<128x128xf32, #tpu.memory_space<hbm>>) target_semaphore(%arg18 : memref<!tpu.dma_semaphore, #tpu.memory_space<semaphore_mem>>)
    %dma_wait3A_768 = arith.constant 0 : i32
    %dma_wait3A_769 = arith.constant 0 : i32
    %dma_wait3A_770 = tpu.memref_slice %arg6[%dma_wait3A_768, %dma_wait3A_769] : memref<450560x128xf32, #tpu.memory_space<hbm>> -> memref<128x128xf32, #tpu.memory_space<hbm>>
    %dma_wait3A_771 = arith.constant 0 : i32
    %dma_wait3A_772 = arith.constant 0 : i32
    %dma_wait3A_773 = tpu.memref_slice %arg6[%dma_wait3A_771, %dma_wait3A_772] : memref<450560x128xf32, #tpu.memory_space<hbm>> -> memref<128x128xf32, #tpu.memory_space<hbm>>
    tpu.wait_dma2 semaphore(%arg21 : memref<!tpu.dma_semaphore, #tpu.memory_space<semaphore_mem>>) src(%arg10 : memref<128x128xf32, #tpu.memory_space<vmem>>) dst(%dma_wait3A_773 : memref<128x128xf32, #tpu.memory_space<hbm>>)
    %dma_start3A_774 = arith.constant 11 : i32
    %dma_start3A_775 = arith.constant 0 : i32
    %dma_start3A_776 = tpu.memref_slice %arg2[%mul3A_2, %dma_start3A_774, %dma_start3A_775] : memref<4096x64x128xf32, #tpu.memory_space<hbm>> -> memref<128x1x128xf32, #tpu.memory_space<hbm>>
    %dma_start3A_777 = tpu.memref_squeeze %dma_start3A_776 : memref<128x1x128xf32, #tpu.memory_space<hbm>> -> memref<128x128xf32, #tpu.memory_space<hbm>>
    %dma_start3A_778 = arith.constant 0 : i32
    %dma_start3A_779 = tpu.memref_slice %arg2[%mul3A_2, %dma_start3A_774, %dma_start3A_778] : memref<4096x64x128xf32, #tpu.memory_space<hbm>> -> memref<128x1x128xf32, #tpu.memory_space<hbm>>
    %dma_start3A_780 = tpu.memref_squeeze %dma_start3A_779 : memref<128x1x128xf32, #tpu.memory_space<hbm>> -> memref<128x128xf32, #tpu.memory_space<hbm>>
    tpu.enqueue_dma source(%dma_start3A_780 : memref<128x128xf32, #tpu.memory_space<hbm>>) target(%arg10 : memref<128x128xf32, #tpu.memory_space<vmem>>) target_semaphore(%arg17 : memref<!tpu.dma_semaphore, #tpu.memory_space<semaphore_mem>>)
    %dma_wait3A_781 = arith.constant 0 : i32
    %dma_wait3A_782 = arith.constant 0 : i32
    %dma_wait3A_783 = arith.constant 0 : i32
    %dma_wait3A_784 = tpu.memref_slice %arg2[%dma_wait3A_782, %dma_wait3A_781, %dma_wait3A_783] : memref<4096x64x128xf32, #tpu.memory_space<hbm>> -> memref<128x1x128xf32, #tpu.memory_space<hbm>>
    %dma_wait3A_785 = tpu.memref_squeeze %dma_wait3A_784 : memref<128x1x128xf32, #tpu.memory_space<hbm>> -> memref<128x128xf32, #tpu.memory_space<hbm>>
    %dma_wait3A_786 = arith.constant 0 : i32
    %dma_wait3A_787 = arith.constant 0 : i32
    %dma_wait3A_788 = tpu.memref_slice %arg2[%dma_wait3A_786, %dma_wait3A_781, %dma_wait3A_787] : memref<4096x64x128xf32, #tpu.memory_space<hbm>> -> memref<128x1x128xf32, #tpu.memory_space<hbm>>
    %dma_wait3A_789 = tpu.memref_squeeze %dma_wait3A_788 : memref<128x1x128xf32, #tpu.memory_space<hbm>> -> memref<128x128xf32, #tpu.memory_space<hbm>>
    tpu.wait_dma2 semaphore(%arg15 : memref<!tpu.dma_semaphore, #tpu.memory_space<semaphore_mem>>) src(%dma_wait3A_789 : memref<128x128xf32, #tpu.memory_space<hbm>>) dst(%arg8 : memref<128x128xf32, #tpu.memory_space<vmem>>)
    %get3A_790 = arith.constant 0 : index
    %get3A_791 = tpu.vector_load %arg11[%get3A_790] {strides = array<i32>} : memref<64xi32, #tpu.memory_space<vmem>>, vector<16xi32>,
    %get3A_792 = vector.shape_cast %get3A_791 : vector<16xi32> to vector<16xi32>
    %slice3A_793 = vector.extract_strided_slice %get3A_792 {offsets = [9], sizes = [1], strides = [1]} : vector<16xi32> to vector<1xi32>
    %squeeze3A_794 = vector.extract %slice3A_793[0] : i32 from vector<1xi32>
    %mul3A_795 = arith.constant 4096 : i32
    %mul3A_796 = arith.muli %squeeze3A_794, %mul3A_795 : i32
    %add3A_797 = arith.addi %mul3A_796, %mul3A_2 : i32
    %dma_start3A_798 = arith.constant 0 : i32
    %dma_start3A_799 = tpu.memref_slice %arg6[%add3A_797, %dma_start3A_798] : memref<450560x128xf32, #tpu.memory_space<hbm>> -> memref<128x128xf32, #tpu.memory_space<hbm>>
    %dma_start3A_800 = arith.constant 0 : i32
    %dma_start3A_801 = tpu.memref_slice %arg6[%add3A_797, %dma_start3A_800] : memref<450560x128xf32, #tpu.memory_space<hbm>> -> memref<128x128xf32, #tpu.memory_space<hbm>>
    tpu.enqueue_dma source(%arg8 : memref<128x128xf32, #tpu.memory_space<vmem>>) target(%dma_start3A_801 : memref<128x128xf32, #tpu.memory_space<hbm>>) target_semaphore(%arg19 : memref<!tpu.dma_semaphore, #tpu.memory_space<semaphore_mem>>)
    %dma_wait3A_802 = arith.constant 0 : i32
    %dma_wait3A_803 = arith.constant 0 : i32
    %dma_wait3A_804 = tpu.memref_slice %arg6[%dma_wait3A_802, %dma_wait3A_803] : memref<450560x128xf32, #tpu.memory_space<hbm>> -> memref<128x128xf32, #tpu.memory_space<hbm>>
    %dma_wait3A_805 = arith.constant 0 : i32
    %dma_wait3A_806 = arith.constant 0 : i32
    %dma_wait3A_807 = tpu.memref_slice %arg6[%dma_wait3A_805, %dma_wait3A_806] : memref<450560x128xf32, #tpu.memory_space<hbm>> -> memref<128x128xf32, #tpu.memory_space<hbm>>
    tpu.wait_dma2 semaphore(%arg18 : memref<!tpu.dma_semaphore, #tpu.memory_space<semaphore_mem>>) src(%arg7 : memref<128x128xf32, #tpu.memory_space<vmem>>) dst(%dma_wait3A_807 : memref<128x128xf32, #tpu.memory_space<hbm>>)
    %dma_start3A_808 = arith.constant 12 : i32
    %dma_start3A_809 = arith.constant 0 : i32
    %dma_start3A_810 = tpu.memref_slice %arg2[%mul3A_2, %dma_start3A_808, %dma_start3A_809] : memref<4096x64x128xf32, #tpu.memory_space<hbm>> -> memref<128x1x128xf32, #tpu.memory_space<hbm>>
    %dma_start3A_811 = tpu.memref_squeeze %dma_start3A_810 : memref<128x1x128xf32, #tpu.memory_space<hbm>> -> memref<128x128xf32, #tpu.memory_space<hbm>>
    %dma_start3A_812 = arith.constant 0 : i32
    %dma_start3A_813 = tpu.memref_slice %arg2[%mul3A_2, %dma_start3A_808, %dma_start3A_812] : memref<4096x64x128xf32, #tpu.memory_space<hbm>> -> memref<128x1x128xf32, #tpu.memory_space<hbm>>
    %dma_start3A_814 = tpu.memref_squeeze %dma_start3A_813 : memref<128x1x128xf32, #tpu.memory_space<hbm>> -> memref<128x128xf32, #tpu.memory_space<hbm>>
    tpu.enqueue_dma source(%dma_start3A_814 : memref<128x128xf32, #tpu.memory_space<hbm>>) target(%arg7 : memref<128x128xf32, #tpu.memory_space<vmem>>) target_semaphore(%arg14 : memref<!tpu.dma_semaphore, #tpu.memory_space<semaphore_mem>>)
    %dma_wait3A_815 = arith.constant 0 : i32
    %dma_wait3A_816 = arith.constant 0 : i32
    %dma_wait3A_817 = arith.constant 0 : i32
    %dma_wait3A_818 = tpu.memref_slice %arg2[%dma_wait3A_816, %dma_wait3A_815, %dma_wait3A_817] : memref<4096x64x128xf32, #tpu.memory_space<hbm>> -> memref<128x1x128xf32, #tpu.memory_space<hbm>>
    %dma_wait3A_819 = tpu.memref_squeeze %dma_wait3A_818 : memref<128x1x128xf32, #tpu.memory_space<hbm>> -> memref<128x128xf32, #tpu.memory_space<hbm>>
    %dma_wait3A_820 = arith.constant 0 : i32
    %dma_wait3A_821 = arith.constant 0 : i32
    %dma_wait3A_822 = tpu.memref_slice %arg2[%dma_wait3A_820, %dma_wait3A_815, %dma_wait3A_821] : memref<4096x64x128xf32, #tpu.memory_space<hbm>> -> memref<128x1x128xf32, #tpu.memory_space<hbm>>
    %dma_wait3A_823 = tpu.memref_squeeze %dma_wait3A_822 : memref<128x1x128xf32, #tpu.memory_space<hbm>> -> memref<128x128xf32, #tpu.memory_space<hbm>>
    tpu.wait_dma2 semaphore(%arg16 : memref<!tpu.dma_semaphore, #tpu.memory_space<semaphore_mem>>) src(%dma_wait3A_823 : memref<128x128xf32, #tpu.memory_space<hbm>>) dst(%arg9 : memref<128x128xf32, #tpu.memory_space<vmem>>)
    %get3A_824 = arith.constant 0 : index
    %get3A_825 = tpu.vector_load %arg11[%get3A_824] {strides = array<i32>} : memref<64xi32, #tpu.memory_space<vmem>>, vector<16xi32>,
    %get3A_826 = vector.shape_cast %get3A_825 : vector<16xi32> to vector<16xi32>
    %slice3A_827 = vector.extract_strided_slice %get3A_826 {offsets = [10], sizes = [1], strides = [1]} : vector<16xi32> to vector<1xi32>
    %squeeze3A_828 = vector.extract %slice3A_827[0] : i32 from vector<1xi32>
    %mul3A_829 = arith.constant 4096 : i32
    %mul3A_830 = arith.muli %squeeze3A_828, %mul3A_829 : i32
    %add3A_831 = arith.addi %mul3A_830, %mul3A_2 : i32
    %dma_start3A_832 = arith.constant 0 : i32
    %dma_start3A_833 = tpu.memref_slice %arg6[%add3A_831, %dma_start3A_832] : memref<450560x128xf32, #tpu.memory_space<hbm>> -> memref<128x128xf32, #tpu.memory_space<hbm>>
    %dma_start3A_834 = arith.constant 0 : i32
    %dma_start3A_835 = tpu.memref_slice %arg6[%add3A_831, %dma_start3A_834] : memref<450560x128xf32, #tpu.memory_space<hbm>> -> memref<128x128xf32, #tpu.memory_space<hbm>>
    tpu.enqueue_dma source(%arg9 : memref<128x128xf32, #tpu.memory_space<vmem>>) target(%dma_start3A_835 : memref<128x128xf32, #tpu.memory_space<hbm>>) target_semaphore(%arg20 : memref<!tpu.dma_semaphore, #tpu.memory_space<semaphore_mem>>)
    %dma_wait3A_836 = arith.constant 0 : i32
    %dma_wait3A_837 = arith.constant 0 : i32
    %dma_wait3A_838 = tpu.memref_slice %arg6[%dma_wait3A_836, %dma_wait3A_837] : memref<450560x128xf32, #tpu.memory_space<hbm>> -> memref<128x128xf32, #tpu.memory_space<hbm>>
    %dma_wait3A_839 = arith.constant 0 : i32
    %dma_wait3A_840 = arith.constant 0 : i32
    %dma_wait3A_841 = tpu.memref_slice %arg6[%dma_wait3A_839, %dma_wait3A_840] : memref<450560x128xf32, #tpu.memory_space<hbm>> -> memref<128x128xf32, #tpu.memory_space<hbm>>
    tpu.wait_dma2 semaphore(%arg19 : memref<!tpu.dma_semaphore, #tpu.memory_space<semaphore_mem>>) src(%arg8 : memref<128x128xf32, #tpu.memory_space<vmem>>) dst(%dma_wait3A_841 : memref<128x128xf32, #tpu.memory_space<hbm>>)
    %dma_start3A_842 = arith.constant 13 : i32
    %dma_start3A_843 = arith.constant 0 : i32
    %dma_start3A_844 = tpu.memref_slice %arg2[%mul3A_2, %dma_start3A_842, %dma_start3A_843] : memref<4096x64x128xf32, #tpu.memory_space<hbm>> -> memref<128x1x128xf32, #tpu.memory_space<hbm>>
    %dma_start3A_845 = tpu.memref_squeeze %dma_start3A_844 : memref<128x1x128xf32, #tpu.memory_space<hbm>> -> memref<128x128xf32, #tpu.memory_space<hbm>>
    %dma_start3A_846 = arith.constant 0 : i32
    %dma_start3A_847 = tpu.memref_slice %arg2[%mul3A_2, %dma_start3A_842, %dma_start3A_846] : memref<4096x64x128xf32, #tpu.memory_space<hbm>> -> memref<128x1x128xf32, #tpu.memory_space<hbm>>
    %dma_start3A_848 = tpu.memref_squeeze %dma_start3A_847 : memref<128x1x128xf32, #tpu.memory_space<hbm>> -> memref<128x128xf32, #tpu.memory_space<hbm>>
    tpu.enqueue_dma source(%dma_start3A_848 : memref<128x128xf32, #tpu.memory_space<hbm>>) target(%arg8 : memref<128x128xf32, #tpu.memory_space<vmem>>) target_semaphore(%arg15 : memref<!tpu.dma_semaphore, #tpu.memory_space<semaphore_mem>>)
    %dma_wait3A_849 = arith.constant 0 : i32
    %dma_wait3A_850 = arith.constant 0 : i32
    %dma_wait3A_851 = arith.constant 0 : i32
    %dma_wait3A_852 = tpu.memref_slice %arg2[%dma_wait3A_850, %dma_wait3A_849, %dma_wait3A_851] : memref<4096x64x128xf32, #tpu.memory_space<hbm>> -> memref<128x1x128xf32, #tpu.memory_space<hbm>>
    %dma_wait3A_853 = tpu.memref_squeeze %dma_wait3A_852 : memref<128x1x128xf32, #tpu.memory_space<hbm>> -> memref<128x128xf32, #tpu.memory_space<hbm>>
    %dma_wait3A_854 = arith.constant 0 : i32
    %dma_wait3A_855 = arith.constant 0 : i32
    %dma_wait3A_856 = tpu.memref_slice %arg2[%dma_wait3A_854, %dma_wait3A_849, %dma_wait3A_855] : memref<4096x64x128xf32, #tpu.memory_space<hbm>> -> memref<128x1x128xf32, #tpu.memory_space<hbm>>
    %dma_wait3A_857 = tpu.memref_squeeze %dma_wait3A_856 : memref<128x1x128xf32, #tpu.memory_space<hbm>> -> memref<128x128xf32, #tpu.memory_space<hbm>>
    tpu.wait_dma2 semaphore(%arg17 : memref<!tpu.dma_semaphore, #tpu.memory_space<semaphore_mem>>) src(%dma_wait3A_857 : memref<128x128xf32, #tpu.memory_space<hbm>>) dst(%arg10 : memref<128x128xf32, #tpu.memory_space<vmem>>)
    %get3A_858 = arith.constant 0 : index
    %get3A_859 = tpu.vector_load %arg11[%get3A_858] {strides = array<i32>} : memref<64xi32, #tpu.memory_space<vmem>>, vector<16xi32>,
    %get3A_860 = vector.shape_cast %get3A_859 : vector<16xi32> to vector<16xi32>
    %slice3A_861 = vector.extract_strided_slice %get3A_860 {offsets = [11], sizes = [1], strides = [1]} : vector<16xi32> to vector<1xi32>
    %squeeze3A_862 = vector.extract %slice3A_861[0] : i32 from vector<1xi32>
    %mul3A_863 = arith.constant 4096 : i32
    %mul3A_864 = arith.muli %squeeze3A_862, %mul3A_863 : i32
    %add3A_865 = arith.addi %mul3A_864, %mul3A_2 : i32
    %dma_start3A_866 = arith.constant 0 : i32
    %dma_start3A_867 = tpu.memref_slice %arg6[%add3A_865, %dma_start3A_866] : memref<450560x128xf32, #tpu.memory_space<hbm>> -> memref<128x128xf32, #tpu.memory_space<hbm>>
    %dma_start3A_868 = arith.constant 0 : i32
    %dma_start3A_869 = tpu.memref_slice %arg6[%add3A_865, %dma_start3A_868] : memref<450560x128xf32, #tpu.memory_space<hbm>> -> memref<128x128xf32, #tpu.memory_space<hbm>>
    tpu.enqueue_dma source(%arg10 : memref<128x128xf32, #tpu.memory_space<vmem>>) target(%dma_start3A_869 : memref<128x128xf32, #tpu.memory_space<hbm>>) target_semaphore(%arg21 : memref<!tpu.dma_semaphore, #tpu.memory_space<semaphore_mem>>)
    %dma_wait3A_870 = arith.constant 0 : i32
    %dma_wait3A_871 = arith.constant 0 : i32
    %dma_wait3A_872 = tpu.memref_slice %arg6[%dma_wait3A_870, %dma_wait3A_871] : memref<450560x128xf32, #tpu.memory_space<hbm>> -> memref<128x128xf32, #tpu.memory_space<hbm>>
    %dma_wait3A_873 = arith.constant 0 : i32
    %dma_wait3A_874 = arith.constant 0 : i32
    %dma_wait3A_875 = tpu.memref_slice %arg6[%dma_wait3A_873, %dma_wait3A_874] : memref<450560x128xf32, #tpu.memory_space<hbm>> -> memref<128x128xf32, #tpu.memory_space<hbm>>
    tpu.wait_dma2 semaphore(%arg20 : memref<!tpu.dma_semaphore, #tpu.memory_space<semaphore_mem>>) src(%arg9 : memref<128x128xf32, #tpu.memory_space<vmem>>) dst(%dma_wait3A_875 : memref<128x128xf32, #tpu.memory_space<hbm>>)
    %dma_start3A_876 = arith.constant 14 : i32
    %dma_start3A_877 = arith.constant 0 : i32
    %dma_start3A_878 = tpu.memref_slice %arg2[%mul3A_2, %dma_start3A_876, %dma_start3A_877] : memref<4096x64x128xf32, #tpu.memory_space<hbm>> -> memref<128x1x128xf32, #tpu.memory_space<hbm>>
    %dma_start3A_879 = tpu.memref_squeeze %dma_start3A_878 : memref<128x1x128xf32, #tpu.memory_space<hbm>> -> memref<128x128xf32, #tpu.memory_space<hbm>>
    %dma_start3A_880 = arith.constant 0 : i32
    %dma_start3A_881 = tpu.memref_slice %arg2[%mul3A_2, %dma_start3A_876, %dma_start3A_880] : memref<4096x64x128xf32, #tpu.memory_space<hbm>> -> memref<128x1x128xf32, #tpu.memory_space<hbm>>
    %dma_start3A_882 = tpu.memref_squeeze %dma_start3A_881 : memref<128x1x128xf32, #tpu.memory_space<hbm>> -> memref<128x128xf32, #tpu.memory_space<hbm>>
    tpu.enqueue_dma source(%dma_start3A_882 : memref<128x128xf32, #tpu.memory_space<hbm>>) target(%arg9 : memref<128x128xf32, #tpu.memory_space<vmem>>) target_semaphore(%arg16 : memref<!tpu.dma_semaphore, #tpu.memory_space<semaphore_mem>>)
    %dma_wait3A_883 = arith.constant 0 : i32
    %dma_wait3A_884 = arith.constant 0 : i32
    %dma_wait3A_885 = arith.constant 0 : i32
    %dma_wait3A_886 = tpu.memref_slice %arg2[%dma_wait3A_884, %dma_wait3A_883, %dma_wait3A_885] : memref<4096x64x128xf32, #tpu.memory_space<hbm>> -> memref<128x1x128xf32, #tpu.memory_space<hbm>>
    %dma_wait3A_887 = tpu.memref_squeeze %dma_wait3A_886 : memref<128x1x128xf32, #tpu.memory_space<hbm>> -> memref<128x128xf32, #tpu.memory_space<hbm>>
    %dma_wait3A_888 = arith.constant 0 : i32
    %dma_wait3A_889 = arith.constant 0 : i32
    %dma_wait3A_890 = tpu.memref_slice %arg2[%dma_wait3A_888, %dma_wait3A_883, %dma_wait3A_889] : memref<4096x64x128xf32, #tpu.memory_space<hbm>> -> memref<128x1x128xf32, #tpu.memory_space<hbm>>
    %dma_wait3A_891 = tpu.memref_squeeze %dma_wait3A_890 : memref<128x1x128xf32, #tpu.memory_space<hbm>> -> memref<128x128xf32, #tpu.memory_space<hbm>>
    tpu.wait_dma2 semaphore(%arg14 : memref<!tpu.dma_semaphore, #tpu.memory_space<semaphore_mem>>) src(%dma_wait3A_891 : memref<128x128xf32, #tpu.memory_space<hbm>>) dst(%arg7 : memref<128x128xf32, #tpu.memory_space<vmem>>)
    %get3A_892 = arith.constant 0 : index
    %get3A_893 = tpu.vector_load %arg11[%get3A_892] {strides = array<i32>} : memref<64xi32, #tpu.memory_space<vmem>>, vector<16xi32>,
    %get3A_894 = vector.shape_cast %get3A_893 : vector<16xi32> to vector<16xi32>
    %slice3A_895 = vector.extract_strided_slice %get3A_894 {offsets = [12], sizes = [1], strides = [1]} : vector<16xi32> to vector<1xi32>
    %squeeze3A_896 = vector.extract %slice3A_895[0] : i32 from vector<1xi32>
    %mul3A_897 = arith.constant 4096 : i32
    %mul3A_898 = arith.muli %squeeze3A_896, %mul3A_897 : i32
    %add3A_899 = arith.addi %mul3A_898, %mul3A_2 : i32
    %dma_start3A_900 = arith.constant 0 : i32
    %dma_start3A_901 = tpu.memref_slice %arg6[%add3A_899, %dma_start3A_900] : memref<450560x128xf32, #tpu.memory_space<hbm>> -> memref<128x128xf32, #tpu.memory_space<hbm>>
    %dma_start3A_902 = arith.constant 0 : i32
    %dma_start3A_903 = tpu.memref_slice %arg6[%add3A_899, %dma_start3A_902] : memref<450560x128xf32, #tpu.memory_space<hbm>> -> memref<128x128xf32, #tpu.memory_space<hbm>>
    tpu.enqueue_dma source(%arg7 : memref<128x128xf32, #tpu.memory_space<vmem>>) target(%dma_start3A_903 : memref<128x128xf32, #tpu.memory_space<hbm>>) target_semaphore(%arg18 : memref<!tpu.dma_semaphore, #tpu.memory_space<semaphore_mem>>)
    %dma_wait3A_904 = arith.constant 0 : i32
    %dma_wait3A_905 = arith.constant 0 : i32
    %dma_wait3A_906 = tpu.memref_slice %arg6[%dma_wait3A_904, %dma_wait3A_905] : memref<450560x128xf32, #tpu.memory_space<hbm>> -> memref<128x128xf32, #tpu.memory_space<hbm>>
    %dma_wait3A_907 = arith.constant 0 : i32
    %dma_wait3A_908 = arith.constant 0 : i32
    %dma_wait3A_909 = tpu.memref_slice %arg6[%dma_wait3A_907, %dma_wait3A_908] : memref<450560x128xf32, #tpu.memory_space<hbm>> -> memref<128x128xf32, #tpu.memory_space<hbm>>
    tpu.wait_dma2 semaphore(%arg21 : memref<!tpu.dma_semaphore, #tpu.memory_space<semaphore_mem>>) src(%arg10 : memref<128x128xf32, #tpu.memory_space<vmem>>) dst(%dma_wait3A_909 : memref<128x128xf32, #tpu.memory_space<hbm>>)
    %dma_start3A_910 = arith.constant 15 : i32
    %dma_start3A_911 = arith.constant 0 : i32
    %dma_start3A_912 = tpu.memref_slice %arg2[%mul3A_2, %dma_start3A_910, %dma_start3A_911] : memref<4096x64x128xf32, #tpu.memory_space<hbm>> -> memref<128x1x128xf32, #tpu.memory_space<hbm>>
    %dma_start3A_913 = tpu.memref_squeeze %dma_start3A_912 : memref<128x1x128xf32, #tpu.memory_space<hbm>> -> memref<128x128xf32, #tpu.memory_space<hbm>>
    %dma_start3A_914 = arith.constant 0 : i32
    %dma_start3A_915 = tpu.memref_slice %arg2[%mul3A_2, %dma_start3A_910, %dma_start3A_914] : memref<4096x64x128xf32, #tpu.memory_space<hbm>> -> memref<128x1x128xf32, #tpu.memory_space<hbm>>
    %dma_start3A_916 = tpu.memref_squeeze %dma_start3A_915 : memref<128x1x128xf32, #tpu.memory_space<hbm>> -> memref<128x128xf32, #tpu.memory_space<hbm>>
    tpu.enqueue_dma source(%dma_start3A_916 : memref<128x128xf32, #tpu.memory_space<hbm>>) target(%arg10 : memref<128x128xf32, #tpu.memory_space<vmem>>) target_semaphore(%arg17 : memref<!tpu.dma_semaphore, #tpu.memory_space<semaphore_mem>>)
    %dma_wait3A_917 = arith.constant 0 : i32
    %dma_wait3A_918 = arith.constant 0 : i32
    %dma_wait3A_919 = arith.constant 0 : i32
    %dma_wait3A_920 = tpu.memref_slice %arg2[%dma_wait3A_918, %dma_wait3A_917, %dma_wait3A_919] : memref<4096x64x128xf32, #tpu.memory_space<hbm>> -> memref<128x1x128xf32, #tpu.memory_space<hbm>>
    %dma_wait3A_921 = tpu.memref_squeeze %dma_wait3A_920 : memref<128x1x128xf32, #tpu.memory_space<hbm>> -> memref<128x128xf32, #tpu.memory_space<hbm>>
    %dma_wait3A_922 = arith.constant 0 : i32
    %dma_wait3A_923 = arith.constant 0 : i32
    %dma_wait3A_924 = tpu.memref_slice %arg2[%dma_wait3A_922, %dma_wait3A_917, %dma_wait3A_923] : memref<4096x64x128xf32, #tpu.memory_space<hbm>> -> memref<128x1x128xf32, #tpu.memory_space<hbm>>
    %dma_wait3A_925 = tpu.memref_squeeze %dma_wait3A_924 : memref<128x1x128xf32, #tpu.memory_space<hbm>> -> memref<128x128xf32, #tpu.memory_space<hbm>>
    tpu.wait_dma2 semaphore(%arg15 : memref<!tpu.dma_semaphore, #tpu.memory_space<semaphore_mem>>) src(%dma_wait3A_925 : memref<128x128xf32, #tpu.memory_space<hbm>>) dst(%arg8 : memref<128x128xf32, #tpu.memory_space<vmem>>)
    %get3A_926 = arith.constant 0 : index
    %get3A_927 = tpu.vector_load %arg11[%get3A_926] {strides = array<i32>} : memref<64xi32, #tpu.memory_space<vmem>>, vector<16xi32>,
    %get3A_928 = vector.shape_cast %get3A_927 : vector<16xi32> to vector<16xi32>
    %slice3A_929 = vector.extract_strided_slice %get3A_928 {offsets = [13], sizes = [1], strides = [1]} : vector<16xi32> to vector<1xi32>
    %squeeze3A_930 = vector.extract %slice3A_929[0] : i32 from vector<1xi32>
    %mul3A_931 = arith.constant 4096 : i32
    %mul3A_932 = arith.muli %squeeze3A_930, %mul3A_931 : i32
    %add3A_933 = arith.addi %mul3A_932, %mul3A_2 : i32
    %dma_start3A_934 = arith.constant 0 : i32
    %dma_start3A_935 = tpu.memref_slice %arg6[%add3A_933, %dma_start3A_934] : memref<450560x128xf32, #tpu.memory_space<hbm>> -> memref<128x128xf32, #tpu.memory_space<hbm>>
    %dma_start3A_936 = arith.constant 0 : i32
    %dma_start3A_937 = tpu.memref_slice %arg6[%add3A_933, %dma_start3A_936] : memref<450560x128xf32, #tpu.memory_space<hbm>> -> memref<128x128xf32, #tpu.memory_space<hbm>>
    tpu.enqueue_dma source(%arg8 : memref<128x128xf32, #tpu.memory_space<vmem>>) target(%dma_start3A_937 : memref<128x128xf32, #tpu.memory_space<hbm>>) target_semaphore(%arg19 : memref<!tpu.dma_semaphore, #tpu.memory_space<semaphore_mem>>)
    %dma_wait3A_938 = arith.constant 0 : i32
    %dma_wait3A_939 = arith.constant 0 : i32
    %dma_wait3A_940 = tpu.memref_slice %arg6[%dma_wait3A_938, %dma_wait3A_939] : memref<450560x128xf32, #tpu.memory_space<hbm>> -> memref<128x128xf32, #tpu.memory_space<hbm>>
    %dma_wait3A_941 = arith.constant 0 : i32
    %dma_wait3A_942 = arith.constant 0 : i32
    %dma_wait3A_943 = tpu.memref_slice %arg6[%dma_wait3A_941, %dma_wait3A_942] : memref<450560x128xf32, #tpu.memory_space<hbm>> -> memref<128x128xf32, #tpu.memory_space<hbm>>
    tpu.wait_dma2 semaphore(%arg18 : memref<!tpu.dma_semaphore, #tpu.memory_space<semaphore_mem>>) src(%arg7 : memref<128x128xf32, #tpu.memory_space<vmem>>) dst(%dma_wait3A_943 : memref<128x128xf32, #tpu.memory_space<hbm>>)
    %dma_start3A_944 = arith.constant 16 : i32
    %dma_start3A_945 = arith.constant 0 : i32
    %dma_start3A_946 = tpu.memref_slice %arg2[%mul3A_2, %dma_start3A_944, %dma_start3A_945] : memref<4096x64x128xf32, #tpu.memory_space<hbm>> -> memref<128x1x128xf32, #tpu.memory_space<hbm>>
    %dma_start3A_947 = tpu.memref_squeeze %dma_start3A_946 : memref<128x1x128xf32, #tpu.memory_space<hbm>> -> memref<128x128xf32, #tpu.memory_space<hbm>>
    %dma_start3A_948 = arith.constant 0 : i32
    %dma_start3A_949 = tpu.memref_slice %arg2[%mul3A_2, %dma_start3A_944, %dma_start3A_948] : memref<4096x64x128xf32, #tpu.memory_space<hbm>> -> memref<128x1x128xf32, #tpu.memory_space<hbm>>
    %dma_start3A_950 = tpu.memref_squeeze %dma_start3A_949 : memref<128x1x128xf32, #tpu.memory_space<hbm>> -> memref<128x128xf32, #tpu.memory_space<hbm>>
    tpu.enqueue_dma source(%dma_start3A_950 : memref<128x128xf32, #tpu.memory_space<hbm>>) target(%arg7 : memref<128x128xf32, #tpu.memory_space<vmem>>) target_semaphore(%arg14 : memref<!tpu.dma_semaphore, #tpu.memory_space<semaphore_mem>>)
    %dma_wait3A_951 = arith.constant 0 : i32
    %dma_wait3A_952 = arith.constant 0 : i32
    %dma_wait3A_953 = arith.constant 0 : i32
    %dma_wait3A_954 = tpu.memref_slice %arg2[%dma_wait3A_952, %dma_wait3A_951, %dma_wait3A_953] : memref<4096x64x128xf32, #tpu.memory_space<hbm>> -> memref<128x1x128xf32, #tpu.memory_space<hbm>>
    %dma_wait3A_955 = tpu.memref_squeeze %dma_wait3A_954 : memref<128x1x128xf32, #tpu.memory_space<hbm>> -> memref<128x128xf32, #tpu.memory_space<hbm>>
    %dma_wait3A_956 = arith.constant 0 : i32
    %dma_wait3A_957 = arith.constant 0 : i32
    %dma_wait3A_958 = tpu.memref_slice %arg2[%dma_wait3A_956, %dma_wait3A_951, %dma_wait3A_957] : memref<4096x64x128xf32, #tpu.memory_space<hbm>> -> memref<128x1x128xf32, #tpu.memory_space<hbm>>
    %dma_wait3A_959 = tpu.memref_squeeze %dma_wait3A_958 : memref<128x1x128xf32, #tpu.memory_space<hbm>> -> memref<128x128xf32, #tpu.memory_space<hbm>>
    tpu.wait_dma2 semaphore(%arg16 : memref<!tpu.dma_semaphore, #tpu.memory_space<semaphore_mem>>) src(%dma_wait3A_959 : memref<128x128xf32, #tpu.memory_space<hbm>>) dst(%arg9 : memref<128x128xf32, #tpu.memory_space<vmem>>)
    %get3A_960 = arith.constant 0 : index
    %get3A_961 = tpu.vector_load %arg11[%get3A_960] {strides = array<i32>} : memref<64xi32, #tpu.memory_space<vmem>>, vector<16xi32>,
    %get3A_962 = vector.shape_cast %get3A_961 : vector<16xi32> to vector<16xi32>
    %slice3A_963 = vector.extract_strided_slice %get3A_962 {offsets = [14], sizes = [1], strides = [1]} : vector<16xi32> to vector<1xi32>
    %squeeze3A_964 = vector.extract %slice3A_963[0] : i32 from vector<1xi32>
    %mul3A_965 = arith.constant 4096 : i32
    %mul3A_966 = arith.muli %squeeze3A_964, %mul3A_965 : i32
    %add3A_967 = arith.addi %mul3A_966, %mul3A_2 : i32
    %dma_start3A_968 = arith.constant 0 : i32
    %dma_start3A_969 = tpu.memref_slice %arg6[%add3A_967, %dma_start3A_968] : memref<450560x128xf32, #tpu.memory_space<hbm>> -> memref<128x128xf32, #tpu.memory_space<hbm>>
    %dma_start3A_970 = arith.constant 0 : i32
    %dma_start3A_971 = tpu.memref_slice %arg6[%add3A_967, %dma_start3A_970] : memref<450560x128xf32, #tpu.memory_space<hbm>> -> memref<128x128xf32, #tpu.memory_space<hbm>>
    tpu.enqueue_dma source(%arg9 : memref<128x128xf32, #tpu.memory_space<vmem>>) target(%dma_start3A_971 : memref<128x128xf32, #tpu.memory_space<hbm>>) target_semaphore(%arg20 : memref<!tpu.dma_semaphore, #tpu.memory_space<semaphore_mem>>)
    %dma_wait3A_972 = arith.constant 0 : i32
    %dma_wait3A_973 = arith.constant 0 : i32
    %dma_wait3A_974 = tpu.memref_slice %arg6[%dma_wait3A_972, %dma_wait3A_973] : memref<450560x128xf32, #tpu.memory_space<hbm>> -> memref<128x128xf32, #tpu.memory_space<hbm>>
    %dma_wait3A_975 = arith.constant 0 : i32
    %dma_wait3A_976 = arith.constant 0 : i32
    %dma_wait3A_977 = tpu.memref_slice %arg6[%dma_wait3A_975, %dma_wait3A_976] : memref<450560x128xf32, #tpu.memory_space<hbm>> -> memref<128x128xf32, #tpu.memory_space<hbm>>
    tpu.wait_dma2 semaphore(%arg19 : memref<!tpu.dma_semaphore, #tpu.memory_space<semaphore_mem>>) src(%arg8 : memref<128x128xf32, #tpu.memory_space<vmem>>) dst(%dma_wait3A_977 : memref<128x128xf32, #tpu.memory_space<hbm>>)
    %dma_start3A_978 = arith.constant 17 : i32
    %dma_start3A_979 = arith.constant 0 : i32
    %dma_start3A_980 = tpu.memref_slice %arg2[%mul3A_2, %dma_start3A_978, %dma_start3A_979] : memref<4096x64x128xf32, #tpu.memory_space<hbm>> -> memref<128x1x128xf32, #tpu.memory_space<hbm>>
    %dma_start3A_981 = tpu.memref_squeeze %dma_start3A_980 : memref<128x1x128xf32, #tpu.memory_space<hbm>> -> memref<128x128xf32, #tpu.memory_space<hbm>>
    %dma_start3A_982 = arith.constant 0 : i32
    %dma_start3A_983 = tpu.memref_slice %arg2[%mul3A_2, %dma_start3A_978, %dma_start3A_982] : memref<4096x64x128xf32, #tpu.memory_space<hbm>> -> memref<128x1x128xf32, #tpu.memory_space<hbm>>
    %dma_start3A_984 = tpu.memref_squeeze %dma_start3A_983 : memref<128x1x128xf32, #tpu.memory_space<hbm>> -> memref<128x128xf32, #tpu.memory_space<hbm>>
    tpu.enqueue_dma source(%dma_start3A_984 : memref<128x128xf32, #tpu.memory_space<hbm>>) target(%arg8 : memref<128x128xf32, #tpu.memory_space<vmem>>) target_semaphore(%arg15 : memref<!tpu.dma_semaphore, #tpu.memory_space<semaphore_mem>>)
    %dma_wait3A_985 = arith.constant 0 : i32
    %dma_wait3A_986 = arith.constant 0 : i32
    %dma_wait3A_987 = arith.constant 0 : i32
    %dma_wait3A_988 = tpu.memref_slice %arg2[%dma_wait3A_986, %dma_wait3A_985, %dma_wait3A_987] : memref<4096x64x128xf32, #tpu.memory_space<hbm>> -> memref<128x1x128xf32, #tpu.memory_space<hbm>>
    %dma_wait3A_989 = tpu.memref_squeeze %dma_wait3A_988 : memref<128x1x128xf32, #tpu.memory_space<hbm>> -> memref<128x128xf32, #tpu.memory_space<hbm>>
    %dma_wait3A_990 = arith.constant 0 : i32
    %dma_wait3A_991 = arith.constant 0 : i32
    %dma_wait3A_992 = tpu.memref_slice %arg2[%dma_wait3A_990, %dma_wait3A_985, %dma_wait3A_991] : memref<4096x64x128xf32, #tpu.memory_space<hbm>> -> memref<128x1x128xf32, #tpu.memory_space<hbm>>
    %dma_wait3A_993 = tpu.memref_squeeze %dma_wait3A_992 : memref<128x1x128xf32, #tpu.memory_space<hbm>> -> memref<128x128xf32, #tpu.memory_space<hbm>>
    tpu.wait_dma2 semaphore(%arg17 : memref<!tpu.dma_semaphore, #tpu.memory_space<semaphore_mem>>) src(%dma_wait3A_993 : memref<128x128xf32, #tpu.memory_space<hbm>>) dst(%arg10 : memref<128x128xf32, #tpu.memory_space<vmem>>)
    %get3A_994 = arith.constant 0 : index
    %get3A_995 = tpu.vector_load %arg11[%get3A_994] {strides = array<i32>} : memref<64xi32, #tpu.memory_space<vmem>>, vector<16xi32>,
    %get3A_996 = vector.shape_cast %get3A_995 : vector<16xi32> to vector<16xi32>
    %slice3A_997 = vector.extract_strided_slice %get3A_996 {offsets = [15], sizes = [1], strides = [1]} : vector<16xi32> to vector<1xi32>
    %squeeze3A_998 = vector.extract %slice3A_997[0] : i32 from vector<1xi32>
    %mul3A_999 = arith.constant 4096 : i32
    %mul3A_1000 = arith.muli %squeeze3A_998, %mul3A_999 : i32
    %add3A_1001 = arith.addi %mul3A_1000, %mul3A_2 : i32
    %dma_start3A_1002 = arith.constant 0 : i32
    %dma_start3A_1003 = tpu.memref_slice %arg6[%add3A_1001, %dma_start3A_1002] : memref<450560x128xf32, #tpu.memory_space<hbm>> -> memref<128x128xf32, #tpu.memory_space<hbm>>
    %dma_start3A_1004 = arith.constant 0 : i32
    %dma_start3A_1005 = tpu.memref_slice %arg6[%add3A_1001, %dma_start3A_1004] : memref<450560x128xf32, #tpu.memory_space<hbm>> -> memref<128x128xf32, #tpu.memory_space<hbm>>
    tpu.enqueue_dma source(%arg10 : memref<128x128xf32, #tpu.memory_space<vmem>>) target(%dma_start3A_1005 : memref<128x128xf32, #tpu.memory_space<hbm>>) target_semaphore(%arg21 : memref<!tpu.dma_semaphore, #tpu.memory_space<semaphore_mem>>)
    %dma_wait3A_1006 = arith.constant 0 : i32
    %dma_wait3A_1007 = arith.constant 0 : i32
    %dma_wait3A_1008 = tpu.memref_slice %arg6[%dma_wait3A_1006, %dma_wait3A_1007] : memref<450560x128xf32, #tpu.memory_space<hbm>> -> memref<128x128xf32, #tpu.memory_space<hbm>>
    %dma_wait3A_1009 = arith.constant 0 : i32
    %dma_wait3A_1010 = arith.constant 0 : i32
    %dma_wait3A_1011 = tpu.memref_slice %arg6[%dma_wait3A_1009, %dma_wait3A_1010] : memref<450560x128xf32, #tpu.memory_space<hbm>> -> memref<128x128xf32, #tpu.memory_space<hbm>>
    tpu.wait_dma2 semaphore(%arg20 : memref<!tpu.dma_semaphore, #tpu.memory_space<semaphore_mem>>) src(%arg9 : memref<128x128xf32, #tpu.memory_space<vmem>>) dst(%dma_wait3A_1011 : memref<128x128xf32, #tpu.memory_space<hbm>>)
    %dma_start3A_1012 = arith.constant 18 : i32
    %dma_start3A_1013 = arith.constant 0 : i32
    %dma_start3A_1014 = tpu.memref_slice %arg2[%mul3A_2, %dma_start3A_1012, %dma_start3A_1013] : memref<4096x64x128xf32, #tpu.memory_space<hbm>> -> memref<128x1x128xf32, #tpu.memory_space<hbm>>
    %dma_start3A_1015 = tpu.memref_squeeze %dma_start3A_1014 : memref<128x1x128xf32, #tpu.memory_space<hbm>> -> memref<128x128xf32, #tpu.memory_space<hbm>>
    %dma_start3A_1016 = arith.constant 0 : i32
    %dma_start3A_1017 = tpu.memref_slice %arg2[%mul3A_2, %dma_start3A_1012, %dma_start3A_1016] : memref<4096x64x128xf32, #tpu.memory_space<hbm>> -> memref<128x1x128xf32, #tpu.memory_space<hbm>>
    %dma_start3A_1018 = tpu.memref_squeeze %dma_start3A_1017 : memref<128x1x128xf32, #tpu.memory_space<hbm>> -> memref<128x128xf32, #tpu.memory_space<hbm>>
    tpu.enqueue_dma source(%dma_start3A_1018 : memref<128x128xf32, #tpu.memory_space<hbm>>) target(%arg9 : memref<128x128xf32, #tpu.memory_space<vmem>>) target_semaphore(%arg16 : memref<!tpu.dma_semaphore, #tpu.memory_space<semaphore_mem>>)
    %dma_wait3A_1019 = arith.constant 0 : i32
    %dma_wait3A_1020 = arith.constant 0 : i32
    %dma_wait3A_1021 = arith.constant 0 : i32
    %dma_wait3A_1022 = tpu.memref_slice %arg2[%dma_wait3A_1020, %dma_wait3A_1019, %dma_wait3A_1021] : memref<4096x64x128xf32, #tpu.memory_space<hbm>> -> memref<128x1x128xf32, #tpu.memory_space<hbm>>
    %dma_wait3A_1023 = tpu.memref_squeeze %dma_wait3A_1022 : memref<128x1x128xf32, #tpu.memory_space<hbm>> -> memref<128x128xf32, #tpu.memory_space<hbm>>
    %dma_wait3A_1024 = arith.constant 0 : i32
    %dma_wait3A_1025 = arith.constant 0 : i32
    %dma_wait3A_1026 = tpu.memref_slice %arg2[%dma_wait3A_1024, %dma_wait3A_1019, %dma_wait3A_1025] : memref<4096x64x128xf32, #tpu.memory_space<hbm>> -> memref<128x1x128xf32, #tpu.memory_space<hbm>>
    %dma_wait3A_1027 = tpu.memref_squeeze %dma_wait3A_1026 : memref<128x1x128xf32, #tpu.memory_space<hbm>> -> memref<128x128xf32, #tpu.memory_space<hbm>>
    tpu.wait_dma2 semaphore(%arg14 : memref<!tpu.dma_semaphore, #tpu.memory_space<semaphore_mem>>) src(%dma_wait3A_1027 : memref<128x128xf32, #tpu.memory_space<hbm>>) dst(%arg7 : memref<128x128xf32, #tpu.memory_space<vmem>>)
    %get3A_1028 = arith.constant 16 : index
    %get3A_1029 = tpu.vector_load %arg11[%get3A_1028] {strides = array<i32>} : memref<64xi32, #tpu.memory_space<vmem>>, vector<16xi32>,
    %get3A_1030 = vector.shape_cast %get3A_1029 : vector<16xi32> to vector<16xi32>
    %slice3A_1031 = vector.extract_strided_slice %get3A_1030 {offsets = [0], sizes = [1], strides = [1]} : vector<16xi32> to vector<1xi32>
    %squeeze3A_1032 = vector.extract %slice3A_1031[0] : i32 from vector<1xi32>
    %mul3A_1033 = arith.constant 4096 : i32
    %mul3A_1034 = arith.muli %squeeze3A_1032, %mul3A_1033 : i32
    %add3A_1035 = arith.addi %mul3A_1034, %mul3A_2 : i32
    %dma_start3A_1036 = arith.constant 0 : i32
    %dma_start3A_1037 = tpu.memref_slice %arg6[%add3A_1035, %dma_start3A_1036] : memref<450560x128xf32, #tpu.memory_space<hbm>> -> memref<128x128xf32, #tpu.memory_space<hbm>>
    %dma_start3A_1038 = arith.constant 0 : i32
    %dma_start3A_1039 = tpu.memref_slice %arg6[%add3A_1035, %dma_start3A_1038] : memref<450560x128xf32, #tpu.memory_space<hbm>> -> memref<128x128xf32, #tpu.memory_space<hbm>>
    tpu.enqueue_dma source(%arg7 : memref<128x128xf32, #tpu.memory_space<vmem>>) target(%dma_start3A_1039 : memref<128x128xf32, #tpu.memory_space<hbm>>) target_semaphore(%arg18 : memref<!tpu.dma_semaphore, #tpu.memory_space<semaphore_mem>>)
    %dma_wait3A_1040 = arith.constant 0 : i32
    %dma_wait3A_1041 = arith.constant 0 : i32
    %dma_wait3A_1042 = tpu.memref_slice %arg6[%dma_wait3A_1040, %dma_wait3A_1041] : memref<450560x128xf32, #tpu.memory_space<hbm>> -> memref<128x128xf32, #tpu.memory_space<hbm>>
    %dma_wait3A_1043 = arith.constant 0 : i32
    %dma_wait3A_1044 = arith.constant 0 : i32
    %dma_wait3A_1045 = tpu.memref_slice %arg6[%dma_wait3A_1043, %dma_wait3A_1044] : memref<450560x128xf32, #tpu.memory_space<hbm>> -> memref<128x128xf32, #tpu.memory_space<hbm>>
    tpu.wait_dma2 semaphore(%arg21 : memref<!tpu.dma_semaphore, #tpu.memory_space<semaphore_mem>>) src(%arg10 : memref<128x128xf32, #tpu.memory_space<vmem>>) dst(%dma_wait3A_1045 : memref<128x128xf32, #tpu.memory_space<hbm>>)
    %dma_start3A_1046 = arith.constant 19 : i32
    %dma_start3A_1047 = arith.constant 0 : i32
    %dma_start3A_1048 = tpu.memref_slice %arg2[%mul3A_2, %dma_start3A_1046, %dma_start3A_1047] : memref<4096x64x128xf32, #tpu.memory_space<hbm>> -> memref<128x1x128xf32, #tpu.memory_space<hbm>>
    %dma_start3A_1049 = tpu.memref_squeeze %dma_start3A_1048 : memref<128x1x128xf32, #tpu.memory_space<hbm>> -> memref<128x128xf32, #tpu.memory_space<hbm>>
    %dma_start3A_1050 = arith.constant 0 : i32
    %dma_start3A_1051 = tpu.memref_slice %arg2[%mul3A_2, %dma_start3A_1046, %dma_start3A_1050] : memref<4096x64x128xf32, #tpu.memory_space<hbm>> -> memref<128x1x128xf32, #tpu.memory_space<hbm>>
    %dma_start3A_1052 = tpu.memref_squeeze %dma_start3A_1051 : memref<128x1x128xf32, #tpu.memory_space<hbm>> -> memref<128x128xf32, #tpu.memory_space<hbm>>
    tpu.enqueue_dma source(%dma_start3A_1052 : memref<128x128xf32, #tpu.memory_space<hbm>>) target(%arg10 : memref<128x128xf32, #tpu.memory_space<vmem>>) target_semaphore(%arg17 : memref<!tpu.dma_semaphore, #tpu.memory_space<semaphore_mem>>)
    %dma_wait3A_1053 = arith.constant 0 : i32
    %dma_wait3A_1054 = arith.constant 0 : i32
    %dma_wait3A_1055 = arith.constant 0 : i32
    %dma_wait3A_1056 = tpu.memref_slice %arg2[%dma_wait3A_1054, %dma_wait3A_1053, %dma_wait3A_1055] : memref<4096x64x128xf32, #tpu.memory_space<hbm>> -> memref<128x1x128xf32, #tpu.memory_space<hbm>>
    %dma_wait3A_1057 = tpu.memref_squeeze %dma_wait3A_1056 : memref<128x1x128xf32, #tpu.memory_space<hbm>> -> memref<128x128xf32, #tpu.memory_space<hbm>>
    %dma_wait3A_1058 = arith.constant 0 : i32
    %dma_wait3A_1059 = arith.constant 0 : i32
    %dma_wait3A_1060 = tpu.memref_slice %arg2[%dma_wait3A_1058, %dma_wait3A_1053, %dma_wait3A_1059] : memref<4096x64x128xf32, #tpu.memory_space<hbm>> -> memref<128x1x128xf32, #tpu.memory_space<hbm>>
    %dma_wait3A_1061 = tpu.memref_squeeze %dma_wait3A_1060 : memref<128x1x128xf32, #tpu.memory_space<hbm>> -> memref<128x128xf32, #tpu.memory_space<hbm>>
    tpu.wait_dma2 semaphore(%arg15 : memref<!tpu.dma_semaphore, #tpu.memory_space<semaphore_mem>>) src(%dma_wait3A_1061 : memref<128x128xf32, #tpu.memory_space<hbm>>) dst(%arg8 : memref<128x128xf32, #tpu.memory_space<vmem>>)
    %get3A_1062 = arith.constant 16 : index
    %get3A_1063 = tpu.vector_load %arg11[%get3A_1062] {strides = array<i32>} : memref<64xi32, #tpu.memory_space<vmem>>, vector<16xi32>,
    %get3A_1064 = vector.shape_cast %get3A_1063 : vector<16xi32> to vector<16xi32>
    %slice3A_1065 = vector.extract_strided_slice %get3A_1064 {offsets = [1], sizes = [1], strides = [1]} : vector<16xi32> to vector<1xi32>
    %squeeze3A_1066 = vector.extract %slice3A_1065[0] : i32 from vector<1xi32>
    %mul3A_1067 = arith.constant 4096 : i32
    %mul3A_1068 = arith.muli %squeeze3A_1066, %mul3A_1067 : i32
    %add3A_1069 = arith.addi %mul3A_1068, %mul3A_2 : i32
    %dma_start3A_1070 = arith.constant 0 : i32
    %dma_start3A_1071 = tpu.memref_slice %arg6[%add3A_1069, %dma_start3A_1070] : memref<450560x128xf32, #tpu.memory_space<hbm>> -> memref<128x128xf32, #tpu.memory_space<hbm>>
    %dma_start3A_1072 = arith.constant 0 : i32
    %dma_start3A_1073 = tpu.memref_slice %arg6[%add3A_1069, %dma_start3A_1072] : memref<450560x128xf32, #tpu.memory_space<hbm>> -> memref<128x128xf32, #tpu.memory_space<hbm>>
    tpu.enqueue_dma source(%arg8 : memref<128x128xf32, #tpu.memory_space<vmem>>) target(%dma_start3A_1073 : memref<128x128xf32, #tpu.memory_space<hbm>>) target_semaphore(%arg19 : memref<!tpu.dma_semaphore, #tpu.memory_space<semaphore_mem>>)
    %dma_wait3A_1074 = arith.constant 0 : i32
    %dma_wait3A_1075 = arith.constant 0 : i32
    %dma_wait3A_1076 = tpu.memref_slice %arg6[%dma_wait3A_1074, %dma_wait3A_1075] : memref<450560x128xf32, #tpu.memory_space<hbm>> -> memref<128x128xf32, #tpu.memory_space<hbm>>
    %dma_wait3A_1077 = arith.constant 0 : i32
    %dma_wait3A_1078 = arith.constant 0 : i32
    %dma_wait3A_1079 = tpu.memref_slice %arg6[%dma_wait3A_1077, %dma_wait3A_1078] : memref<450560x128xf32, #tpu.memory_space<hbm>> -> memref<128x128xf32, #tpu.memory_space<hbm>>
    tpu.wait_dma2 semaphore(%arg18 : memref<!tpu.dma_semaphore, #tpu.memory_space<semaphore_mem>>) src(%arg7 : memref<128x128xf32, #tpu.memory_space<vmem>>) dst(%dma_wait3A_1079 : memref<128x128xf32, #tpu.memory_space<hbm>>)
    %dma_start3A_1080 = arith.constant 20 : i32
    %dma_start3A_1081 = arith.constant 0 : i32
    %dma_start3A_1082 = tpu.memref_slice %arg2[%mul3A_2, %dma_start3A_1080, %dma_start3A_1081] : memref<4096x64x128xf32, #tpu.memory_space<hbm>> -> memref<128x1x128xf32, #tpu.memory_space<hbm>>
    %dma_start3A_1083 = tpu.memref_squeeze %dma_start3A_1082 : memref<128x1x128xf32, #tpu.memory_space<hbm>> -> memref<128x128xf32, #tpu.memory_space<hbm>>
    %dma_start3A_1084 = arith.constant 0 : i32
    %dma_start3A_1085 = tpu.memref_slice %arg2[%mul3A_2, %dma_start3A_1080, %dma_start3A_1084] : memref<4096x64x128xf32, #tpu.memory_space<hbm>> -> memref<128x1x128xf32, #tpu.memory_space<hbm>>
    %dma_start3A_1086 = tpu.memref_squeeze %dma_start3A_1085 : memref<128x1x128xf32, #tpu.memory_space<hbm>> -> memref<128x128xf32, #tpu.memory_space<hbm>>
    tpu.enqueue_dma source(%dma_start3A_1086 : memref<128x128xf32, #tpu.memory_space<hbm>>) target(%arg7 : memref<128x128xf32, #tpu.memory_space<vmem>>) target_semaphore(%arg14 : memref<!tpu.dma_semaphore, #tpu.memory_space<semaphore_mem>>)
    %dma_wait3A_1087 = arith.constant 0 : i32
    %dma_wait3A_1088 = arith.constant 0 : i32
    %dma_wait3A_1089 = arith.constant 0 : i32
    %dma_wait3A_1090 = tpu.memref_slice %arg2[%dma_wait3A_1088, %dma_wait3A_1087, %dma_wait3A_1089] : memref<4096x64x128xf32, #tpu.memory_space<hbm>> -> memref<128x1x128xf32, #tpu.memory_space<hbm>>
    %dma_wait3A_1091 = tpu.memref_squeeze %dma_wait3A_1090 : memref<128x1x128xf32, #tpu.memory_space<hbm>> -> memref<128x128xf32, #tpu.memory_space<hbm>>
    %dma_wait3A_1092 = arith.constant 0 : i32
    %dma_wait3A_1093 = arith.constant 0 : i32
    %dma_wait3A_1094 = tpu.memref_slice %arg2[%dma_wait3A_1092, %dma_wait3A_1087, %dma_wait3A_1093] : memref<4096x64x128xf32, #tpu.memory_space<hbm>> -> memref<128x1x128xf32, #tpu.memory_space<hbm>>
    %dma_wait3A_1095 = tpu.memref_squeeze %dma_wait3A_1094 : memref<128x1x128xf32, #tpu.memory_space<hbm>> -> memref<128x128xf32, #tpu.memory_space<hbm>>
    tpu.wait_dma2 semaphore(%arg16 : memref<!tpu.dma_semaphore, #tpu.memory_space<semaphore_mem>>) src(%dma_wait3A_1095 : memref<128x128xf32, #tpu.memory_space<hbm>>) dst(%arg9 : memref<128x128xf32, #tpu.memory_space<vmem>>)
    %get3A_1096 = arith.constant 16 : index
    %get3A_1097 = tpu.vector_load %arg11[%get3A_1096] {strides = array<i32>} : memref<64xi32, #tpu.memory_space<vmem>>, vector<16xi32>,
    %get3A_1098 = vector.shape_cast %get3A_1097 : vector<16xi32> to vector<16xi32>
    %slice3A_1099 = vector.extract_strided_slice %get3A_1098 {offsets = [2], sizes = [1], strides = [1]} : vector<16xi32> to vector<1xi32>
    %squeeze3A_1100 = vector.extract %slice3A_1099[0] : i32 from vector<1xi32>
    %mul3A_1101 = arith.constant 4096 : i32
    %mul3A_1102 = arith.muli %squeeze3A_1100, %mul3A_1101 : i32
    %add3A_1103 = arith.addi %mul3A_1102, %mul3A_2 : i32
    %dma_start3A_1104 = arith.constant 0 : i32
    %dma_start3A_1105 = tpu.memref_slice %arg6[%add3A_1103, %dma_start3A_1104] : memref<450560x128xf32, #tpu.memory_space<hbm>> -> memref<128x128xf32, #tpu.memory_space<hbm>>
    %dma_start3A_1106 = arith.constant 0 : i32
    %dma_start3A_1107 = tpu.memref_slice %arg6[%add3A_1103, %dma_start3A_1106] : memref<450560x128xf32, #tpu.memory_space<hbm>> -> memref<128x128xf32, #tpu.memory_space<hbm>>
    tpu.enqueue_dma source(%arg9 : memref<128x128xf32, #tpu.memory_space<vmem>>) target(%dma_start3A_1107 : memref<128x128xf32, #tpu.memory_space<hbm>>) target_semaphore(%arg20 : memref<!tpu.dma_semaphore, #tpu.memory_space<semaphore_mem>>)
    %dma_wait3A_1108 = arith.constant 0 : i32
    %dma_wait3A_1109 = arith.constant 0 : i32
    %dma_wait3A_1110 = tpu.memref_slice %arg6[%dma_wait3A_1108, %dma_wait3A_1109] : memref<450560x128xf32, #tpu.memory_space<hbm>> -> memref<128x128xf32, #tpu.memory_space<hbm>>
    %dma_wait3A_1111 = arith.constant 0 : i32
    %dma_wait3A_1112 = arith.constant 0 : i32
    %dma_wait3A_1113 = tpu.memref_slice %arg6[%dma_wait3A_1111, %dma_wait3A_1112] : memref<450560x128xf32, #tpu.memory_space<hbm>> -> memref<128x128xf32, #tpu.memory_space<hbm>>
    tpu.wait_dma2 semaphore(%arg19 : memref<!tpu.dma_semaphore, #tpu.memory_space<semaphore_mem>>) src(%arg8 : memref<128x128xf32, #tpu.memory_space<vmem>>) dst(%dma_wait3A_1113 : memref<128x128xf32, #tpu.memory_space<hbm>>)
    %dma_start3A_1114 = arith.constant 21 : i32
    %dma_start3A_1115 = arith.constant 0 : i32
    %dma_start3A_1116 = tpu.memref_slice %arg2[%mul3A_2, %dma_start3A_1114, %dma_start3A_1115] : memref<4096x64x128xf32, #tpu.memory_space<hbm>> -> memref<128x1x128xf32, #tpu.memory_space<hbm>>
    %dma_start3A_1117 = tpu.memref_squeeze %dma_start3A_1116 : memref<128x1x128xf32, #tpu.memory_space<hbm>> -> memref<128x128xf32, #tpu.memory_space<hbm>>
    %dma_start3A_1118 = arith.constant 0 : i32
    %dma_start3A_1119 = tpu.memref_slice %arg2[%mul3A_2, %dma_start3A_1114, %dma_start3A_1118] : memref<4096x64x128xf32, #tpu.memory_space<hbm>> -> memref<128x1x128xf32, #tpu.memory_space<hbm>>
    %dma_start3A_1120 = tpu.memref_squeeze %dma_start3A_1119 : memref<128x1x128xf32, #tpu.memory_space<hbm>> -> memref<128x128xf32, #tpu.memory_space<hbm>>
    tpu.enqueue_dma source(%dma_start3A_1120 : memref<128x128xf32, #tpu.memory_space<hbm>>) target(%arg8 : memref<128x128xf32, #tpu.memory_space<vmem>>) target_semaphore(%arg15 : memref<!tpu.dma_semaphore, #tpu.memory_space<semaphore_mem>>)
    %dma_wait3A_1121 = arith.constant 0 : i32
    %dma_wait3A_1122 = arith.constant 0 : i32
    %dma_wait3A_1123 = arith.constant 0 : i32
    %dma_wait3A_1124 = tpu.memref_slice %arg2[%dma_wait3A_1122, %dma_wait3A_1121, %dma_wait3A_1123] : memref<4096x64x128xf32, #tpu.memory_space<hbm>> -> memref<128x1x128xf32, #tpu.memory_space<hbm>>
    %dma_wait3A_1125 = tpu.memref_squeeze %dma_wait3A_1124 : memref<128x1x128xf32, #tpu.memory_space<hbm>> -> memref<128x128xf32, #tpu.memory_space<hbm>>
    %dma_wait3A_1126 = arith.constant 0 : i32
    %dma_wait3A_1127 = arith.constant 0 : i32
    %dma_wait3A_1128 = tpu.memref_slice %arg2[%dma_wait3A_1126, %dma_wait3A_1121, %dma_wait3A_1127] : memref<4096x64x128xf32, #tpu.memory_space<hbm>> -> memref<128x1x128xf32, #tpu.memory_space<hbm>>
    %dma_wait3A_1129 = tpu.memref_squeeze %dma_wait3A_1128 : memref<128x1x128xf32, #tpu.memory_space<hbm>> -> memref<128x128xf32, #tpu.memory_space<hbm>>
    tpu.wait_dma2 semaphore(%arg17 : memref<!tpu.dma_semaphore, #tpu.memory_space<semaphore_mem>>) src(%dma_wait3A_1129 : memref<128x128xf32, #tpu.memory_space<hbm>>) dst(%arg10 : memref<128x128xf32, #tpu.memory_space<vmem>>)
    %get3A_1130 = arith.constant 16 : index
    %get3A_1131 = tpu.vector_load %arg11[%get3A_1130] {strides = array<i32>} : memref<64xi32, #tpu.memory_space<vmem>>, vector<16xi32>,
    %get3A_1132 = vector.shape_cast %get3A_1131 : vector<16xi32> to vector<16xi32>
    %slice3A_1133 = vector.extract_strided_slice %get3A_1132 {offsets = [3], sizes = [1], strides = [1]} : vector<16xi32> to vector<1xi32>
    %squeeze3A_1134 = vector.extract %slice3A_1133[0] : i32 from vector<1xi32>
    %mul3A_1135 = arith.constant 4096 : i32
    %mul3A_1136 = arith.muli %squeeze3A_1134, %mul3A_1135 : i32
    %add3A_1137 = arith.addi %mul3A_1136, %mul3A_2 : i32
    %dma_start3A_1138 = arith.constant 0 : i32
    %dma_start3A_1139 = tpu.memref_slice %arg6[%add3A_1137, %dma_start3A_1138] : memref<450560x128xf32, #tpu.memory_space<hbm>> -> memref<128x128xf32, #tpu.memory_space<hbm>>
    %dma_start3A_1140 = arith.constant 0 : i32
    %dma_start3A_1141 = tpu.memref_slice %arg6[%add3A_1137, %dma_start3A_1140] : memref<450560x128xf32, #tpu.memory_space<hbm>> -> memref<128x128xf32, #tpu.memory_space<hbm>>
    tpu.enqueue_dma source(%arg10 : memref<128x128xf32, #tpu.memory_space<vmem>>) target(%dma_start3A_1141 : memref<128x128xf32, #tpu.memory_space<hbm>>) target_semaphore(%arg21 : memref<!tpu.dma_semaphore, #tpu.memory_space<semaphore_mem>>)
    %dma_wait3A_1142 = arith.constant 0 : i32
    %dma_wait3A_1143 = arith.constant 0 : i32
    %dma_wait3A_1144 = tpu.memref_slice %arg6[%dma_wait3A_1142, %dma_wait3A_1143] : memref<450560x128xf32, #tpu.memory_space<hbm>> -> memref<128x128xf32, #tpu.memory_space<hbm>>
    %dma_wait3A_1145 = arith.constant 0 : i32
    %dma_wait3A_1146 = arith.constant 0 : i32
    %dma_wait3A_1147 = tpu.memref_slice %arg6[%dma_wait3A_1145, %dma_wait3A_1146] : memref<450560x128xf32, #tpu.memory_space<hbm>> -> memref<128x128xf32, #tpu.memory_space<hbm>>
    tpu.wait_dma2 semaphore(%arg20 : memref<!tpu.dma_semaphore, #tpu.memory_space<semaphore_mem>>) src(%arg9 : memref<128x128xf32, #tpu.memory_space<vmem>>) dst(%dma_wait3A_1147 : memref<128x128xf32, #tpu.memory_space<hbm>>)
    %dma_start3A_1148 = arith.constant 22 : i32
    %dma_start3A_1149 = arith.constant 0 : i32
    %dma_start3A_1150 = tpu.memref_slice %arg2[%mul3A_2, %dma_start3A_1148, %dma_start3A_1149] : memref<4096x64x128xf32, #tpu.memory_space<hbm>> -> memref<128x1x128xf32, #tpu.memory_space<hbm>>
    %dma_start3A_1151 = tpu.memref_squeeze %dma_start3A_1150 : memref<128x1x128xf32, #tpu.memory_space<hbm>> -> memref<128x128xf32, #tpu.memory_space<hbm>>
    %dma_start3A_1152 = arith.constant 0 : i32
    %dma_start3A_1153 = tpu.memref_slice %arg2[%mul3A_2, %dma_start3A_1148, %dma_start3A_1152] : memref<4096x64x128xf32, #tpu.memory_space<hbm>> -> memref<128x1x128xf32, #tpu.memory_space<hbm>>
    %dma_start3A_1154 = tpu.memref_squeeze %dma_start3A_1153 : memref<128x1x128xf32, #tpu.memory_space<hbm>> -> memref<128x128xf32, #tpu.memory_space<hbm>>
    tpu.enqueue_dma source(%dma_start3A_1154 : memref<128x128xf32, #tpu.memory_space<hbm>>) target(%arg9 : memref<128x128xf32, #tpu.memory_space<vmem>>) target_semaphore(%arg16 : memref<!tpu.dma_semaphore, #tpu.memory_space<semaphore_mem>>)
    %dma_wait3A_1155 = arith.constant 0 : i32
    %dma_wait3A_1156 = arith.constant 0 : i32
    %dma_wait3A_1157 = arith.constant 0 : i32
    %dma_wait3A_1158 = tpu.memref_slice %arg2[%dma_wait3A_1156, %dma_wait3A_1155, %dma_wait3A_1157] : memref<4096x64x128xf32, #tpu.memory_space<hbm>> -> memref<128x1x128xf32, #tpu.memory_space<hbm>>
    %dma_wait3A_1159 = tpu.memref_squeeze %dma_wait3A_1158 : memref<128x1x128xf32, #tpu.memory_space<hbm>> -> memref<128x128xf32, #tpu.memory_space<hbm>>
    %dma_wait3A_1160 = arith.constant 0 : i32
    %dma_wait3A_1161 = arith.constant 0 : i32
    %dma_wait3A_1162 = tpu.memref_slice %arg2[%dma_wait3A_1160, %dma_wait3A_1155, %dma_wait3A_1161] : memref<4096x64x128xf32, #tpu.memory_space<hbm>> -> memref<128x1x128xf32, #tpu.memory_space<hbm>>
    %dma_wait3A_1163 = tpu.memref_squeeze %dma_wait3A_1162 : memref<128x1x128xf32, #tpu.memory_space<hbm>> -> memref<128x128xf32, #tpu.memory_space<hbm>>
    tpu.wait_dma2 semaphore(%arg14 : memref<!tpu.dma_semaphore, #tpu.memory_space<semaphore_mem>>) src(%dma_wait3A_1163 : memref<128x128xf32, #tpu.memory_space<hbm>>) dst(%arg7 : memref<128x128xf32, #tpu.memory_space<vmem>>)
    %get3A_1164 = arith.constant 16 : index
    %get3A_1165 = tpu.vector_load %arg11[%get3A_1164] {strides = array<i32>} : memref<64xi32, #tpu.memory_space<vmem>>, vector<16xi32>,
    %get3A_1166 = vector.shape_cast %get3A_1165 : vector<16xi32> to vector<16xi32>
    %slice3A_1167 = vector.extract_strided_slice %get3A_1166 {offsets = [4], sizes = [1], strides = [1]} : vector<16xi32> to vector<1xi32>
    %squeeze3A_1168 = vector.extract %slice3A_1167[0] : i32 from vector<1xi32>
    %mul3A_1169 = arith.constant 4096 : i32
    %mul3A_1170 = arith.muli %squeeze3A_1168, %mul3A_1169 : i32
    %add3A_1171 = arith.addi %mul3A_1170, %mul3A_2 : i32
    %dma_start3A_1172 = arith.constant 0 : i32
    %dma_start3A_1173 = tpu.memref_slice %arg6[%add3A_1171, %dma_start3A_1172] : memref<450560x128xf32, #tpu.memory_space<hbm>> -> memref<128x128xf32, #tpu.memory_space<hbm>>
    %dma_start3A_1174 = arith.constant 0 : i32
    %dma_start3A_1175 = tpu.memref_slice %arg6[%add3A_1171, %dma_start3A_1174] : memref<450560x128xf32, #tpu.memory_space<hbm>> -> memref<128x128xf32, #tpu.memory_space<hbm>>
    tpu.enqueue_dma source(%arg7 : memref<128x128xf32, #tpu.memory_space<vmem>>) target(%dma_start3A_1175 : memref<128x128xf32, #tpu.memory_space<hbm>>) target_semaphore(%arg18 : memref<!tpu.dma_semaphore, #tpu.memory_space<semaphore_mem>>)
    %dma_wait3A_1176 = arith.constant 0 : i32
    %dma_wait3A_1177 = arith.constant 0 : i32
    %dma_wait3A_1178 = tpu.memref_slice %arg6[%dma_wait3A_1176, %dma_wait3A_1177] : memref<450560x128xf32, #tpu.memory_space<hbm>> -> memref<128x128xf32, #tpu.memory_space<hbm>>
    %dma_wait3A_1179 = arith.constant 0 : i32
    %dma_wait3A_1180 = arith.constant 0 : i32
    %dma_wait3A_1181 = tpu.memref_slice %arg6[%dma_wait3A_1179, %dma_wait3A_1180] : memref<450560x128xf32, #tpu.memory_space<hbm>> -> memref<128x128xf32, #tpu.memory_space<hbm>>
    tpu.wait_dma2 semaphore(%arg21 : memref<!tpu.dma_semaphore, #tpu.memory_space<semaphore_mem>>) src(%arg10 : memref<128x128xf32, #tpu.memory_space<vmem>>) dst(%dma_wait3A_1181 : memref<128x128xf32, #tpu.memory_space<hbm>>)
    %dma_start3A_1182 = arith.constant 23 : i32
    %dma_start3A_1183 = arith.constant 0 : i32
    %dma_start3A_1184 = tpu.memref_slice %arg2[%mul3A_2, %dma_start3A_1182, %dma_start3A_1183] : memref<4096x64x128xf32, #tpu.memory_space<hbm>> -> memref<128x1x128xf32, #tpu.memory_space<hbm>>
    %dma_start3A_1185 = tpu.memref_squeeze %dma_start3A_1184 : memref<128x1x128xf32, #tpu.memory_space<hbm>> -> memref<128x128xf32, #tpu.memory_space<hbm>>
    %dma_start3A_1186 = arith.constant 0 : i32
    %dma_start3A_1187 = tpu.memref_slice %arg2[%mul3A_2, %dma_start3A_1182, %dma_start3A_1186] : memref<4096x64x128xf32, #tpu.memory_space<hbm>> -> memref<128x1x128xf32, #tpu.memory_space<hbm>>
    %dma_start3A_1188 = tpu.memref_squeeze %dma_start3A_1187 : memref<128x1x128xf32, #tpu.memory_space<hbm>> -> memref<128x128xf32, #tpu.memory_space<hbm>>
    tpu.enqueue_dma source(%dma_start3A_1188 : memref<128x128xf32, #tpu.memory_space<hbm>>) target(%arg10 : memref<128x128xf32, #tpu.memory_space<vmem>>) target_semaphore(%arg17 : memref<!tpu.dma_semaphore, #tpu.memory_space<semaphore_mem>>)
    %dma_wait3A_1189 = arith.constant 0 : i32
    %dma_wait3A_1190 = arith.constant 0 : i32
    %dma_wait3A_1191 = arith.constant 0 : i32
    %dma_wait3A_1192 = tpu.memref_slice %arg2[%dma_wait3A_1190, %dma_wait3A_1189, %dma_wait3A_1191] : memref<4096x64x128xf32, #tpu.memory_space<hbm>> -> memref<128x1x128xf32, #tpu.memory_space<hbm>>
    %dma_wait3A_1193 = tpu.memref_squeeze %dma_wait3A_1192 : memref<128x1x128xf32, #tpu.memory_space<hbm>> -> memref<128x128xf32, #tpu.memory_space<hbm>>
    %dma_wait3A_1194 = arith.constant 0 : i32
    %dma_wait3A_1195 = arith.constant 0 : i32
    %dma_wait3A_1196 = tpu.memref_slice %arg2[%dma_wait3A_1194, %dma_wait3A_1189, %dma_wait3A_1195] : memref<4096x64x128xf32, #tpu.memory_space<hbm>> -> memref<128x1x128xf32, #tpu.memory_space<hbm>>
    %dma_wait3A_1197 = tpu.memref_squeeze %dma_wait3A_1196 : memref<128x1x128xf32, #tpu.memory_space<hbm>> -> memref<128x128xf32, #tpu.memory_space<hbm>>
    tpu.wait_dma2 semaphore(%arg15 : memref<!tpu.dma_semaphore, #tpu.memory_space<semaphore_mem>>) src(%dma_wait3A_1197 : memref<128x128xf32, #tpu.memory_space<hbm>>) dst(%arg8 : memref<128x128xf32, #tpu.memory_space<vmem>>)
    %get3A_1198 = arith.constant 16 : index
    %get3A_1199 = tpu.vector_load %arg11[%get3A_1198] {strides = array<i32>} : memref<64xi32, #tpu.memory_space<vmem>>, vector<16xi32>,
    %get3A_1200 = vector.shape_cast %get3A_1199 : vector<16xi32> to vector<16xi32>
    %slice3A_1201 = vector.extract_strided_slice %get3A_1200 {offsets = [5], sizes = [1], strides = [1]} : vector<16xi32> to vector<1xi32>
    %squeeze3A_1202 = vector.extract %slice3A_1201[0] : i32 from vector<1xi32>
    %mul3A_1203 = arith.constant 4096 : i32
    %mul3A_1204 = arith.muli %squeeze3A_1202, %mul3A_1203 : i32
    %add3A_1205 = arith.addi %mul3A_1204, %mul3A_2 : i32
    %dma_start3A_1206 = arith.constant 0 : i32
    %dma_start3A_1207 = tpu.memref_slice %arg6[%add3A_1205, %dma_start3A_1206] : memref<450560x128xf32, #tpu.memory_space<hbm>> -> memref<128x128xf32, #tpu.memory_space<hbm>>
    %dma_start3A_1208 = arith.constant 0 : i32
    %dma_start3A_1209 = tpu.memref_slice %arg6[%add3A_1205, %dma_start3A_1208] : memref<450560x128xf32, #tpu.memory_space<hbm>> -> memref<128x128xf32, #tpu.memory_space<hbm>>
    tpu.enqueue_dma source(%arg8 : memref<128x128xf32, #tpu.memory_space<vmem>>) target(%dma_start3A_1209 : memref<128x128xf32, #tpu.memory_space<hbm>>) target_semaphore(%arg19 : memref<!tpu.dma_semaphore, #tpu.memory_space<semaphore_mem>>)
    %dma_wait3A_1210 = arith.constant 0 : i32
    %dma_wait3A_1211 = arith.constant 0 : i32
    %dma_wait3A_1212 = tpu.memref_slice %arg6[%dma_wait3A_1210, %dma_wait3A_1211] : memref<450560x128xf32, #tpu.memory_space<hbm>> -> memref<128x128xf32, #tpu.memory_space<hbm>>
    %dma_wait3A_1213 = arith.constant 0 : i32
    %dma_wait3A_1214 = arith.constant 0 : i32
    %dma_wait3A_1215 = tpu.memref_slice %arg6[%dma_wait3A_1213, %dma_wait3A_1214] : memref<450560x128xf32, #tpu.memory_space<hbm>> -> memref<128x128xf32, #tpu.memory_space<hbm>>
    tpu.wait_dma2 semaphore(%arg18 : memref<!tpu.dma_semaphore, #tpu.memory_space<semaphore_mem>>) src(%arg7 : memref<128x128xf32, #tpu.memory_space<vmem>>) dst(%dma_wait3A_1215 : memref<128x128xf32, #tpu.memory_space<hbm>>)
    %dma_start3A_1216 = arith.constant 24 : i32
    %dma_start3A_1217 = arith.constant 0 : i32
    %dma_start3A_1218 = tpu.memref_slice %arg2[%mul3A_2, %dma_start3A_1216, %dma_start3A_1217] : memref<4096x64x128xf32, #tpu.memory_space<hbm>> -> memref<128x1x128xf32, #tpu.memory_space<hbm>>
    %dma_start3A_1219 = tpu.memref_squeeze %dma_start3A_1218 : memref<128x1x128xf32, #tpu.memory_space<hbm>> -> memref<128x128xf32, #tpu.memory_space<hbm>>
    %dma_start3A_1220 = arith.constant 0 : i32
    %dma_start3A_1221 = tpu.memref_slice %arg2[%mul3A_2, %dma_start3A_1216, %dma_start3A_1220] : memref<4096x64x128xf32, #tpu.memory_space<hbm>> -> memref<128x1x128xf32, #tpu.memory_space<hbm>>
    %dma_start3A_1222 = tpu.memref_squeeze %dma_start3A_1221 : memref<128x1x128xf32, #tpu.memory_space<hbm>> -> memref<128x128xf32, #tpu.memory_space<hbm>>
    tpu.enqueue_dma source(%dma_start3A_1222 : memref<128x128xf32, #tpu.memory_space<hbm>>) target(%arg7 : memref<128x128xf32, #tpu.memory_space<vmem>>) target_semaphore(%arg14 : memref<!tpu.dma_semaphore, #tpu.memory_space<semaphore_mem>>)
    %dma_wait3A_1223 = arith.constant 0 : i32
    %dma_wait3A_1224 = arith.constant 0 : i32
    %dma_wait3A_1225 = arith.constant 0 : i32
    %dma_wait3A_1226 = tpu.memref_slice %arg2[%dma_wait3A_1224, %dma_wait3A_1223, %dma_wait3A_1225] : memref<4096x64x128xf32, #tpu.memory_space<hbm>> -> memref<128x1x128xf32, #tpu.memory_space<hbm>>
    %dma_wait3A_1227 = tpu.memref_squeeze %dma_wait3A_1226 : memref<128x1x128xf32, #tpu.memory_space<hbm>> -> memref<128x128xf32, #tpu.memory_space<hbm>>
    %dma_wait3A_1228 = arith.constant 0 : i32
    %dma_wait3A_1229 = arith.constant 0 : i32
    %dma_wait3A_1230 = tpu.memref_slice %arg2[%dma_wait3A_1228, %dma_wait3A_1223, %dma_wait3A_1229] : memref<4096x64x128xf32, #tpu.memory_space<hbm>> -> memref<128x1x128xf32, #tpu.memory_space<hbm>>
    %dma_wait3A_1231 = tpu.memref_squeeze %dma_wait3A_1230 : memref<128x1x128xf32, #tpu.memory_space<hbm>> -> memref<128x128xf32, #tpu.memory_space<hbm>>
    tpu.wait_dma2 semaphore(%arg16 : memref<!tpu.dma_semaphore, #tpu.memory_space<semaphore_mem>>) src(%dma_wait3A_1231 : memref<128x128xf32, #tpu.memory_space<hbm>>) dst(%arg9 : memref<128x128xf32, #tpu.memory_space<vmem>>)
    %get3A_1232 = arith.constant 16 : index
    %get3A_1233 = tpu.vector_load %arg11[%get3A_1232] {strides = array<i32>} : memref<64xi32, #tpu.memory_space<vmem>>, vector<16xi32>,
    %get3A_1234 = vector.shape_cast %get3A_1233 : vector<16xi32> to vector<16xi32>
    %slice3A_1235 = vector.extract_strided_slice %get3A_1234 {offsets = [6], sizes = [1], strides = [1]} : vector<16xi32> to vector<1xi32>
    %squeeze3A_1236 = vector.extract %slice3A_1235[0] : i32 from vector<1xi32>
    %mul3A_1237 = arith.constant 4096 : i32
    %mul3A_1238 = arith.muli %squeeze3A_1236, %mul3A_1237 : i32
    %add3A_1239 = arith.addi %mul3A_1238, %mul3A_2 : i32
    %dma_start3A_1240 = arith.constant 0 : i32
    %dma_start3A_1241 = tpu.memref_slice %arg6[%add3A_1239, %dma_start3A_1240] : memref<450560x128xf32, #tpu.memory_space<hbm>> -> memref<128x128xf32, #tpu.memory_space<hbm>>
    %dma_start3A_1242 = arith.constant 0 : i32
    %dma_start3A_1243 = tpu.memref_slice %arg6[%add3A_1239, %dma_start3A_1242] : memref<450560x128xf32, #tpu.memory_space<hbm>> -> memref<128x128xf32, #tpu.memory_space<hbm>>
    tpu.enqueue_dma source(%arg9 : memref<128x128xf32, #tpu.memory_space<vmem>>) target(%dma_start3A_1243 : memref<128x128xf32, #tpu.memory_space<hbm>>) target_semaphore(%arg20 : memref<!tpu.dma_semaphore, #tpu.memory_space<semaphore_mem>>)
    %dma_wait3A_1244 = arith.constant 0 : i32
    %dma_wait3A_1245 = arith.constant 0 : i32
    %dma_wait3A_1246 = tpu.memref_slice %arg6[%dma_wait3A_1244, %dma_wait3A_1245] : memref<450560x128xf32, #tpu.memory_space<hbm>> -> memref<128x128xf32, #tpu.memory_space<hbm>>
    %dma_wait3A_1247 = arith.constant 0 : i32
    %dma_wait3A_1248 = arith.constant 0 : i32
    %dma_wait3A_1249 = tpu.memref_slice %arg6[%dma_wait3A_1247, %dma_wait3A_1248] : memref<450560x128xf32, #tpu.memory_space<hbm>> -> memref<128x128xf32, #tpu.memory_space<hbm>>
    tpu.wait_dma2 semaphore(%arg19 : memref<!tpu.dma_semaphore, #tpu.memory_space<semaphore_mem>>) src(%arg8 : memref<128x128xf32, #tpu.memory_space<vmem>>) dst(%dma_wait3A_1249 : memref<128x128xf32, #tpu.memory_space<hbm>>)
    %dma_start3A_1250 = arith.constant 25 : i32
    %dma_start3A_1251 = arith.constant 0 : i32
    %dma_start3A_1252 = tpu.memref_slice %arg2[%mul3A_2, %dma_start3A_1250, %dma_start3A_1251] : memref<4096x64x128xf32, #tpu.memory_space<hbm>> -> memref<128x1x128xf32, #tpu.memory_space<hbm>>
    %dma_start3A_1253 = tpu.memref_squeeze %dma_start3A_1252 : memref<128x1x128xf32, #tpu.memory_space<hbm>> -> memref<128x128xf32, #tpu.memory_space<hbm>>
    %dma_start3A_1254 = arith.constant 0 : i32
    %dma_start3A_1255 = tpu.memref_slice %arg2[%mul3A_2, %dma_start3A_1250, %dma_start3A_1254] : memref<4096x64x128xf32, #tpu.memory_space<hbm>> -> memref<128x1x128xf32, #tpu.memory_space<hbm>>
    %dma_start3A_1256 = tpu.memref_squeeze %dma_start3A_1255 : memref<128x1x128xf32, #tpu.memory_space<hbm>> -> memref<128x128xf32, #tpu.memory_space<hbm>>
    tpu.enqueue_dma source(%dma_start3A_1256 : memref<128x128xf32, #tpu.memory_space<hbm>>) target(%arg8 : memref<128x128xf32, #tpu.memory_space<vmem>>) target_semaphore(%arg15 : memref<!tpu.dma_semaphore, #tpu.memory_space<semaphore_mem>>)
    %dma_wait3A_1257 = arith.constant 0 : i32
    %dma_wait3A_1258 = arith.constant 0 : i32
    %dma_wait3A_1259 = arith.constant 0 : i32
    %dma_wait3A_1260 = tpu.memref_slice %arg2[%dma_wait3A_1258, %dma_wait3A_1257, %dma_wait3A_1259] : memref<4096x64x128xf32, #tpu.memory_space<hbm>> -> memref<128x1x128xf32, #tpu.memory_space<hbm>>
    %dma_wait3A_1261 = tpu.memref_squeeze %dma_wait3A_1260 : memref<128x1x128xf32, #tpu.memory_space<hbm>> -> memref<128x128xf32, #tpu.memory_space<hbm>>
    %dma_wait3A_1262 = arith.constant 0 : i32
    %dma_wait3A_1263 = arith.constant 0 : i32
    %dma_wait3A_1264 = tpu.memref_slice %arg2[%dma_wait3A_1262, %dma_wait3A_1257, %dma_wait3A_1263] : memref<4096x64x128xf32, #tpu.memory_space<hbm>> -> memref<128x1x128xf32, #tpu.memory_space<hbm>>
    %dma_wait3A_1265 = tpu.memref_squeeze %dma_wait3A_1264 : memref<128x1x128xf32, #tpu.memory_space<hbm>> -> memref<128x128xf32, #tpu.memory_space<hbm>>
    tpu.wait_dma2 semaphore(%arg17 : memref<!tpu.dma_semaphore, #tpu.memory_space<semaphore_mem>>) src(%dma_wait3A_1265 : memref<128x128xf32, #tpu.memory_space<hbm>>) dst(%arg10 : memref<128x128xf32, #tpu.memory_space<vmem>>)
    %get3A_1266 = arith.constant 16 : index
    %get3A_1267 = tpu.vector_load %arg11[%get3A_1266] {strides = array<i32>} : memref<64xi32, #tpu.memory_space<vmem>>, vector<16xi32>,
    %get3A_1268 = vector.shape_cast %get3A_1267 : vector<16xi32> to vector<16xi32>
    %slice3A_1269 = vector.extract_strided_slice %get3A_1268 {offsets = [7], sizes = [1], strides = [1]} : vector<16xi32> to vector<1xi32>
    %squeeze3A_1270 = vector.extract %slice3A_1269[0] : i32 from vector<1xi32>
    %mul3A_1271 = arith.constant 4096 : i32
    %mul3A_1272 = arith.muli %squeeze3A_1270, %mul3A_1271 : i32
    %add3A_1273 = arith.addi %mul3A_1272, %mul3A_2 : i32
    %dma_start3A_1274 = arith.constant 0 : i32
    %dma_start3A_1275 = tpu.memref_slice %arg6[%add3A_1273, %dma_start3A_1274] : memref<450560x128xf32, #tpu.memory_space<hbm>> -> memref<128x128xf32, #tpu.memory_space<hbm>>
    %dma_start3A_1276 = arith.constant 0 : i32
    %dma_start3A_1277 = tpu.memref_slice %arg6[%add3A_1273, %dma_start3A_1276] : memref<450560x128xf32, #tpu.memory_space<hbm>> -> memref<128x128xf32, #tpu.memory_space<hbm>>
    tpu.enqueue_dma source(%arg10 : memref<128x128xf32, #tpu.memory_space<vmem>>) target(%dma_start3A_1277 : memref<128x128xf32, #tpu.memory_space<hbm>>) target_semaphore(%arg21 : memref<!tpu.dma_semaphore, #tpu.memory_space<semaphore_mem>>)
    %dma_wait3A_1278 = arith.constant 0 : i32
    %dma_wait3A_1279 = arith.constant 0 : i32
    %dma_wait3A_1280 = tpu.memref_slice %arg6[%dma_wait3A_1278, %dma_wait3A_1279] : memref<450560x128xf32, #tpu.memory_space<hbm>> -> memref<128x128xf32, #tpu.memory_space<hbm>>
    %dma_wait3A_1281 = arith.constant 0 : i32
    %dma_wait3A_1282 = arith.constant 0 : i32
    %dma_wait3A_1283 = tpu.memref_slice %arg6[%dma_wait3A_1281, %dma_wait3A_1282] : memref<450560x128xf32, #tpu.memory_space<hbm>> -> memref<128x128xf32, #tpu.memory_space<hbm>>
    tpu.wait_dma2 semaphore(%arg20 : memref<!tpu.dma_semaphore, #tpu.memory_space<semaphore_mem>>) src(%arg9 : memref<128x128xf32, #tpu.memory_space<vmem>>) dst(%dma_wait3A_1283 : memref<128x128xf32, #tpu.memory_space<hbm>>)
    %dma_start3A_1284 = arith.constant 26 : i32
    %dma_start3A_1285 = arith.constant 0 : i32
    %dma_start3A_1286 = tpu.memref_slice %arg2[%mul3A_2, %dma_start3A_1284, %dma_start3A_1285] : memref<4096x64x128xf32, #tpu.memory_space<hbm>> -> memref<128x1x128xf32, #tpu.memory_space<hbm>>
    %dma_start3A_1287 = tpu.memref_squeeze %dma_start3A_1286 : memref<128x1x128xf32, #tpu.memory_space<hbm>> -> memref<128x128xf32, #tpu.memory_space<hbm>>
    %dma_start3A_1288 = arith.constant 0 : i32
    %dma_start3A_1289 = tpu.memref_slice %arg2[%mul3A_2, %dma_start3A_1284, %dma_start3A_1288] : memref<4096x64x128xf32, #tpu.memory_space<hbm>> -> memref<128x1x128xf32, #tpu.memory_space<hbm>>
    %dma_start3A_1290 = tpu.memref_squeeze %dma_start3A_1289 : memref<128x1x128xf32, #tpu.memory_space<hbm>> -> memref<128x128xf32, #tpu.memory_space<hbm>>
    tpu.enqueue_dma source(%dma_start3A_1290 : memref<128x128xf32, #tpu.memory_space<hbm>>) target(%arg9 : memref<128x128xf32, #tpu.memory_space<vmem>>) target_semaphore(%arg16 : memref<!tpu.dma_semaphore, #tpu.memory_space<semaphore_mem>>)
    %dma_wait3A_1291 = arith.constant 0 : i32
    %dma_wait3A_1292 = arith.constant 0 : i32
    %dma_wait3A_1293 = arith.constant 0 : i32
    %dma_wait3A_1294 = tpu.memref_slice %arg2[%dma_wait3A_1292, %dma_wait3A_1291, %dma_wait3A_1293] : memref<4096x64x128xf32, #tpu.memory_space<hbm>> -> memref<128x1x128xf32, #tpu.memory_space<hbm>>
    %dma_wait3A_1295 = tpu.memref_squeeze %dma_wait3A_1294 : memref<128x1x128xf32, #tpu.memory_space<hbm>> -> memref<128x128xf32, #tpu.memory_space<hbm>>
    %dma_wait3A_1296 = arith.constant 0 : i32
    %dma_wait3A_1297 = arith.constant 0 : i32
    %dma_wait3A_1298 = tpu.memref_slice %arg2[%dma_wait3A_1296, %dma_wait3A_1291, %dma_wait3A_1297] : memref<4096x64x128xf32, #tpu.memory_space<hbm>> -> memref<128x1x128xf32, #tpu.memory_space<hbm>>
    %dma_wait3A_1299 = tpu.memref_squeeze %dma_wait3A_1298 : memref<128x1x128xf32, #tpu.memory_space<hbm>> -> memref<128x128xf32, #tpu.memory_space<hbm>>
    tpu.wait_dma2 semaphore(%arg14 : memref<!tpu.dma_semaphore, #tpu.memory_space<semaphore_mem>>) src(%dma_wait3A_1299 : memref<128x128xf32, #tpu.memory_space<hbm>>) dst(%arg7 : memref<128x128xf32, #tpu.memory_space<vmem>>)
    %get3A_1300 = arith.constant 16 : index
    %get3A_1301 = tpu.vector_load %arg11[%get3A_1300] {strides = array<i32>} : memref<64xi32, #tpu.memory_space<vmem>>, vector<16xi32>,
    %get3A_1302 = vector.shape_cast %get3A_1301 : vector<16xi32> to vector<16xi32>
    %slice3A_1303 = vector.extract_strided_slice %get3A_1302 {offsets = [8], sizes = [1], strides = [1]} : vector<16xi32> to vector<1xi32>
    %squeeze3A_1304 = vector.extract %slice3A_1303[0] : i32 from vector<1xi32>
    %mul3A_1305 = arith.constant 4096 : i32
    %mul3A_1306 = arith.muli %squeeze3A_1304, %mul3A_1305 : i32
    %add3A_1307 = arith.addi %mul3A_1306, %mul3A_2 : i32
    %dma_start3A_1308 = arith.constant 0 : i32
    %dma_start3A_1309 = tpu.memref_slice %arg6[%add3A_1307, %dma_start3A_1308] : memref<450560x128xf32, #tpu.memory_space<hbm>> -> memref<128x128xf32, #tpu.memory_space<hbm>>
    %dma_start3A_1310 = arith.constant 0 : i32
    %dma_start3A_1311 = tpu.memref_slice %arg6[%add3A_1307, %dma_start3A_1310] : memref<450560x128xf32, #tpu.memory_space<hbm>> -> memref<128x128xf32, #tpu.memory_space<hbm>>
    tpu.enqueue_dma source(%arg7 : memref<128x128xf32, #tpu.memory_space<vmem>>) target(%dma_start3A_1311 : memref<128x128xf32, #tpu.memory_space<hbm>>) target_semaphore(%arg18 : memref<!tpu.dma_semaphore, #tpu.memory_space<semaphore_mem>>)
    %dma_wait3A_1312 = arith.constant 0 : i32
    %dma_wait3A_1313 = arith.constant 0 : i32
    %dma_wait3A_1314 = tpu.memref_slice %arg6[%dma_wait3A_1312, %dma_wait3A_1313] : memref<450560x128xf32, #tpu.memory_space<hbm>> -> memref<128x128xf32, #tpu.memory_space<hbm>>
    %dma_wait3A_1315 = arith.constant 0 : i32
    %dma_wait3A_1316 = arith.constant 0 : i32
    %dma_wait3A_1317 = tpu.memref_slice %arg6[%dma_wait3A_1315, %dma_wait3A_1316] : memref<450560x128xf32, #tpu.memory_space<hbm>> -> memref<128x128xf32, #tpu.memory_space<hbm>>
    tpu.wait_dma2 semaphore(%arg21 : memref<!tpu.dma_semaphore, #tpu.memory_space<semaphore_mem>>) src(%arg10 : memref<128x128xf32, #tpu.memory_space<vmem>>) dst(%dma_wait3A_1317 : memref<128x128xf32, #tpu.memory_space<hbm>>)
    %dma_start3A_1318 = arith.constant 27 : i32
    %dma_start3A_1319 = arith.constant 0 : i32
    %dma_start3A_1320 = tpu.memref_slice %arg2[%mul3A_2, %dma_start3A_1318, %dma_start3A_1319] : memref<4096x64x128xf32, #tpu.memory_space<hbm>> -> memref<128x1x128xf32, #tpu.memory_space<hbm>>
    %dma_start3A_1321 = tpu.memref_squeeze %dma_start3A_1320 : memref<128x1x128xf32, #tpu.memory_space<hbm>> -> memref<128x128xf32, #tpu.memory_space<hbm>>
    %dma_start3A_1322 = arith.constant 0 : i32
    %dma_start3A_1323 = tpu.memref_slice %arg2[%mul3A_2, %dma_start3A_1318, %dma_start3A_1322] : memref<4096x64x128xf32, #tpu.memory_space<hbm>> -> memref<128x1x128xf32, #tpu.memory_space<hbm>>
    %dma_start3A_1324 = tpu.memref_squeeze %dma_start3A_1323 : memref<128x1x128xf32, #tpu.memory_space<hbm>> -> memref<128x128xf32, #tpu.memory_space<hbm>>
    tpu.enqueue_dma source(%dma_start3A_1324 : memref<128x128xf32, #tpu.memory_space<hbm>>) target(%arg10 : memref<128x128xf32, #tpu.memory_space<vmem>>) target_semaphore(%arg17 : memref<!tpu.dma_semaphore, #tpu.memory_space<semaphore_mem>>)
    %dma_wait3A_1325 = arith.constant 0 : i32
    %dma_wait3A_1326 = arith.constant 0 : i32
    %dma_wait3A_1327 = arith.constant 0 : i32
    %dma_wait3A_1328 = tpu.memref_slice %arg2[%dma_wait3A_1326, %dma_wait3A_1325, %dma_wait3A_1327] : memref<4096x64x128xf32, #tpu.memory_space<hbm>> -> memref<128x1x128xf32, #tpu.memory_space<hbm>>
    %dma_wait3A_1329 = tpu.memref_squeeze %dma_wait3A_1328 : memref<128x1x128xf32, #tpu.memory_space<hbm>> -> memref<128x128xf32, #tpu.memory_space<hbm>>
    %dma_wait3A_1330 = arith.constant 0 : i32
    %dma_wait3A_1331 = arith.constant 0 : i32
    %dma_wait3A_1332 = tpu.memref_slice %arg2[%dma_wait3A_1330, %dma_wait3A_1325, %dma_wait3A_1331] : memref<4096x64x128xf32, #tpu.memory_space<hbm>> -> memref<128x1x128xf32, #tpu.memory_space<hbm>>
    %dma_wait3A_1333 = tpu.memref_squeeze %dma_wait3A_1332 : memref<128x1x128xf32, #tpu.memory_space<hbm>> -> memref<128x128xf32, #tpu.memory_space<hbm>>
    tpu.wait_dma2 semaphore(%arg15 : memref<!tpu.dma_semaphore, #tpu.memory_space<semaphore_mem>>) src(%dma_wait3A_1333 : memref<128x128xf32, #tpu.memory_space<hbm>>) dst(%arg8 : memref<128x128xf32, #tpu.memory_space<vmem>>)
    %get3A_1334 = arith.constant 16 : index
    %get3A_1335 = tpu.vector_load %arg11[%get3A_1334] {strides = array<i32>} : memref<64xi32, #tpu.memory_space<vmem>>, vector<16xi32>,
    %get3A_1336 = vector.shape_cast %get3A_1335 : vector<16xi32> to vector<16xi32>
    %slice3A_1337 = vector.extract_strided_slice %get3A_1336 {offsets = [9], sizes = [1], strides = [1]} : vector<16xi32> to vector<1xi32>
    %squeeze3A_1338 = vector.extract %slice3A_1337[0] : i32 from vector<1xi32>
    %mul3A_1339 = arith.constant 4096 : i32
    %mul3A_1340 = arith.muli %squeeze3A_1338, %mul3A_1339 : i32
    %add3A_1341 = arith.addi %mul3A_1340, %mul3A_2 : i32
    %dma_start3A_1342 = arith.constant 0 : i32
    %dma_start3A_1343 = tpu.memref_slice %arg6[%add3A_1341, %dma_start3A_1342] : memref<450560x128xf32, #tpu.memory_space<hbm>> -> memref<128x128xf32, #tpu.memory_space<hbm>>
    %dma_start3A_1344 = arith.constant 0 : i32
    %dma_start3A_1345 = tpu.memref_slice %arg6[%add3A_1341, %dma_start3A_1344] : memref<450560x128xf32, #tpu.memory_space<hbm>> -> memref<128x128xf32, #tpu.memory_space<hbm>>
    tpu.enqueue_dma source(%arg8 : memref<128x128xf32, #tpu.memory_space<vmem>>) target(%dma_start3A_1345 : memref<128x128xf32, #tpu.memory_space<hbm>>) target_semaphore(%arg19 : memref<!tpu.dma_semaphore, #tpu.memory_space<semaphore_mem>>)
    %dma_wait3A_1346 = arith.constant 0 : i32
    %dma_wait3A_1347 = arith.constant 0 : i32
    %dma_wait3A_1348 = tpu.memref_slice %arg6[%dma_wait3A_1346, %dma_wait3A_1347] : memref<450560x128xf32, #tpu.memory_space<hbm>> -> memref<128x128xf32, #tpu.memory_space<hbm>>
    %dma_wait3A_1349 = arith.constant 0 : i32
    %dma_wait3A_1350 = arith.constant 0 : i32
    %dma_wait3A_1351 = tpu.memref_slice %arg6[%dma_wait3A_1349, %dma_wait3A_1350] : memref<450560x128xf32, #tpu.memory_space<hbm>> -> memref<128x128xf32, #tpu.memory_space<hbm>>
    tpu.wait_dma2 semaphore(%arg18 : memref<!tpu.dma_semaphore, #tpu.memory_space<semaphore_mem>>) src(%arg7 : memref<128x128xf32, #tpu.memory_space<vmem>>) dst(%dma_wait3A_1351 : memref<128x128xf32, #tpu.memory_space<hbm>>)
    %dma_start3A_1352 = arith.constant 28 : i32
    %dma_start3A_1353 = arith.constant 0 : i32
    %dma_start3A_1354 = tpu.memref_slice %arg2[%mul3A_2, %dma_start3A_1352, %dma_start3A_1353] : memref<4096x64x128xf32, #tpu.memory_space<hbm>> -> memref<128x1x128xf32, #tpu.memory_space<hbm>>
    %dma_start3A_1355 = tpu.memref_squeeze %dma_start3A_1354 : memref<128x1x128xf32, #tpu.memory_space<hbm>> -> memref<128x128xf32, #tpu.memory_space<hbm>>
    %dma_start3A_1356 = arith.constant 0 : i32
    %dma_start3A_1357 = tpu.memref_slice %arg2[%mul3A_2, %dma_start3A_1352, %dma_start3A_1356] : memref<4096x64x128xf32, #tpu.memory_space<hbm>> -> memref<128x1x128xf32, #tpu.memory_space<hbm>>
    %dma_start3A_1358 = tpu.memref_squeeze %dma_start3A_1357 : memref<128x1x128xf32, #tpu.memory_space<hbm>> -> memref<128x128xf32, #tpu.memory_space<hbm>>
    tpu.enqueue_dma source(%dma_start3A_1358 : memref<128x128xf32, #tpu.memory_space<hbm>>) target(%arg7 : memref<128x128xf32, #tpu.memory_space<vmem>>) target_semaphore(%arg14 : memref<!tpu.dma_semaphore, #tpu.memory_space<semaphore_mem>>)
    %dma_wait3A_1359 = arith.constant 0 : i32
    %dma_wait3A_1360 = arith.constant 0 : i32
    %dma_wait3A_1361 = arith.constant 0 : i32
    %dma_wait3A_1362 = tpu.memref_slice %arg2[%dma_wait3A_1360, %dma_wait3A_1359, %dma_wait3A_1361] : memref<4096x64x128xf32, #tpu.memory_space<hbm>> -> memref<128x1x128xf32, #tpu.memory_space<hbm>>
    %dma_wait3A_1363 = tpu.memref_squeeze %dma_wait3A_1362 : memref<128x1x128xf32, #tpu.memory_space<hbm>> -> memref<128x128xf32, #tpu.memory_space<hbm>>
    %dma_wait3A_1364 = arith.constant 0 : i32
    %dma_wait3A_1365 = arith.constant 0 : i32
    %dma_wait3A_1366 = tpu.memref_slice %arg2[%dma_wait3A_1364, %dma_wait3A_1359, %dma_wait3A_1365] : memref<4096x64x128xf32, #tpu.memory_space<hbm>> -> memref<128x1x128xf32, #tpu.memory_space<hbm>>
    %dma_wait3A_1367 = tpu.memref_squeeze %dma_wait3A_1366 : memref<128x1x128xf32, #tpu.memory_space<hbm>> -> memref<128x128xf32, #tpu.memory_space<hbm>>
    tpu.wait_dma2 semaphore(%arg16 : memref<!tpu.dma_semaphore, #tpu.memory_space<semaphore_mem>>) src(%dma_wait3A_1367 : memref<128x128xf32, #tpu.memory_space<hbm>>) dst(%arg9 : memref<128x128xf32, #tpu.memory_space<vmem>>)
    %get3A_1368 = arith.constant 16 : index
    %get3A_1369 = tpu.vector_load %arg11[%get3A_1368] {strides = array<i32>} : memref<64xi32, #tpu.memory_space<vmem>>, vector<16xi32>,
    %get3A_1370 = vector.shape_cast %get3A_1369 : vector<16xi32> to vector<16xi32>
    %slice3A_1371 = vector.extract_strided_slice %get3A_1370 {offsets = [10], sizes = [1], strides = [1]} : vector<16xi32> to vector<1xi32>
    %squeeze3A_1372 = vector.extract %slice3A_1371[0] : i32 from vector<1xi32>
    %mul3A_1373 = arith.constant 4096 : i32
    %mul3A_1374 = arith.muli %squeeze3A_1372, %mul3A_1373 : i32
    %add3A_1375 = arith.addi %mul3A_1374, %mul3A_2 : i32
    %dma_start3A_1376 = arith.constant 0 : i32
    %dma_start3A_1377 = tpu.memref_slice %arg6[%add3A_1375, %dma_start3A_1376] : memref<450560x128xf32, #tpu.memory_space<hbm>> -> memref<128x128xf32, #tpu.memory_space<hbm>>
    %dma_start3A_1378 = arith.constant 0 : i32
    %dma_start3A_1379 = tpu.memref_slice %arg6[%add3A_1375, %dma_start3A_1378] : memref<450560x128xf32, #tpu.memory_space<hbm>> -> memref<128x128xf32, #tpu.memory_space<hbm>>
    tpu.enqueue_dma source(%arg9 : memref<128x128xf32, #tpu.memory_space<vmem>>) target(%dma_start3A_1379 : memref<128x128xf32, #tpu.memory_space<hbm>>) target_semaphore(%arg20 : memref<!tpu.dma_semaphore, #tpu.memory_space<semaphore_mem>>)
    %dma_wait3A_1380 = arith.constant 0 : i32
    %dma_wait3A_1381 = arith.constant 0 : i32
    %dma_wait3A_1382 = tpu.memref_slice %arg6[%dma_wait3A_1380, %dma_wait3A_1381] : memref<450560x128xf32, #tpu.memory_space<hbm>> -> memref<128x128xf32, #tpu.memory_space<hbm>>
    %dma_wait3A_1383 = arith.constant 0 : i32
    %dma_wait3A_1384 = arith.constant 0 : i32
    %dma_wait3A_1385 = tpu.memref_slice %arg6[%dma_wait3A_1383, %dma_wait3A_1384] : memref<450560x128xf32, #tpu.memory_space<hbm>> -> memref<128x128xf32, #tpu.memory_space<hbm>>
    tpu.wait_dma2 semaphore(%arg19 : memref<!tpu.dma_semaphore, #tpu.memory_space<semaphore_mem>>) src(%arg8 : memref<128x128xf32, #tpu.memory_space<vmem>>) dst(%dma_wait3A_1385 : memref<128x128xf32, #tpu.memory_space<hbm>>)
    %dma_start3A_1386 = arith.constant 29 : i32
    %dma_start3A_1387 = arith.constant 0 : i32
    %dma_start3A_1388 = tpu.memref_slice %arg2[%mul3A_2, %dma_start3A_1386, %dma_start3A_1387] : memref<4096x64x128xf32, #tpu.memory_space<hbm>> -> memref<128x1x128xf32, #tpu.memory_space<hbm>>
    %dma_start3A_1389 = tpu.memref_squeeze %dma_start3A_1388 : memref<128x1x128xf32, #tpu.memory_space<hbm>> -> memref<128x128xf32, #tpu.memory_space<hbm>>
    %dma_start3A_1390 = arith.constant 0 : i32
    %dma_start3A_1391 = tpu.memref_slice %arg2[%mul3A_2, %dma_start3A_1386, %dma_start3A_1390] : memref<4096x64x128xf32, #tpu.memory_space<hbm>> -> memref<128x1x128xf32, #tpu.memory_space<hbm>>
    %dma_start3A_1392 = tpu.memref_squeeze %dma_start3A_1391 : memref<128x1x128xf32, #tpu.memory_space<hbm>> -> memref<128x128xf32, #tpu.memory_space<hbm>>
    tpu.enqueue_dma source(%dma_start3A_1392 : memref<128x128xf32, #tpu.memory_space<hbm>>) target(%arg8 : memref<128x128xf32, #tpu.memory_space<vmem>>) target_semaphore(%arg15 : memref<!tpu.dma_semaphore, #tpu.memory_space<semaphore_mem>>)
    %dma_wait3A_1393 = arith.constant 0 : i32
    %dma_wait3A_1394 = arith.constant 0 : i32
    %dma_wait3A_1395 = arith.constant 0 : i32
    %dma_wait3A_1396 = tpu.memref_slice %arg2[%dma_wait3A_1394, %dma_wait3A_1393, %dma_wait3A_1395] : memref<4096x64x128xf32, #tpu.memory_space<hbm>> -> memref<128x1x128xf32, #tpu.memory_space<hbm>>
    %dma_wait3A_1397 = tpu.memref_squeeze %dma_wait3A_1396 : memref<128x1x128xf32, #tpu.memory_space<hbm>> -> memref<128x128xf32, #tpu.memory_space<hbm>>
    %dma_wait3A_1398 = arith.constant 0 : i32
    %dma_wait3A_1399 = arith.constant 0 : i32
    %dma_wait3A_1400 = tpu.memref_slice %arg2[%dma_wait3A_1398, %dma_wait3A_1393, %dma_wait3A_1399] : memref<4096x64x128xf32, #tpu.memory_space<hbm>> -> memref<128x1x128xf32, #tpu.memory_space<hbm>>
    %dma_wait3A_1401 = tpu.memref_squeeze %dma_wait3A_1400 : memref<128x1x128xf32, #tpu.memory_space<hbm>> -> memref<128x128xf32, #tpu.memory_space<hbm>>
    tpu.wait_dma2 semaphore(%arg17 : memref<!tpu.dma_semaphore, #tpu.memory_space<semaphore_mem>>) src(%dma_wait3A_1401 : memref<128x128xf32, #tpu.memory_space<hbm>>) dst(%arg10 : memref<128x128xf32, #tpu.memory_space<vmem>>)
    %get3A_1402 = arith.constant 16 : index
    %get3A_1403 = tpu.vector_load %arg11[%get3A_1402] {strides = array<i32>} : memref<64xi32, #tpu.memory_space<vmem>>, vector<16xi32>,
    %get3A_1404 = vector.shape_cast %get3A_1403 : vector<16xi32> to vector<16xi32>
    %slice3A_1405 = vector.extract_strided_slice %get3A_1404 {offsets = [11], sizes = [1], strides = [1]} : vector<16xi32> to vector<1xi32>
    %squeeze3A_1406 = vector.extract %slice3A_1405[0] : i32 from vector<1xi32>
    %mul3A_1407 = arith.constant 4096 : i32
    %mul3A_1408 = arith.muli %squeeze3A_1406, %mul3A_1407 : i32
    %add3A_1409 = arith.addi %mul3A_1408, %mul3A_2 : i32
    %dma_start3A_1410 = arith.constant 0 : i32
    %dma_start3A_1411 = tpu.memref_slice %arg6[%add3A_1409, %dma_start3A_1410] : memref<450560x128xf32, #tpu.memory_space<hbm>> -> memref<128x128xf32, #tpu.memory_space<hbm>>
    %dma_start3A_1412 = arith.constant 0 : i32
    %dma_start3A_1413 = tpu.memref_slice %arg6[%add3A_1409, %dma_start3A_1412] : memref<450560x128xf32, #tpu.memory_space<hbm>> -> memref<128x128xf32, #tpu.memory_space<hbm>>
    tpu.enqueue_dma source(%arg10 : memref<128x128xf32, #tpu.memory_space<vmem>>) target(%dma_start3A_1413 : memref<128x128xf32, #tpu.memory_space<hbm>>) target_semaphore(%arg21 : memref<!tpu.dma_semaphore, #tpu.memory_space<semaphore_mem>>)
    %dma_wait3A_1414 = arith.constant 0 : i32
    %dma_wait3A_1415 = arith.constant 0 : i32
    %dma_wait3A_1416 = tpu.memref_slice %arg6[%dma_wait3A_1414, %dma_wait3A_1415] : memref<450560x128xf32, #tpu.memory_space<hbm>> -> memref<128x128xf32, #tpu.memory_space<hbm>>
    %dma_wait3A_1417 = arith.constant 0 : i32
    %dma_wait3A_1418 = arith.constant 0 : i32
    %dma_wait3A_1419 = tpu.memref_slice %arg6[%dma_wait3A_1417, %dma_wait3A_1418] : memref<450560x128xf32, #tpu.memory_space<hbm>> -> memref<128x128xf32, #tpu.memory_space<hbm>>
    tpu.wait_dma2 semaphore(%arg20 : memref<!tpu.dma_semaphore, #tpu.memory_space<semaphore_mem>>) src(%arg9 : memref<128x128xf32, #tpu.memory_space<vmem>>) dst(%dma_wait3A_1419 : memref<128x128xf32, #tpu.memory_space<hbm>>)
    %dma_start3A_1420 = arith.constant 30 : i32
    %dma_start3A_1421 = arith.constant 0 : i32
    %dma_start3A_1422 = tpu.memref_slice %arg2[%mul3A_2, %dma_start3A_1420, %dma_start3A_1421] : memref<4096x64x128xf32, #tpu.memory_space<hbm>> -> memref<128x1x128xf32, #tpu.memory_space<hbm>>
    %dma_start3A_1423 = tpu.memref_squeeze %dma_start3A_1422 : memref<128x1x128xf32, #tpu.memory_space<hbm>> -> memref<128x128xf32, #tpu.memory_space<hbm>>
    %dma_start3A_1424 = arith.constant 0 : i32
    %dma_start3A_1425 = tpu.memref_slice %arg2[%mul3A_2, %dma_start3A_1420, %dma_start3A_1424] : memref<4096x64x128xf32, #tpu.memory_space<hbm>> -> memref<128x1x128xf32, #tpu.memory_space<hbm>>
    %dma_start3A_1426 = tpu.memref_squeeze %dma_start3A_1425 : memref<128x1x128xf32, #tpu.memory_space<hbm>> -> memref<128x128xf32, #tpu.memory_space<hbm>>
    tpu.enqueue_dma source(%dma_start3A_1426 : memref<128x128xf32, #tpu.memory_space<hbm>>) target(%arg9 : memref<128x128xf32, #tpu.memory_space<vmem>>) target_semaphore(%arg16 : memref<!tpu.dma_semaphore, #tpu.memory_space<semaphore_mem>>)
    %dma_wait3A_1427 = arith.constant 0 : i32
    %dma_wait3A_1428 = arith.constant 0 : i32
    %dma_wait3A_1429 = arith.constant 0 : i32
    %dma_wait3A_1430 = tpu.memref_slice %arg2[%dma_wait3A_1428, %dma_wait3A_1427, %dma_wait3A_1429] : memref<4096x64x128xf32, #tpu.memory_space<hbm>> -> memref<128x1x128xf32, #tpu.memory_space<hbm>>
    %dma_wait3A_1431 = tpu.memref_squeeze %dma_wait3A_1430 : memref<128x1x128xf32, #tpu.memory_space<hbm>> -> memref<128x128xf32, #tpu.memory_space<hbm>>
    %dma_wait3A_1432 = arith.constant 0 : i32
    %dma_wait3A_1433 = arith.constant 0 : i32
    %dma_wait3A_1434 = tpu.memref_slice %arg2[%dma_wait3A_1432, %dma_wait3A_1427, %dma_wait3A_1433] : memref<4096x64x128xf32, #tpu.memory_space<hbm>> -> memref<128x1x128xf32, #tpu.memory_space<hbm>>
    %dma_wait3A_1435 = tpu.memref_squeeze %dma_wait3A_1434 : memref<128x1x128xf32, #tpu.memory_space<hbm>> -> memref<128x128xf32, #tpu.memory_space<hbm>>
    tpu.wait_dma2 semaphore(%arg14 : memref<!tpu.dma_semaphore, #tpu.memory_space<semaphore_mem>>) src(%dma_wait3A_1435 : memref<128x128xf32, #tpu.memory_space<hbm>>) dst(%arg7 : memref<128x128xf32, #tpu.memory_space<vmem>>)
    %get3A_1436 = arith.constant 16 : index
    %get3A_1437 = tpu.vector_load %arg11[%get3A_1436] {strides = array<i32>} : memref<64xi32, #tpu.memory_space<vmem>>, vector<16xi32>,
    %get3A_1438 = vector.shape_cast %get3A_1437 : vector<16xi32> to vector<16xi32>
    %slice3A_1439 = vector.extract_strided_slice %get3A_1438 {offsets = [12], sizes = [1], strides = [1]} : vector<16xi32> to vector<1xi32>
    %squeeze3A_1440 = vector.extract %slice3A_1439[0] : i32 from vector<1xi32>
    %mul3A_1441 = arith.constant 4096 : i32
    %mul3A_1442 = arith.muli %squeeze3A_1440, %mul3A_1441 : i32
    %add3A_1443 = arith.addi %mul3A_1442, %mul3A_2 : i32
    %dma_start3A_1444 = arith.constant 0 : i32
    %dma_start3A_1445 = tpu.memref_slice %arg6[%add3A_1443, %dma_start3A_1444] : memref<450560x128xf32, #tpu.memory_space<hbm>> -> memref<128x128xf32, #tpu.memory_space<hbm>>
    %dma_start3A_1446 = arith.constant 0 : i32
    %dma_start3A_1447 = tpu.memref_slice %arg6[%add3A_1443, %dma_start3A_1446] : memref<450560x128xf32, #tpu.memory_space<hbm>> -> memref<128x128xf32, #tpu.memory_space<hbm>>
    tpu.enqueue_dma source(%arg7 : memref<128x128xf32, #tpu.memory_space<vmem>>) target(%dma_start3A_1447 : memref<128x128xf32, #tpu.memory_space<hbm>>) target_semaphore(%arg18 : memref<!tpu.dma_semaphore, #tpu.memory_space<semaphore_mem>>)
    %dma_wait3A_1448 = arith.constant 0 : i32
    %dma_wait3A_1449 = arith.constant 0 : i32
    %dma_wait3A_1450 = tpu.memref_slice %arg6[%dma_wait3A_1448, %dma_wait3A_1449] : memref<450560x128xf32, #tpu.memory_space<hbm>> -> memref<128x128xf32, #tpu.memory_space<hbm>>
    %dma_wait3A_1451 = arith.constant 0 : i32
    %dma_wait3A_1452 = arith.constant 0 : i32
    %dma_wait3A_1453 = tpu.memref_slice %arg6[%dma_wait3A_1451, %dma_wait3A_1452] : memref<450560x128xf32, #tpu.memory_space<hbm>> -> memref<128x128xf32, #tpu.memory_space<hbm>>
    tpu.wait_dma2 semaphore(%arg21 : memref<!tpu.dma_semaphore, #tpu.memory_space<semaphore_mem>>) src(%arg10 : memref<128x128xf32, #tpu.memory_space<vmem>>) dst(%dma_wait3A_1453 : memref<128x128xf32, #tpu.memory_space<hbm>>)
    %dma_start3A_1454 = arith.constant 31 : i32
    %dma_start3A_1455 = arith.constant 0 : i32
    %dma_start3A_1456 = tpu.memref_slice %arg2[%mul3A_2, %dma_start3A_1454, %dma_start3A_1455] : memref<4096x64x128xf32, #tpu.memory_space<hbm>> -> memref<128x1x128xf32, #tpu.memory_space<hbm>>
    %dma_start3A_1457 = tpu.memref_squeeze %dma_start3A_1456 : memref<128x1x128xf32, #tpu.memory_space<hbm>> -> memref<128x128xf32, #tpu.memory_space<hbm>>
    %dma_start3A_1458 = arith.constant 0 : i32
    %dma_start3A_1459 = tpu.memref_slice %arg2[%mul3A_2, %dma_start3A_1454, %dma_start3A_1458] : memref<4096x64x128xf32, #tpu.memory_space<hbm>> -> memref<128x1x128xf32, #tpu.memory_space<hbm>>
    %dma_start3A_1460 = tpu.memref_squeeze %dma_start3A_1459 : memref<128x1x128xf32, #tpu.memory_space<hbm>> -> memref<128x128xf32, #tpu.memory_space<hbm>>
    tpu.enqueue_dma source(%dma_start3A_1460 : memref<128x128xf32, #tpu.memory_space<hbm>>) target(%arg10 : memref<128x128xf32, #tpu.memory_space<vmem>>) target_semaphore(%arg17 : memref<!tpu.dma_semaphore, #tpu.memory_space<semaphore_mem>>)
    %dma_wait3A_1461 = arith.constant 0 : i32
    %dma_wait3A_1462 = arith.constant 0 : i32
    %dma_wait3A_1463 = arith.constant 0 : i32
    %dma_wait3A_1464 = tpu.memref_slice %arg2[%dma_wait3A_1462, %dma_wait3A_1461, %dma_wait3A_1463] : memref<4096x64x128xf32, #tpu.memory_space<hbm>> -> memref<128x1x128xf32, #tpu.memory_space<hbm>>
    %dma_wait3A_1465 = tpu.memref_squeeze %dma_wait3A_1464 : memref<128x1x128xf32, #tpu.memory_space<hbm>> -> memref<128x128xf32, #tpu.memory_space<hbm>>
    %dma_wait3A_1466 = arith.constant 0 : i32
    %dma_wait3A_1467 = arith.constant 0 : i32
    %dma_wait3A_1468 = tpu.memref_slice %arg2[%dma_wait3A_1466, %dma_wait3A_1461, %dma_wait3A_1467] : memref<4096x64x128xf32, #tpu.memory_space<hbm>> -> memref<128x1x128xf32, #tpu.memory_space<hbm>>
    %dma_wait3A_1469 = tpu.memref_squeeze %dma_wait3A_1468 : memref<128x1x128xf32, #tpu.memory_space<hbm>> -> memref<128x128xf32, #tpu.memory_space<hbm>>
    tpu.wait_dma2 semaphore(%arg15 : memref<!tpu.dma_semaphore, #tpu.memory_space<semaphore_mem>>) src(%dma_wait3A_1469 : memref<128x128xf32, #tpu.memory_space<hbm>>) dst(%arg8 : memref<128x128xf32, #tpu.memory_space<vmem>>)
    %get3A_1470 = arith.constant 16 : index
    %get3A_1471 = tpu.vector_load %arg11[%get3A_1470] {strides = array<i32>} : memref<64xi32, #tpu.memory_space<vmem>>, vector<16xi32>,
    %get3A_1472 = vector.shape_cast %get3A_1471 : vector<16xi32> to vector<16xi32>
    %slice3A_1473 = vector.extract_strided_slice %get3A_1472 {offsets = [13], sizes = [1], strides = [1]} : vector<16xi32> to vector<1xi32>
    %squeeze3A_1474 = vector.extract %slice3A_1473[0] : i32 from vector<1xi32>
    %mul3A_1475 = arith.constant 4096 : i32
    %mul3A_1476 = arith.muli %squeeze3A_1474, %mul3A_1475 : i32
    %add3A_1477 = arith.addi %mul3A_1476, %mul3A_2 : i32
    %dma_start3A_1478 = arith.constant 0 : i32
    %dma_start3A_1479 = tpu.memref_slice %arg6[%add3A_1477, %dma_start3A_1478] : memref<450560x128xf32, #tpu.memory_space<hbm>> -> memref<128x128xf32, #tpu.memory_space<hbm>>
    %dma_start3A_1480 = arith.constant 0 : i32
    %dma_start3A_1481 = tpu.memref_slice %arg6[%add3A_1477, %dma_start3A_1480] : memref<450560x128xf32, #tpu.memory_space<hbm>> -> memref<128x128xf32, #tpu.memory_space<hbm>>
    tpu.enqueue_dma source(%arg8 : memref<128x128xf32, #tpu.memory_space<vmem>>) target(%dma_start3A_1481 : memref<128x128xf32, #tpu.memory_space<hbm>>) target_semaphore(%arg19 : memref<!tpu.dma_semaphore, #tpu.memory_space<semaphore_mem>>)
    %dma_wait3A_1482 = arith.constant 0 : i32
    %dma_wait3A_1483 = arith.constant 0 : i32
    %dma_wait3A_1484 = tpu.memref_slice %arg6[%dma_wait3A_1482, %dma_wait3A_1483] : memref<450560x128xf32, #tpu.memory_space<hbm>> -> memref<128x128xf32, #tpu.memory_space<hbm>>
    %dma_wait3A_1485 = arith.constant 0 : i32
    %dma_wait3A_1486 = arith.constant 0 : i32
    %dma_wait3A_1487 = tpu.memref_slice %arg6[%dma_wait3A_1485, %dma_wait3A_1486] : memref<450560x128xf32, #tpu.memory_space<hbm>> -> memref<128x128xf32, #tpu.memory_space<hbm>>
    tpu.wait_dma2 semaphore(%arg18 : memref<!tpu.dma_semaphore, #tpu.memory_space<semaphore_mem>>) src(%arg7 : memref<128x128xf32, #tpu.memory_space<vmem>>) dst(%dma_wait3A_1487 : memref<128x128xf32, #tpu.memory_space<hbm>>)
    %dma_start3A_1488 = arith.constant 32 : i32
    %dma_start3A_1489 = arith.constant 0 : i32
    %dma_start3A_1490 = tpu.memref_slice %arg2[%mul3A_2, %dma_start3A_1488, %dma_start3A_1489] : memref<4096x64x128xf32, #tpu.memory_space<hbm>> -> memref<128x1x128xf32, #tpu.memory_space<hbm>>
    %dma_start3A_1491 = tpu.memref_squeeze %dma_start3A_1490 : memref<128x1x128xf32, #tpu.memory_space<hbm>> -> memref<128x128xf32, #tpu.memory_space<hbm>>
    %dma_start3A_1492 = arith.constant 0 : i32
    %dma_start3A_1493 = tpu.memref_slice %arg2[%mul3A_2, %dma_start3A_1488, %dma_start3A_1492] : memref<4096x64x128xf32, #tpu.memory_space<hbm>> -> memref<128x1x128xf32, #tpu.memory_space<hbm>>
    %dma_start3A_1494 = tpu.memref_squeeze %dma_start3A_1493 : memref<128x1x128xf32, #tpu.memory_space<hbm>> -> memref<128x128xf32, #tpu.memory_space<hbm>>
    tpu.enqueue_dma source(%dma_start3A_1494 : memref<128x128xf32, #tpu.memory_space<hbm>>) target(%arg7 : memref<128x128xf32, #tpu.memory_space<vmem>>) target_semaphore(%arg14 : memref<!tpu.dma_semaphore, #tpu.memory_space<semaphore_mem>>)
    %dma_wait3A_1495 = arith.constant 0 : i32
    %dma_wait3A_1496 = arith.constant 0 : i32
    %dma_wait3A_1497 = arith.constant 0 : i32
    %dma_wait3A_1498 = tpu.memref_slice %arg2[%dma_wait3A_1496, %dma_wait3A_1495, %dma_wait3A_1497] : memref<4096x64x128xf32, #tpu.memory_space<hbm>> -> memref<128x1x128xf32, #tpu.memory_space<hbm>>
    %dma_wait3A_1499 = tpu.memref_squeeze %dma_wait3A_1498 : memref<128x1x128xf32, #tpu.memory_space<hbm>> -> memref<128x128xf32, #tpu.memory_space<hbm>>
    %dma_wait3A_1500 = arith.constant 0 : i32
    %dma_wait3A_1501 = arith.constant 0 : i32
    %dma_wait3A_1502 = tpu.memref_slice %arg2[%dma_wait3A_1500, %dma_wait3A_1495, %dma_wait3A_1501] : memref<4096x64x128xf32, #tpu.memory_space<hbm>> -> memref<128x1x128xf32, #tpu.memory_space<hbm>>
    %dma_wait3A_1503 = tpu.memref_squeeze %dma_wait3A_1502 : memref<128x1x128xf32, #tpu.memory_space<hbm>> -> memref<128x128xf32, #tpu.memory_space<hbm>>
    tpu.wait_dma2 semaphore(%arg16 : memref<!tpu.dma_semaphore, #tpu.memory_space<semaphore_mem>>) src(%dma_wait3A_1503 : memref<128x128xf32, #tpu.memory_space<hbm>>) dst(%arg9 : memref<128x128xf32, #tpu.memory_space<vmem>>)
    %get3A_1504 = arith.constant 16 : index
    %get3A_1505 = tpu.vector_load %arg11[%get3A_1504] {strides = array<i32>} : memref<64xi32, #tpu.memory_space<vmem>>, vector<16xi32>,
    %get3A_1506 = vector.shape_cast %get3A_1505 : vector<16xi32> to vector<16xi32>
    %slice3A_1507 = vector.extract_strided_slice %get3A_1506 {offsets = [14], sizes = [1], strides = [1]} : vector<16xi32> to vector<1xi32>
    %squeeze3A_1508 = vector.extract %slice3A_1507[0] : i32 from vector<1xi32>
    %mul3A_1509 = arith.constant 4096 : i32
    %mul3A_1510 = arith.muli %squeeze3A_1508, %mul3A_1509 : i32
    %add3A_1511 = arith.addi %mul3A_1510, %mul3A_2 : i32
    %dma_start3A_1512 = arith.constant 0 : i32
    %dma_start3A_1513 = tpu.memref_slice %arg6[%add3A_1511, %dma_start3A_1512] : memref<450560x128xf32, #tpu.memory_space<hbm>> -> memref<128x128xf32, #tpu.memory_space<hbm>>
    %dma_start3A_1514 = arith.constant 0 : i32
    %dma_start3A_1515 = tpu.memref_slice %arg6[%add3A_1511, %dma_start3A_1514] : memref<450560x128xf32, #tpu.memory_space<hbm>> -> memref<128x128xf32, #tpu.memory_space<hbm>>
    tpu.enqueue_dma source(%arg9 : memref<128x128xf32, #tpu.memory_space<vmem>>) target(%dma_start3A_1515 : memref<128x128xf32, #tpu.memory_space<hbm>>) target_semaphore(%arg20 : memref<!tpu.dma_semaphore, #tpu.memory_space<semaphore_mem>>)
    %dma_wait3A_1516 = arith.constant 0 : i32
    %dma_wait3A_1517 = arith.constant 0 : i32
    %dma_wait3A_1518 = tpu.memref_slice %arg6[%dma_wait3A_1516, %dma_wait3A_1517] : memref<450560x128xf32, #tpu.memory_space<hbm>> -> memref<128x128xf32, #tpu.memory_space<hbm>>
    %dma_wait3A_1519 = arith.constant 0 : i32
    %dma_wait3A_1520 = arith.constant 0 : i32
    %dma_wait3A_1521 = tpu.memref_slice %arg6[%dma_wait3A_1519, %dma_wait3A_1520] : memref<450560x128xf32, #tpu.memory_space<hbm>> -> memref<128x128xf32, #tpu.memory_space<hbm>>
    tpu.wait_dma2 semaphore(%arg19 : memref<!tpu.dma_semaphore, #tpu.memory_space<semaphore_mem>>) src(%arg8 : memref<128x128xf32, #tpu.memory_space<vmem>>) dst(%dma_wait3A_1521 : memref<128x128xf32, #tpu.memory_space<hbm>>)
    %dma_start3A_1522 = arith.constant 33 : i32
    %dma_start3A_1523 = arith.constant 0 : i32
    %dma_start3A_1524 = tpu.memref_slice %arg2[%mul3A_2, %dma_start3A_1522, %dma_start3A_1523] : memref<4096x64x128xf32, #tpu.memory_space<hbm>> -> memref<128x1x128xf32, #tpu.memory_space<hbm>>
    %dma_start3A_1525 = tpu.memref_squeeze %dma_start3A_1524 : memref<128x1x128xf32, #tpu.memory_space<hbm>> -> memref<128x128xf32, #tpu.memory_space<hbm>>
    %dma_start3A_1526 = arith.constant 0 : i32
    %dma_start3A_1527 = tpu.memref_slice %arg2[%mul3A_2, %dma_start3A_1522, %dma_start3A_1526] : memref<4096x64x128xf32, #tpu.memory_space<hbm>> -> memref<128x1x128xf32, #tpu.memory_space<hbm>>
    %dma_start3A_1528 = tpu.memref_squeeze %dma_start3A_1527 : memref<128x1x128xf32, #tpu.memory_space<hbm>> -> memref<128x128xf32, #tpu.memory_space<hbm>>
    tpu.enqueue_dma source(%dma_start3A_1528 : memref<128x128xf32, #tpu.memory_space<hbm>>) target(%arg8 : memref<128x128xf32, #tpu.memory_space<vmem>>) target_semaphore(%arg15 : memref<!tpu.dma_semaphore, #tpu.memory_space<semaphore_mem>>)
    %dma_wait3A_1529 = arith.constant 0 : i32
    %dma_wait3A_1530 = arith.constant 0 : i32
    %dma_wait3A_1531 = arith.constant 0 : i32
    %dma_wait3A_1532 = tpu.memref_slice %arg2[%dma_wait3A_1530, %dma_wait3A_1529, %dma_wait3A_1531] : memref<4096x64x128xf32, #tpu.memory_space<hbm>> -> memref<128x1x128xf32, #tpu.memory_space<hbm>>
    %dma_wait3A_1533 = tpu.memref_squeeze %dma_wait3A_1532 : memref<128x1x128xf32, #tpu.memory_space<hbm>> -> memref<128x128xf32, #tpu.memory_space<hbm>>
    %dma_wait3A_1534 = arith.constant 0 : i32
    %dma_wait3A_1535 = arith.constant 0 : i32
    %dma_wait3A_1536 = tpu.memref_slice %arg2[%dma_wait3A_1534, %dma_wait3A_1529, %dma_wait3A_1535] : memref<4096x64x128xf32, #tpu.memory_space<hbm>> -> memref<128x1x128xf32, #tpu.memory_space<hbm>>
    %dma_wait3A_1537 = tpu.memref_squeeze %dma_wait3A_1536 : memref<128x1x128xf32, #tpu.memory_space<hbm>> -> memref<128x128xf32, #tpu.memory_space<hbm>>
    tpu.wait_dma2 semaphore(%arg17 : memref<!tpu.dma_semaphore, #tpu.memory_space<semaphore_mem>>) src(%dma_wait3A_1537 : memref<128x128xf32, #tpu.memory_space<hbm>>) dst(%arg10 : memref<128x128xf32, #tpu.memory_space<vmem>>)
    %get3A_1538 = arith.constant 16 : index
    %get3A_1539 = tpu.vector_load %arg11[%get3A_1538] {strides = array<i32>} : memref<64xi32, #tpu.memory_space<vmem>>, vector<16xi32>,
    %get3A_1540 = vector.shape_cast %get3A_1539 : vector<16xi32> to vector<16xi32>
    %slice3A_1541 = vector.extract_strided_slice %get3A_1540 {offsets = [15], sizes = [1], strides = [1]} : vector<16xi32> to vector<1xi32>
    %squeeze3A_1542 = vector.extract %slice3A_1541[0] : i32 from vector<1xi32>
    %mul3A_1543 = arith.constant 4096 : i32
    %mul3A_1544 = arith.muli %squeeze3A_1542, %mul3A_1543 : i32
    %add3A_1545 = arith.addi %mul3A_1544, %mul3A_2 : i32
    %dma_start3A_1546 = arith.constant 0 : i32
    %dma_start3A_1547 = tpu.memref_slice %arg6[%add3A_1545, %dma_start3A_1546] : memref<450560x128xf32, #tpu.memory_space<hbm>> -> memref<128x128xf32, #tpu.memory_space<hbm>>
    %dma_start3A_1548 = arith.constant 0 : i32
    %dma_start3A_1549 = tpu.memref_slice %arg6[%add3A_1545, %dma_start3A_1548] : memref<450560x128xf32, #tpu.memory_space<hbm>> -> memref<128x128xf32, #tpu.memory_space<hbm>>
    tpu.enqueue_dma source(%arg10 : memref<128x128xf32, #tpu.memory_space<vmem>>) target(%dma_start3A_1549 : memref<128x128xf32, #tpu.memory_space<hbm>>) target_semaphore(%arg21 : memref<!tpu.dma_semaphore, #tpu.memory_space<semaphore_mem>>)
    %dma_wait3A_1550 = arith.constant 0 : i32
    %dma_wait3A_1551 = arith.constant 0 : i32
    %dma_wait3A_1552 = tpu.memref_slice %arg6[%dma_wait3A_1550, %dma_wait3A_1551] : memref<450560x128xf32, #tpu.memory_space<hbm>> -> memref<128x128xf32, #tpu.memory_space<hbm>>
    %dma_wait3A_1553 = arith.constant 0 : i32
    %dma_wait3A_1554 = arith.constant 0 : i32
    %dma_wait3A_1555 = tpu.memref_slice %arg6[%dma_wait3A_1553, %dma_wait3A_1554] : memref<450560x128xf32, #tpu.memory_space<hbm>> -> memref<128x128xf32, #tpu.memory_space<hbm>>
    tpu.wait_dma2 semaphore(%arg20 : memref<!tpu.dma_semaphore, #tpu.memory_space<semaphore_mem>>) src(%arg9 : memref<128x128xf32, #tpu.memory_space<vmem>>) dst(%dma_wait3A_1555 : memref<128x128xf32, #tpu.memory_space<hbm>>)
    %dma_start3A_1556 = arith.constant 34 : i32
    %dma_start3A_1557 = arith.constant 0 : i32
    %dma_start3A_1558 = tpu.memref_slice %arg2[%mul3A_2, %dma_start3A_1556, %dma_start3A_1557] : memref<4096x64x128xf32, #tpu.memory_space<hbm>> -> memref<128x1x128xf32, #tpu.memory_space<hbm>>
    %dma_start3A_1559 = tpu.memref_squeeze %dma_start3A_1558 : memref<128x1x128xf32, #tpu.memory_space<hbm>> -> memref<128x128xf32, #tpu.memory_space<hbm>>
    %dma_start3A_1560 = arith.constant 0 : i32
    %dma_start3A_1561 = tpu.memref_slice %arg2[%mul3A_2, %dma_start3A_1556, %dma_start3A_1560] : memref<4096x64x128xf32, #tpu.memory_space<hbm>> -> memref<128x1x128xf32, #tpu.memory_space<hbm>>
    %dma_start3A_1562 = tpu.memref_squeeze %dma_start3A_1561 : memref<128x1x128xf32, #tpu.memory_space<hbm>> -> memref<128x128xf32, #tpu.memory_space<hbm>>
    tpu.enqueue_dma source(%dma_start3A_1562 : memref<128x128xf32, #tpu.memory_space<hbm>>) target(%arg9 : memref<128x128xf32, #tpu.memory_space<vmem>>) target_semaphore(%arg16 : memref<!tpu.dma_semaphore, #tpu.memory_space<semaphore_mem>>)
    %dma_wait3A_1563 = arith.constant 0 : i32
    %dma_wait3A_1564 = arith.constant 0 : i32
    %dma_wait3A_1565 = arith.constant 0 : i32
    %dma_wait3A_1566 = tpu.memref_slice %arg2[%dma_wait3A_1564, %dma_wait3A_1563, %dma_wait3A_1565] : memref<4096x64x128xf32, #tpu.memory_space<hbm>> -> memref<128x1x128xf32, #tpu.memory_space<hbm>>
    %dma_wait3A_1567 = tpu.memref_squeeze %dma_wait3A_1566 : memref<128x1x128xf32, #tpu.memory_space<hbm>> -> memref<128x128xf32, #tpu.memory_space<hbm>>
    %dma_wait3A_1568 = arith.constant 0 : i32
    %dma_wait3A_1569 = arith.constant 0 : i32
    %dma_wait3A_1570 = tpu.memref_slice %arg2[%dma_wait3A_1568, %dma_wait3A_1563, %dma_wait3A_1569] : memref<4096x64x128xf32, #tpu.memory_space<hbm>> -> memref<128x1x128xf32, #tpu.memory_space<hbm>>
    %dma_wait3A_1571 = tpu.memref_squeeze %dma_wait3A_1570 : memref<128x1x128xf32, #tpu.memory_space<hbm>> -> memref<128x128xf32, #tpu.memory_space<hbm>>
    tpu.wait_dma2 semaphore(%arg14 : memref<!tpu.dma_semaphore, #tpu.memory_space<semaphore_mem>>) src(%dma_wait3A_1571 : memref<128x128xf32, #tpu.memory_space<hbm>>) dst(%arg7 : memref<128x128xf32, #tpu.memory_space<vmem>>)
    %get3A_1572 = arith.constant 32 : index
    %get3A_1573 = tpu.vector_load %arg11[%get3A_1572] {strides = array<i32>} : memref<64xi32, #tpu.memory_space<vmem>>, vector<16xi32>,
    %get3A_1574 = vector.shape_cast %get3A_1573 : vector<16xi32> to vector<16xi32>
    %slice3A_1575 = vector.extract_strided_slice %get3A_1574 {offsets = [0], sizes = [1], strides = [1]} : vector<16xi32> to vector<1xi32>
    %squeeze3A_1576 = vector.extract %slice3A_1575[0] : i32 from vector<1xi32>
    %mul3A_1577 = arith.constant 4096 : i32
    %mul3A_1578 = arith.muli %squeeze3A_1576, %mul3A_1577 : i32
    %add3A_1579 = arith.addi %mul3A_1578, %mul3A_2 : i32
    %dma_start3A_1580 = arith.constant 0 : i32
    %dma_start3A_1581 = tpu.memref_slice %arg6[%add3A_1579, %dma_start3A_1580] : memref<450560x128xf32, #tpu.memory_space<hbm>> -> memref<128x128xf32, #tpu.memory_space<hbm>>
    %dma_start3A_1582 = arith.constant 0 : i32
    %dma_start3A_1583 = tpu.memref_slice %arg6[%add3A_1579, %dma_start3A_1582] : memref<450560x128xf32, #tpu.memory_space<hbm>> -> memref<128x128xf32, #tpu.memory_space<hbm>>
    tpu.enqueue_dma source(%arg7 : memref<128x128xf32, #tpu.memory_space<vmem>>) target(%dma_start3A_1583 : memref<128x128xf32, #tpu.memory_space<hbm>>) target_semaphore(%arg18 : memref<!tpu.dma_semaphore, #tpu.memory_space<semaphore_mem>>)
    %dma_wait3A_1584 = arith.constant 0 : i32
    %dma_wait3A_1585 = arith.constant 0 : i32
    %dma_wait3A_1586 = tpu.memref_slice %arg6[%dma_wait3A_1584, %dma_wait3A_1585] : memref<450560x128xf32, #tpu.memory_space<hbm>> -> memref<128x128xf32, #tpu.memory_space<hbm>>
    %dma_wait3A_1587 = arith.constant 0 : i32
    %dma_wait3A_1588 = arith.constant 0 : i32
    %dma_wait3A_1589 = tpu.memref_slice %arg6[%dma_wait3A_1587, %dma_wait3A_1588] : memref<450560x128xf32, #tpu.memory_space<hbm>> -> memref<128x128xf32, #tpu.memory_space<hbm>>
    tpu.wait_dma2 semaphore(%arg21 : memref<!tpu.dma_semaphore, #tpu.memory_space<semaphore_mem>>) src(%arg10 : memref<128x128xf32, #tpu.memory_space<vmem>>) dst(%dma_wait3A_1589 : memref<128x128xf32, #tpu.memory_space<hbm>>)
    %dma_start3A_1590 = arith.constant 35 : i32
    %dma_start3A_1591 = arith.constant 0 : i32
    %dma_start3A_1592 = tpu.memref_slice %arg2[%mul3A_2, %dma_start3A_1590, %dma_start3A_1591] : memref<4096x64x128xf32, #tpu.memory_space<hbm>> -> memref<128x1x128xf32, #tpu.memory_space<hbm>>
    %dma_start3A_1593 = tpu.memref_squeeze %dma_start3A_1592 : memref<128x1x128xf32, #tpu.memory_space<hbm>> -> memref<128x128xf32, #tpu.memory_space<hbm>>
    %dma_start3A_1594 = arith.constant 0 : i32
    %dma_start3A_1595 = tpu.memref_slice %arg2[%mul3A_2, %dma_start3A_1590, %dma_start3A_1594] : memref<4096x64x128xf32, #tpu.memory_space<hbm>> -> memref<128x1x128xf32, #tpu.memory_space<hbm>>
    %dma_start3A_1596 = tpu.memref_squeeze %dma_start3A_1595 : memref<128x1x128xf32, #tpu.memory_space<hbm>> -> memref<128x128xf32, #tpu.memory_space<hbm>>
    tpu.enqueue_dma source(%dma_start3A_1596 : memref<128x128xf32, #tpu.memory_space<hbm>>) target(%arg10 : memref<128x128xf32, #tpu.memory_space<vmem>>) target_semaphore(%arg17 : memref<!tpu.dma_semaphore, #tpu.memory_space<semaphore_mem>>)
    %dma_wait3A_1597 = arith.constant 0 : i32
    %dma_wait3A_1598 = arith.constant 0 : i32
    %dma_wait3A_1599 = arith.constant 0 : i32
    %dma_wait3A_1600 = tpu.memref_slice %arg2[%dma_wait3A_1598, %dma_wait3A_1597, %dma_wait3A_1599] : memref<4096x64x128xf32, #tpu.memory_space<hbm>> -> memref<128x1x128xf32, #tpu.memory_space<hbm>>
    %dma_wait3A_1601 = tpu.memref_squeeze %dma_wait3A_1600 : memref<128x1x128xf32, #tpu.memory_space<hbm>> -> memref<128x128xf32, #tpu.memory_space<hbm>>
    %dma_wait3A_1602 = arith.constant 0 : i32
    %dma_wait3A_1603 = arith.constant 0 : i32
    %dma_wait3A_1604 = tpu.memref_slice %arg2[%dma_wait3A_1602, %dma_wait3A_1597, %dma_wait3A_1603] : memref<4096x64x128xf32, #tpu.memory_space<hbm>> -> memref<128x1x128xf32, #tpu.memory_space<hbm>>
    %dma_wait3A_1605 = tpu.memref_squeeze %dma_wait3A_1604 : memref<128x1x128xf32, #tpu.memory_space<hbm>> -> memref<128x128xf32, #tpu.memory_space<hbm>>
    tpu.wait_dma2 semaphore(%arg15 : memref<!tpu.dma_semaphore, #tpu.memory_space<semaphore_mem>>) src(%dma_wait3A_1605 : memref<128x128xf32, #tpu.memory_space<hbm>>) dst(%arg8 : memref<128x128xf32, #tpu.memory_space<vmem>>)
    %get3A_1606 = arith.constant 32 : index
    %get3A_1607 = tpu.vector_load %arg11[%get3A_1606] {strides = array<i32>} : memref<64xi32, #tpu.memory_space<vmem>>, vector<16xi32>,
    %get3A_1608 = vector.shape_cast %get3A_1607 : vector<16xi32> to vector<16xi32>
    %slice3A_1609 = vector.extract_strided_slice %get3A_1608 {offsets = [1], sizes = [1], strides = [1]} : vector<16xi32> to vector<1xi32>
    %squeeze3A_1610 = vector.extract %slice3A_1609[0] : i32 from vector<1xi32>
    %mul3A_1611 = arith.constant 4096 : i32
    %mul3A_1612 = arith.muli %squeeze3A_1610, %mul3A_1611 : i32
    %add3A_1613 = arith.addi %mul3A_1612, %mul3A_2 : i32
    %dma_start3A_1614 = arith.constant 0 : i32
    %dma_start3A_1615 = tpu.memref_slice %arg6[%add3A_1613, %dma_start3A_1614] : memref<450560x128xf32, #tpu.memory_space<hbm>> -> memref<128x128xf32, #tpu.memory_space<hbm>>
    %dma_start3A_1616 = arith.constant 0 : i32
    %dma_start3A_1617 = tpu.memref_slice %arg6[%add3A_1613, %dma_start3A_1616] : memref<450560x128xf32, #tpu.memory_space<hbm>> -> memref<128x128xf32, #tpu.memory_space<hbm>>
    tpu.enqueue_dma source(%arg8 : memref<128x128xf32, #tpu.memory_space<vmem>>) target(%dma_start3A_1617 : memref<128x128xf32, #tpu.memory_space<hbm>>) target_semaphore(%arg19 : memref<!tpu.dma_semaphore, #tpu.memory_space<semaphore_mem>>)
    %dma_wait3A_1618 = arith.constant 0 : i32
    %dma_wait3A_1619 = arith.constant 0 : i32
    %dma_wait3A_1620 = tpu.memref_slice %arg6[%dma_wait3A_1618, %dma_wait3A_1619] : memref<450560x128xf32, #tpu.memory_space<hbm>> -> memref<128x128xf32, #tpu.memory_space<hbm>>
    %dma_wait3A_1621 = arith.constant 0 : i32
    %dma_wait3A_1622 = arith.constant 0 : i32
    %dma_wait3A_1623 = tpu.memref_slice %arg6[%dma_wait3A_1621, %dma_wait3A_1622] : memref<450560x128xf32, #tpu.memory_space<hbm>> -> memref<128x128xf32, #tpu.memory_space<hbm>>
    tpu.wait_dma2 semaphore(%arg18 : memref<!tpu.dma_semaphore, #tpu.memory_space<semaphore_mem>>) src(%arg7 : memref<128x128xf32, #tpu.memory_space<vmem>>) dst(%dma_wait3A_1623 : memref<128x128xf32, #tpu.memory_space<hbm>>)
    %dma_start3A_1624 = arith.constant 36 : i32
    %dma_start3A_1625 = arith.constant 0 : i32
    %dma_start3A_1626 = tpu.memref_slice %arg2[%mul3A_2, %dma_start3A_1624, %dma_start3A_1625] : memref<4096x64x128xf32, #tpu.memory_space<hbm>> -> memref<128x1x128xf32, #tpu.memory_space<hbm>>
    %dma_start3A_1627 = tpu.memref_squeeze %dma_start3A_1626 : memref<128x1x128xf32, #tpu.memory_space<hbm>> -> memref<128x128xf32, #tpu.memory_space<hbm>>
    %dma_start3A_1628 = arith.constant 0 : i32
    %dma_start3A_1629 = tpu.memref_slice %arg2[%mul3A_2, %dma_start3A_1624, %dma_start3A_1628] : memref<4096x64x128xf32, #tpu.memory_space<hbm>> -> memref<128x1x128xf32, #tpu.memory_space<hbm>>
    %dma_start3A_1630 = tpu.memref_squeeze %dma_start3A_1629 : memref<128x1x128xf32, #tpu.memory_space<hbm>> -> memref<128x128xf32, #tpu.memory_space<hbm>>
    tpu.enqueue_dma source(%dma_start3A_1630 : memref<128x128xf32, #tpu.memory_space<hbm>>) target(%arg7 : memref<128x128xf32, #tpu.memory_space<vmem>>) target_semaphore(%arg14 : memref<!tpu.dma_semaphore, #tpu.memory_space<semaphore_mem>>)
    %dma_wait3A_1631 = arith.constant 0 : i32
    %dma_wait3A_1632 = arith.constant 0 : i32
    %dma_wait3A_1633 = arith.constant 0 : i32
    %dma_wait3A_1634 = tpu.memref_slice %arg2[%dma_wait3A_1632, %dma_wait3A_1631, %dma_wait3A_1633] : memref<4096x64x128xf32, #tpu.memory_space<hbm>> -> memref<128x1x128xf32, #tpu.memory_space<hbm>>
    %dma_wait3A_1635 = tpu.memref_squeeze %dma_wait3A_1634 : memref<128x1x128xf32, #tpu.memory_space<hbm>> -> memref<128x128xf32, #tpu.memory_space<hbm>>
    %dma_wait3A_1636 = arith.constant 0 : i32
    %dma_wait3A_1637 = arith.constant 0 : i32
    %dma_wait3A_1638 = tpu.memref_slice %arg2[%dma_wait3A_1636, %dma_wait3A_1631, %dma_wait3A_1637] : memref<4096x64x128xf32, #tpu.memory_space<hbm>> -> memref<128x1x128xf32, #tpu.memory_space<hbm>>
    %dma_wait3A_1639 = tpu.memref_squeeze %dma_wait3A_1638 : memref<128x1x128xf32, #tpu.memory_space<hbm>> -> memref<128x128xf32, #tpu.memory_space<hbm>>
    tpu.wait_dma2 semaphore(%arg16 : memref<!tpu.dma_semaphore, #tpu.memory_space<semaphore_mem>>) src(%dma_wait3A_1639 : memref<128x128xf32, #tpu.memory_space<hbm>>) dst(%arg9 : memref<128x128xf32, #tpu.memory_space<vmem>>)
    %get3A_1640 = arith.constant 32 : index
    %get3A_1641 = tpu.vector_load %arg11[%get3A_1640] {strides = array<i32>} : memref<64xi32, #tpu.memory_space<vmem>>, vector<16xi32>,
    %get3A_1642 = vector.shape_cast %get3A_1641 : vector<16xi32> to vector<16xi32>
    %slice3A_1643 = vector.extract_strided_slice %get3A_1642 {offsets = [2], sizes = [1], strides = [1]} : vector<16xi32> to vector<1xi32>
    %squeeze3A_1644 = vector.extract %slice3A_1643[0] : i32 from vector<1xi32>
    %mul3A_1645 = arith.constant 4096 : i32
    %mul3A_1646 = arith.muli %squeeze3A_1644, %mul3A_1645 : i32
    %add3A_1647 = arith.addi %mul3A_1646, %mul3A_2 : i32
    %dma_start3A_1648 = arith.constant 0 : i32
    %dma_start3A_1649 = tpu.memref_slice %arg6[%add3A_1647, %dma_start3A_1648] : memref<450560x128xf32, #tpu.memory_space<hbm>> -> memref<128x128xf32, #tpu.memory_space<hbm>>
    %dma_start3A_1650 = arith.constant 0 : i32
    %dma_start3A_1651 = tpu.memref_slice %arg6[%add3A_1647, %dma_start3A_1650] : memref<450560x128xf32, #tpu.memory_space<hbm>> -> memref<128x128xf32, #tpu.memory_space<hbm>>
    tpu.enqueue_dma source(%arg9 : memref<128x128xf32, #tpu.memory_space<vmem>>) target(%dma_start3A_1651 : memref<128x128xf32, #tpu.memory_space<hbm>>) target_semaphore(%arg20 : memref<!tpu.dma_semaphore, #tpu.memory_space<semaphore_mem>>)
    %dma_wait3A_1652 = arith.constant 0 : i32
    %dma_wait3A_1653 = arith.constant 0 : i32
    %dma_wait3A_1654 = tpu.memref_slice %arg6[%dma_wait3A_1652, %dma_wait3A_1653] : memref<450560x128xf32, #tpu.memory_space<hbm>> -> memref<128x128xf32, #tpu.memory_space<hbm>>
    %dma_wait3A_1655 = arith.constant 0 : i32
    %dma_wait3A_1656 = arith.constant 0 : i32
    %dma_wait3A_1657 = tpu.memref_slice %arg6[%dma_wait3A_1655, %dma_wait3A_1656] : memref<450560x128xf32, #tpu.memory_space<hbm>> -> memref<128x128xf32, #tpu.memory_space<hbm>>
    tpu.wait_dma2 semaphore(%arg19 : memref<!tpu.dma_semaphore, #tpu.memory_space<semaphore_mem>>) src(%arg8 : memref<128x128xf32, #tpu.memory_space<vmem>>) dst(%dma_wait3A_1657 : memref<128x128xf32, #tpu.memory_space<hbm>>)
    %dma_start3A_1658 = arith.constant 37 : i32
    %dma_start3A_1659 = arith.constant 0 : i32
    %dma_start3A_1660 = tpu.memref_slice %arg2[%mul3A_2, %dma_start3A_1658, %dma_start3A_1659] : memref<4096x64x128xf32, #tpu.memory_space<hbm>> -> memref<128x1x128xf32, #tpu.memory_space<hbm>>
    %dma_start3A_1661 = tpu.memref_squeeze %dma_start3A_1660 : memref<128x1x128xf32, #tpu.memory_space<hbm>> -> memref<128x128xf32, #tpu.memory_space<hbm>>
    %dma_start3A_1662 = arith.constant 0 : i32
    %dma_start3A_1663 = tpu.memref_slice %arg2[%mul3A_2, %dma_start3A_1658, %dma_start3A_1662] : memref<4096x64x128xf32, #tpu.memory_space<hbm>> -> memref<128x1x128xf32, #tpu.memory_space<hbm>>
    %dma_start3A_1664 = tpu.memref_squeeze %dma_start3A_1663 : memref<128x1x128xf32, #tpu.memory_space<hbm>> -> memref<128x128xf32, #tpu.memory_space<hbm>>
    tpu.enqueue_dma source(%dma_start3A_1664 : memref<128x128xf32, #tpu.memory_space<hbm>>) target(%arg8 : memref<128x128xf32, #tpu.memory_space<vmem>>) target_semaphore(%arg15 : memref<!tpu.dma_semaphore, #tpu.memory_space<semaphore_mem>>)
    %dma_wait3A_1665 = arith.constant 0 : i32
    %dma_wait3A_1666 = arith.constant 0 : i32
    %dma_wait3A_1667 = arith.constant 0 : i32
    %dma_wait3A_1668 = tpu.memref_slice %arg2[%dma_wait3A_1666, %dma_wait3A_1665, %dma_wait3A_1667] : memref<4096x64x128xf32, #tpu.memory_space<hbm>> -> memref<128x1x128xf32, #tpu.memory_space<hbm>>
    %dma_wait3A_1669 = tpu.memref_squeeze %dma_wait3A_1668 : memref<128x1x128xf32, #tpu.memory_space<hbm>> -> memref<128x128xf32, #tpu.memory_space<hbm>>
    %dma_wait3A_1670 = arith.constant 0 : i32
    %dma_wait3A_1671 = arith.constant 0 : i32
    %dma_wait3A_1672 = tpu.memref_slice %arg2[%dma_wait3A_1670, %dma_wait3A_1665, %dma_wait3A_1671] : memref<4096x64x128xf32, #tpu.memory_space<hbm>> -> memref<128x1x128xf32, #tpu.memory_space<hbm>>
    %dma_wait3A_1673 = tpu.memref_squeeze %dma_wait3A_1672 : memref<128x1x128xf32, #tpu.memory_space<hbm>> -> memref<128x128xf32, #tpu.memory_space<hbm>>
    tpu.wait_dma2 semaphore(%arg17 : memref<!tpu.dma_semaphore, #tpu.memory_space<semaphore_mem>>) src(%dma_wait3A_1673 : memref<128x128xf32, #tpu.memory_space<hbm>>) dst(%arg10 : memref<128x128xf32, #tpu.memory_space<vmem>>)
    %get3A_1674 = arith.constant 32 : index
    %get3A_1675 = tpu.vector_load %arg11[%get3A_1674] {strides = array<i32>} : memref<64xi32, #tpu.memory_space<vmem>>, vector<16xi32>,
    %get3A_1676 = vector.shape_cast %get3A_1675 : vector<16xi32> to vector<16xi32>
    %slice3A_1677 = vector.extract_strided_slice %get3A_1676 {offsets = [3], sizes = [1], strides = [1]} : vector<16xi32> to vector<1xi32>
    %squeeze3A_1678 = vector.extract %slice3A_1677[0] : i32 from vector<1xi32>
    %mul3A_1679 = arith.constant 4096 : i32
    %mul3A_1680 = arith.muli %squeeze3A_1678, %mul3A_1679 : i32
    %add3A_1681 = arith.addi %mul3A_1680, %mul3A_2 : i32
    %dma_start3A_1682 = arith.constant 0 : i32
    %dma_start3A_1683 = tpu.memref_slice %arg6[%add3A_1681, %dma_start3A_1682] : memref<450560x128xf32, #tpu.memory_space<hbm>> -> memref<128x128xf32, #tpu.memory_space<hbm>>
    %dma_start3A_1684 = arith.constant 0 : i32
    %dma_start3A_1685 = tpu.memref_slice %arg6[%add3A_1681, %dma_start3A_1684] : memref<450560x128xf32, #tpu.memory_space<hbm>> -> memref<128x128xf32, #tpu.memory_space<hbm>>
    tpu.enqueue_dma source(%arg10 : memref<128x128xf32, #tpu.memory_space<vmem>>) target(%dma_start3A_1685 : memref<128x128xf32, #tpu.memory_space<hbm>>) target_semaphore(%arg21 : memref<!tpu.dma_semaphore, #tpu.memory_space<semaphore_mem>>)
    %dma_wait3A_1686 = arith.constant 0 : i32
    %dma_wait3A_1687 = arith.constant 0 : i32
    %dma_wait3A_1688 = tpu.memref_slice %arg6[%dma_wait3A_1686, %dma_wait3A_1687] : memref<450560x128xf32, #tpu.memory_space<hbm>> -> memref<128x128xf32, #tpu.memory_space<hbm>>
    %dma_wait3A_1689 = arith.constant 0 : i32
    %dma_wait3A_1690 = arith.constant 0 : i32
    %dma_wait3A_1691 = tpu.memref_slice %arg6[%dma_wait3A_1689, %dma_wait3A_1690] : memref<450560x128xf32, #tpu.memory_space<hbm>> -> memref<128x128xf32, #tpu.memory_space<hbm>>
    tpu.wait_dma2 semaphore(%arg20 : memref<!tpu.dma_semaphore, #tpu.memory_space<semaphore_mem>>) src(%arg9 : memref<128x128xf32, #tpu.memory_space<vmem>>) dst(%dma_wait3A_1691 : memref<128x128xf32, #tpu.memory_space<hbm>>)
    %dma_start3A_1692 = arith.constant 38 : i32
    %dma_start3A_1693 = arith.constant 0 : i32
    %dma_start3A_1694 = tpu.memref_slice %arg2[%mul3A_2, %dma_start3A_1692, %dma_start3A_1693] : memref<4096x64x128xf32, #tpu.memory_space<hbm>> -> memref<128x1x128xf32, #tpu.memory_space<hbm>>
    %dma_start3A_1695 = tpu.memref_squeeze %dma_start3A_1694 : memref<128x1x128xf32, #tpu.memory_space<hbm>> -> memref<128x128xf32, #tpu.memory_space<hbm>>
    %dma_start3A_1696 = arith.constant 0 : i32
    %dma_start3A_1697 = tpu.memref_slice %arg2[%mul3A_2, %dma_start3A_1692, %dma_start3A_1696] : memref<4096x64x128xf32, #tpu.memory_space<hbm>> -> memref<128x1x128xf32, #tpu.memory_space<hbm>>
    %dma_start3A_1698 = tpu.memref_squeeze %dma_start3A_1697 : memref<128x1x128xf32, #tpu.memory_space<hbm>> -> memref<128x128xf32, #tpu.memory_space<hbm>>
    tpu.enqueue_dma source(%dma_start3A_1698 : memref<128x128xf32, #tpu.memory_space<hbm>>) target(%arg9 : memref<128x128xf32, #tpu.memory_space<vmem>>) target_semaphore(%arg16 : memref<!tpu.dma_semaphore, #tpu.memory_space<semaphore_mem>>)
    %dma_wait3A_1699 = arith.constant 0 : i32
    %dma_wait3A_1700 = arith.constant 0 : i32
    %dma_wait3A_1701 = arith.constant 0 : i32
    %dma_wait3A_1702 = tpu.memref_slice %arg2[%dma_wait3A_1700, %dma_wait3A_1699, %dma_wait3A_1701] : memref<4096x64x128xf32, #tpu.memory_space<hbm>> -> memref<128x1x128xf32, #tpu.memory_space<hbm>>
    %dma_wait3A_1703 = tpu.memref_squeeze %dma_wait3A_1702 : memref<128x1x128xf32, #tpu.memory_space<hbm>> -> memref<128x128xf32, #tpu.memory_space<hbm>>
    %dma_wait3A_1704 = arith.constant 0 : i32
    %dma_wait3A_1705 = arith.constant 0 : i32
    %dma_wait3A_1706 = tpu.memref_slice %arg2[%dma_wait3A_1704, %dma_wait3A_1699, %dma_wait3A_1705] : memref<4096x64x128xf32, #tpu.memory_space<hbm>> -> memref<128x1x128xf32, #tpu.memory_space<hbm>>
    %dma_wait3A_1707 = tpu.memref_squeeze %dma_wait3A_1706 : memref<128x1x128xf32, #tpu.memory_space<hbm>> -> memref<128x128xf32, #tpu.memory_space<hbm>>
    tpu.wait_dma2 semaphore(%arg14 : memref<!tpu.dma_semaphore, #tpu.memory_space<semaphore_mem>>) src(%dma_wait3A_1707 : memref<128x128xf32, #tpu.memory_space<hbm>>) dst(%arg7 : memref<128x128xf32, #tpu.memory_space<vmem>>)
    %get3A_1708 = arith.constant 32 : index
    %get3A_1709 = tpu.vector_load %arg11[%get3A_1708] {strides = array<i32>} : memref<64xi32, #tpu.memory_space<vmem>>, vector<16xi32>,
    %get3A_1710 = vector.shape_cast %get3A_1709 : vector<16xi32> to vector<16xi32>
    %slice3A_1711 = vector.extract_strided_slice %get3A_1710 {offsets = [4], sizes = [1], strides = [1]} : vector<16xi32> to vector<1xi32>
    %squeeze3A_1712 = vector.extract %slice3A_1711[0] : i32 from vector<1xi32>
    %mul3A_1713 = arith.constant 4096 : i32
    %mul3A_1714 = arith.muli %squeeze3A_1712, %mul3A_1713 : i32
    %add3A_1715 = arith.addi %mul3A_1714, %mul3A_2 : i32
    %dma_start3A_1716 = arith.constant 0 : i32
    %dma_start3A_1717 = tpu.memref_slice %arg6[%add3A_1715, %dma_start3A_1716] : memref<450560x128xf32, #tpu.memory_space<hbm>> -> memref<128x128xf32, #tpu.memory_space<hbm>>
    %dma_start3A_1718 = arith.constant 0 : i32
    %dma_start3A_1719 = tpu.memref_slice %arg6[%add3A_1715, %dma_start3A_1718] : memref<450560x128xf32, #tpu.memory_space<hbm>> -> memref<128x128xf32, #tpu.memory_space<hbm>>
    tpu.enqueue_dma source(%arg7 : memref<128x128xf32, #tpu.memory_space<vmem>>) target(%dma_start3A_1719 : memref<128x128xf32, #tpu.memory_space<hbm>>) target_semaphore(%arg18 : memref<!tpu.dma_semaphore, #tpu.memory_space<semaphore_mem>>)
    %dma_wait3A_1720 = arith.constant 0 : i32
    %dma_wait3A_1721 = arith.constant 0 : i32
    %dma_wait3A_1722 = tpu.memref_slice %arg6[%dma_wait3A_1720, %dma_wait3A_1721] : memref<450560x128xf32, #tpu.memory_space<hbm>> -> memref<128x128xf32, #tpu.memory_space<hbm>>
    %dma_wait3A_1723 = arith.constant 0 : i32
    %dma_wait3A_1724 = arith.constant 0 : i32
    %dma_wait3A_1725 = tpu.memref_slice %arg6[%dma_wait3A_1723, %dma_wait3A_1724] : memref<450560x128xf32, #tpu.memory_space<hbm>> -> memref<128x128xf32, #tpu.memory_space<hbm>>
    tpu.wait_dma2 semaphore(%arg21 : memref<!tpu.dma_semaphore, #tpu.memory_space<semaphore_mem>>) src(%arg10 : memref<128x128xf32, #tpu.memory_space<vmem>>) dst(%dma_wait3A_1725 : memref<128x128xf32, #tpu.memory_space<hbm>>)
    %dma_start3A_1726 = arith.constant 39 : i32
    %dma_start3A_1727 = arith.constant 0 : i32
    %dma_start3A_1728 = tpu.memref_slice %arg2[%mul3A_2, %dma_start3A_1726, %dma_start3A_1727] : memref<4096x64x128xf32, #tpu.memory_space<hbm>> -> memref<128x1x128xf32, #tpu.memory_space<hbm>>
    %dma_start3A_1729 = tpu.memref_squeeze %dma_start3A_1728 : memref<128x1x128xf32, #tpu.memory_space<hbm>> -> memref<128x128xf32, #tpu.memory_space<hbm>>
    %dma_start3A_1730 = arith.constant 0 : i32
    %dma_start3A_1731 = tpu.memref_slice %arg2[%mul3A_2, %dma_start3A_1726, %dma_start3A_1730] : memref<4096x64x128xf32, #tpu.memory_space<hbm>> -> memref<128x1x128xf32, #tpu.memory_space<hbm>>
    %dma_start3A_1732 = tpu.memref_squeeze %dma_start3A_1731 : memref<128x1x128xf32, #tpu.memory_space<hbm>> -> memref<128x128xf32, #tpu.memory_space<hbm>>
    tpu.enqueue_dma source(%dma_start3A_1732 : memref<128x128xf32, #tpu.memory_space<hbm>>) target(%arg10 : memref<128x128xf32, #tpu.memory_space<vmem>>) target_semaphore(%arg17 : memref<!tpu.dma_semaphore, #tpu.memory_space<semaphore_mem>>)
    %dma_wait3A_1733 = arith.constant 0 : i32
    %dma_wait3A_1734 = arith.constant 0 : i32
    %dma_wait3A_1735 = arith.constant 0 : i32
    %dma_wait3A_1736 = tpu.memref_slice %arg2[%dma_wait3A_1734, %dma_wait3A_1733, %dma_wait3A_1735] : memref<4096x64x128xf32, #tpu.memory_space<hbm>> -> memref<128x1x128xf32, #tpu.memory_space<hbm>>
    %dma_wait3A_1737 = tpu.memref_squeeze %dma_wait3A_1736 : memref<128x1x128xf32, #tpu.memory_space<hbm>> -> memref<128x128xf32, #tpu.memory_space<hbm>>
    %dma_wait3A_1738 = arith.constant 0 : i32
    %dma_wait3A_1739 = arith.constant 0 : i32
    %dma_wait3A_1740 = tpu.memref_slice %arg2[%dma_wait3A_1738, %dma_wait3A_1733, %dma_wait3A_1739] : memref<4096x64x128xf32, #tpu.memory_space<hbm>> -> memref<128x1x128xf32, #tpu.memory_space<hbm>>
    %dma_wait3A_1741 = tpu.memref_squeeze %dma_wait3A_1740 : memref<128x1x128xf32, #tpu.memory_space<hbm>> -> memref<128x128xf32, #tpu.memory_space<hbm>>
    tpu.wait_dma2 semaphore(%arg15 : memref<!tpu.dma_semaphore, #tpu.memory_space<semaphore_mem>>) src(%dma_wait3A_1741 : memref<128x128xf32, #tpu.memory_space<hbm>>) dst(%arg8 : memref<128x128xf32, #tpu.memory_space<vmem>>)
    %get3A_1742 = arith.constant 32 : index
    %get3A_1743 = tpu.vector_load %arg11[%get3A_1742] {strides = array<i32>} : memref<64xi32, #tpu.memory_space<vmem>>, vector<16xi32>,
    %get3A_1744 = vector.shape_cast %get3A_1743 : vector<16xi32> to vector<16xi32>
    %slice3A_1745 = vector.extract_strided_slice %get3A_1744 {offsets = [5], sizes = [1], strides = [1]} : vector<16xi32> to vector<1xi32>
    %squeeze3A_1746 = vector.extract %slice3A_1745[0] : i32 from vector<1xi32>
    %mul3A_1747 = arith.constant 4096 : i32
    %mul3A_1748 = arith.muli %squeeze3A_1746, %mul3A_1747 : i32
    %add3A_1749 = arith.addi %mul3A_1748, %mul3A_2 : i32
    %dma_start3A_1750 = arith.constant 0 : i32
    %dma_start3A_1751 = tpu.memref_slice %arg6[%add3A_1749, %dma_start3A_1750] : memref<450560x128xf32, #tpu.memory_space<hbm>> -> memref<128x128xf32, #tpu.memory_space<hbm>>
    %dma_start3A_1752 = arith.constant 0 : i32
    %dma_start3A_1753 = tpu.memref_slice %arg6[%add3A_1749, %dma_start3A_1752] : memref<450560x128xf32, #tpu.memory_space<hbm>> -> memref<128x128xf32, #tpu.memory_space<hbm>>
    tpu.enqueue_dma source(%arg8 : memref<128x128xf32, #tpu.memory_space<vmem>>) target(%dma_start3A_1753 : memref<128x128xf32, #tpu.memory_space<hbm>>) target_semaphore(%arg19 : memref<!tpu.dma_semaphore, #tpu.memory_space<semaphore_mem>>)
    %dma_wait3A_1754 = arith.constant 0 : i32
    %dma_wait3A_1755 = arith.constant 0 : i32
    %dma_wait3A_1756 = tpu.memref_slice %arg6[%dma_wait3A_1754, %dma_wait3A_1755] : memref<450560x128xf32, #tpu.memory_space<hbm>> -> memref<128x128xf32, #tpu.memory_space<hbm>>
    %dma_wait3A_1757 = arith.constant 0 : i32
    %dma_wait3A_1758 = arith.constant 0 : i32
    %dma_wait3A_1759 = tpu.memref_slice %arg6[%dma_wait3A_1757, %dma_wait3A_1758] : memref<450560x128xf32, #tpu.memory_space<hbm>> -> memref<128x128xf32, #tpu.memory_space<hbm>>
    tpu.wait_dma2 semaphore(%arg18 : memref<!tpu.dma_semaphore, #tpu.memory_space<semaphore_mem>>) src(%arg7 : memref<128x128xf32, #tpu.memory_space<vmem>>) dst(%dma_wait3A_1759 : memref<128x128xf32, #tpu.memory_space<hbm>>)
    %dma_start3A_1760 = arith.constant 40 : i32
    %dma_start3A_1761 = arith.constant 0 : i32
    %dma_start3A_1762 = tpu.memref_slice %arg2[%mul3A_2, %dma_start3A_1760, %dma_start3A_1761] : memref<4096x64x128xf32, #tpu.memory_space<hbm>> -> memref<128x1x128xf32, #tpu.memory_space<hbm>>
    %dma_start3A_1763 = tpu.memref_squeeze %dma_start3A_1762 : memref<128x1x128xf32, #tpu.memory_space<hbm>> -> memref<128x128xf32, #tpu.memory_space<hbm>>
    %dma_start3A_1764 = arith.constant 0 : i32
    %dma_start3A_1765 = tpu.memref_slice %arg2[%mul3A_2, %dma_start3A_1760, %dma_start3A_1764] : memref<4096x64x128xf32, #tpu.memory_space<hbm>> -> memref<128x1x128xf32, #tpu.memory_space<hbm>>
    %dma_start3A_1766 = tpu.memref_squeeze %dma_start3A_1765 : memref<128x1x128xf32, #tpu.memory_space<hbm>> -> memref<128x128xf32, #tpu.memory_space<hbm>>
    tpu.enqueue_dma source(%dma_start3A_1766 : memref<128x128xf32, #tpu.memory_space<hbm>>) target(%arg7 : memref<128x128xf32, #tpu.memory_space<vmem>>) target_semaphore(%arg14 : memref<!tpu.dma_semaphore, #tpu.memory_space<semaphore_mem>>)
    %dma_wait3A_1767 = arith.constant 0 : i32
    %dma_wait3A_1768 = arith.constant 0 : i32
    %dma_wait3A_1769 = arith.constant 0 : i32
    %dma_wait3A_1770 = tpu.memref_slice %arg2[%dma_wait3A_1768, %dma_wait3A_1767, %dma_wait3A_1769] : memref<4096x64x128xf32, #tpu.memory_space<hbm>> -> memref<128x1x128xf32, #tpu.memory_space<hbm>>
    %dma_wait3A_1771 = tpu.memref_squeeze %dma_wait3A_1770 : memref<128x1x128xf32, #tpu.memory_space<hbm>> -> memref<128x128xf32, #tpu.memory_space<hbm>>
    %dma_wait3A_1772 = arith.constant 0 : i32
    %dma_wait3A_1773 = arith.constant 0 : i32
    %dma_wait3A_1774 = tpu.memref_slice %arg2[%dma_wait3A_1772, %dma_wait3A_1767, %dma_wait3A_1773] : memref<4096x64x128xf32, #tpu.memory_space<hbm>> -> memref<128x1x128xf32, #tpu.memory_space<hbm>>
    %dma_wait3A_1775 = tpu.memref_squeeze %dma_wait3A_1774 : memref<128x1x128xf32, #tpu.memory_space<hbm>> -> memref<128x128xf32, #tpu.memory_space<hbm>>
    tpu.wait_dma2 semaphore(%arg16 : memref<!tpu.dma_semaphore, #tpu.memory_space<semaphore_mem>>) src(%dma_wait3A_1775 : memref<128x128xf32, #tpu.memory_space<hbm>>) dst(%arg9 : memref<128x128xf32, #tpu.memory_space<vmem>>)
    %get3A_1776 = arith.constant 32 : index
    %get3A_1777 = tpu.vector_load %arg11[%get3A_1776] {strides = array<i32>} : memref<64xi32, #tpu.memory_space<vmem>>, vector<16xi32>,
    %get3A_1778 = vector.shape_cast %get3A_1777 : vector<16xi32> to vector<16xi32>
    %slice3A_1779 = vector.extract_strided_slice %get3A_1778 {offsets = [6], sizes = [1], strides = [1]} : vector<16xi32> to vector<1xi32>
    %squeeze3A_1780 = vector.extract %slice3A_1779[0] : i32 from vector<1xi32>
    %mul3A_1781 = arith.constant 4096 : i32
    %mul3A_1782 = arith.muli %squeeze3A_1780, %mul3A_1781 : i32
    %add3A_1783 = arith.addi %mul3A_1782, %mul3A_2 : i32
    %dma_start3A_1784 = arith.constant 0 : i32
    %dma_start3A_1785 = tpu.memref_slice %arg6[%add3A_1783, %dma_start3A_1784] : memref<450560x128xf32, #tpu.memory_space<hbm>> -> memref<128x128xf32, #tpu.memory_space<hbm>>
    %dma_start3A_1786 = arith.constant 0 : i32
    %dma_start3A_1787 = tpu.memref_slice %arg6[%add3A_1783, %dma_start3A_1786] : memref<450560x128xf32, #tpu.memory_space<hbm>> -> memref<128x128xf32, #tpu.memory_space<hbm>>
    tpu.enqueue_dma source(%arg9 : memref<128x128xf32, #tpu.memory_space<vmem>>) target(%dma_start3A_1787 : memref<128x128xf32, #tpu.memory_space<hbm>>) target_semaphore(%arg20 : memref<!tpu.dma_semaphore, #tpu.memory_space<semaphore_mem>>)
    %dma_wait3A_1788 = arith.constant 0 : i32
    %dma_wait3A_1789 = arith.constant 0 : i32
    %dma_wait3A_1790 = tpu.memref_slice %arg6[%dma_wait3A_1788, %dma_wait3A_1789] : memref<450560x128xf32, #tpu.memory_space<hbm>> -> memref<128x128xf32, #tpu.memory_space<hbm>>
    %dma_wait3A_1791 = arith.constant 0 : i32
    %dma_wait3A_1792 = arith.constant 0 : i32
    %dma_wait3A_1793 = tpu.memref_slice %arg6[%dma_wait3A_1791, %dma_wait3A_1792] : memref<450560x128xf32, #tpu.memory_space<hbm>> -> memref<128x128xf32, #tpu.memory_space<hbm>>
    tpu.wait_dma2 semaphore(%arg19 : memref<!tpu.dma_semaphore, #tpu.memory_space<semaphore_mem>>) src(%arg8 : memref<128x128xf32, #tpu.memory_space<vmem>>) dst(%dma_wait3A_1793 : memref<128x128xf32, #tpu.memory_space<hbm>>)
    %dma_start3A_1794 = arith.constant 41 : i32
    %dma_start3A_1795 = arith.constant 0 : i32
    %dma_start3A_1796 = tpu.memref_slice %arg2[%mul3A_2, %dma_start3A_1794, %dma_start3A_1795] : memref<4096x64x128xf32, #tpu.memory_space<hbm>> -> memref<128x1x128xf32, #tpu.memory_space<hbm>>
    %dma_start3A_1797 = tpu.memref_squeeze %dma_start3A_1796 : memref<128x1x128xf32, #tpu.memory_space<hbm>> -> memref<128x128xf32, #tpu.memory_space<hbm>>
    %dma_start3A_1798 = arith.constant 0 : i32
    %dma_start3A_1799 = tpu.memref_slice %arg2[%mul3A_2, %dma_start3A_1794, %dma_start3A_1798] : memref<4096x64x128xf32, #tpu.memory_space<hbm>> -> memref<128x1x128xf32, #tpu.memory_space<hbm>>
    %dma_start3A_1800 = tpu.memref_squeeze %dma_start3A_1799 : memref<128x1x128xf32, #tpu.memory_space<hbm>> -> memref<128x128xf32, #tpu.memory_space<hbm>>
    tpu.enqueue_dma source(%dma_start3A_1800 : memref<128x128xf32, #tpu.memory_space<hbm>>) target(%arg8 : memref<128x128xf32, #tpu.memory_space<vmem>>) target_semaphore(%arg15 : memref<!tpu.dma_semaphore, #tpu.memory_space<semaphore_mem>>)
    %dma_wait3A_1801 = arith.constant 0 : i32
    %dma_wait3A_1802 = arith.constant 0 : i32
    %dma_wait3A_1803 = arith.constant 0 : i32
    %dma_wait3A_1804 = tpu.memref_slice %arg2[%dma_wait3A_1802, %dma_wait3A_1801, %dma_wait3A_1803] : memref<4096x64x128xf32, #tpu.memory_space<hbm>> -> memref<128x1x128xf32, #tpu.memory_space<hbm>>
    %dma_wait3A_1805 = tpu.memref_squeeze %dma_wait3A_1804 : memref<128x1x128xf32, #tpu.memory_space<hbm>> -> memref<128x128xf32, #tpu.memory_space<hbm>>
    %dma_wait3A_1806 = arith.constant 0 : i32
    %dma_wait3A_1807 = arith.constant 0 : i32
    %dma_wait3A_1808 = tpu.memref_slice %arg2[%dma_wait3A_1806, %dma_wait3A_1801, %dma_wait3A_1807] : memref<4096x64x128xf32, #tpu.memory_space<hbm>> -> memref<128x1x128xf32, #tpu.memory_space<hbm>>
    %dma_wait3A_1809 = tpu.memref_squeeze %dma_wait3A_1808 : memref<128x1x128xf32, #tpu.memory_space<hbm>> -> memref<128x128xf32, #tpu.memory_space<hbm>>
    tpu.wait_dma2 semaphore(%arg17 : memref<!tpu.dma_semaphore, #tpu.memory_space<semaphore_mem>>) src(%dma_wait3A_1809 : memref<128x128xf32, #tpu.memory_space<hbm>>) dst(%arg10 : memref<128x128xf32, #tpu.memory_space<vmem>>)
    %get3A_1810 = arith.constant 32 : index
    %get3A_1811 = tpu.vector_load %arg11[%get3A_1810] {strides = array<i32>} : memref<64xi32, #tpu.memory_space<vmem>>, vector<16xi32>,
    %get3A_1812 = vector.shape_cast %get3A_1811 : vector<16xi32> to vector<16xi32>
    %slice3A_1813 = vector.extract_strided_slice %get3A_1812 {offsets = [7], sizes = [1], strides = [1]} : vector<16xi32> to vector<1xi32>
    %squeeze3A_1814 = vector.extract %slice3A_1813[0] : i32 from vector<1xi32>
    %mul3A_1815 = arith.constant 4096 : i32
    %mul3A_1816 = arith.muli %squeeze3A_1814, %mul3A_1815 : i32
    %add3A_1817 = arith.addi %mul3A_1816, %mul3A_2 : i32
    %dma_start3A_1818 = arith.constant 0 : i32
    %dma_start3A_1819 = tpu.memref_slice %arg6[%add3A_1817, %dma_start3A_1818] : memref<450560x128xf32, #tpu.memory_space<hbm>> -> memref<128x128xf32, #tpu.memory_space<hbm>>
    %dma_start3A_1820 = arith.constant 0 : i32
    %dma_start3A_1821 = tpu.memref_slice %arg6[%add3A_1817, %dma_start3A_1820] : memref<450560x128xf32, #tpu.memory_space<hbm>> -> memref<128x128xf32, #tpu.memory_space<hbm>>
    tpu.enqueue_dma source(%arg10 : memref<128x128xf32, #tpu.memory_space<vmem>>) target(%dma_start3A_1821 : memref<128x128xf32, #tpu.memory_space<hbm>>) target_semaphore(%arg21 : memref<!tpu.dma_semaphore, #tpu.memory_space<semaphore_mem>>)
    %dma_wait3A_1822 = arith.constant 0 : i32
    %dma_wait3A_1823 = arith.constant 0 : i32
    %dma_wait3A_1824 = tpu.memref_slice %arg6[%dma_wait3A_1822, %dma_wait3A_1823] : memref<450560x128xf32, #tpu.memory_space<hbm>> -> memref<128x128xf32, #tpu.memory_space<hbm>>
    %dma_wait3A_1825 = arith.constant 0 : i32
    %dma_wait3A_1826 = arith.constant 0 : i32
    %dma_wait3A_1827 = tpu.memref_slice %arg6[%dma_wait3A_1825, %dma_wait3A_1826] : memref<450560x128xf32, #tpu.memory_space<hbm>> -> memref<128x128xf32, #tpu.memory_space<hbm>>
    tpu.wait_dma2 semaphore(%arg20 : memref<!tpu.dma_semaphore, #tpu.memory_space<semaphore_mem>>) src(%arg9 : memref<128x128xf32, #tpu.memory_space<vmem>>) dst(%dma_wait3A_1827 : memref<128x128xf32, #tpu.memory_space<hbm>>)
    %dma_start3A_1828 = arith.constant 42 : i32
    %dma_start3A_1829 = arith.constant 0 : i32
    %dma_start3A_1830 = tpu.memref_slice %arg2[%mul3A_2, %dma_start3A_1828, %dma_start3A_1829] : memref<4096x64x128xf32, #tpu.memory_space<hbm>> -> memref<128x1x128xf32, #tpu.memory_space<hbm>>
    %dma_start3A_1831 = tpu.memref_squeeze %dma_start3A_1830 : memref<128x1x128xf32, #tpu.memory_space<hbm>> -> memref<128x128xf32, #tpu.memory_space<hbm>>
    %dma_start3A_1832 = arith.constant 0 : i32
    %dma_start3A_1833 = tpu.memref_slice %arg2[%mul3A_2, %dma_start3A_1828, %dma_start3A_1832] : memref<4096x64x128xf32, #tpu.memory_space<hbm>> -> memref<128x1x128xf32, #tpu.memory_space<hbm>>
    %dma_start3A_1834 = tpu.memref_squeeze %dma_start3A_1833 : memref<128x1x128xf32, #tpu.memory_space<hbm>> -> memref<128x128xf32, #tpu.memory_space<hbm>>
    tpu.enqueue_dma source(%dma_start3A_1834 : memref<128x128xf32, #tpu.memory_space<hbm>>) target(%arg9 : memref<128x128xf32, #tpu.memory_space<vmem>>) target_semaphore(%arg16 : memref<!tpu.dma_semaphore, #tpu.memory_space<semaphore_mem>>)
    %dma_wait3A_1835 = arith.constant 0 : i32
    %dma_wait3A_1836 = arith.constant 0 : i32
    %dma_wait3A_1837 = arith.constant 0 : i32
    %dma_wait3A_1838 = tpu.memref_slice %arg2[%dma_wait3A_1836, %dma_wait3A_1835, %dma_wait3A_1837] : memref<4096x64x128xf32, #tpu.memory_space<hbm>> -> memref<128x1x128xf32, #tpu.memory_space<hbm>>
    %dma_wait3A_1839 = tpu.memref_squeeze %dma_wait3A_1838 : memref<128x1x128xf32, #tpu.memory_space<hbm>> -> memref<128x128xf32, #tpu.memory_space<hbm>>
    %dma_wait3A_1840 = arith.constant 0 : i32
    %dma_wait3A_1841 = arith.constant 0 : i32
    %dma_wait3A_1842 = tpu.memref_slice %arg2[%dma_wait3A_1840, %dma_wait3A_1835, %dma_wait3A_1841] : memref<4096x64x128xf32, #tpu.memory_space<hbm>> -> memref<128x1x128xf32, #tpu.memory_space<hbm>>
    %dma_wait3A_1843 = tpu.memref_squeeze %dma_wait3A_1842 : memref<128x1x128xf32, #tpu.memory_space<hbm>> -> memref<128x128xf32, #tpu.memory_space<hbm>>
    tpu.wait_dma2 semaphore(%arg14 : memref<!tpu.dma_semaphore, #tpu.memory_space<semaphore_mem>>) src(%dma_wait3A_1843 : memref<128x128xf32, #tpu.memory_space<hbm>>) dst(%arg7 : memref<128x128xf32, #tpu.memory_space<vmem>>)
    %get3A_1844 = arith.constant 32 : index
    %get3A_1845 = tpu.vector_load %arg11[%get3A_1844] {strides = array<i32>} : memref<64xi32, #tpu.memory_space<vmem>>, vector<16xi32>,
    %get3A_1846 = vector.shape_cast %get3A_1845 : vector<16xi32> to vector<16xi32>
    %slice3A_1847 = vector.extract_strided_slice %get3A_1846 {offsets = [8], sizes = [1], strides = [1]} : vector<16xi32> to vector<1xi32>
    %squeeze3A_1848 = vector.extract %slice3A_1847[0] : i32 from vector<1xi32>
    %mul3A_1849 = arith.constant 4096 : i32
    %mul3A_1850 = arith.muli %squeeze3A_1848, %mul3A_1849 : i32
    %add3A_1851 = arith.addi %mul3A_1850, %mul3A_2 : i32
    %dma_start3A_1852 = arith.constant 0 : i32
    %dma_start3A_1853 = tpu.memref_slice %arg6[%add3A_1851, %dma_start3A_1852] : memref<450560x128xf32, #tpu.memory_space<hbm>> -> memref<128x128xf32, #tpu.memory_space<hbm>>
    %dma_start3A_1854 = arith.constant 0 : i32
    %dma_start3A_1855 = tpu.memref_slice %arg6[%add3A_1851, %dma_start3A_1854] : memref<450560x128xf32, #tpu.memory_space<hbm>> -> memref<128x128xf32, #tpu.memory_space<hbm>>
    tpu.enqueue_dma source(%arg7 : memref<128x128xf32, #tpu.memory_space<vmem>>) target(%dma_start3A_1855 : memref<128x128xf32, #tpu.memory_space<hbm>>) target_semaphore(%arg18 : memref<!tpu.dma_semaphore, #tpu.memory_space<semaphore_mem>>)
    %dma_wait3A_1856 = arith.constant 0 : i32
    %dma_wait3A_1857 = arith.constant 0 : i32
    %dma_wait3A_1858 = tpu.memref_slice %arg6[%dma_wait3A_1856, %dma_wait3A_1857] : memref<450560x128xf32, #tpu.memory_space<hbm>> -> memref<128x128xf32, #tpu.memory_space<hbm>>
    %dma_wait3A_1859 = arith.constant 0 : i32
    %dma_wait3A_1860 = arith.constant 0 : i32
    %dma_wait3A_1861 = tpu.memref_slice %arg6[%dma_wait3A_1859, %dma_wait3A_1860] : memref<450560x128xf32, #tpu.memory_space<hbm>> -> memref<128x128xf32, #tpu.memory_space<hbm>>
    tpu.wait_dma2 semaphore(%arg21 : memref<!tpu.dma_semaphore, #tpu.memory_space<semaphore_mem>>) src(%arg10 : memref<128x128xf32, #tpu.memory_space<vmem>>) dst(%dma_wait3A_1861 : memref<128x128xf32, #tpu.memory_space<hbm>>)
    %dma_start3A_1862 = arith.constant 43 : i32
    %dma_start3A_1863 = arith.constant 0 : i32
    %dma_start3A_1864 = tpu.memref_slice %arg2[%mul3A_2, %dma_start3A_1862, %dma_start3A_1863] : memref<4096x64x128xf32, #tpu.memory_space<hbm>> -> memref<128x1x128xf32, #tpu.memory_space<hbm>>
    %dma_start3A_1865 = tpu.memref_squeeze %dma_start3A_1864 : memref<128x1x128xf32, #tpu.memory_space<hbm>> -> memref<128x128xf32, #tpu.memory_space<hbm>>
    %dma_start3A_1866 = arith.constant 0 : i32
    %dma_start3A_1867 = tpu.memref_slice %arg2[%mul3A_2, %dma_start3A_1862, %dma_start3A_1866] : memref<4096x64x128xf32, #tpu.memory_space<hbm>> -> memref<128x1x128xf32, #tpu.memory_space<hbm>>
    %dma_start3A_1868 = tpu.memref_squeeze %dma_start3A_1867 : memref<128x1x128xf32, #tpu.memory_space<hbm>> -> memref<128x128xf32, #tpu.memory_space<hbm>>
    tpu.enqueue_dma source(%dma_start3A_1868 : memref<128x128xf32, #tpu.memory_space<hbm>>) target(%arg10 : memref<128x128xf32, #tpu.memory_space<vmem>>) target_semaphore(%arg17 : memref<!tpu.dma_semaphore, #tpu.memory_space<semaphore_mem>>)
    %dma_wait3A_1869 = arith.constant 0 : i32
    %dma_wait3A_1870 = arith.constant 0 : i32
    %dma_wait3A_1871 = arith.constant 0 : i32
    %dma_wait3A_1872 = tpu.memref_slice %arg2[%dma_wait3A_1870, %dma_wait3A_1869, %dma_wait3A_1871] : memref<4096x64x128xf32, #tpu.memory_space<hbm>> -> memref<128x1x128xf32, #tpu.memory_space<hbm>>
    %dma_wait3A_1873 = tpu.memref_squeeze %dma_wait3A_1872 : memref<128x1x128xf32, #tpu.memory_space<hbm>> -> memref<128x128xf32, #tpu.memory_space<hbm>>
    %dma_wait3A_1874 = arith.constant 0 : i32
    %dma_wait3A_1875 = arith.constant 0 : i32
    %dma_wait3A_1876 = tpu.memref_slice %arg2[%dma_wait3A_1874, %dma_wait3A_1869, %dma_wait3A_1875] : memref<4096x64x128xf32, #tpu.memory_space<hbm>> -> memref<128x1x128xf32, #tpu.memory_space<hbm>>
    %dma_wait3A_1877 = tpu.memref_squeeze %dma_wait3A_1876 : memref<128x1x128xf32, #tpu.memory_space<hbm>> -> memref<128x128xf32, #tpu.memory_space<hbm>>
    tpu.wait_dma2 semaphore(%arg15 : memref<!tpu.dma_semaphore, #tpu.memory_space<semaphore_mem>>) src(%dma_wait3A_1877 : memref<128x128xf32, #tpu.memory_space<hbm>>) dst(%arg8 : memref<128x128xf32, #tpu.memory_space<vmem>>)
    %get3A_1878 = arith.constant 32 : index
    %get3A_1879 = tpu.vector_load %arg11[%get3A_1878] {strides = array<i32>} : memref<64xi32, #tpu.memory_space<vmem>>, vector<16xi32>,
    %get3A_1880 = vector.shape_cast %get3A_1879 : vector<16xi32> to vector<16xi32>
    %slice3A_1881 = vector.extract_strided_slice %get3A_1880 {offsets = [9], sizes = [1], strides = [1]} : vector<16xi32> to vector<1xi32>
    %squeeze3A_1882 = vector.extract %slice3A_1881[0] : i32 from vector<1xi32>
    %mul3A_1883 = arith.constant 4096 : i32
    %mul3A_1884 = arith.muli %squeeze3A_1882, %mul3A_1883 : i32
    %add3A_1885 = arith.addi %mul3A_1884, %mul3A_2 : i32
    %dma_start3A_1886 = arith.constant 0 : i32
    %dma_start3A_1887 = tpu.memref_slice %arg6[%add3A_1885, %dma_start3A_1886] : memref<450560x128xf32, #tpu.memory_space<hbm>> -> memref<128x128xf32, #tpu.memory_space<hbm>>
    %dma_start3A_1888 = arith.constant 0 : i32
    %dma_start3A_1889 = tpu.memref_slice %arg6[%add3A_1885, %dma_start3A_1888] : memref<450560x128xf32, #tpu.memory_space<hbm>> -> memref<128x128xf32, #tpu.memory_space<hbm>>
    tpu.enqueue_dma source(%arg8 : memref<128x128xf32, #tpu.memory_space<vmem>>) target(%dma_start3A_1889 : memref<128x128xf32, #tpu.memory_space<hbm>>) target_semaphore(%arg19 : memref<!tpu.dma_semaphore, #tpu.memory_space<semaphore_mem>>)
    %dma_wait3A_1890 = arith.constant 0 : i32
    %dma_wait3A_1891 = arith.constant 0 : i32
    %dma_wait3A_1892 = tpu.memref_slice %arg6[%dma_wait3A_1890, %dma_wait3A_1891] : memref<450560x128xf32, #tpu.memory_space<hbm>> -> memref<128x128xf32, #tpu.memory_space<hbm>>
    %dma_wait3A_1893 = arith.constant 0 : i32
    %dma_wait3A_1894 = arith.constant 0 : i32
    %dma_wait3A_1895 = tpu.memref_slice %arg6[%dma_wait3A_1893, %dma_wait3A_1894] : memref<450560x128xf32, #tpu.memory_space<hbm>> -> memref<128x128xf32, #tpu.memory_space<hbm>>
    tpu.wait_dma2 semaphore(%arg18 : memref<!tpu.dma_semaphore, #tpu.memory_space<semaphore_mem>>) src(%arg7 : memref<128x128xf32, #tpu.memory_space<vmem>>) dst(%dma_wait3A_1895 : memref<128x128xf32, #tpu.memory_space<hbm>>)
    %dma_start3A_1896 = arith.constant 44 : i32
    %dma_start3A_1897 = arith.constant 0 : i32
    %dma_start3A_1898 = tpu.memref_slice %arg2[%mul3A_2, %dma_start3A_1896, %dma_start3A_1897] : memref<4096x64x128xf32, #tpu.memory_space<hbm>> -> memref<128x1x128xf32, #tpu.memory_space<hbm>>
    %dma_start3A_1899 = tpu.memref_squeeze %dma_start3A_1898 : memref<128x1x128xf32, #tpu.memory_space<hbm>> -> memref<128x128xf32, #tpu.memory_space<hbm>>
    %dma_start3A_1900 = arith.constant 0 : i32
    %dma_start3A_1901 = tpu.memref_slice %arg2[%mul3A_2, %dma_start3A_1896, %dma_start3A_1900] : memref<4096x64x128xf32, #tpu.memory_space<hbm>> -> memref<128x1x128xf32, #tpu.memory_space<hbm>>
    %dma_start3A_1902 = tpu.memref_squeeze %dma_start3A_1901 : memref<128x1x128xf32, #tpu.memory_space<hbm>> -> memref<128x128xf32, #tpu.memory_space<hbm>>
    tpu.enqueue_dma source(%dma_start3A_1902 : memref<128x128xf32, #tpu.memory_space<hbm>>) target(%arg7 : memref<128x128xf32, #tpu.memory_space<vmem>>) target_semaphore(%arg14 : memref<!tpu.dma_semaphore, #tpu.memory_space<semaphore_mem>>)
    %dma_wait3A_1903 = arith.constant 0 : i32
    %dma_wait3A_1904 = arith.constant 0 : i32
    %dma_wait3A_1905 = arith.constant 0 : i32
    %dma_wait3A_1906 = tpu.memref_slice %arg2[%dma_wait3A_1904, %dma_wait3A_1903, %dma_wait3A_1905] : memref<4096x64x128xf32, #tpu.memory_space<hbm>> -> memref<128x1x128xf32, #tpu.memory_space<hbm>>
    %dma_wait3A_1907 = tpu.memref_squeeze %dma_wait3A_1906 : memref<128x1x128xf32, #tpu.memory_space<hbm>> -> memref<128x128xf32, #tpu.memory_space<hbm>>
    %dma_wait3A_1908 = arith.constant 0 : i32
    %dma_wait3A_1909 = arith.constant 0 : i32
    %dma_wait3A_1910 = tpu.memref_slice %arg2[%dma_wait3A_1908, %dma_wait3A_1903, %dma_wait3A_1909] : memref<4096x64x128xf32, #tpu.memory_space<hbm>> -> memref<128x1x128xf32, #tpu.memory_space<hbm>>
    %dma_wait3A_1911 = tpu.memref_squeeze %dma_wait3A_1910 : memref<128x1x128xf32, #tpu.memory_space<hbm>> -> memref<128x128xf32, #tpu.memory_space<hbm>>
    tpu.wait_dma2 semaphore(%arg16 : memref<!tpu.dma_semaphore, #tpu.memory_space<semaphore_mem>>) src(%dma_wait3A_1911 : memref<128x128xf32, #tpu.memory_space<hbm>>) dst(%arg9 : memref<128x128xf32, #tpu.memory_space<vmem>>)
    %get3A_1912 = arith.constant 32 : index
    %get3A_1913 = tpu.vector_load %arg11[%get3A_1912] {strides = array<i32>} : memref<64xi32, #tpu.memory_space<vmem>>, vector<16xi32>,
    %get3A_1914 = vector.shape_cast %get3A_1913 : vector<16xi32> to vector<16xi32>
    %slice3A_1915 = vector.extract_strided_slice %get3A_1914 {offsets = [10], sizes = [1], strides = [1]} : vector<16xi32> to vector<1xi32>
    %squeeze3A_1916 = vector.extract %slice3A_1915[0] : i32 from vector<1xi32>
    %mul3A_1917 = arith.constant 4096 : i32
    %mul3A_1918 = arith.muli %squeeze3A_1916, %mul3A_1917 : i32
    %add3A_1919 = arith.addi %mul3A_1918, %mul3A_2 : i32
    %dma_start3A_1920 = arith.constant 0 : i32
    %dma_start3A_1921 = tpu.memref_slice %arg6[%add3A_1919, %dma_start3A_1920] : memref<450560x128xf32, #tpu.memory_space<hbm>> -> memref<128x128xf32, #tpu.memory_space<hbm>>
    %dma_start3A_1922 = arith.constant 0 : i32
    %dma_start3A_1923 = tpu.memref_slice %arg6[%add3A_1919, %dma_start3A_1922] : memref<450560x128xf32, #tpu.memory_space<hbm>> -> memref<128x128xf32, #tpu.memory_space<hbm>>
    tpu.enqueue_dma source(%arg9 : memref<128x128xf32, #tpu.memory_space<vmem>>) target(%dma_start3A_1923 : memref<128x128xf32, #tpu.memory_space<hbm>>) target_semaphore(%arg20 : memref<!tpu.dma_semaphore, #tpu.memory_space<semaphore_mem>>)
    %dma_wait3A_1924 = arith.constant 0 : i32
    %dma_wait3A_1925 = arith.constant 0 : i32
    %dma_wait3A_1926 = tpu.memref_slice %arg6[%dma_wait3A_1924, %dma_wait3A_1925] : memref<450560x128xf32, #tpu.memory_space<hbm>> -> memref<128x128xf32, #tpu.memory_space<hbm>>
    %dma_wait3A_1927 = arith.constant 0 : i32
    %dma_wait3A_1928 = arith.constant 0 : i32
    %dma_wait3A_1929 = tpu.memref_slice %arg6[%dma_wait3A_1927, %dma_wait3A_1928] : memref<450560x128xf32, #tpu.memory_space<hbm>> -> memref<128x128xf32, #tpu.memory_space<hbm>>
    tpu.wait_dma2 semaphore(%arg19 : memref<!tpu.dma_semaphore, #tpu.memory_space<semaphore_mem>>) src(%arg8 : memref<128x128xf32, #tpu.memory_space<vmem>>) dst(%dma_wait3A_1929 : memref<128x128xf32, #tpu.memory_space<hbm>>)
    %dma_start3A_1930 = arith.constant 45 : i32
    %dma_start3A_1931 = arith.constant 0 : i32
    %dma_start3A_1932 = tpu.memref_slice %arg2[%mul3A_2, %dma_start3A_1930, %dma_start3A_1931] : memref<4096x64x128xf32, #tpu.memory_space<hbm>> -> memref<128x1x128xf32, #tpu.memory_space<hbm>>
    %dma_start3A_1933 = tpu.memref_squeeze %dma_start3A_1932 : memref<128x1x128xf32, #tpu.memory_space<hbm>> -> memref<128x128xf32, #tpu.memory_space<hbm>>
    %dma_start3A_1934 = arith.constant 0 : i32
    %dma_start3A_1935 = tpu.memref_slice %arg2[%mul3A_2, %dma_start3A_1930, %dma_start3A_1934] : memref<4096x64x128xf32, #tpu.memory_space<hbm>> -> memref<128x1x128xf32, #tpu.memory_space<hbm>>
    %dma_start3A_1936 = tpu.memref_squeeze %dma_start3A_1935 : memref<128x1x128xf32, #tpu.memory_space<hbm>> -> memref<128x128xf32, #tpu.memory_space<hbm>>
    tpu.enqueue_dma source(%dma_start3A_1936 : memref<128x128xf32, #tpu.memory_space<hbm>>) target(%arg8 : memref<128x128xf32, #tpu.memory_space<vmem>>) target_semaphore(%arg15 : memref<!tpu.dma_semaphore, #tpu.memory_space<semaphore_mem>>)
    %dma_wait3A_1937 = arith.constant 0 : i32
    %dma_wait3A_1938 = arith.constant 0 : i32
    %dma_wait3A_1939 = arith.constant 0 : i32
    %dma_wait3A_1940 = tpu.memref_slice %arg2[%dma_wait3A_1938, %dma_wait3A_1937, %dma_wait3A_1939] : memref<4096x64x128xf32, #tpu.memory_space<hbm>> -> memref<128x1x128xf32, #tpu.memory_space<hbm>>
    %dma_wait3A_1941 = tpu.memref_squeeze %dma_wait3A_1940 : memref<128x1x128xf32, #tpu.memory_space<hbm>> -> memref<128x128xf32, #tpu.memory_space<hbm>>
    %dma_wait3A_1942 = arith.constant 0 : i32
    %dma_wait3A_1943 = arith.constant 0 : i32
    %dma_wait3A_1944 = tpu.memref_slice %arg2[%dma_wait3A_1942, %dma_wait3A_1937, %dma_wait3A_1943] : memref<4096x64x128xf32, #tpu.memory_space<hbm>> -> memref<128x1x128xf32, #tpu.memory_space<hbm>>
    %dma_wait3A_1945 = tpu.memref_squeeze %dma_wait3A_1944 : memref<128x1x128xf32, #tpu.memory_space<hbm>> -> memref<128x128xf32, #tpu.memory_space<hbm>>
    tpu.wait_dma2 semaphore(%arg17 : memref<!tpu.dma_semaphore, #tpu.memory_space<semaphore_mem>>) src(%dma_wait3A_1945 : memref<128x128xf32, #tpu.memory_space<hbm>>) dst(%arg10 : memref<128x128xf32, #tpu.memory_space<vmem>>)
    %get3A_1946 = arith.constant 32 : index
    %get3A_1947 = tpu.vector_load %arg11[%get3A_1946] {strides = array<i32>} : memref<64xi32, #tpu.memory_space<vmem>>, vector<16xi32>,
    %get3A_1948 = vector.shape_cast %get3A_1947 : vector<16xi32> to vector<16xi32>
    %slice3A_1949 = vector.extract_strided_slice %get3A_1948 {offsets = [11], sizes = [1], strides = [1]} : vector<16xi32> to vector<1xi32>
    %squeeze3A_1950 = vector.extract %slice3A_1949[0] : i32 from vector<1xi32>
    %mul3A_1951 = arith.constant 4096 : i32
    %mul3A_1952 = arith.muli %squeeze3A_1950, %mul3A_1951 : i32
    %add3A_1953 = arith.addi %mul3A_1952, %mul3A_2 : i32
    %dma_start3A_1954 = arith.constant 0 : i32
    %dma_start3A_1955 = tpu.memref_slice %arg6[%add3A_1953, %dma_start3A_1954] : memref<450560x128xf32, #tpu.memory_space<hbm>> -> memref<128x128xf32, #tpu.memory_space<hbm>>
    %dma_start3A_1956 = arith.constant 0 : i32
    %dma_start3A_1957 = tpu.memref_slice %arg6[%add3A_1953, %dma_start3A_1956] : memref<450560x128xf32, #tpu.memory_space<hbm>> -> memref<128x128xf32, #tpu.memory_space<hbm>>
    tpu.enqueue_dma source(%arg10 : memref<128x128xf32, #tpu.memory_space<vmem>>) target(%dma_start3A_1957 : memref<128x128xf32, #tpu.memory_space<hbm>>) target_semaphore(%arg21 : memref<!tpu.dma_semaphore, #tpu.memory_space<semaphore_mem>>)
    %dma_wait3A_1958 = arith.constant 0 : i32
    %dma_wait3A_1959 = arith.constant 0 : i32
    %dma_wait3A_1960 = tpu.memref_slice %arg6[%dma_wait3A_1958, %dma_wait3A_1959] : memref<450560x128xf32, #tpu.memory_space<hbm>> -> memref<128x128xf32, #tpu.memory_space<hbm>>
    %dma_wait3A_1961 = arith.constant 0 : i32
    %dma_wait3A_1962 = arith.constant 0 : i32
    %dma_wait3A_1963 = tpu.memref_slice %arg6[%dma_wait3A_1961, %dma_wait3A_1962] : memref<450560x128xf32, #tpu.memory_space<hbm>> -> memref<128x128xf32, #tpu.memory_space<hbm>>
    tpu.wait_dma2 semaphore(%arg20 : memref<!tpu.dma_semaphore, #tpu.memory_space<semaphore_mem>>) src(%arg9 : memref<128x128xf32, #tpu.memory_space<vmem>>) dst(%dma_wait3A_1963 : memref<128x128xf32, #tpu.memory_space<hbm>>)
    %dma_start3A_1964 = arith.constant 46 : i32
    %dma_start3A_1965 = arith.constant 0 : i32
    %dma_start3A_1966 = tpu.memref_slice %arg2[%mul3A_2, %dma_start3A_1964, %dma_start3A_1965] : memref<4096x64x128xf32, #tpu.memory_space<hbm>> -> memref<128x1x128xf32, #tpu.memory_space<hbm>>
    %dma_start3A_1967 = tpu.memref_squeeze %dma_start3A_1966 : memref<128x1x128xf32, #tpu.memory_space<hbm>> -> memref<128x128xf32, #tpu.memory_space<hbm>>
    %dma_start3A_1968 = arith.constant 0 : i32
    %dma_start3A_1969 = tpu.memref_slice %arg2[%mul3A_2, %dma_start3A_1964, %dma_start3A_1968] : memref<4096x64x128xf32, #tpu.memory_space<hbm>> -> memref<128x1x128xf32, #tpu.memory_space<hbm>>
    %dma_start3A_1970 = tpu.memref_squeeze %dma_start3A_1969 : memref<128x1x128xf32, #tpu.memory_space<hbm>> -> memref<128x128xf32, #tpu.memory_space<hbm>>
    tpu.enqueue_dma source(%dma_start3A_1970 : memref<128x128xf32, #tpu.memory_space<hbm>>) target(%arg9 : memref<128x128xf32, #tpu.memory_space<vmem>>) target_semaphore(%arg16 : memref<!tpu.dma_semaphore, #tpu.memory_space<semaphore_mem>>)
    %dma_wait3A_1971 = arith.constant 0 : i32
    %dma_wait3A_1972 = arith.constant 0 : i32
    %dma_wait3A_1973 = arith.constant 0 : i32
    %dma_wait3A_1974 = tpu.memref_slice %arg2[%dma_wait3A_1972, %dma_wait3A_1971, %dma_wait3A_1973] : memref<4096x64x128xf32, #tpu.memory_space<hbm>> -> memref<128x1x128xf32, #tpu.memory_space<hbm>>
    %dma_wait3A_1975 = tpu.memref_squeeze %dma_wait3A_1974 : memref<128x1x128xf32, #tpu.memory_space<hbm>> -> memref<128x128xf32, #tpu.memory_space<hbm>>
    %dma_wait3A_1976 = arith.constant 0 : i32
    %dma_wait3A_1977 = arith.constant 0 : i32
    %dma_wait3A_1978 = tpu.memref_slice %arg2[%dma_wait3A_1976, %dma_wait3A_1971, %dma_wait3A_1977] : memref<4096x64x128xf32, #tpu.memory_space<hbm>> -> memref<128x1x128xf32, #tpu.memory_space<hbm>>
    %dma_wait3A_1979 = tpu.memref_squeeze %dma_wait3A_1978 : memref<128x1x128xf32, #tpu.memory_space<hbm>> -> memref<128x128xf32, #tpu.memory_space<hbm>>
    tpu.wait_dma2 semaphore(%arg14 : memref<!tpu.dma_semaphore, #tpu.memory_space<semaphore_mem>>) src(%dma_wait3A_1979 : memref<128x128xf32, #tpu.memory_space<hbm>>) dst(%arg7 : memref<128x128xf32, #tpu.memory_space<vmem>>)
    %get3A_1980 = arith.constant 32 : index
    %get3A_1981 = tpu.vector_load %arg11[%get3A_1980] {strides = array<i32>} : memref<64xi32, #tpu.memory_space<vmem>>, vector<16xi32>,
    %get3A_1982 = vector.shape_cast %get3A_1981 : vector<16xi32> to vector<16xi32>
    %slice3A_1983 = vector.extract_strided_slice %get3A_1982 {offsets = [12], sizes = [1], strides = [1]} : vector<16xi32> to vector<1xi32>
    %squeeze3A_1984 = vector.extract %slice3A_1983[0] : i32 from vector<1xi32>
    %mul3A_1985 = arith.constant 4096 : i32
    %mul3A_1986 = arith.muli %squeeze3A_1984, %mul3A_1985 : i32
    %add3A_1987 = arith.addi %mul3A_1986, %mul3A_2 : i32
    %dma_start3A_1988 = arith.constant 0 : i32
    %dma_start3A_1989 = tpu.memref_slice %arg6[%add3A_1987, %dma_start3A_1988] : memref<450560x128xf32, #tpu.memory_space<hbm>> -> memref<128x128xf32, #tpu.memory_space<hbm>>
    %dma_start3A_1990 = arith.constant 0 : i32
    %dma_start3A_1991 = tpu.memref_slice %arg6[%add3A_1987, %dma_start3A_1990] : memref<450560x128xf32, #tpu.memory_space<hbm>> -> memref<128x128xf32, #tpu.memory_space<hbm>>
    tpu.enqueue_dma source(%arg7 : memref<128x128xf32, #tpu.memory_space<vmem>>) target(%dma_start3A_1991 : memref<128x128xf32, #tpu.memory_space<hbm>>) target_semaphore(%arg18 : memref<!tpu.dma_semaphore, #tpu.memory_space<semaphore_mem>>)
    %dma_wait3A_1992 = arith.constant 0 : i32
    %dma_wait3A_1993 = arith.constant 0 : i32
    %dma_wait3A_1994 = tpu.memref_slice %arg6[%dma_wait3A_1992, %dma_wait3A_1993] : memref<450560x128xf32, #tpu.memory_space<hbm>> -> memref<128x128xf32, #tpu.memory_space<hbm>>
    %dma_wait3A_1995 = arith.constant 0 : i32
    %dma_wait3A_1996 = arith.constant 0 : i32
    %dma_wait3A_1997 = tpu.memref_slice %arg6[%dma_wait3A_1995, %dma_wait3A_1996] : memref<450560x128xf32, #tpu.memory_space<hbm>> -> memref<128x128xf32, #tpu.memory_space<hbm>>
    tpu.wait_dma2 semaphore(%arg21 : memref<!tpu.dma_semaphore, #tpu.memory_space<semaphore_mem>>) src(%arg10 : memref<128x128xf32, #tpu.memory_space<vmem>>) dst(%dma_wait3A_1997 : memref<128x128xf32, #tpu.memory_space<hbm>>)
    %dma_start3A_1998 = arith.constant 47 : i32
    %dma_start3A_1999 = arith.constant 0 : i32
    %dma_start3A_2000 = tpu.memref_slice %arg2[%mul3A_2, %dma_start3A_1998, %dma_start3A_1999] : memref<4096x64x128xf32, #tpu.memory_space<hbm>> -> memref<128x1x128xf32, #tpu.memory_space<hbm>>
    %dma_start3A_2001 = tpu.memref_squeeze %dma_start3A_2000 : memref<128x1x128xf32, #tpu.memory_space<hbm>> -> memref<128x128xf32, #tpu.memory_space<hbm>>
    %dma_start3A_2002 = arith.constant 0 : i32
    %dma_start3A_2003 = tpu.memref_slice %arg2[%mul3A_2, %dma_start3A_1998, %dma_start3A_2002] : memref<4096x64x128xf32, #tpu.memory_space<hbm>> -> memref<128x1x128xf32, #tpu.memory_space<hbm>>
    %dma_start3A_2004 = tpu.memref_squeeze %dma_start3A_2003 : memref<128x1x128xf32, #tpu.memory_space<hbm>> -> memref<128x128xf32, #tpu.memory_space<hbm>>
    tpu.enqueue_dma source(%dma_start3A_2004 : memref<128x128xf32, #tpu.memory_space<hbm>>) target(%arg10 : memref<128x128xf32, #tpu.memory_space<vmem>>) target_semaphore(%arg17 : memref<!tpu.dma_semaphore, #tpu.memory_space<semaphore_mem>>)
    %dma_wait3A_2005 = arith.constant 0 : i32
    %dma_wait3A_2006 = arith.constant 0 : i32
    %dma_wait3A_2007 = arith.constant 0 : i32
    %dma_wait3A_2008 = tpu.memref_slice %arg2[%dma_wait3A_2006, %dma_wait3A_2005, %dma_wait3A_2007] : memref<4096x64x128xf32, #tpu.memory_space<hbm>> -> memref<128x1x128xf32, #tpu.memory_space<hbm>>
    %dma_wait3A_2009 = tpu.memref_squeeze %dma_wait3A_2008 : memref<128x1x128xf32, #tpu.memory_space<hbm>> -> memref<128x128xf32, #tpu.memory_space<hbm>>
    %dma_wait3A_2010 = arith.constant 0 : i32
    %dma_wait3A_2011 = arith.constant 0 : i32
    %dma_wait3A_2012 = tpu.memref_slice %arg2[%dma_wait3A_2010, %dma_wait3A_2005, %dma_wait3A_2011] : memref<4096x64x128xf32, #tpu.memory_space<hbm>> -> memref<128x1x128xf32, #tpu.memory_space<hbm>>
    %dma_wait3A_2013 = tpu.memref_squeeze %dma_wait3A_2012 : memref<128x1x128xf32, #tpu.memory_space<hbm>> -> memref<128x128xf32, #tpu.memory_space<hbm>>
    tpu.wait_dma2 semaphore(%arg15 : memref<!tpu.dma_semaphore, #tpu.memory_space<semaphore_mem>>) src(%dma_wait3A_2013 : memref<128x128xf32, #tpu.memory_space<hbm>>) dst(%arg8 : memref<128x128xf32, #tpu.memory_space<vmem>>)
    %get3A_2014 = arith.constant 32 : index
    %get3A_2015 = tpu.vector_load %arg11[%get3A_2014] {strides = array<i32>} : memref<64xi32, #tpu.memory_space<vmem>>, vector<16xi32>,
    %get3A_2016 = vector.shape_cast %get3A_2015 : vector<16xi32> to vector<16xi32>
    %slice3A_2017 = vector.extract_strided_slice %get3A_2016 {offsets = [13], sizes = [1], strides = [1]} : vector<16xi32> to vector<1xi32>
    %squeeze3A_2018 = vector.extract %slice3A_2017[0] : i32 from vector<1xi32>
    %mul3A_2019 = arith.constant 4096 : i32
    %mul3A_2020 = arith.muli %squeeze3A_2018, %mul3A_2019 : i32
    %add3A_2021 = arith.addi %mul3A_2020, %mul3A_2 : i32
    %dma_start3A_2022 = arith.constant 0 : i32
    %dma_start3A_2023 = tpu.memref_slice %arg6[%add3A_2021, %dma_start3A_2022] : memref<450560x128xf32, #tpu.memory_space<hbm>> -> memref<128x128xf32, #tpu.memory_space<hbm>>
    %dma_start3A_2024 = arith.constant 0 : i32
    %dma_start3A_2025 = tpu.memref_slice %arg6[%add3A_2021, %dma_start3A_2024] : memref<450560x128xf32, #tpu.memory_space<hbm>> -> memref<128x128xf32, #tpu.memory_space<hbm>>
    tpu.enqueue_dma source(%arg8 : memref<128x128xf32, #tpu.memory_space<vmem>>) target(%dma_start3A_2025 : memref<128x128xf32, #tpu.memory_space<hbm>>) target_semaphore(%arg19 : memref<!tpu.dma_semaphore, #tpu.memory_space<semaphore_mem>>)
    %dma_wait3A_2026 = arith.constant 0 : i32
    %dma_wait3A_2027 = arith.constant 0 : i32
    %dma_wait3A_2028 = tpu.memref_slice %arg6[%dma_wait3A_2026, %dma_wait3A_2027] : memref<450560x128xf32, #tpu.memory_space<hbm>> -> memref<128x128xf32, #tpu.memory_space<hbm>>
    %dma_wait3A_2029 = arith.constant 0 : i32
    %dma_wait3A_2030 = arith.constant 0 : i32
    %dma_wait3A_2031 = tpu.memref_slice %arg6[%dma_wait3A_2029, %dma_wait3A_2030] : memref<450560x128xf32, #tpu.memory_space<hbm>> -> memref<128x128xf32, #tpu.memory_space<hbm>>
    tpu.wait_dma2 semaphore(%arg18 : memref<!tpu.dma_semaphore, #tpu.memory_space<semaphore_mem>>) src(%arg7 : memref<128x128xf32, #tpu.memory_space<vmem>>) dst(%dma_wait3A_2031 : memref<128x128xf32, #tpu.memory_space<hbm>>)
    %dma_start3A_2032 = arith.constant 48 : i32
    %dma_start3A_2033 = arith.constant 0 : i32
    %dma_start3A_2034 = tpu.memref_slice %arg2[%mul3A_2, %dma_start3A_2032, %dma_start3A_2033] : memref<4096x64x128xf32, #tpu.memory_space<hbm>> -> memref<128x1x128xf32, #tpu.memory_space<hbm>>
    %dma_start3A_2035 = tpu.memref_squeeze %dma_start3A_2034 : memref<128x1x128xf32, #tpu.memory_space<hbm>> -> memref<128x128xf32, #tpu.memory_space<hbm>>
    %dma_start3A_2036 = arith.constant 0 : i32
    %dma_start3A_2037 = tpu.memref_slice %arg2[%mul3A_2, %dma_start3A_2032, %dma_start3A_2036] : memref<4096x64x128xf32, #tpu.memory_space<hbm>> -> memref<128x1x128xf32, #tpu.memory_space<hbm>>
    %dma_start3A_2038 = tpu.memref_squeeze %dma_start3A_2037 : memref<128x1x128xf32, #tpu.memory_space<hbm>> -> memref<128x128xf32, #tpu.memory_space<hbm>>
    tpu.enqueue_dma source(%dma_start3A_2038 : memref<128x128xf32, #tpu.memory_space<hbm>>) target(%arg7 : memref<128x128xf32, #tpu.memory_space<vmem>>) target_semaphore(%arg14 : memref<!tpu.dma_semaphore, #tpu.memory_space<semaphore_mem>>)
    %dma_wait3A_2039 = arith.constant 0 : i32
    %dma_wait3A_2040 = arith.constant 0 : i32
    %dma_wait3A_2041 = arith.constant 0 : i32
    %dma_wait3A_2042 = tpu.memref_slice %arg2[%dma_wait3A_2040, %dma_wait3A_2039, %dma_wait3A_2041] : memref<4096x64x128xf32, #tpu.memory_space<hbm>> -> memref<128x1x128xf32, #tpu.memory_space<hbm>>
    %dma_wait3A_2043 = tpu.memref_squeeze %dma_wait3A_2042 : memref<128x1x128xf32, #tpu.memory_space<hbm>> -> memref<128x128xf32, #tpu.memory_space<hbm>>
    %dma_wait3A_2044 = arith.constant 0 : i32
    %dma_wait3A_2045 = arith.constant 0 : i32
    %dma_wait3A_2046 = tpu.memref_slice %arg2[%dma_wait3A_2044, %dma_wait3A_2039, %dma_wait3A_2045] : memref<4096x64x128xf32, #tpu.memory_space<hbm>> -> memref<128x1x128xf32, #tpu.memory_space<hbm>>
    %dma_wait3A_2047 = tpu.memref_squeeze %dma_wait3A_2046 : memref<128x1x128xf32, #tpu.memory_space<hbm>> -> memref<128x128xf32, #tpu.memory_space<hbm>>
    tpu.wait_dma2 semaphore(%arg16 : memref<!tpu.dma_semaphore, #tpu.memory_space<semaphore_mem>>) src(%dma_wait3A_2047 : memref<128x128xf32, #tpu.memory_space<hbm>>) dst(%arg9 : memref<128x128xf32, #tpu.memory_space<vmem>>)
    %get3A_2048 = arith.constant 32 : index
    %get3A_2049 = tpu.vector_load %arg11[%get3A_2048] {strides = array<i32>} : memref<64xi32, #tpu.memory_space<vmem>>, vector<16xi32>,
    %get3A_2050 = vector.shape_cast %get3A_2049 : vector<16xi32> to vector<16xi32>
    %slice3A_2051 = vector.extract_strided_slice %get3A_2050 {offsets = [14], sizes = [1], strides = [1]} : vector<16xi32> to vector<1xi32>
    %squeeze3A_2052 = vector.extract %slice3A_2051[0] : i32 from vector<1xi32>
    %mul3A_2053 = arith.constant 4096 : i32
    %mul3A_2054 = arith.muli %squeeze3A_2052, %mul3A_2053 : i32
    %add3A_2055 = arith.addi %mul3A_2054, %mul3A_2 : i32
    %dma_start3A_2056 = arith.constant 0 : i32
    %dma_start3A_2057 = tpu.memref_slice %arg6[%add3A_2055, %dma_start3A_2056] : memref<450560x128xf32, #tpu.memory_space<hbm>> -> memref<128x128xf32, #tpu.memory_space<hbm>>
    %dma_start3A_2058 = arith.constant 0 : i32
    %dma_start3A_2059 = tpu.memref_slice %arg6[%add3A_2055, %dma_start3A_2058] : memref<450560x128xf32, #tpu.memory_space<hbm>> -> memref<128x128xf32, #tpu.memory_space<hbm>>
    tpu.enqueue_dma source(%arg9 : memref<128x128xf32, #tpu.memory_space<vmem>>) target(%dma_start3A_2059 : memref<128x128xf32, #tpu.memory_space<hbm>>) target_semaphore(%arg20 : memref<!tpu.dma_semaphore, #tpu.memory_space<semaphore_mem>>)
    %dma_wait3A_2060 = arith.constant 0 : i32
    %dma_wait3A_2061 = arith.constant 0 : i32
    %dma_wait3A_2062 = tpu.memref_slice %arg6[%dma_wait3A_2060, %dma_wait3A_2061] : memref<450560x128xf32, #tpu.memory_space<hbm>> -> memref<128x128xf32, #tpu.memory_space<hbm>>
    %dma_wait3A_2063 = arith.constant 0 : i32
    %dma_wait3A_2064 = arith.constant 0 : i32
    %dma_wait3A_2065 = tpu.memref_slice %arg6[%dma_wait3A_2063, %dma_wait3A_2064] : memref<450560x128xf32, #tpu.memory_space<hbm>> -> memref<128x128xf32, #tpu.memory_space<hbm>>
    tpu.wait_dma2 semaphore(%arg19 : memref<!tpu.dma_semaphore, #tpu.memory_space<semaphore_mem>>) src(%arg8 : memref<128x128xf32, #tpu.memory_space<vmem>>) dst(%dma_wait3A_2065 : memref<128x128xf32, #tpu.memory_space<hbm>>)
    %dma_start3A_2066 = arith.constant 49 : i32
    %dma_start3A_2067 = arith.constant 0 : i32
    %dma_start3A_2068 = tpu.memref_slice %arg2[%mul3A_2, %dma_start3A_2066, %dma_start3A_2067] : memref<4096x64x128xf32, #tpu.memory_space<hbm>> -> memref<128x1x128xf32, #tpu.memory_space<hbm>>
    %dma_start3A_2069 = tpu.memref_squeeze %dma_start3A_2068 : memref<128x1x128xf32, #tpu.memory_space<hbm>> -> memref<128x128xf32, #tpu.memory_space<hbm>>
    %dma_start3A_2070 = arith.constant 0 : i32
    %dma_start3A_2071 = tpu.memref_slice %arg2[%mul3A_2, %dma_start3A_2066, %dma_start3A_2070] : memref<4096x64x128xf32, #tpu.memory_space<hbm>> -> memref<128x1x128xf32, #tpu.memory_space<hbm>>
    %dma_start3A_2072 = tpu.memref_squeeze %dma_start3A_2071 : memref<128x1x128xf32, #tpu.memory_space<hbm>> -> memref<128x128xf32, #tpu.memory_space<hbm>>
    tpu.enqueue_dma source(%dma_start3A_2072 : memref<128x128xf32, #tpu.memory_space<hbm>>) target(%arg8 : memref<128x128xf32, #tpu.memory_space<vmem>>) target_semaphore(%arg15 : memref<!tpu.dma_semaphore, #tpu.memory_space<semaphore_mem>>)
    %dma_wait3A_2073 = arith.constant 0 : i32
    %dma_wait3A_2074 = arith.constant 0 : i32
    %dma_wait3A_2075 = arith.constant 0 : i32
    %dma_wait3A_2076 = tpu.memref_slice %arg2[%dma_wait3A_2074, %dma_wait3A_2073, %dma_wait3A_2075] : memref<4096x64x128xf32, #tpu.memory_space<hbm>> -> memref<128x1x128xf32, #tpu.memory_space<hbm>>
    %dma_wait3A_2077 = tpu.memref_squeeze %dma_wait3A_2076 : memref<128x1x128xf32, #tpu.memory_space<hbm>> -> memref<128x128xf32, #tpu.memory_space<hbm>>
    %dma_wait3A_2078 = arith.constant 0 : i32
    %dma_wait3A_2079 = arith.constant 0 : i32
    %dma_wait3A_2080 = tpu.memref_slice %arg2[%dma_wait3A_2078, %dma_wait3A_2073, %dma_wait3A_2079] : memref<4096x64x128xf32, #tpu.memory_space<hbm>> -> memref<128x1x128xf32, #tpu.memory_space<hbm>>
    %dma_wait3A_2081 = tpu.memref_squeeze %dma_wait3A_2080 : memref<128x1x128xf32, #tpu.memory_space<hbm>> -> memref<128x128xf32, #tpu.memory_space<hbm>>
    tpu.wait_dma2 semaphore(%arg17 : memref<!tpu.dma_semaphore, #tpu.memory_space<semaphore_mem>>) src(%dma_wait3A_2081 : memref<128x128xf32, #tpu.memory_space<hbm>>) dst(%arg10 : memref<128x128xf32, #tpu.memory_space<vmem>>)
    %get3A_2082 = arith.constant 32 : index
    %get3A_2083 = tpu.vector_load %arg11[%get3A_2082] {strides = array<i32>} : memref<64xi32, #tpu.memory_space<vmem>>, vector<16xi32>,
    %get3A_2084 = vector.shape_cast %get3A_2083 : vector<16xi32> to vector<16xi32>
    %slice3A_2085 = vector.extract_strided_slice %get3A_2084 {offsets = [15], sizes = [1], strides = [1]} : vector<16xi32> to vector<1xi32>
    %squeeze3A_2086 = vector.extract %slice3A_2085[0] : i32 from vector<1xi32>
    %mul3A_2087 = arith.constant 4096 : i32
    %mul3A_2088 = arith.muli %squeeze3A_2086, %mul3A_2087 : i32
    %add3A_2089 = arith.addi %mul3A_2088, %mul3A_2 : i32
    %dma_start3A_2090 = arith.constant 0 : i32
    %dma_start3A_2091 = tpu.memref_slice %arg6[%add3A_2089, %dma_start3A_2090] : memref<450560x128xf32, #tpu.memory_space<hbm>> -> memref<128x128xf32, #tpu.memory_space<hbm>>
    %dma_start3A_2092 = arith.constant 0 : i32
    %dma_start3A_2093 = tpu.memref_slice %arg6[%add3A_2089, %dma_start3A_2092] : memref<450560x128xf32, #tpu.memory_space<hbm>> -> memref<128x128xf32, #tpu.memory_space<hbm>>
    tpu.enqueue_dma source(%arg10 : memref<128x128xf32, #tpu.memory_space<vmem>>) target(%dma_start3A_2093 : memref<128x128xf32, #tpu.memory_space<hbm>>) target_semaphore(%arg21 : memref<!tpu.dma_semaphore, #tpu.memory_space<semaphore_mem>>)
    %dma_wait3A_2094 = arith.constant 0 : i32
    %dma_wait3A_2095 = arith.constant 0 : i32
    %dma_wait3A_2096 = tpu.memref_slice %arg6[%dma_wait3A_2094, %dma_wait3A_2095] : memref<450560x128xf32, #tpu.memory_space<hbm>> -> memref<128x128xf32, #tpu.memory_space<hbm>>
    %dma_wait3A_2097 = arith.constant 0 : i32
    %dma_wait3A_2098 = arith.constant 0 : i32
    %dma_wait3A_2099 = tpu.memref_slice %arg6[%dma_wait3A_2097, %dma_wait3A_2098] : memref<450560x128xf32, #tpu.memory_space<hbm>> -> memref<128x128xf32, #tpu.memory_space<hbm>>
    tpu.wait_dma2 semaphore(%arg20 : memref<!tpu.dma_semaphore, #tpu.memory_space<semaphore_mem>>) src(%arg9 : memref<128x128xf32, #tpu.memory_space<vmem>>) dst(%dma_wait3A_2099 : memref<128x128xf32, #tpu.memory_space<hbm>>)
    %dma_start3A_2100 = arith.constant 50 : i32
    %dma_start3A_2101 = arith.constant 0 : i32
    %dma_start3A_2102 = tpu.memref_slice %arg2[%mul3A_2, %dma_start3A_2100, %dma_start3A_2101] : memref<4096x64x128xf32, #tpu.memory_space<hbm>> -> memref<128x1x128xf32, #tpu.memory_space<hbm>>
    %dma_start3A_2103 = tpu.memref_squeeze %dma_start3A_2102 : memref<128x1x128xf32, #tpu.memory_space<hbm>> -> memref<128x128xf32, #tpu.memory_space<hbm>>
    %dma_start3A_2104 = arith.constant 0 : i32
    %dma_start3A_2105 = tpu.memref_slice %arg2[%mul3A_2, %dma_start3A_2100, %dma_start3A_2104] : memref<4096x64x128xf32, #tpu.memory_space<hbm>> -> memref<128x1x128xf32, #tpu.memory_space<hbm>>
    %dma_start3A_2106 = tpu.memref_squeeze %dma_start3A_2105 : memref<128x1x128xf32, #tpu.memory_space<hbm>> -> memref<128x128xf32, #tpu.memory_space<hbm>>
    tpu.enqueue_dma source(%dma_start3A_2106 : memref<128x128xf32, #tpu.memory_space<hbm>>) target(%arg9 : memref<128x128xf32, #tpu.memory_space<vmem>>) target_semaphore(%arg16 : memref<!tpu.dma_semaphore, #tpu.memory_space<semaphore_mem>>)
    %dma_wait3A_2107 = arith.constant 0 : i32
    %dma_wait3A_2108 = arith.constant 0 : i32
    %dma_wait3A_2109 = arith.constant 0 : i32
    %dma_wait3A_2110 = tpu.memref_slice %arg2[%dma_wait3A_2108, %dma_wait3A_2107, %dma_wait3A_2109] : memref<4096x64x128xf32, #tpu.memory_space<hbm>> -> memref<128x1x128xf32, #tpu.memory_space<hbm>>
    %dma_wait3A_2111 = tpu.memref_squeeze %dma_wait3A_2110 : memref<128x1x128xf32, #tpu.memory_space<hbm>> -> memref<128x128xf32, #tpu.memory_space<hbm>>
    %dma_wait3A_2112 = arith.constant 0 : i32
    %dma_wait3A_2113 = arith.constant 0 : i32
    %dma_wait3A_2114 = tpu.memref_slice %arg2[%dma_wait3A_2112, %dma_wait3A_2107, %dma_wait3A_2113] : memref<4096x64x128xf32, #tpu.memory_space<hbm>> -> memref<128x1x128xf32, #tpu.memory_space<hbm>>
    %dma_wait3A_2115 = tpu.memref_squeeze %dma_wait3A_2114 : memref<128x1x128xf32, #tpu.memory_space<hbm>> -> memref<128x128xf32, #tpu.memory_space<hbm>>
    tpu.wait_dma2 semaphore(%arg14 : memref<!tpu.dma_semaphore, #tpu.memory_space<semaphore_mem>>) src(%dma_wait3A_2115 : memref<128x128xf32, #tpu.memory_space<hbm>>) dst(%arg7 : memref<128x128xf32, #tpu.memory_space<vmem>>)
    %get3A_2116 = arith.constant 48 : index
    %get3A_2117 = tpu.vector_load %arg11[%get3A_2116] {strides = array<i32>} : memref<64xi32, #tpu.memory_space<vmem>>, vector<16xi32>,
    %get3A_2118 = vector.shape_cast %get3A_2117 : vector<16xi32> to vector<16xi32>
    %slice3A_2119 = vector.extract_strided_slice %get3A_2118 {offsets = [0], sizes = [1], strides = [1]} : vector<16xi32> to vector<1xi32>
    %squeeze3A_2120 = vector.extract %slice3A_2119[0] : i32 from vector<1xi32>
    %mul3A_2121 = arith.constant 4096 : i32
    %mul3A_2122 = arith.muli %squeeze3A_2120, %mul3A_2121 : i32
    %add3A_2123 = arith.addi %mul3A_2122, %mul3A_2 : i32
    %dma_start3A_2124 = arith.constant 0 : i32
    %dma_start3A_2125 = tpu.memref_slice %arg6[%add3A_2123, %dma_start3A_2124] : memref<450560x128xf32, #tpu.memory_space<hbm>> -> memref<128x128xf32, #tpu.memory_space<hbm>>
    %dma_start3A_2126 = arith.constant 0 : i32
    %dma_start3A_2127 = tpu.memref_slice %arg6[%add3A_2123, %dma_start3A_2126] : memref<450560x128xf32, #tpu.memory_space<hbm>> -> memref<128x128xf32, #tpu.memory_space<hbm>>
    tpu.enqueue_dma source(%arg7 : memref<128x128xf32, #tpu.memory_space<vmem>>) target(%dma_start3A_2127 : memref<128x128xf32, #tpu.memory_space<hbm>>) target_semaphore(%arg18 : memref<!tpu.dma_semaphore, #tpu.memory_space<semaphore_mem>>)
    %dma_wait3A_2128 = arith.constant 0 : i32
    %dma_wait3A_2129 = arith.constant 0 : i32
    %dma_wait3A_2130 = tpu.memref_slice %arg6[%dma_wait3A_2128, %dma_wait3A_2129] : memref<450560x128xf32, #tpu.memory_space<hbm>> -> memref<128x128xf32, #tpu.memory_space<hbm>>
    %dma_wait3A_2131 = arith.constant 0 : i32
    %dma_wait3A_2132 = arith.constant 0 : i32
    %dma_wait3A_2133 = tpu.memref_slice %arg6[%dma_wait3A_2131, %dma_wait3A_2132] : memref<450560x128xf32, #tpu.memory_space<hbm>> -> memref<128x128xf32, #tpu.memory_space<hbm>>
    tpu.wait_dma2 semaphore(%arg21 : memref<!tpu.dma_semaphore, #tpu.memory_space<semaphore_mem>>) src(%arg10 : memref<128x128xf32, #tpu.memory_space<vmem>>) dst(%dma_wait3A_2133 : memref<128x128xf32, #tpu.memory_space<hbm>>)
    %dma_start3A_2134 = arith.constant 51 : i32
    %dma_start3A_2135 = arith.constant 0 : i32
    %dma_start3A_2136 = tpu.memref_slice %arg2[%mul3A_2, %dma_start3A_2134, %dma_start3A_2135] : memref<4096x64x128xf32, #tpu.memory_space<hbm>> -> memref<128x1x128xf32, #tpu.memory_space<hbm>>
    %dma_start3A_2137 = tpu.memref_squeeze %dma_start3A_2136 : memref<128x1x128xf32, #tpu.memory_space<hbm>> -> memref<128x128xf32, #tpu.memory_space<hbm>>
    %dma_start3A_2138 = arith.constant 0 : i32
    %dma_start3A_2139 = tpu.memref_slice %arg2[%mul3A_2, %dma_start3A_2134, %dma_start3A_2138] : memref<4096x64x128xf32, #tpu.memory_space<hbm>> -> memref<128x1x128xf32, #tpu.memory_space<hbm>>
    %dma_start3A_2140 = tpu.memref_squeeze %dma_start3A_2139 : memref<128x1x128xf32, #tpu.memory_space<hbm>> -> memref<128x128xf32, #tpu.memory_space<hbm>>
    tpu.enqueue_dma source(%dma_start3A_2140 : memref<128x128xf32, #tpu.memory_space<hbm>>) target(%arg10 : memref<128x128xf32, #tpu.memory_space<vmem>>) target_semaphore(%arg17 : memref<!tpu.dma_semaphore, #tpu.memory_space<semaphore_mem>>)
    %dma_wait3A_2141 = arith.constant 0 : i32
    %dma_wait3A_2142 = arith.constant 0 : i32
    %dma_wait3A_2143 = arith.constant 0 : i32
    %dma_wait3A_2144 = tpu.memref_slice %arg2[%dma_wait3A_2142, %dma_wait3A_2141, %dma_wait3A_2143] : memref<4096x64x128xf32, #tpu.memory_space<hbm>> -> memref<128x1x128xf32, #tpu.memory_space<hbm>>
    %dma_wait3A_2145 = tpu.memref_squeeze %dma_wait3A_2144 : memref<128x1x128xf32, #tpu.memory_space<hbm>> -> memref<128x128xf32, #tpu.memory_space<hbm>>
    %dma_wait3A_2146 = arith.constant 0 : i32
    %dma_wait3A_2147 = arith.constant 0 : i32
    %dma_wait3A_2148 = tpu.memref_slice %arg2[%dma_wait3A_2146, %dma_wait3A_2141, %dma_wait3A_2147] : memref<4096x64x128xf32, #tpu.memory_space<hbm>> -> memref<128x1x128xf32, #tpu.memory_space<hbm>>
    %dma_wait3A_2149 = tpu.memref_squeeze %dma_wait3A_2148 : memref<128x1x128xf32, #tpu.memory_space<hbm>> -> memref<128x128xf32, #tpu.memory_space<hbm>>
    tpu.wait_dma2 semaphore(%arg15 : memref<!tpu.dma_semaphore, #tpu.memory_space<semaphore_mem>>) src(%dma_wait3A_2149 : memref<128x128xf32, #tpu.memory_space<hbm>>) dst(%arg8 : memref<128x128xf32, #tpu.memory_space<vmem>>)
    %get3A_2150 = arith.constant 48 : index
    %get3A_2151 = tpu.vector_load %arg11[%get3A_2150] {strides = array<i32>} : memref<64xi32, #tpu.memory_space<vmem>>, vector<16xi32>,
    %get3A_2152 = vector.shape_cast %get3A_2151 : vector<16xi32> to vector<16xi32>
    %slice3A_2153 = vector.extract_strided_slice %get3A_2152 {offsets = [1], sizes = [1], strides = [1]} : vector<16xi32> to vector<1xi32>
    %squeeze3A_2154 = vector.extract %slice3A_2153[0] : i32 from vector<1xi32>
    %mul3A_2155 = arith.constant 4096 : i32
    %mul3A_2156 = arith.muli %squeeze3A_2154, %mul3A_2155 : i32
    %add3A_2157 = arith.addi %mul3A_2156, %mul3A_2 : i32
    %dma_start3A_2158 = arith.constant 0 : i32
    %dma_start3A_2159 = tpu.memref_slice %arg6[%add3A_2157, %dma_start3A_2158] : memref<450560x128xf32, #tpu.memory_space<hbm>> -> memref<128x128xf32, #tpu.memory_space<hbm>>
    %dma_start3A_2160 = arith.constant 0 : i32
    %dma_start3A_2161 = tpu.memref_slice %arg6[%add3A_2157, %dma_start3A_2160] : memref<450560x128xf32, #tpu.memory_space<hbm>> -> memref<128x128xf32, #tpu.memory_space<hbm>>
    tpu.enqueue_dma source(%arg8 : memref<128x128xf32, #tpu.memory_space<vmem>>) target(%dma_start3A_2161 : memref<128x128xf32, #tpu.memory_space<hbm>>) target_semaphore(%arg19 : memref<!tpu.dma_semaphore, #tpu.memory_space<semaphore_mem>>)
    %dma_wait3A_2162 = arith.constant 0 : i32
    %dma_wait3A_2163 = arith.constant 0 : i32
    %dma_wait3A_2164 = tpu.memref_slice %arg6[%dma_wait3A_2162, %dma_wait3A_2163] : memref<450560x128xf32, #tpu.memory_space<hbm>> -> memref<128x128xf32, #tpu.memory_space<hbm>>
    %dma_wait3A_2165 = arith.constant 0 : i32
    %dma_wait3A_2166 = arith.constant 0 : i32
    %dma_wait3A_2167 = tpu.memref_slice %arg6[%dma_wait3A_2165, %dma_wait3A_2166] : memref<450560x128xf32, #tpu.memory_space<hbm>> -> memref<128x128xf32, #tpu.memory_space<hbm>>
    tpu.wait_dma2 semaphore(%arg18 : memref<!tpu.dma_semaphore, #tpu.memory_space<semaphore_mem>>) src(%arg7 : memref<128x128xf32, #tpu.memory_space<vmem>>) dst(%dma_wait3A_2167 : memref<128x128xf32, #tpu.memory_space<hbm>>)
    %dma_start3A_2168 = arith.constant 52 : i32
    %dma_start3A_2169 = arith.constant 0 : i32
    %dma_start3A_2170 = tpu.memref_slice %arg2[%mul3A_2, %dma_start3A_2168, %dma_start3A_2169] : memref<4096x64x128xf32, #tpu.memory_space<hbm>> -> memref<128x1x128xf32, #tpu.memory_space<hbm>>
    %dma_start3A_2171 = tpu.memref_squeeze %dma_start3A_2170 : memref<128x1x128xf32, #tpu.memory_space<hbm>> -> memref<128x128xf32, #tpu.memory_space<hbm>>
    %dma_start3A_2172 = arith.constant 0 : i32
    %dma_start3A_2173 = tpu.memref_slice %arg2[%mul3A_2, %dma_start3A_2168, %dma_start3A_2172] : memref<4096x64x128xf32, #tpu.memory_space<hbm>> -> memref<128x1x128xf32, #tpu.memory_space<hbm>>
    %dma_start3A_2174 = tpu.memref_squeeze %dma_start3A_2173 : memref<128x1x128xf32, #tpu.memory_space<hbm>> -> memref<128x128xf32, #tpu.memory_space<hbm>>
    tpu.enqueue_dma source(%dma_start3A_2174 : memref<128x128xf32, #tpu.memory_space<hbm>>) target(%arg7 : memref<128x128xf32, #tpu.memory_space<vmem>>) target_semaphore(%arg14 : memref<!tpu.dma_semaphore, #tpu.memory_space<semaphore_mem>>)
    %dma_wait3A_2175 = arith.constant 0 : i32
    %dma_wait3A_2176 = arith.constant 0 : i32
    %dma_wait3A_2177 = arith.constant 0 : i32
    %dma_wait3A_2178 = tpu.memref_slice %arg2[%dma_wait3A_2176, %dma_wait3A_2175, %dma_wait3A_2177] : memref<4096x64x128xf32, #tpu.memory_space<hbm>> -> memref<128x1x128xf32, #tpu.memory_space<hbm>>
    %dma_wait3A_2179 = tpu.memref_squeeze %dma_wait3A_2178 : memref<128x1x128xf32, #tpu.memory_space<hbm>> -> memref<128x128xf32, #tpu.memory_space<hbm>>
    %dma_wait3A_2180 = arith.constant 0 : i32
    %dma_wait3A_2181 = arith.constant 0 : i32
    %dma_wait3A_2182 = tpu.memref_slice %arg2[%dma_wait3A_2180, %dma_wait3A_2175, %dma_wait3A_2181] : memref<4096x64x128xf32, #tpu.memory_space<hbm>> -> memref<128x1x128xf32, #tpu.memory_space<hbm>>
    %dma_wait3A_2183 = tpu.memref_squeeze %dma_wait3A_2182 : memref<128x1x128xf32, #tpu.memory_space<hbm>> -> memref<128x128xf32, #tpu.memory_space<hbm>>
    tpu.wait_dma2 semaphore(%arg16 : memref<!tpu.dma_semaphore, #tpu.memory_space<semaphore_mem>>) src(%dma_wait3A_2183 : memref<128x128xf32, #tpu.memory_space<hbm>>) dst(%arg9 : memref<128x128xf32, #tpu.memory_space<vmem>>)
    %get3A_2184 = arith.constant 48 : index
    %get3A_2185 = tpu.vector_load %arg11[%get3A_2184] {strides = array<i32>} : memref<64xi32, #tpu.memory_space<vmem>>, vector<16xi32>,
    %get3A_2186 = vector.shape_cast %get3A_2185 : vector<16xi32> to vector<16xi32>
    %slice3A_2187 = vector.extract_strided_slice %get3A_2186 {offsets = [2], sizes = [1], strides = [1]} : vector<16xi32> to vector<1xi32>
    %squeeze3A_2188 = vector.extract %slice3A_2187[0] : i32 from vector<1xi32>
    %mul3A_2189 = arith.constant 4096 : i32
    %mul3A_2190 = arith.muli %squeeze3A_2188, %mul3A_2189 : i32
    %add3A_2191 = arith.addi %mul3A_2190, %mul3A_2 : i32
    %dma_start3A_2192 = arith.constant 0 : i32
    %dma_start3A_2193 = tpu.memref_slice %arg6[%add3A_2191, %dma_start3A_2192] : memref<450560x128xf32, #tpu.memory_space<hbm>> -> memref<128x128xf32, #tpu.memory_space<hbm>>
    %dma_start3A_2194 = arith.constant 0 : i32
    %dma_start3A_2195 = tpu.memref_slice %arg6[%add3A_2191, %dma_start3A_2194] : memref<450560x128xf32, #tpu.memory_space<hbm>> -> memref<128x128xf32, #tpu.memory_space<hbm>>
    tpu.enqueue_dma source(%arg9 : memref<128x128xf32, #tpu.memory_space<vmem>>) target(%dma_start3A_2195 : memref<128x128xf32, #tpu.memory_space<hbm>>) target_semaphore(%arg20 : memref<!tpu.dma_semaphore, #tpu.memory_space<semaphore_mem>>)
    %dma_wait3A_2196 = arith.constant 0 : i32
    %dma_wait3A_2197 = arith.constant 0 : i32
    %dma_wait3A_2198 = tpu.memref_slice %arg6[%dma_wait3A_2196, %dma_wait3A_2197] : memref<450560x128xf32, #tpu.memory_space<hbm>> -> memref<128x128xf32, #tpu.memory_space<hbm>>
    %dma_wait3A_2199 = arith.constant 0 : i32
    %dma_wait3A_2200 = arith.constant 0 : i32
    %dma_wait3A_2201 = tpu.memref_slice %arg6[%dma_wait3A_2199, %dma_wait3A_2200] : memref<450560x128xf32, #tpu.memory_space<hbm>> -> memref<128x128xf32, #tpu.memory_space<hbm>>
    tpu.wait_dma2 semaphore(%arg19 : memref<!tpu.dma_semaphore, #tpu.memory_space<semaphore_mem>>) src(%arg8 : memref<128x128xf32, #tpu.memory_space<vmem>>) dst(%dma_wait3A_2201 : memref<128x128xf32, #tpu.memory_space<hbm>>)
    %dma_start3A_2202 = arith.constant 53 : i32
    %dma_start3A_2203 = arith.constant 0 : i32
    %dma_start3A_2204 = tpu.memref_slice %arg2[%mul3A_2, %dma_start3A_2202, %dma_start3A_2203] : memref<4096x64x128xf32, #tpu.memory_space<hbm>> -> memref<128x1x128xf32, #tpu.memory_space<hbm>>
    %dma_start3A_2205 = tpu.memref_squeeze %dma_start3A_2204 : memref<128x1x128xf32, #tpu.memory_space<hbm>> -> memref<128x128xf32, #tpu.memory_space<hbm>>
    %dma_start3A_2206 = arith.constant 0 : i32
    %dma_start3A_2207 = tpu.memref_slice %arg2[%mul3A_2, %dma_start3A_2202, %dma_start3A_2206] : memref<4096x64x128xf32, #tpu.memory_space<hbm>> -> memref<128x1x128xf32, #tpu.memory_space<hbm>>
    %dma_start3A_2208 = tpu.memref_squeeze %dma_start3A_2207 : memref<128x1x128xf32, #tpu.memory_space<hbm>> -> memref<128x128xf32, #tpu.memory_space<hbm>>
    tpu.enqueue_dma source(%dma_start3A_2208 : memref<128x128xf32, #tpu.memory_space<hbm>>) target(%arg8 : memref<128x128xf32, #tpu.memory_space<vmem>>) target_semaphore(%arg15 : memref<!tpu.dma_semaphore, #tpu.memory_space<semaphore_mem>>)
    %dma_wait3A_2209 = arith.constant 0 : i32
    %dma_wait3A_2210 = arith.constant 0 : i32
    %dma_wait3A_2211 = arith.constant 0 : i32
    %dma_wait3A_2212 = tpu.memref_slice %arg2[%dma_wait3A_2210, %dma_wait3A_2209, %dma_wait3A_2211] : memref<4096x64x128xf32, #tpu.memory_space<hbm>> -> memref<128x1x128xf32, #tpu.memory_space<hbm>>
    %dma_wait3A_2213 = tpu.memref_squeeze %dma_wait3A_2212 : memref<128x1x128xf32, #tpu.memory_space<hbm>> -> memref<128x128xf32, #tpu.memory_space<hbm>>
    %dma_wait3A_2214 = arith.constant 0 : i32
    %dma_wait3A_2215 = arith.constant 0 : i32
    %dma_wait3A_2216 = tpu.memref_slice %arg2[%dma_wait3A_2214, %dma_wait3A_2209, %dma_wait3A_2215] : memref<4096x64x128xf32, #tpu.memory_space<hbm>> -> memref<128x1x128xf32, #tpu.memory_space<hbm>>
    %dma_wait3A_2217 = tpu.memref_squeeze %dma_wait3A_2216 : memref<128x1x128xf32, #tpu.memory_space<hbm>> -> memref<128x128xf32, #tpu.memory_space<hbm>>
    tpu.wait_dma2 semaphore(%arg17 : memref<!tpu.dma_semaphore, #tpu.memory_space<semaphore_mem>>) src(%dma_wait3A_2217 : memref<128x128xf32, #tpu.memory_space<hbm>>) dst(%arg10 : memref<128x128xf32, #tpu.memory_space<vmem>>)
    %get3A_2218 = arith.constant 48 : index
    %get3A_2219 = tpu.vector_load %arg11[%get3A_2218] {strides = array<i32>} : memref<64xi32, #tpu.memory_space<vmem>>, vector<16xi32>,
    %get3A_2220 = vector.shape_cast %get3A_2219 : vector<16xi32> to vector<16xi32>
    %slice3A_2221 = vector.extract_strided_slice %get3A_2220 {offsets = [3], sizes = [1], strides = [1]} : vector<16xi32> to vector<1xi32>
    %squeeze3A_2222 = vector.extract %slice3A_2221[0] : i32 from vector<1xi32>
    %mul3A_2223 = arith.constant 4096 : i32
    %mul3A_2224 = arith.muli %squeeze3A_2222, %mul3A_2223 : i32
    %add3A_2225 = arith.addi %mul3A_2224, %mul3A_2 : i32
    %dma_start3A_2226 = arith.constant 0 : i32
    %dma_start3A_2227 = tpu.memref_slice %arg6[%add3A_2225, %dma_start3A_2226] : memref<450560x128xf32, #tpu.memory_space<hbm>> -> memref<128x128xf32, #tpu.memory_space<hbm>>
    %dma_start3A_2228 = arith.constant 0 : i32
    %dma_start3A_2229 = tpu.memref_slice %arg6[%add3A_2225, %dma_start3A_2228] : memref<450560x128xf32, #tpu.memory_space<hbm>> -> memref<128x128xf32, #tpu.memory_space<hbm>>
    tpu.enqueue_dma source(%arg10 : memref<128x128xf32, #tpu.memory_space<vmem>>) target(%dma_start3A_2229 : memref<128x128xf32, #tpu.memory_space<hbm>>) target_semaphore(%arg21 : memref<!tpu.dma_semaphore, #tpu.memory_space<semaphore_mem>>)
    %dma_wait3A_2230 = arith.constant 0 : i32
    %dma_wait3A_2231 = arith.constant 0 : i32
    %dma_wait3A_2232 = tpu.memref_slice %arg6[%dma_wait3A_2230, %dma_wait3A_2231] : memref<450560x128xf32, #tpu.memory_space<hbm>> -> memref<128x128xf32, #tpu.memory_space<hbm>>
    %dma_wait3A_2233 = arith.constant 0 : i32
    %dma_wait3A_2234 = arith.constant 0 : i32
    %dma_wait3A_2235 = tpu.memref_slice %arg6[%dma_wait3A_2233, %dma_wait3A_2234] : memref<450560x128xf32, #tpu.memory_space<hbm>> -> memref<128x128xf32, #tpu.memory_space<hbm>>
    tpu.wait_dma2 semaphore(%arg20 : memref<!tpu.dma_semaphore, #tpu.memory_space<semaphore_mem>>) src(%arg9 : memref<128x128xf32, #tpu.memory_space<vmem>>) dst(%dma_wait3A_2235 : memref<128x128xf32, #tpu.memory_space<hbm>>)
    %dma_start3A_2236 = arith.constant 54 : i32
    %dma_start3A_2237 = arith.constant 0 : i32
    %dma_start3A_2238 = tpu.memref_slice %arg2[%mul3A_2, %dma_start3A_2236, %dma_start3A_2237] : memref<4096x64x128xf32, #tpu.memory_space<hbm>> -> memref<128x1x128xf32, #tpu.memory_space<hbm>>
    %dma_start3A_2239 = tpu.memref_squeeze %dma_start3A_2238 : memref<128x1x128xf32, #tpu.memory_space<hbm>> -> memref<128x128xf32, #tpu.memory_space<hbm>>
    %dma_start3A_2240 = arith.constant 0 : i32
    %dma_start3A_2241 = tpu.memref_slice %arg2[%mul3A_2, %dma_start3A_2236, %dma_start3A_2240] : memref<4096x64x128xf32, #tpu.memory_space<hbm>> -> memref<128x1x128xf32, #tpu.memory_space<hbm>>
    %dma_start3A_2242 = tpu.memref_squeeze %dma_start3A_2241 : memref<128x1x128xf32, #tpu.memory_space<hbm>> -> memref<128x128xf32, #tpu.memory_space<hbm>>
    tpu.enqueue_dma source(%dma_start3A_2242 : memref<128x128xf32, #tpu.memory_space<hbm>>) target(%arg9 : memref<128x128xf32, #tpu.memory_space<vmem>>) target_semaphore(%arg16 : memref<!tpu.dma_semaphore, #tpu.memory_space<semaphore_mem>>)
    %dma_wait3A_2243 = arith.constant 0 : i32
    %dma_wait3A_2244 = arith.constant 0 : i32
    %dma_wait3A_2245 = arith.constant 0 : i32
    %dma_wait3A_2246 = tpu.memref_slice %arg2[%dma_wait3A_2244, %dma_wait3A_2243, %dma_wait3A_2245] : memref<4096x64x128xf32, #tpu.memory_space<hbm>> -> memref<128x1x128xf32, #tpu.memory_space<hbm>>
    %dma_wait3A_2247 = tpu.memref_squeeze %dma_wait3A_2246 : memref<128x1x128xf32, #tpu.memory_space<hbm>> -> memref<128x128xf32, #tpu.memory_space<hbm>>
    %dma_wait3A_2248 = arith.constant 0 : i32
    %dma_wait3A_2249 = arith.constant 0 : i32
    %dma_wait3A_2250 = tpu.memref_slice %arg2[%dma_wait3A_2248, %dma_wait3A_2243, %dma_wait3A_2249] : memref<4096x64x128xf32, #tpu.memory_space<hbm>> -> memref<128x1x128xf32, #tpu.memory_space<hbm>>
    %dma_wait3A_2251 = tpu.memref_squeeze %dma_wait3A_2250 : memref<128x1x128xf32, #tpu.memory_space<hbm>> -> memref<128x128xf32, #tpu.memory_space<hbm>>
    tpu.wait_dma2 semaphore(%arg14 : memref<!tpu.dma_semaphore, #tpu.memory_space<semaphore_mem>>) src(%dma_wait3A_2251 : memref<128x128xf32, #tpu.memory_space<hbm>>) dst(%arg7 : memref<128x128xf32, #tpu.memory_space<vmem>>)
    %get3A_2252 = arith.constant 48 : index
    %get3A_2253 = tpu.vector_load %arg11[%get3A_2252] {strides = array<i32>} : memref<64xi32, #tpu.memory_space<vmem>>, vector<16xi32>,
    %get3A_2254 = vector.shape_cast %get3A_2253 : vector<16xi32> to vector<16xi32>
    %slice3A_2255 = vector.extract_strided_slice %get3A_2254 {offsets = [4], sizes = [1], strides = [1]} : vector<16xi32> to vector<1xi32>
    %squeeze3A_2256 = vector.extract %slice3A_2255[0] : i32 from vector<1xi32>
    %mul3A_2257 = arith.constant 4096 : i32
    %mul3A_2258 = arith.muli %squeeze3A_2256, %mul3A_2257 : i32
    %add3A_2259 = arith.addi %mul3A_2258, %mul3A_2 : i32
    %dma_start3A_2260 = arith.constant 0 : i32
    %dma_start3A_2261 = tpu.memref_slice %arg6[%add3A_2259, %dma_start3A_2260] : memref<450560x128xf32, #tpu.memory_space<hbm>> -> memref<128x128xf32, #tpu.memory_space<hbm>>
    %dma_start3A_2262 = arith.constant 0 : i32
    %dma_start3A_2263 = tpu.memref_slice %arg6[%add3A_2259, %dma_start3A_2262] : memref<450560x128xf32, #tpu.memory_space<hbm>> -> memref<128x128xf32, #tpu.memory_space<hbm>>
    tpu.enqueue_dma source(%arg7 : memref<128x128xf32, #tpu.memory_space<vmem>>) target(%dma_start3A_2263 : memref<128x128xf32, #tpu.memory_space<hbm>>) target_semaphore(%arg18 : memref<!tpu.dma_semaphore, #tpu.memory_space<semaphore_mem>>)
    %dma_wait3A_2264 = arith.constant 0 : i32
    %dma_wait3A_2265 = arith.constant 0 : i32
    %dma_wait3A_2266 = tpu.memref_slice %arg6[%dma_wait3A_2264, %dma_wait3A_2265] : memref<450560x128xf32, #tpu.memory_space<hbm>> -> memref<128x128xf32, #tpu.memory_space<hbm>>
    %dma_wait3A_2267 = arith.constant 0 : i32
    %dma_wait3A_2268 = arith.constant 0 : i32
    %dma_wait3A_2269 = tpu.memref_slice %arg6[%dma_wait3A_2267, %dma_wait3A_2268] : memref<450560x128xf32, #tpu.memory_space<hbm>> -> memref<128x128xf32, #tpu.memory_space<hbm>>
    tpu.wait_dma2 semaphore(%arg21 : memref<!tpu.dma_semaphore, #tpu.memory_space<semaphore_mem>>) src(%arg10 : memref<128x128xf32, #tpu.memory_space<vmem>>) dst(%dma_wait3A_2269 : memref<128x128xf32, #tpu.memory_space<hbm>>)
    %dma_start3A_2270 = arith.constant 55 : i32
    %dma_start3A_2271 = arith.constant 0 : i32
    %dma_start3A_2272 = tpu.memref_slice %arg2[%mul3A_2, %dma_start3A_2270, %dma_start3A_2271] : memref<4096x64x128xf32, #tpu.memory_space<hbm>> -> memref<128x1x128xf32, #tpu.memory_space<hbm>>
    %dma_start3A_2273 = tpu.memref_squeeze %dma_start3A_2272 : memref<128x1x128xf32, #tpu.memory_space<hbm>> -> memref<128x128xf32, #tpu.memory_space<hbm>>
    %dma_start3A_2274 = arith.constant 0 : i32
    %dma_start3A_2275 = tpu.memref_slice %arg2[%mul3A_2, %dma_start3A_2270, %dma_start3A_2274] : memref<4096x64x128xf32, #tpu.memory_space<hbm>> -> memref<128x1x128xf32, #tpu.memory_space<hbm>>
    %dma_start3A_2276 = tpu.memref_squeeze %dma_start3A_2275 : memref<128x1x128xf32, #tpu.memory_space<hbm>> -> memref<128x128xf32, #tpu.memory_space<hbm>>
    tpu.enqueue_dma source(%dma_start3A_2276 : memref<128x128xf32, #tpu.memory_space<hbm>>) target(%arg10 : memref<128x128xf32, #tpu.memory_space<vmem>>) target_semaphore(%arg17 : memref<!tpu.dma_semaphore, #tpu.memory_space<semaphore_mem>>)
    %dma_wait3A_2277 = arith.constant 0 : i32
    %dma_wait3A_2278 = arith.constant 0 : i32
    %dma_wait3A_2279 = arith.constant 0 : i32
    %dma_wait3A_2280 = tpu.memref_slice %arg2[%dma_wait3A_2278, %dma_wait3A_2277, %dma_wait3A_2279] : memref<4096x64x128xf32, #tpu.memory_space<hbm>> -> memref<128x1x128xf32, #tpu.memory_space<hbm>>
    %dma_wait3A_2281 = tpu.memref_squeeze %dma_wait3A_2280 : memref<128x1x128xf32, #tpu.memory_space<hbm>> -> memref<128x128xf32, #tpu.memory_space<hbm>>
    %dma_wait3A_2282 = arith.constant 0 : i32
    %dma_wait3A_2283 = arith.constant 0 : i32
    %dma_wait3A_2284 = tpu.memref_slice %arg2[%dma_wait3A_2282, %dma_wait3A_2277, %dma_wait3A_2283] : memref<4096x64x128xf32, #tpu.memory_space<hbm>> -> memref<128x1x128xf32, #tpu.memory_space<hbm>>
    %dma_wait3A_2285 = tpu.memref_squeeze %dma_wait3A_2284 : memref<128x1x128xf32, #tpu.memory_space<hbm>> -> memref<128x128xf32, #tpu.memory_space<hbm>>
    tpu.wait_dma2 semaphore(%arg15 : memref<!tpu.dma_semaphore, #tpu.memory_space<semaphore_mem>>) src(%dma_wait3A_2285 : memref<128x128xf32, #tpu.memory_space<hbm>>) dst(%arg8 : memref<128x128xf32, #tpu.memory_space<vmem>>)
    %get3A_2286 = arith.constant 48 : index
    %get3A_2287 = tpu.vector_load %arg11[%get3A_2286] {strides = array<i32>} : memref<64xi32, #tpu.memory_space<vmem>>, vector<16xi32>,
    %get3A_2288 = vector.shape_cast %get3A_2287 : vector<16xi32> to vector<16xi32>
    %slice3A_2289 = vector.extract_strided_slice %get3A_2288 {offsets = [5], sizes = [1], strides = [1]} : vector<16xi32> to vector<1xi32>
    %squeeze3A_2290 = vector.extract %slice3A_2289[0] : i32 from vector<1xi32>
    %mul3A_2291 = arith.constant 4096 : i32
    %mul3A_2292 = arith.muli %squeeze3A_2290, %mul3A_2291 : i32
    %add3A_2293 = arith.addi %mul3A_2292, %mul3A_2 : i32
    %dma_start3A_2294 = arith.constant 0 : i32
    %dma_start3A_2295 = tpu.memref_slice %arg6[%add3A_2293, %dma_start3A_2294] : memref<450560x128xf32, #tpu.memory_space<hbm>> -> memref<128x128xf32, #tpu.memory_space<hbm>>
    %dma_start3A_2296 = arith.constant 0 : i32
    %dma_start3A_2297 = tpu.memref_slice %arg6[%add3A_2293, %dma_start3A_2296] : memref<450560x128xf32, #tpu.memory_space<hbm>> -> memref<128x128xf32, #tpu.memory_space<hbm>>
    tpu.enqueue_dma source(%arg8 : memref<128x128xf32, #tpu.memory_space<vmem>>) target(%dma_start3A_2297 : memref<128x128xf32, #tpu.memory_space<hbm>>) target_semaphore(%arg19 : memref<!tpu.dma_semaphore, #tpu.memory_space<semaphore_mem>>)
    %dma_wait3A_2298 = arith.constant 0 : i32
    %dma_wait3A_2299 = arith.constant 0 : i32
    %dma_wait3A_2300 = tpu.memref_slice %arg6[%dma_wait3A_2298, %dma_wait3A_2299] : memref<450560x128xf32, #tpu.memory_space<hbm>> -> memref<128x128xf32, #tpu.memory_space<hbm>>
    %dma_wait3A_2301 = arith.constant 0 : i32
    %dma_wait3A_2302 = arith.constant 0 : i32
    %dma_wait3A_2303 = tpu.memref_slice %arg6[%dma_wait3A_2301, %dma_wait3A_2302] : memref<450560x128xf32, #tpu.memory_space<hbm>> -> memref<128x128xf32, #tpu.memory_space<hbm>>
    tpu.wait_dma2 semaphore(%arg18 : memref<!tpu.dma_semaphore, #tpu.memory_space<semaphore_mem>>) src(%arg7 : memref<128x128xf32, #tpu.memory_space<vmem>>) dst(%dma_wait3A_2303 : memref<128x128xf32, #tpu.memory_space<hbm>>)
    %dma_start3A_2304 = arith.constant 56 : i32
    %dma_start3A_2305 = arith.constant 0 : i32
    %dma_start3A_2306 = tpu.memref_slice %arg2[%mul3A_2, %dma_start3A_2304, %dma_start3A_2305] : memref<4096x64x128xf32, #tpu.memory_space<hbm>> -> memref<128x1x128xf32, #tpu.memory_space<hbm>>
    %dma_start3A_2307 = tpu.memref_squeeze %dma_start3A_2306 : memref<128x1x128xf32, #tpu.memory_space<hbm>> -> memref<128x128xf32, #tpu.memory_space<hbm>>
    %dma_start3A_2308 = arith.constant 0 : i32
    %dma_start3A_2309 = tpu.memref_slice %arg2[%mul3A_2, %dma_start3A_2304, %dma_start3A_2308] : memref<4096x64x128xf32, #tpu.memory_space<hbm>> -> memref<128x1x128xf32, #tpu.memory_space<hbm>>
    %dma_start3A_2310 = tpu.memref_squeeze %dma_start3A_2309 : memref<128x1x128xf32, #tpu.memory_space<hbm>> -> memref<128x128xf32, #tpu.memory_space<hbm>>
    tpu.enqueue_dma source(%dma_start3A_2310 : memref<128x128xf32, #tpu.memory_space<hbm>>) target(%arg7 : memref<128x128xf32, #tpu.memory_space<vmem>>) target_semaphore(%arg14 : memref<!tpu.dma_semaphore, #tpu.memory_space<semaphore_mem>>)
    %dma_wait3A_2311 = arith.constant 0 : i32
    %dma_wait3A_2312 = arith.constant 0 : i32
    %dma_wait3A_2313 = arith.constant 0 : i32
    %dma_wait3A_2314 = tpu.memref_slice %arg2[%dma_wait3A_2312, %dma_wait3A_2311, %dma_wait3A_2313] : memref<4096x64x128xf32, #tpu.memory_space<hbm>> -> memref<128x1x128xf32, #tpu.memory_space<hbm>>
    %dma_wait3A_2315 = tpu.memref_squeeze %dma_wait3A_2314 : memref<128x1x128xf32, #tpu.memory_space<hbm>> -> memref<128x128xf32, #tpu.memory_space<hbm>>
    %dma_wait3A_2316 = arith.constant 0 : i32
    %dma_wait3A_2317 = arith.constant 0 : i32
    %dma_wait3A_2318 = tpu.memref_slice %arg2[%dma_wait3A_2316, %dma_wait3A_2311, %dma_wait3A_2317] : memref<4096x64x128xf32, #tpu.memory_space<hbm>> -> memref<128x1x128xf32, #tpu.memory_space<hbm>>
    %dma_wait3A_2319 = tpu.memref_squeeze %dma_wait3A_2318 : memref<128x1x128xf32, #tpu.memory_space<hbm>> -> memref<128x128xf32, #tpu.memory_space<hbm>>
    tpu.wait_dma2 semaphore(%arg16 : memref<!tpu.dma_semaphore, #tpu.memory_space<semaphore_mem>>) src(%dma_wait3A_2319 : memref<128x128xf32, #tpu.memory_space<hbm>>) dst(%arg9 : memref<128x128xf32, #tpu.memory_space<vmem>>)
    %get3A_2320 = arith.constant 48 : index
    %get3A_2321 = tpu.vector_load %arg11[%get3A_2320] {strides = array<i32>} : memref<64xi32, #tpu.memory_space<vmem>>, vector<16xi32>,
    %get3A_2322 = vector.shape_cast %get3A_2321 : vector<16xi32> to vector<16xi32>
    %slice3A_2323 = vector.extract_strided_slice %get3A_2322 {offsets = [6], sizes = [1], strides = [1]} : vector<16xi32> to vector<1xi32>
    %squeeze3A_2324 = vector.extract %slice3A_2323[0] : i32 from vector<1xi32>
    %mul3A_2325 = arith.constant 4096 : i32
    %mul3A_2326 = arith.muli %squeeze3A_2324, %mul3A_2325 : i32
    %add3A_2327 = arith.addi %mul3A_2326, %mul3A_2 : i32
    %dma_start3A_2328 = arith.constant 0 : i32
    %dma_start3A_2329 = tpu.memref_slice %arg6[%add3A_2327, %dma_start3A_2328] : memref<450560x128xf32, #tpu.memory_space<hbm>> -> memref<128x128xf32, #tpu.memory_space<hbm>>
    %dma_start3A_2330 = arith.constant 0 : i32
    %dma_start3A_2331 = tpu.memref_slice %arg6[%add3A_2327, %dma_start3A_2330] : memref<450560x128xf32, #tpu.memory_space<hbm>> -> memref<128x128xf32, #tpu.memory_space<hbm>>
    tpu.enqueue_dma source(%arg9 : memref<128x128xf32, #tpu.memory_space<vmem>>) target(%dma_start3A_2331 : memref<128x128xf32, #tpu.memory_space<hbm>>) target_semaphore(%arg20 : memref<!tpu.dma_semaphore, #tpu.memory_space<semaphore_mem>>)
    %dma_wait3A_2332 = arith.constant 0 : i32
    %dma_wait3A_2333 = arith.constant 0 : i32
    %dma_wait3A_2334 = tpu.memref_slice %arg6[%dma_wait3A_2332, %dma_wait3A_2333] : memref<450560x128xf32, #tpu.memory_space<hbm>> -> memref<128x128xf32, #tpu.memory_space<hbm>>
    %dma_wait3A_2335 = arith.constant 0 : i32
    %dma_wait3A_2336 = arith.constant 0 : i32
    %dma_wait3A_2337 = tpu.memref_slice %arg6[%dma_wait3A_2335, %dma_wait3A_2336] : memref<450560x128xf32, #tpu.memory_space<hbm>> -> memref<128x128xf32, #tpu.memory_space<hbm>>
    tpu.wait_dma2 semaphore(%arg19 : memref<!tpu.dma_semaphore, #tpu.memory_space<semaphore_mem>>) src(%arg8 : memref<128x128xf32, #tpu.memory_space<vmem>>) dst(%dma_wait3A_2337 : memref<128x128xf32, #tpu.memory_space<hbm>>)
    %dma_start3A_2338 = arith.constant 57 : i32
    %dma_start3A_2339 = arith.constant 0 : i32
    %dma_start3A_2340 = tpu.memref_slice %arg2[%mul3A_2, %dma_start3A_2338, %dma_start3A_2339] : memref<4096x64x128xf32, #tpu.memory_space<hbm>> -> memref<128x1x128xf32, #tpu.memory_space<hbm>>
    %dma_start3A_2341 = tpu.memref_squeeze %dma_start3A_2340 : memref<128x1x128xf32, #tpu.memory_space<hbm>> -> memref<128x128xf32, #tpu.memory_space<hbm>>
    %dma_start3A_2342 = arith.constant 0 : i32
    %dma_start3A_2343 = tpu.memref_slice %arg2[%mul3A_2, %dma_start3A_2338, %dma_start3A_2342] : memref<4096x64x128xf32, #tpu.memory_space<hbm>> -> memref<128x1x128xf32, #tpu.memory_space<hbm>>
    %dma_start3A_2344 = tpu.memref_squeeze %dma_start3A_2343 : memref<128x1x128xf32, #tpu.memory_space<hbm>> -> memref<128x128xf32, #tpu.memory_space<hbm>>
    tpu.enqueue_dma source(%dma_start3A_2344 : memref<128x128xf32, #tpu.memory_space<hbm>>) target(%arg8 : memref<128x128xf32, #tpu.memory_space<vmem>>) target_semaphore(%arg15 : memref<!tpu.dma_semaphore, #tpu.memory_space<semaphore_mem>>)
    %dma_wait3A_2345 = arith.constant 0 : i32
    %dma_wait3A_2346 = arith.constant 0 : i32
    %dma_wait3A_2347 = arith.constant 0 : i32
    %dma_wait3A_2348 = tpu.memref_slice %arg2[%dma_wait3A_2346, %dma_wait3A_2345, %dma_wait3A_2347] : memref<4096x64x128xf32, #tpu.memory_space<hbm>> -> memref<128x1x128xf32, #tpu.memory_space<hbm>>
    %dma_wait3A_2349 = tpu.memref_squeeze %dma_wait3A_2348 : memref<128x1x128xf32, #tpu.memory_space<hbm>> -> memref<128x128xf32, #tpu.memory_space<hbm>>
    %dma_wait3A_2350 = arith.constant 0 : i32
    %dma_wait3A_2351 = arith.constant 0 : i32
    %dma_wait3A_2352 = tpu.memref_slice %arg2[%dma_wait3A_2350, %dma_wait3A_2345, %dma_wait3A_2351] : memref<4096x64x128xf32, #tpu.memory_space<hbm>> -> memref<128x1x128xf32, #tpu.memory_space<hbm>>
    %dma_wait3A_2353 = tpu.memref_squeeze %dma_wait3A_2352 : memref<128x1x128xf32, #tpu.memory_space<hbm>> -> memref<128x128xf32, #tpu.memory_space<hbm>>
    tpu.wait_dma2 semaphore(%arg17 : memref<!tpu.dma_semaphore, #tpu.memory_space<semaphore_mem>>) src(%dma_wait3A_2353 : memref<128x128xf32, #tpu.memory_space<hbm>>) dst(%arg10 : memref<128x128xf32, #tpu.memory_space<vmem>>)
    %get3A_2354 = arith.constant 48 : index
    %get3A_2355 = tpu.vector_load %arg11[%get3A_2354] {strides = array<i32>} : memref<64xi32, #tpu.memory_space<vmem>>, vector<16xi32>,
    %get3A_2356 = vector.shape_cast %get3A_2355 : vector<16xi32> to vector<16xi32>
    %slice3A_2357 = vector.extract_strided_slice %get3A_2356 {offsets = [7], sizes = [1], strides = [1]} : vector<16xi32> to vector<1xi32>
    %squeeze3A_2358 = vector.extract %slice3A_2357[0] : i32 from vector<1xi32>
    %mul3A_2359 = arith.constant 4096 : i32
    %mul3A_2360 = arith.muli %squeeze3A_2358, %mul3A_2359 : i32
    %add3A_2361 = arith.addi %mul3A_2360, %mul3A_2 : i32
    %dma_start3A_2362 = arith.constant 0 : i32
    %dma_start3A_2363 = tpu.memref_slice %arg6[%add3A_2361, %dma_start3A_2362] : memref<450560x128xf32, #tpu.memory_space<hbm>> -> memref<128x128xf32, #tpu.memory_space<hbm>>
    %dma_start3A_2364 = arith.constant 0 : i32
    %dma_start3A_2365 = tpu.memref_slice %arg6[%add3A_2361, %dma_start3A_2364] : memref<450560x128xf32, #tpu.memory_space<hbm>> -> memref<128x128xf32, #tpu.memory_space<hbm>>
    tpu.enqueue_dma source(%arg10 : memref<128x128xf32, #tpu.memory_space<vmem>>) target(%dma_start3A_2365 : memref<128x128xf32, #tpu.memory_space<hbm>>) target_semaphore(%arg21 : memref<!tpu.dma_semaphore, #tpu.memory_space<semaphore_mem>>)
    %dma_wait3A_2366 = arith.constant 0 : i32
    %dma_wait3A_2367 = arith.constant 0 : i32
    %dma_wait3A_2368 = tpu.memref_slice %arg6[%dma_wait3A_2366, %dma_wait3A_2367] : memref<450560x128xf32, #tpu.memory_space<hbm>> -> memref<128x128xf32, #tpu.memory_space<hbm>>
    %dma_wait3A_2369 = arith.constant 0 : i32
    %dma_wait3A_2370 = arith.constant 0 : i32
    %dma_wait3A_2371 = tpu.memref_slice %arg6[%dma_wait3A_2369, %dma_wait3A_2370] : memref<450560x128xf32, #tpu.memory_space<hbm>> -> memref<128x128xf32, #tpu.memory_space<hbm>>
    tpu.wait_dma2 semaphore(%arg20 : memref<!tpu.dma_semaphore, #tpu.memory_space<semaphore_mem>>) src(%arg9 : memref<128x128xf32, #tpu.memory_space<vmem>>) dst(%dma_wait3A_2371 : memref<128x128xf32, #tpu.memory_space<hbm>>)
    %dma_start3A_2372 = arith.constant 58 : i32
    %dma_start3A_2373 = arith.constant 0 : i32
    %dma_start3A_2374 = tpu.memref_slice %arg2[%mul3A_2, %dma_start3A_2372, %dma_start3A_2373] : memref<4096x64x128xf32, #tpu.memory_space<hbm>> -> memref<128x1x128xf32, #tpu.memory_space<hbm>>
    %dma_start3A_2375 = tpu.memref_squeeze %dma_start3A_2374 : memref<128x1x128xf32, #tpu.memory_space<hbm>> -> memref<128x128xf32, #tpu.memory_space<hbm>>
    %dma_start3A_2376 = arith.constant 0 : i32
    %dma_start3A_2377 = tpu.memref_slice %arg2[%mul3A_2, %dma_start3A_2372, %dma_start3A_2376] : memref<4096x64x128xf32, #tpu.memory_space<hbm>> -> memref<128x1x128xf32, #tpu.memory_space<hbm>>
    %dma_start3A_2378 = tpu.memref_squeeze %dma_start3A_2377 : memref<128x1x128xf32, #tpu.memory_space<hbm>> -> memref<128x128xf32, #tpu.memory_space<hbm>>
    tpu.enqueue_dma source(%dma_start3A_2378 : memref<128x128xf32, #tpu.memory_space<hbm>>) target(%arg9 : memref<128x128xf32, #tpu.memory_space<vmem>>) target_semaphore(%arg16 : memref<!tpu.dma_semaphore, #tpu.memory_space<semaphore_mem>>)
    %dma_wait3A_2379 = arith.constant 0 : i32
    %dma_wait3A_2380 = arith.constant 0 : i32
    %dma_wait3A_2381 = arith.constant 0 : i32
    %dma_wait3A_2382 = tpu.memref_slice %arg2[%dma_wait3A_2380, %dma_wait3A_2379, %dma_wait3A_2381] : memref<4096x64x128xf32, #tpu.memory_space<hbm>> -> memref<128x1x128xf32, #tpu.memory_space<hbm>>
    %dma_wait3A_2383 = tpu.memref_squeeze %dma_wait3A_2382 : memref<128x1x128xf32, #tpu.memory_space<hbm>> -> memref<128x128xf32, #tpu.memory_space<hbm>>
    %dma_wait3A_2384 = arith.constant 0 : i32
    %dma_wait3A_2385 = arith.constant 0 : i32
    %dma_wait3A_2386 = tpu.memref_slice %arg2[%dma_wait3A_2384, %dma_wait3A_2379, %dma_wait3A_2385] : memref<4096x64x128xf32, #tpu.memory_space<hbm>> -> memref<128x1x128xf32, #tpu.memory_space<hbm>>
    %dma_wait3A_2387 = tpu.memref_squeeze %dma_wait3A_2386 : memref<128x1x128xf32, #tpu.memory_space<hbm>> -> memref<128x128xf32, #tpu.memory_space<hbm>>
    tpu.wait_dma2 semaphore(%arg14 : memref<!tpu.dma_semaphore, #tpu.memory_space<semaphore_mem>>) src(%dma_wait3A_2387 : memref<128x128xf32, #tpu.memory_space<hbm>>) dst(%arg7 : memref<128x128xf32, #tpu.memory_space<vmem>>)
    %get3A_2388 = arith.constant 48 : index
    %get3A_2389 = tpu.vector_load %arg11[%get3A_2388] {strides = array<i32>} : memref<64xi32, #tpu.memory_space<vmem>>, vector<16xi32>,
    %get3A_2390 = vector.shape_cast %get3A_2389 : vector<16xi32> to vector<16xi32>
    %slice3A_2391 = vector.extract_strided_slice %get3A_2390 {offsets = [8], sizes = [1], strides = [1]} : vector<16xi32> to vector<1xi32>
    %squeeze3A_2392 = vector.extract %slice3A_2391[0] : i32 from vector<1xi32>
    %mul3A_2393 = arith.constant 4096 : i32
    %mul3A_2394 = arith.muli %squeeze3A_2392, %mul3A_2393 : i32
    %add3A_2395 = arith.addi %mul3A_2394, %mul3A_2 : i32
    %dma_start3A_2396 = arith.constant 0 : i32
    %dma_start3A_2397 = tpu.memref_slice %arg6[%add3A_2395, %dma_start3A_2396] : memref<450560x128xf32, #tpu.memory_space<hbm>> -> memref<128x128xf32, #tpu.memory_space<hbm>>
    %dma_start3A_2398 = arith.constant 0 : i32
    %dma_start3A_2399 = tpu.memref_slice %arg6[%add3A_2395, %dma_start3A_2398] : memref<450560x128xf32, #tpu.memory_space<hbm>> -> memref<128x128xf32, #tpu.memory_space<hbm>>
    tpu.enqueue_dma source(%arg7 : memref<128x128xf32, #tpu.memory_space<vmem>>) target(%dma_start3A_2399 : memref<128x128xf32, #tpu.memory_space<hbm>>) target_semaphore(%arg18 : memref<!tpu.dma_semaphore, #tpu.memory_space<semaphore_mem>>)
    %dma_wait3A_2400 = arith.constant 0 : i32
    %dma_wait3A_2401 = arith.constant 0 : i32
    %dma_wait3A_2402 = tpu.memref_slice %arg6[%dma_wait3A_2400, %dma_wait3A_2401] : memref<450560x128xf32, #tpu.memory_space<hbm>> -> memref<128x128xf32, #tpu.memory_space<hbm>>
    %dma_wait3A_2403 = arith.constant 0 : i32
    %dma_wait3A_2404 = arith.constant 0 : i32
    %dma_wait3A_2405 = tpu.memref_slice %arg6[%dma_wait3A_2403, %dma_wait3A_2404] : memref<450560x128xf32, #tpu.memory_space<hbm>> -> memref<128x128xf32, #tpu.memory_space<hbm>>
    tpu.wait_dma2 semaphore(%arg21 : memref<!tpu.dma_semaphore, #tpu.memory_space<semaphore_mem>>) src(%arg10 : memref<128x128xf32, #tpu.memory_space<vmem>>) dst(%dma_wait3A_2405 : memref<128x128xf32, #tpu.memory_space<hbm>>)
    %dma_start3A_2406 = arith.constant 59 : i32
    %dma_start3A_2407 = arith.constant 0 : i32
    %dma_start3A_2408 = tpu.memref_slice %arg2[%mul3A_2, %dma_start3A_2406, %dma_start3A_2407] : memref<4096x64x128xf32, #tpu.memory_space<hbm>> -> memref<128x1x128xf32, #tpu.memory_space<hbm>>
    %dma_start3A_2409 = tpu.memref_squeeze %dma_start3A_2408 : memref<128x1x128xf32, #tpu.memory_space<hbm>> -> memref<128x128xf32, #tpu.memory_space<hbm>>
    %dma_start3A_2410 = arith.constant 0 : i32
    %dma_start3A_2411 = tpu.memref_slice %arg2[%mul3A_2, %dma_start3A_2406, %dma_start3A_2410] : memref<4096x64x128xf32, #tpu.memory_space<hbm>> -> memref<128x1x128xf32, #tpu.memory_space<hbm>>
    %dma_start3A_2412 = tpu.memref_squeeze %dma_start3A_2411 : memref<128x1x128xf32, #tpu.memory_space<hbm>> -> memref<128x128xf32, #tpu.memory_space<hbm>>
    tpu.enqueue_dma source(%dma_start3A_2412 : memref<128x128xf32, #tpu.memory_space<hbm>>) target(%arg10 : memref<128x128xf32, #tpu.memory_space<vmem>>) target_semaphore(%arg17 : memref<!tpu.dma_semaphore, #tpu.memory_space<semaphore_mem>>)
    %dma_wait3A_2413 = arith.constant 0 : i32
    %dma_wait3A_2414 = arith.constant 0 : i32
    %dma_wait3A_2415 = arith.constant 0 : i32
    %dma_wait3A_2416 = tpu.memref_slice %arg2[%dma_wait3A_2414, %dma_wait3A_2413, %dma_wait3A_2415] : memref<4096x64x128xf32, #tpu.memory_space<hbm>> -> memref<128x1x128xf32, #tpu.memory_space<hbm>>
    %dma_wait3A_2417 = tpu.memref_squeeze %dma_wait3A_2416 : memref<128x1x128xf32, #tpu.memory_space<hbm>> -> memref<128x128xf32, #tpu.memory_space<hbm>>
    %dma_wait3A_2418 = arith.constant 0 : i32
    %dma_wait3A_2419 = arith.constant 0 : i32
    %dma_wait3A_2420 = tpu.memref_slice %arg2[%dma_wait3A_2418, %dma_wait3A_2413, %dma_wait3A_2419] : memref<4096x64x128xf32, #tpu.memory_space<hbm>> -> memref<128x1x128xf32, #tpu.memory_space<hbm>>
    %dma_wait3A_2421 = tpu.memref_squeeze %dma_wait3A_2420 : memref<128x1x128xf32, #tpu.memory_space<hbm>> -> memref<128x128xf32, #tpu.memory_space<hbm>>
    tpu.wait_dma2 semaphore(%arg15 : memref<!tpu.dma_semaphore, #tpu.memory_space<semaphore_mem>>) src(%dma_wait3A_2421 : memref<128x128xf32, #tpu.memory_space<hbm>>) dst(%arg8 : memref<128x128xf32, #tpu.memory_space<vmem>>)
    %get3A_2422 = arith.constant 48 : index
    %get3A_2423 = tpu.vector_load %arg11[%get3A_2422] {strides = array<i32>} : memref<64xi32, #tpu.memory_space<vmem>>, vector<16xi32>,
    %get3A_2424 = vector.shape_cast %get3A_2423 : vector<16xi32> to vector<16xi32>
    %slice3A_2425 = vector.extract_strided_slice %get3A_2424 {offsets = [9], sizes = [1], strides = [1]} : vector<16xi32> to vector<1xi32>
    %squeeze3A_2426 = vector.extract %slice3A_2425[0] : i32 from vector<1xi32>
    %mul3A_2427 = arith.constant 4096 : i32
    %mul3A_2428 = arith.muli %squeeze3A_2426, %mul3A_2427 : i32
    %add3A_2429 = arith.addi %mul3A_2428, %mul3A_2 : i32
    %dma_start3A_2430 = arith.constant 0 : i32
    %dma_start3A_2431 = tpu.memref_slice %arg6[%add3A_2429, %dma_start3A_2430] : memref<450560x128xf32, #tpu.memory_space<hbm>> -> memref<128x128xf32, #tpu.memory_space<hbm>>
    %dma_start3A_2432 = arith.constant 0 : i32
    %dma_start3A_2433 = tpu.memref_slice %arg6[%add3A_2429, %dma_start3A_2432] : memref<450560x128xf32, #tpu.memory_space<hbm>> -> memref<128x128xf32, #tpu.memory_space<hbm>>
    tpu.enqueue_dma source(%arg8 : memref<128x128xf32, #tpu.memory_space<vmem>>) target(%dma_start3A_2433 : memref<128x128xf32, #tpu.memory_space<hbm>>) target_semaphore(%arg19 : memref<!tpu.dma_semaphore, #tpu.memory_space<semaphore_mem>>)
    %dma_wait3A_2434 = arith.constant 0 : i32
    %dma_wait3A_2435 = arith.constant 0 : i32
    %dma_wait3A_2436 = tpu.memref_slice %arg6[%dma_wait3A_2434, %dma_wait3A_2435] : memref<450560x128xf32, #tpu.memory_space<hbm>> -> memref<128x128xf32, #tpu.memory_space<hbm>>
    %dma_wait3A_2437 = arith.constant 0 : i32
    %dma_wait3A_2438 = arith.constant 0 : i32
    %dma_wait3A_2439 = tpu.memref_slice %arg6[%dma_wait3A_2437, %dma_wait3A_2438] : memref<450560x128xf32, #tpu.memory_space<hbm>> -> memref<128x128xf32, #tpu.memory_space<hbm>>
    tpu.wait_dma2 semaphore(%arg18 : memref<!tpu.dma_semaphore, #tpu.memory_space<semaphore_mem>>) src(%arg7 : memref<128x128xf32, #tpu.memory_space<vmem>>) dst(%dma_wait3A_2439 : memref<128x128xf32, #tpu.memory_space<hbm>>)
    %dma_start3A_2440 = arith.constant 60 : i32
    %dma_start3A_2441 = arith.constant 0 : i32
    %dma_start3A_2442 = tpu.memref_slice %arg2[%mul3A_2, %dma_start3A_2440, %dma_start3A_2441] : memref<4096x64x128xf32, #tpu.memory_space<hbm>> -> memref<128x1x128xf32, #tpu.memory_space<hbm>>
    %dma_start3A_2443 = tpu.memref_squeeze %dma_start3A_2442 : memref<128x1x128xf32, #tpu.memory_space<hbm>> -> memref<128x128xf32, #tpu.memory_space<hbm>>
    %dma_start3A_2444 = arith.constant 0 : i32
    %dma_start3A_2445 = tpu.memref_slice %arg2[%mul3A_2, %dma_start3A_2440, %dma_start3A_2444] : memref<4096x64x128xf32, #tpu.memory_space<hbm>> -> memref<128x1x128xf32, #tpu.memory_space<hbm>>
    %dma_start3A_2446 = tpu.memref_squeeze %dma_start3A_2445 : memref<128x1x128xf32, #tpu.memory_space<hbm>> -> memref<128x128xf32, #tpu.memory_space<hbm>>
    tpu.enqueue_dma source(%dma_start3A_2446 : memref<128x128xf32, #tpu.memory_space<hbm>>) target(%arg7 : memref<128x128xf32, #tpu.memory_space<vmem>>) target_semaphore(%arg14 : memref<!tpu.dma_semaphore, #tpu.memory_space<semaphore_mem>>)
    %dma_wait3A_2447 = arith.constant 0 : i32
    %dma_wait3A_2448 = arith.constant 0 : i32
    %dma_wait3A_2449 = arith.constant 0 : i32
    %dma_wait3A_2450 = tpu.memref_slice %arg2[%dma_wait3A_2448, %dma_wait3A_2447, %dma_wait3A_2449] : memref<4096x64x128xf32, #tpu.memory_space<hbm>> -> memref<128x1x128xf32, #tpu.memory_space<hbm>>
    %dma_wait3A_2451 = tpu.memref_squeeze %dma_wait3A_2450 : memref<128x1x128xf32, #tpu.memory_space<hbm>> -> memref<128x128xf32, #tpu.memory_space<hbm>>
    %dma_wait3A_2452 = arith.constant 0 : i32
    %dma_wait3A_2453 = arith.constant 0 : i32
    %dma_wait3A_2454 = tpu.memref_slice %arg2[%dma_wait3A_2452, %dma_wait3A_2447, %dma_wait3A_2453] : memref<4096x64x128xf32, #tpu.memory_space<hbm>> -> memref<128x1x128xf32, #tpu.memory_space<hbm>>
    %dma_wait3A_2455 = tpu.memref_squeeze %dma_wait3A_2454 : memref<128x1x128xf32, #tpu.memory_space<hbm>> -> memref<128x128xf32, #tpu.memory_space<hbm>>
    tpu.wait_dma2 semaphore(%arg16 : memref<!tpu.dma_semaphore, #tpu.memory_space<semaphore_mem>>) src(%dma_wait3A_2455 : memref<128x128xf32, #tpu.memory_space<hbm>>) dst(%arg9 : memref<128x128xf32, #tpu.memory_space<vmem>>)
    %get3A_2456 = arith.constant 48 : index
    %get3A_2457 = tpu.vector_load %arg11[%get3A_2456] {strides = array<i32>} : memref<64xi32, #tpu.memory_space<vmem>>, vector<16xi32>,
    %get3A_2458 = vector.shape_cast %get3A_2457 : vector<16xi32> to vector<16xi32>
    %slice3A_2459 = vector.extract_strided_slice %get3A_2458 {offsets = [10], sizes = [1], strides = [1]} : vector<16xi32> to vector<1xi32>
    %squeeze3A_2460 = vector.extract %slice3A_2459[0] : i32 from vector<1xi32>
    %mul3A_2461 = arith.constant 4096 : i32
    %mul3A_2462 = arith.muli %squeeze3A_2460, %mul3A_2461 : i32
    %add3A_2463 = arith.addi %mul3A_2462, %mul3A_2 : i32
    %dma_start3A_2464 = arith.constant 0 : i32
    %dma_start3A_2465 = tpu.memref_slice %arg6[%add3A_2463, %dma_start3A_2464] : memref<450560x128xf32, #tpu.memory_space<hbm>> -> memref<128x128xf32, #tpu.memory_space<hbm>>
    %dma_start3A_2466 = arith.constant 0 : i32
    %dma_start3A_2467 = tpu.memref_slice %arg6[%add3A_2463, %dma_start3A_2466] : memref<450560x128xf32, #tpu.memory_space<hbm>> -> memref<128x128xf32, #tpu.memory_space<hbm>>
    tpu.enqueue_dma source(%arg9 : memref<128x128xf32, #tpu.memory_space<vmem>>) target(%dma_start3A_2467 : memref<128x128xf32, #tpu.memory_space<hbm>>) target_semaphore(%arg20 : memref<!tpu.dma_semaphore, #tpu.memory_space<semaphore_mem>>)
    %dma_wait3A_2468 = arith.constant 0 : i32
    %dma_wait3A_2469 = arith.constant 0 : i32
    %dma_wait3A_2470 = tpu.memref_slice %arg6[%dma_wait3A_2468, %dma_wait3A_2469] : memref<450560x128xf32, #tpu.memory_space<hbm>> -> memref<128x128xf32, #tpu.memory_space<hbm>>
    %dma_wait3A_2471 = arith.constant 0 : i32
    %dma_wait3A_2472 = arith.constant 0 : i32
    %dma_wait3A_2473 = tpu.memref_slice %arg6[%dma_wait3A_2471, %dma_wait3A_2472] : memref<450560x128xf32, #tpu.memory_space<hbm>> -> memref<128x128xf32, #tpu.memory_space<hbm>>
    tpu.wait_dma2 semaphore(%arg19 : memref<!tpu.dma_semaphore, #tpu.memory_space<semaphore_mem>>) src(%arg8 : memref<128x128xf32, #tpu.memory_space<vmem>>) dst(%dma_wait3A_2473 : memref<128x128xf32, #tpu.memory_space<hbm>>)
    %dma_start3A_2474 = arith.constant 61 : i32
    %dma_start3A_2475 = arith.constant 0 : i32
    %dma_start3A_2476 = tpu.memref_slice %arg2[%mul3A_2, %dma_start3A_2474, %dma_start3A_2475] : memref<4096x64x128xf32, #tpu.memory_space<hbm>> -> memref<128x1x128xf32, #tpu.memory_space<hbm>>
    %dma_start3A_2477 = tpu.memref_squeeze %dma_start3A_2476 : memref<128x1x128xf32, #tpu.memory_space<hbm>> -> memref<128x128xf32, #tpu.memory_space<hbm>>
    %dma_start3A_2478 = arith.constant 0 : i32
    %dma_start3A_2479 = tpu.memref_slice %arg2[%mul3A_2, %dma_start3A_2474, %dma_start3A_2478] : memref<4096x64x128xf32, #tpu.memory_space<hbm>> -> memref<128x1x128xf32, #tpu.memory_space<hbm>>
    %dma_start3A_2480 = tpu.memref_squeeze %dma_start3A_2479 : memref<128x1x128xf32, #tpu.memory_space<hbm>> -> memref<128x128xf32, #tpu.memory_space<hbm>>
    tpu.enqueue_dma source(%dma_start3A_2480 : memref<128x128xf32, #tpu.memory_space<hbm>>) target(%arg8 : memref<128x128xf32, #tpu.memory_space<vmem>>) target_semaphore(%arg15 : memref<!tpu.dma_semaphore, #tpu.memory_space<semaphore_mem>>)
    %dma_wait3A_2481 = arith.constant 0 : i32
    %dma_wait3A_2482 = arith.constant 0 : i32
    %dma_wait3A_2483 = arith.constant 0 : i32
    %dma_wait3A_2484 = tpu.memref_slice %arg2[%dma_wait3A_2482, %dma_wait3A_2481, %dma_wait3A_2483] : memref<4096x64x128xf32, #tpu.memory_space<hbm>> -> memref<128x1x128xf32, #tpu.memory_space<hbm>>
    %dma_wait3A_2485 = tpu.memref_squeeze %dma_wait3A_2484 : memref<128x1x128xf32, #tpu.memory_space<hbm>> -> memref<128x128xf32, #tpu.memory_space<hbm>>
    %dma_wait3A_2486 = arith.constant 0 : i32
    %dma_wait3A_2487 = arith.constant 0 : i32
    %dma_wait3A_2488 = tpu.memref_slice %arg2[%dma_wait3A_2486, %dma_wait3A_2481, %dma_wait3A_2487] : memref<4096x64x128xf32, #tpu.memory_space<hbm>> -> memref<128x1x128xf32, #tpu.memory_space<hbm>>
    %dma_wait3A_2489 = tpu.memref_squeeze %dma_wait3A_2488 : memref<128x1x128xf32, #tpu.memory_space<hbm>> -> memref<128x128xf32, #tpu.memory_space<hbm>>
    tpu.wait_dma2 semaphore(%arg17 : memref<!tpu.dma_semaphore, #tpu.memory_space<semaphore_mem>>) src(%dma_wait3A_2489 : memref<128x128xf32, #tpu.memory_space<hbm>>) dst(%arg10 : memref<128x128xf32, #tpu.memory_space<vmem>>)
    %get3A_2490 = arith.constant 48 : index
    %get3A_2491 = tpu.vector_load %arg11[%get3A_2490] {strides = array<i32>} : memref<64xi32, #tpu.memory_space<vmem>>, vector<16xi32>,
    %get3A_2492 = vector.shape_cast %get3A_2491 : vector<16xi32> to vector<16xi32>
    %slice3A_2493 = vector.extract_strided_slice %get3A_2492 {offsets = [11], sizes = [1], strides = [1]} : vector<16xi32> to vector<1xi32>
    %squeeze3A_2494 = vector.extract %slice3A_2493[0] : i32 from vector<1xi32>
    %mul3A_2495 = arith.constant 4096 : i32
    %mul3A_2496 = arith.muli %squeeze3A_2494, %mul3A_2495 : i32
    %add3A_2497 = arith.addi %mul3A_2496, %mul3A_2 : i32
    %dma_start3A_2498 = arith.constant 0 : i32
    %dma_start3A_2499 = tpu.memref_slice %arg6[%add3A_2497, %dma_start3A_2498] : memref<450560x128xf32, #tpu.memory_space<hbm>> -> memref<128x128xf32, #tpu.memory_space<hbm>>
    %dma_start3A_2500 = arith.constant 0 : i32
    %dma_start3A_2501 = tpu.memref_slice %arg6[%add3A_2497, %dma_start3A_2500] : memref<450560x128xf32, #tpu.memory_space<hbm>> -> memref<128x128xf32, #tpu.memory_space<hbm>>
    tpu.enqueue_dma source(%arg10 : memref<128x128xf32, #tpu.memory_space<vmem>>) target(%dma_start3A_2501 : memref<128x128xf32, #tpu.memory_space<hbm>>) target_semaphore(%arg21 : memref<!tpu.dma_semaphore, #tpu.memory_space<semaphore_mem>>)
    %dma_wait3A_2502 = arith.constant 0 : i32
    %dma_wait3A_2503 = arith.constant 0 : i32
    %dma_wait3A_2504 = tpu.memref_slice %arg6[%dma_wait3A_2502, %dma_wait3A_2503] : memref<450560x128xf32, #tpu.memory_space<hbm>> -> memref<128x128xf32, #tpu.memory_space<hbm>>
    %dma_wait3A_2505 = arith.constant 0 : i32
    %dma_wait3A_2506 = arith.constant 0 : i32
    %dma_wait3A_2507 = tpu.memref_slice %arg6[%dma_wait3A_2505, %dma_wait3A_2506] : memref<450560x128xf32, #tpu.memory_space<hbm>> -> memref<128x128xf32, #tpu.memory_space<hbm>>
    tpu.wait_dma2 semaphore(%arg20 : memref<!tpu.dma_semaphore, #tpu.memory_space<semaphore_mem>>) src(%arg9 : memref<128x128xf32, #tpu.memory_space<vmem>>) dst(%dma_wait3A_2507 : memref<128x128xf32, #tpu.memory_space<hbm>>)
    %dma_start3A_2508 = arith.constant 62 : i32
    %dma_start3A_2509 = arith.constant 0 : i32
    %dma_start3A_2510 = tpu.memref_slice %arg2[%mul3A_2, %dma_start3A_2508, %dma_start3A_2509] : memref<4096x64x128xf32, #tpu.memory_space<hbm>> -> memref<128x1x128xf32, #tpu.memory_space<hbm>>
    %dma_start3A_2511 = tpu.memref_squeeze %dma_start3A_2510 : memref<128x1x128xf32, #tpu.memory_space<hbm>> -> memref<128x128xf32, #tpu.memory_space<hbm>>
    %dma_start3A_2512 = arith.constant 0 : i32
    %dma_start3A_2513 = tpu.memref_slice %arg2[%mul3A_2, %dma_start3A_2508, %dma_start3A_2512] : memref<4096x64x128xf32, #tpu.memory_space<hbm>> -> memref<128x1x128xf32, #tpu.memory_space<hbm>>
    %dma_start3A_2514 = tpu.memref_squeeze %dma_start3A_2513 : memref<128x1x128xf32, #tpu.memory_space<hbm>> -> memref<128x128xf32, #tpu.memory_space<hbm>>
    tpu.enqueue_dma source(%dma_start3A_2514 : memref<128x128xf32, #tpu.memory_space<hbm>>) target(%arg9 : memref<128x128xf32, #tpu.memory_space<vmem>>) target_semaphore(%arg16 : memref<!tpu.dma_semaphore, #tpu.memory_space<semaphore_mem>>)
    %dma_wait3A_2515 = arith.constant 0 : i32
    %dma_wait3A_2516 = arith.constant 0 : i32
    %dma_wait3A_2517 = arith.constant 0 : i32
    %dma_wait3A_2518 = tpu.memref_slice %arg2[%dma_wait3A_2516, %dma_wait3A_2515, %dma_wait3A_2517] : memref<4096x64x128xf32, #tpu.memory_space<hbm>> -> memref<128x1x128xf32, #tpu.memory_space<hbm>>
    %dma_wait3A_2519 = tpu.memref_squeeze %dma_wait3A_2518 : memref<128x1x128xf32, #tpu.memory_space<hbm>> -> memref<128x128xf32, #tpu.memory_space<hbm>>
    %dma_wait3A_2520 = arith.constant 0 : i32
    %dma_wait3A_2521 = arith.constant 0 : i32
    %dma_wait3A_2522 = tpu.memref_slice %arg2[%dma_wait3A_2520, %dma_wait3A_2515, %dma_wait3A_2521] : memref<4096x64x128xf32, #tpu.memory_space<hbm>> -> memref<128x1x128xf32, #tpu.memory_space<hbm>>
    %dma_wait3A_2523 = tpu.memref_squeeze %dma_wait3A_2522 : memref<128x1x128xf32, #tpu.memory_space<hbm>> -> memref<128x128xf32, #tpu.memory_space<hbm>>
    tpu.wait_dma2 semaphore(%arg14 : memref<!tpu.dma_semaphore, #tpu.memory_space<semaphore_mem>>) src(%dma_wait3A_2523 : memref<128x128xf32, #tpu.memory_space<hbm>>) dst(%arg7 : memref<128x128xf32, #tpu.memory_space<vmem>>)
    %get3A_2524 = arith.constant 48 : index
    %get3A_2525 = tpu.vector_load %arg11[%get3A_2524] {strides = array<i32>} : memref<64xi32, #tpu.memory_space<vmem>>, vector<16xi32>,
    %get3A_2526 = vector.shape_cast %get3A_2525 : vector<16xi32> to vector<16xi32>
    %slice3A_2527 = vector.extract_strided_slice %get3A_2526 {offsets = [12], sizes = [1], strides = [1]} : vector<16xi32> to vector<1xi32>
    %squeeze3A_2528 = vector.extract %slice3A_2527[0] : i32 from vector<1xi32>
    %mul3A_2529 = arith.constant 4096 : i32
    %mul3A_2530 = arith.muli %squeeze3A_2528, %mul3A_2529 : i32
    %add3A_2531 = arith.addi %mul3A_2530, %mul3A_2 : i32
    %dma_start3A_2532 = arith.constant 0 : i32
    %dma_start3A_2533 = tpu.memref_slice %arg6[%add3A_2531, %dma_start3A_2532] : memref<450560x128xf32, #tpu.memory_space<hbm>> -> memref<128x128xf32, #tpu.memory_space<hbm>>
    %dma_start3A_2534 = arith.constant 0 : i32
    %dma_start3A_2535 = tpu.memref_slice %arg6[%add3A_2531, %dma_start3A_2534] : memref<450560x128xf32, #tpu.memory_space<hbm>> -> memref<128x128xf32, #tpu.memory_space<hbm>>
    tpu.enqueue_dma source(%arg7 : memref<128x128xf32, #tpu.memory_space<vmem>>) target(%dma_start3A_2535 : memref<128x128xf32, #tpu.memory_space<hbm>>) target_semaphore(%arg18 : memref<!tpu.dma_semaphore, #tpu.memory_space<semaphore_mem>>)
    %dma_wait3A_2536 = arith.constant 0 : i32
    %dma_wait3A_2537 = arith.constant 0 : i32
    %dma_wait3A_2538 = tpu.memref_slice %arg6[%dma_wait3A_2536, %dma_wait3A_2537] : memref<450560x128xf32, #tpu.memory_space<hbm>> -> memref<128x128xf32, #tpu.memory_space<hbm>>
    %dma_wait3A_2539 = arith.constant 0 : i32
    %dma_wait3A_2540 = arith.constant 0 : i32
    %dma_wait3A_2541 = tpu.memref_slice %arg6[%dma_wait3A_2539, %dma_wait3A_2540] : memref<450560x128xf32, #tpu.memory_space<hbm>> -> memref<128x128xf32, #tpu.memory_space<hbm>>
    tpu.wait_dma2 semaphore(%arg21 : memref<!tpu.dma_semaphore, #tpu.memory_space<semaphore_mem>>) src(%arg10 : memref<128x128xf32, #tpu.memory_space<vmem>>) dst(%dma_wait3A_2541 : memref<128x128xf32, #tpu.memory_space<hbm>>)
    %dma_start3A_2542 = arith.constant 63 : i32
    %dma_start3A_2543 = arith.constant 0 : i32
    %dma_start3A_2544 = tpu.memref_slice %arg2[%mul3A_2, %dma_start3A_2542, %dma_start3A_2543] : memref<4096x64x128xf32, #tpu.memory_space<hbm>> -> memref<128x1x128xf32, #tpu.memory_space<hbm>>
    %dma_start3A_2545 = tpu.memref_squeeze %dma_start3A_2544 : memref<128x1x128xf32, #tpu.memory_space<hbm>> -> memref<128x128xf32, #tpu.memory_space<hbm>>
    %dma_start3A_2546 = arith.constant 0 : i32
    %dma_start3A_2547 = tpu.memref_slice %arg2[%mul3A_2, %dma_start3A_2542, %dma_start3A_2546] : memref<4096x64x128xf32, #tpu.memory_space<hbm>> -> memref<128x1x128xf32, #tpu.memory_space<hbm>>
    %dma_start3A_2548 = tpu.memref_squeeze %dma_start3A_2547 : memref<128x1x128xf32, #tpu.memory_space<hbm>> -> memref<128x128xf32, #tpu.memory_space<hbm>>
    tpu.enqueue_dma source(%dma_start3A_2548 : memref<128x128xf32, #tpu.memory_space<hbm>>) target(%arg10 : memref<128x128xf32, #tpu.memory_space<vmem>>) target_semaphore(%arg17 : memref<!tpu.dma_semaphore, #tpu.memory_space<semaphore_mem>>)
    %dma_wait3A_2549 = arith.constant 0 : i32
    %dma_wait3A_2550 = arith.constant 0 : i32
    %dma_wait3A_2551 = arith.constant 0 : i32
    %dma_wait3A_2552 = tpu.memref_slice %arg2[%dma_wait3A_2550, %dma_wait3A_2549, %dma_wait3A_2551] : memref<4096x64x128xf32, #tpu.memory_space<hbm>> -> memref<128x1x128xf32, #tpu.memory_space<hbm>>
    %dma_wait3A_2553 = tpu.memref_squeeze %dma_wait3A_2552 : memref<128x1x128xf32, #tpu.memory_space<hbm>> -> memref<128x128xf32, #tpu.memory_space<hbm>>
    %dma_wait3A_2554 = arith.constant 0 : i32
    %dma_wait3A_2555 = arith.constant 0 : i32
    %dma_wait3A_2556 = tpu.memref_slice %arg2[%dma_wait3A_2554, %dma_wait3A_2549, %dma_wait3A_2555] : memref<4096x64x128xf32, #tpu.memory_space<hbm>> -> memref<128x1x128xf32, #tpu.memory_space<hbm>>
    %dma_wait3A_2557 = tpu.memref_squeeze %dma_wait3A_2556 : memref<128x1x128xf32, #tpu.memory_space<hbm>> -> memref<128x128xf32, #tpu.memory_space<hbm>>
    tpu.wait_dma2 semaphore(%arg15 : memref<!tpu.dma_semaphore, #tpu.memory_space<semaphore_mem>>) src(%dma_wait3A_2557 : memref<128x128xf32, #tpu.memory_space<hbm>>) dst(%arg8 : memref<128x128xf32, #tpu.memory_space<vmem>>)
    %get3A_2558 = arith.constant 48 : index
    %get3A_2559 = tpu.vector_load %arg11[%get3A_2558] {strides = array<i32>} : memref<64xi32, #tpu.memory_space<vmem>>, vector<16xi32>,
    %get3A_2560 = vector.shape_cast %get3A_2559 : vector<16xi32> to vector<16xi32>
    %slice3A_2561 = vector.extract_strided_slice %get3A_2560 {offsets = [13], sizes = [1], strides = [1]} : vector<16xi32> to vector<1xi32>
    %squeeze3A_2562 = vector.extract %slice3A_2561[0] : i32 from vector<1xi32>
    %mul3A_2563 = arith.constant 4096 : i32
    %mul3A_2564 = arith.muli %squeeze3A_2562, %mul3A_2563 : i32
    %add3A_2565 = arith.addi %mul3A_2564, %mul3A_2 : i32
    %dma_start3A_2566 = arith.constant 0 : i32
    %dma_start3A_2567 = tpu.memref_slice %arg6[%add3A_2565, %dma_start3A_2566] : memref<450560x128xf32, #tpu.memory_space<hbm>> -> memref<128x128xf32, #tpu.memory_space<hbm>>
    %dma_start3A_2568 = arith.constant 0 : i32
    %dma_start3A_2569 = tpu.memref_slice %arg6[%add3A_2565, %dma_start3A_2568] : memref<450560x128xf32, #tpu.memory_space<hbm>> -> memref<128x128xf32, #tpu.memory_space<hbm>>
    tpu.enqueue_dma source(%arg8 : memref<128x128xf32, #tpu.memory_space<vmem>>) target(%dma_start3A_2569 : memref<128x128xf32, #tpu.memory_space<hbm>>) target_semaphore(%arg19 : memref<!tpu.dma_semaphore, #tpu.memory_space<semaphore_mem>>)
    %dma_wait3A_2570 = arith.constant 0 : i32
    %dma_wait3A_2571 = arith.constant 0 : i32
    %dma_wait3A_2572 = arith.constant 0 : i32
    %dma_wait3A_2573 = tpu.memref_slice %arg2[%dma_wait3A_2571, %dma_wait3A_2570, %dma_wait3A_2572] : memref<4096x64x128xf32, #tpu.memory_space<hbm>> -> memref<128x1x128xf32, #tpu.memory_space<hbm>>
    %dma_wait3A_2574 = tpu.memref_squeeze %dma_wait3A_2573 : memref<128x1x128xf32, #tpu.memory_space<hbm>> -> memref<128x128xf32, #tpu.memory_space<hbm>>
    %dma_wait3A_2575 = arith.constant 0 : i32
    %dma_wait3A_2576 = arith.constant 0 : i32
    %dma_wait3A_2577 = tpu.memref_slice %arg2[%dma_wait3A_2575, %dma_wait3A_2570, %dma_wait3A_2576] : memref<4096x64x128xf32, #tpu.memory_space<hbm>> -> memref<128x1x128xf32, #tpu.memory_space<hbm>>
    %dma_wait3A_2578 = tpu.memref_squeeze %dma_wait3A_2577 : memref<128x1x128xf32, #tpu.memory_space<hbm>> -> memref<128x128xf32, #tpu.memory_space<hbm>>
    tpu.wait_dma2 semaphore(%arg16 : memref<!tpu.dma_semaphore, #tpu.memory_space<semaphore_mem>>) src(%dma_wait3A_2578 : memref<128x128xf32, #tpu.memory_space<hbm>>) dst(%arg9 : memref<128x128xf32, #tpu.memory_space<vmem>>)
    %get3A_2579 = arith.constant 48 : index
    %get3A_2580 = tpu.vector_load %arg11[%get3A_2579] {strides = array<i32>} : memref<64xi32, #tpu.memory_space<vmem>>, vector<16xi32>,
    %get3A_2581 = vector.shape_cast %get3A_2580 : vector<16xi32> to vector<16xi32>
    %slice3A_2582 = vector.extract_strided_slice %get3A_2581 {offsets = [14], sizes = [1], strides = [1]} : vector<16xi32> to vector<1xi32>
    %squeeze3A_2583 = vector.extract %slice3A_2582[0] : i32 from vector<1xi32>
    %mul3A_2584 = arith.constant 4096 : i32
    %mul3A_2585 = arith.muli %squeeze3A_2583, %mul3A_2584 : i32
    %add3A_2586 = arith.addi %mul3A_2585, %mul3A_2 : i32
    %dma_start3A_2587 = arith.constant 0 : i32
    %dma_start3A_2588 = tpu.memref_slice %arg6[%add3A_2586, %dma_start3A_2587] : memref<450560x128xf32, #tpu.memory_space<hbm>> -> memref<128x128xf32, #tpu.memory_space<hbm>>
    %dma_start3A_2589 = arith.constant 0 : i32
    %dma_start3A_2590 = tpu.memref_slice %arg6[%add3A_2586, %dma_start3A_2589] : memref<450560x128xf32, #tpu.memory_space<hbm>> -> memref<128x128xf32, #tpu.memory_space<hbm>>
    tpu.enqueue_dma source(%arg9 : memref<128x128xf32, #tpu.memory_space<vmem>>) target(%dma_start3A_2590 : memref<128x128xf32, #tpu.memory_space<hbm>>) target_semaphore(%arg20 : memref<!tpu.dma_semaphore, #tpu.memory_space<semaphore_mem>>)
    %dma_wait3A_2591 = arith.constant 0 : i32
    %dma_wait3A_2592 = arith.constant 0 : i32
    %dma_wait3A_2593 = arith.constant 0 : i32
    %dma_wait3A_2594 = tpu.memref_slice %arg2[%dma_wait3A_2592, %dma_wait3A_2591, %dma_wait3A_2593] : memref<4096x64x128xf32, #tpu.memory_space<hbm>> -> memref<128x1x128xf32, #tpu.memory_space<hbm>>
    %dma_wait3A_2595 = tpu.memref_squeeze %dma_wait3A_2594 : memref<128x1x128xf32, #tpu.memory_space<hbm>> -> memref<128x128xf32, #tpu.memory_space<hbm>>
    %dma_wait3A_2596 = arith.constant 0 : i32
    %dma_wait3A_2597 = arith.constant 0 : i32
    %dma_wait3A_2598 = tpu.memref_slice %arg2[%dma_wait3A_2596, %dma_wait3A_2591, %dma_wait3A_2597] : memref<4096x64x128xf32, #tpu.memory_space<hbm>> -> memref<128x1x128xf32, #tpu.memory_space<hbm>>
    %dma_wait3A_2599 = tpu.memref_squeeze %dma_wait3A_2598 : memref<128x1x128xf32, #tpu.memory_space<hbm>> -> memref<128x128xf32, #tpu.memory_space<hbm>>
    tpu.wait_dma2 semaphore(%arg17 : memref<!tpu.dma_semaphore, #tpu.memory_space<semaphore_mem>>) src(%dma_wait3A_2599 : memref<128x128xf32, #tpu.memory_space<hbm>>) dst(%arg10 : memref<128x128xf32, #tpu.memory_space<vmem>>)
    %get3A_2600 = arith.constant 48 : index
    %get3A_2601 = tpu.vector_load %arg11[%get3A_2600] {strides = array<i32>} : memref<64xi32, #tpu.memory_space<vmem>>, vector<16xi32>,
    %get3A_2602 = vector.shape_cast %get3A_2601 : vector<16xi32> to vector<16xi32>
    %slice3A_2603 = vector.extract_strided_slice %get3A_2602 {offsets = [15], sizes = [1], strides = [1]} : vector<16xi32> to vector<1xi32>
    %squeeze3A_2604 = vector.extract %slice3A_2603[0] : i32 from vector<1xi32>
    %mul3A_2605 = arith.constant 4096 : i32
    %mul3A_2606 = arith.muli %squeeze3A_2604, %mul3A_2605 : i32
    %add3A_2607 = arith.addi %mul3A_2606, %mul3A_2 : i32
    %dma_start3A_2608 = arith.constant 0 : i32
    %dma_start3A_2609 = tpu.memref_slice %arg6[%add3A_2607, %dma_start3A_2608] : memref<450560x128xf32, #tpu.memory_space<hbm>> -> memref<128x128xf32, #tpu.memory_space<hbm>>
    %dma_start3A_2610 = arith.constant 0 : i32
    %dma_start3A_2611 = tpu.memref_slice %arg6[%add3A_2607, %dma_start3A_2610] : memref<450560x128xf32, #tpu.memory_space<hbm>> -> memref<128x128xf32, #tpu.memory_space<hbm>>
    tpu.enqueue_dma source(%arg10 : memref<128x128xf32, #tpu.memory_space<vmem>>) target(%dma_start3A_2611 : memref<128x128xf32, #tpu.memory_space<hbm>>) target_semaphore(%arg21 : memref<!tpu.dma_semaphore, #tpu.memory_space<semaphore_mem>>)
    %dma_wait3A_2612 = arith.constant 0 : i32
    %dma_wait3A_2613 = arith.constant 0 : i32
    %dma_wait3A_2614 = tpu.memref_slice %arg6[%dma_wait3A_2612, %dma_wait3A_2613] : memref<450560x128xf32, #tpu.memory_space<hbm>> -> memref<128x128xf32, #tpu.memory_space<hbm>>
    %dma_wait3A_2615 = arith.constant 0 : i32
    %dma_wait3A_2616 = arith.constant 0 : i32
    %dma_wait3A_2617 = tpu.memref_slice %arg6[%dma_wait3A_2615, %dma_wait3A_2616] : memref<450560x128xf32, #tpu.memory_space<hbm>> -> memref<128x128xf32, #tpu.memory_space<hbm>>
    tpu.wait_dma2 semaphore(%arg18 : memref<!tpu.dma_semaphore, #tpu.memory_space<semaphore_mem>>) src(%arg7 : memref<128x128xf32, #tpu.memory_space<vmem>>) dst(%dma_wait3A_2617 : memref<128x128xf32, #tpu.memory_space<hbm>>)
    %dma_wait3A_2618 = arith.constant 0 : i32
    %dma_wait3A_2619 = arith.constant 0 : i32
    %dma_wait3A_2620 = tpu.memref_slice %arg6[%dma_wait3A_2618, %dma_wait3A_2619] : memref<450560x128xf32, #tpu.memory_space<hbm>> -> memref<128x128xf32, #tpu.memory_space<hbm>>
    %dma_wait3A_2621 = arith.constant 0 : i32
    %dma_wait3A_2622 = arith.constant 0 : i32
    %dma_wait3A_2623 = tpu.memref_slice %arg6[%dma_wait3A_2621, %dma_wait3A_2622] : memref<450560x128xf32, #tpu.memory_space<hbm>> -> memref<128x128xf32, #tpu.memory_space<hbm>>
    tpu.wait_dma2 semaphore(%arg19 : memref<!tpu.dma_semaphore, #tpu.memory_space<semaphore_mem>>) src(%arg8 : memref<128x128xf32, #tpu.memory_space<vmem>>) dst(%dma_wait3A_2623 : memref<128x128xf32, #tpu.memory_space<hbm>>)
    %dma_wait3A_2624 = arith.constant 0 : i32
    %dma_wait3A_2625 = arith.constant 0 : i32
    %dma_wait3A_2626 = tpu.memref_slice %arg6[%dma_wait3A_2624, %dma_wait3A_2625] : memref<450560x128xf32, #tpu.memory_space<hbm>> -> memref<128x128xf32, #tpu.memory_space<hbm>>
    %dma_wait3A_2627 = arith.constant 0 : i32
    %dma_wait3A_2628 = arith.constant 0 : i32
    %dma_wait3A_2629 = tpu.memref_slice %arg6[%dma_wait3A_2627, %dma_wait3A_2628] : memref<450560x128xf32, #tpu.memory_space<hbm>> -> memref<128x128xf32, #tpu.memory_space<hbm>>
    tpu.wait_dma2 semaphore(%arg20 : memref<!tpu.dma_semaphore, #tpu.memory_space<semaphore_mem>>) src(%arg9 : memref<128x128xf32, #tpu.memory_space<vmem>>) dst(%dma_wait3A_2629 : memref<128x128xf32, #tpu.memory_space<hbm>>)
    %dma_wait3A_2630 = arith.constant 0 : i32
    %dma_wait3A_2631 = arith.constant 0 : i32
    %dma_wait3A_2632 = tpu.memref_slice %arg6[%dma_wait3A_2630, %dma_wait3A_2631] : memref<450560x128xf32, #tpu.memory_space<hbm>> -> memref<128x128xf32, #tpu.memory_space<hbm>>
    %dma_wait3A_2633 = arith.constant 0 : i32
    %dma_wait3A_2634 = arith.constant 0 : i32
    %dma_wait3A_2635 = tpu.memref_slice %arg6[%dma_wait3A_2633, %dma_wait3A_2634] : memref<450560x128xf32, #tpu.memory_space<hbm>> -> memref<128x128xf32, #tpu.memory_space<hbm>>
    tpu.wait_dma2 semaphore(%arg21 : memref<!tpu.dma_semaphore, #tpu.memory_space<semaphore_mem>>) src(%arg10 : memref<128x128xf32, #tpu.memory_space<vmem>>) dst(%dma_wait3A_2635 : memref<128x128xf32, #tpu.memory_space<hbm>>)
    %dma_wait3A_2636 = arith.constant 0 : i32
    %dma_wait3A_2637 = arith.constant 0 : i32
    %dma_wait3A_2638 = tpu.memref_slice %arg6[%dma_wait3A_2636, %dma_wait3A_2637] : memref<450560x128xf32, #tpu.memory_space<hbm>> -> memref<128x128xf32, #tpu.memory_space<hbm>>
    tpu.wait_dma2 semaphore(%arg22 : memref<!tpu.dma_semaphore, #tpu.memory_space<semaphore_mem>>) src(%arg13 : memref<128x128xf32, #tpu.memory_space<vmem_shared>>) dst(%dma_wait3A_2638 : memref<128x128xf32, #tpu.memory_space<hbm>>)
    %dma_wait3A_2639 = arith.constant 0 : i32
    %dma_wait3A_2640 = arith.constant 0 : i32
    %dma_wait3A_2641 = tpu.memref_slice %arg6[%dma_wait3A_2639, %dma_wait3A_2640] : memref<450560x128xf32, #tpu.memory_space<hbm>> -> memref<128x128xf32, #tpu.memory_space<hbm>>
    tpu.wait_dma2 semaphore(%arg22 : memref<!tpu.dma_semaphore, #tpu.memory_space<semaphore_mem>>) src(%arg13 : memref<128x128xf32, #tpu.memory_space<vmem_shared>>) dst(%dma_wait3A_2641 : memref<128x128xf32, #tpu.memory_space<hbm>>)
    %dma_wait3A_2642 = arith.constant 0 : i32
    %dma_wait3A_2643 = arith.constant 0 : i32
    %dma_wait3A_2644 = tpu.memref_slice %arg6[%dma_wait3A_2642, %dma_wait3A_2643] : memref<450560x128xf32, #tpu.memory_space<hbm>> -> memref<128x128xf32, #tpu.memory_space<hbm>>
    tpu.wait_dma2 semaphore(%arg22 : memref<!tpu.dma_semaphore, #tpu.memory_space<semaphore_mem>>) src(%arg13 : memref<128x128xf32, #tpu.memory_space<vmem_shared>>) dst(%dma_wait3A_2644 : memref<128x128xf32, #tpu.memory_space<hbm>>)
    %dma_wait3A_2645 = arith.constant 0 : i32
    %dma_wait3A_2646 = arith.constant 0 : i32
    %dma_wait3A_2647 = tpu.memref_slice %arg6[%dma_wait3A_2645, %dma_wait3A_2646] : memref<450560x128xf32, #tpu.memory_space<hbm>> -> memref<128x128xf32, #tpu.memory_space<hbm>>
    tpu.wait_dma2 semaphore(%arg22 : memref<!tpu.dma_semaphore, #tpu.memory_space<semaphore_mem>>) src(%arg13 : memref<128x128xf32, #tpu.memory_space<vmem_shared>>) dst(%dma_wait3A_2647 : memref<128x128xf32, #tpu.memory_space<hbm>>)
    %dma_wait3A_2648 = arith.constant 0 : i32
    %dma_wait3A_2649 = arith.constant 0 : i32
    %dma_wait3A_2650 = tpu.memref_slice %arg6[%dma_wait3A_2648, %dma_wait3A_2649] : memref<450560x128xf32, #tpu.memory_space<hbm>> -> memref<128x128xf32, #tpu.memory_space<hbm>>
    tpu.wait_dma2 semaphore(%arg22 : memref<!tpu.dma_semaphore, #tpu.memory_space<semaphore_mem>>) src(%arg13 : memref<128x128xf32, #tpu.memory_space<vmem_shared>>) dst(%dma_wait3A_2650 : memref<128x128xf32, #tpu.memory_space<hbm>>)
    %dma_wait3A_2651 = arith.constant 0 : i32
    %dma_wait3A_2652 = arith.constant 0 : i32
    %dma_wait3A_2653 = tpu.memref_slice %arg6[%dma_wait3A_2651, %dma_wait3A_2652] : memref<450560x128xf32, #tpu.memory_space<hbm>> -> memref<128x128xf32, #tpu.memory_space<hbm>>
    tpu.wait_dma2 semaphore(%arg22 : memref<!tpu.dma_semaphore, #tpu.memory_space<semaphore_mem>>) src(%arg13 : memref<128x128xf32, #tpu.memory_space<vmem_shared>>) dst(%dma_wait3A_2653 : memref<128x128xf32, #tpu.memory_space<hbm>>)
    %dma_wait3A_2654 = arith.constant 0 : i32
    %dma_wait3A_2655 = arith.constant 0 : i32
    %dma_wait3A_2656 = tpu.memref_slice %arg6[%dma_wait3A_2654, %dma_wait3A_2655] : memref<450560x128xf32, #tpu.memory_space<hbm>> -> memref<128x128xf32, #tpu.memory_space<hbm>>
    tpu.wait_dma2 semaphore(%arg22 : memref<!tpu.dma_semaphore, #tpu.memory_space<semaphore_mem>>) src(%arg13 : memref<128x128xf32, #tpu.memory_space<vmem_shared>>) dst(%dma_wait3A_2656 : memref<128x128xf32, #tpu.memory_space<hbm>>)
    %dma_wait3A_2657 = arith.constant 0 : i32
    %dma_wait3A_2658 = arith.constant 0 : i32
    %dma_wait3A_2659 = tpu.memref_slice %arg6[%dma_wait3A_2657, %dma_wait3A_2658] : memref<450560x128xf32, #tpu.memory_space<hbm>> -> memref<128x128xf32, #tpu.memory_space<hbm>>
    tpu.wait_dma2 semaphore(%arg22 : memref<!tpu.dma_semaphore, #tpu.memory_space<semaphore_mem>>) src(%arg13 : memref<128x128xf32, #tpu.memory_space<vmem_shared>>) dst(%dma_wait3A_2659 : memref<128x128xf32, #tpu.memory_space<hbm>>)
    %dma_wait3A_2660 = arith.constant 0 : i32
    %dma_wait3A_2661 = arith.constant 0 : i32
    %dma_wait3A_2662 = tpu.memref_slice %arg6[%dma_wait3A_2660, %dma_wait3A_2661] : memref<450560x128xf32, #tpu.memory_space<hbm>> -> memref<128x128xf32, #tpu.memory_space<hbm>>
    tpu.wait_dma2 semaphore(%arg22 : memref<!tpu.dma_semaphore, #tpu.memory_space<semaphore_mem>>) src(%arg13 : memref<128x128xf32, #tpu.memory_space<vmem_shared>>) dst(%dma_wait3A_2662 : memref<128x128xf32, #tpu.memory_space<hbm>>)
    %dma_wait3A_2663 = arith.constant 0 : i32
    %dma_wait3A_2664 = arith.constant 0 : i32
    %dma_wait3A_2665 = tpu.memref_slice %arg6[%dma_wait3A_2663, %dma_wait3A_2664] : memref<450560x128xf32, #tpu.memory_space<hbm>> -> memref<128x128xf32, #tpu.memory_space<hbm>>
    tpu.wait_dma2 semaphore(%arg22 : memref<!tpu.dma_semaphore, #tpu.memory_space<semaphore_mem>>) src(%arg13 : memref<128x128xf32, #tpu.memory_space<vmem_shared>>) dst(%dma_wait3A_2665 : memref<128x128xf32, #tpu.memory_space<hbm>>)
    %dma_wait3A_2666 = arith.constant 0 : i32
    %dma_wait3A_2667 = arith.constant 0 : i32
    %dma_wait3A_2668 = tpu.memref_slice %arg6[%dma_wait3A_2666, %dma_wait3A_2667] : memref<450560x128xf32, #tpu.memory_space<hbm>> -> memref<128x128xf32, #tpu.memory_space<hbm>>
    tpu.wait_dma2 semaphore(%arg22 : memref<!tpu.dma_semaphore, #tpu.memory_space<semaphore_mem>>) src(%arg13 : memref<128x128xf32, #tpu.memory_space<vmem_shared>>) dst(%dma_wait3A_2668 : memref<128x128xf32, #tpu.memory_space<hbm>>)
    %dma_wait3A_2669 = arith.constant 0 : i32
    %dma_wait3A_2670 = arith.constant 0 : i32
    %dma_wait3A_2671 = tpu.memref_slice %arg6[%dma_wait3A_2669, %dma_wait3A_2670] : memref<450560x128xf32, #tpu.memory_space<hbm>> -> memref<128x128xf32, #tpu.memory_space<hbm>>
    tpu.wait_dma2 semaphore(%arg22 : memref<!tpu.dma_semaphore, #tpu.memory_space<semaphore_mem>>) src(%arg13 : memref<128x128xf32, #tpu.memory_space<vmem_shared>>) dst(%dma_wait3A_2671 : memref<128x128xf32, #tpu.memory_space<hbm>>)
    %dma_wait3A_2672 = arith.constant 0 : i32
    %dma_wait3A_2673 = arith.constant 0 : i32
    %dma_wait3A_2674 = tpu.memref_slice %arg6[%dma_wait3A_2672, %dma_wait3A_2673] : memref<450560x128xf32, #tpu.memory_space<hbm>> -> memref<128x128xf32, #tpu.memory_space<hbm>>
    tpu.wait_dma2 semaphore(%arg22 : memref<!tpu.dma_semaphore, #tpu.memory_space<semaphore_mem>>) src(%arg13 : memref<128x128xf32, #tpu.memory_space<vmem_shared>>) dst(%dma_wait3A_2674 : memref<128x128xf32, #tpu.memory_space<hbm>>)
    %dma_wait3A_2675 = arith.constant 0 : i32
    %dma_wait3A_2676 = arith.constant 0 : i32
    %dma_wait3A_2677 = tpu.memref_slice %arg6[%dma_wait3A_2675, %dma_wait3A_2676] : memref<450560x128xf32, #tpu.memory_space<hbm>> -> memref<128x128xf32, #tpu.memory_space<hbm>>
    tpu.wait_dma2 semaphore(%arg22 : memref<!tpu.dma_semaphore, #tpu.memory_space<semaphore_mem>>) src(%arg13 : memref<128x128xf32, #tpu.memory_space<vmem_shared>>) dst(%dma_wait3A_2677 : memref<128x128xf32, #tpu.memory_space<hbm>>)
    %dma_wait3A_2678 = arith.constant 0 : i32
    %dma_wait3A_2679 = arith.constant 0 : i32
    %dma_wait3A_2680 = tpu.memref_slice %arg6[%dma_wait3A_2678, %dma_wait3A_2679] : memref<450560x128xf32, #tpu.memory_space<hbm>> -> memref<128x128xf32, #tpu.memory_space<hbm>>
    tpu.wait_dma2 semaphore(%arg22 : memref<!tpu.dma_semaphore, #tpu.memory_space<semaphore_mem>>) src(%arg13 : memref<128x128xf32, #tpu.memory_space<vmem_shared>>) dst(%dma_wait3A_2680 : memref<128x128xf32, #tpu.memory_space<hbm>>)
    %dma_wait3A_2681 = arith.constant 0 : i32
    %dma_wait3A_2682 = arith.constant 0 : i32
    %dma_wait3A_2683 = tpu.memref_slice %arg6[%dma_wait3A_2681, %dma_wait3A_2682] : memref<450560x128xf32, #tpu.memory_space<hbm>> -> memref<128x128xf32, #tpu.memory_space<hbm>>
    tpu.wait_dma2 semaphore(%arg22 : memref<!tpu.dma_semaphore, #tpu.memory_space<semaphore_mem>>) src(%arg13 : memref<128x128xf32, #tpu.memory_space<vmem_shared>>) dst(%dma_wait3A_2683 : memref<128x128xf32, #tpu.memory_space<hbm>>)
    %dma_wait3A_2684 = arith.constant 0 : i32
    %dma_wait3A_2685 = arith.constant 0 : i32
    %dma_wait3A_2686 = tpu.memref_slice %arg6[%dma_wait3A_2684, %dma_wait3A_2685] : memref<450560x128xf32, #tpu.memory_space<hbm>> -> memref<128x128xf32, #tpu.memory_space<hbm>>
    tpu.wait_dma2 semaphore(%arg22 : memref<!tpu.dma_semaphore, #tpu.memory_space<semaphore_mem>>) src(%arg13 : memref<128x128xf32, #tpu.memory_space<vmem_shared>>) dst(%dma_wait3A_2686 : memref<128x128xf32, #tpu.memory_space<hbm>>)
    %dma_wait3A_2687 = arith.constant 0 : i32
    %dma_wait3A_2688 = arith.constant 0 : i32
    %dma_wait3A_2689 = tpu.memref_slice %arg6[%dma_wait3A_2687, %dma_wait3A_2688] : memref<450560x128xf32, #tpu.memory_space<hbm>> -> memref<128x128xf32, #tpu.memory_space<hbm>>
    tpu.wait_dma2 semaphore(%arg22 : memref<!tpu.dma_semaphore, #tpu.memory_space<semaphore_mem>>) src(%arg13 : memref<128x128xf32, #tpu.memory_space<vmem_shared>>) dst(%dma_wait3A_2689 : memref<128x128xf32, #tpu.memory_space<hbm>>)
    %dma_wait3A_2690 = arith.constant 0 : i32
    %dma_wait3A_2691 = arith.constant 0 : i32
    %dma_wait3A_2692 = tpu.memref_slice %arg6[%dma_wait3A_2690, %dma_wait3A_2691] : memref<450560x128xf32, #tpu.memory_space<hbm>> -> memref<128x128xf32, #tpu.memory_space<hbm>>
    tpu.wait_dma2 semaphore(%arg22 : memref<!tpu.dma_semaphore, #tpu.memory_space<semaphore_mem>>) src(%arg13 : memref<128x128xf32, #tpu.memory_space<vmem_shared>>) dst(%dma_wait3A_2692 : memref<128x128xf32, #tpu.memory_space<hbm>>)
    %dma_wait3A_2693 = arith.constant 0 : i32
    %dma_wait3A_2694 = arith.constant 0 : i32
    %dma_wait3A_2695 = tpu.memref_slice %arg6[%dma_wait3A_2693, %dma_wait3A_2694] : memref<450560x128xf32, #tpu.memory_space<hbm>> -> memref<128x128xf32, #tpu.memory_space<hbm>>
    tpu.wait_dma2 semaphore(%arg22 : memref<!tpu.dma_semaphore, #tpu.memory_space<semaphore_mem>>) src(%arg13 : memref<128x128xf32, #tpu.memory_space<vmem_shared>>) dst(%dma_wait3A_2695 : memref<128x128xf32, #tpu.memory_space<hbm>>)
    %dma_wait3A_2696 = arith.constant 0 : i32
    %dma_wait3A_2697 = arith.constant 0 : i32
    %dma_wait3A_2698 = tpu.memref_slice %arg6[%dma_wait3A_2696, %dma_wait3A_2697] : memref<450560x128xf32, #tpu.memory_space<hbm>> -> memref<128x128xf32, #tpu.memory_space<hbm>>
    tpu.wait_dma2 semaphore(%arg22 : memref<!tpu.dma_semaphore, #tpu.memory_space<semaphore_mem>>) src(%arg13 : memref<128x128xf32, #tpu.memory_space<vmem_shared>>) dst(%dma_wait3A_2698 : memref<128x128xf32, #tpu.memory_space<hbm>>)
    %dma_wait3A_2699 = arith.constant 0 : i32
    %dma_wait3A_2700 = arith.constant 0 : i32
    %dma_wait3A_2701 = tpu.memref_slice %arg6[%dma_wait3A_2699, %dma_wait3A_2700] : memref<450560x128xf32, #tpu.memory_space<hbm>> -> memref<128x128xf32, #tpu.memory_space<hbm>>
    tpu.wait_dma2 semaphore(%arg22 : memref<!tpu.dma_semaphore, #tpu.memory_space<semaphore_mem>>) src(%arg13 : memref<128x128xf32, #tpu.memory_space<vmem_shared>>) dst(%dma_wait3A_2701 : memref<128x128xf32, #tpu.memory_space<hbm>>)
    %dma_wait3A_2702 = arith.constant 0 : i32
    %dma_wait3A_2703 = arith.constant 0 : i32
    %dma_wait3A_2704 = tpu.memref_slice %arg6[%dma_wait3A_2702, %dma_wait3A_2703] : memref<450560x128xf32, #tpu.memory_space<hbm>> -> memref<128x128xf32, #tpu.memory_space<hbm>>
    tpu.wait_dma2 semaphore(%arg22 : memref<!tpu.dma_semaphore, #tpu.memory_space<semaphore_mem>>) src(%arg13 : memref<128x128xf32, #tpu.memory_space<vmem_shared>>) dst(%dma_wait3A_2704 : memref<128x128xf32, #tpu.memory_space<hbm>>)
    %dma_wait3A_2705 = arith.constant 0 : i32
    %dma_wait3A_2706 = arith.constant 0 : i32
    %dma_wait3A_2707 = tpu.memref_slice %arg6[%dma_wait3A_2705, %dma_wait3A_2706] : memref<450560x128xf32, #tpu.memory_space<hbm>> -> memref<128x128xf32, #tpu.memory_space<hbm>>
    tpu.wait_dma2 semaphore(%arg22 : memref<!tpu.dma_semaphore, #tpu.memory_space<semaphore_mem>>) src(%arg13 : memref<128x128xf32, #tpu.memory_space<vmem_shared>>) dst(%dma_wait3A_2707 : memref<128x128xf32, #tpu.memory_space<hbm>>)
    %dma_wait3A_2708 = arith.constant 0 : i32
    %dma_wait3A_2709 = arith.constant 0 : i32
    %dma_wait3A_2710 = tpu.memref_slice %arg6[%dma_wait3A_2708, %dma_wait3A_2709] : memref<450560x128xf32, #tpu.memory_space<hbm>> -> memref<128x128xf32, #tpu.memory_space<hbm>>
    tpu.wait_dma2 semaphore(%arg22 : memref<!tpu.dma_semaphore, #tpu.memory_space<semaphore_mem>>) src(%arg13 : memref<128x128xf32, #tpu.memory_space<vmem_shared>>) dst(%dma_wait3A_2710 : memref<128x128xf32, #tpu.memory_space<hbm>>)
    %dma_wait3A_2711 = arith.constant 0 : i32
    %dma_wait3A_2712 = arith.constant 0 : i32
    %dma_wait3A_2713 = tpu.memref_slice %arg6[%dma_wait3A_2711, %dma_wait3A_2712] : memref<450560x128xf32, #tpu.memory_space<hbm>> -> memref<128x128xf32, #tpu.memory_space<hbm>>
    tpu.wait_dma2 semaphore(%arg22 : memref<!tpu.dma_semaphore, #tpu.memory_space<semaphore_mem>>) src(%arg13 : memref<128x128xf32, #tpu.memory_space<vmem_shared>>) dst(%dma_wait3A_2713 : memref<128x128xf32, #tpu.memory_space<hbm>>)
    %dma_wait3A_2714 = arith.constant 0 : i32
    %dma_wait3A_2715 = arith.constant 0 : i32
    %dma_wait3A_2716 = tpu.memref_slice %arg6[%dma_wait3A_2714, %dma_wait3A_2715] : memref<450560x128xf32, #tpu.memory_space<hbm>> -> memref<128x128xf32, #tpu.memory_space<hbm>>
    tpu.wait_dma2 semaphore(%arg22 : memref<!tpu.dma_semaphore, #tpu.memory_space<semaphore_mem>>) src(%arg13 : memref<128x128xf32, #tpu.memory_space<vmem_shared>>) dst(%dma_wait3A_2716 : memref<128x128xf32, #tpu.memory_space<hbm>>)
    %dma_wait3A_2717 = arith.constant 0 : i32
    %dma_wait3A_2718 = arith.constant 0 : i32
    %dma_wait3A_2719 = tpu.memref_slice %arg6[%dma_wait3A_2717, %dma_wait3A_2718] : memref<450560x128xf32, #tpu.memory_space<hbm>> -> memref<128x128xf32, #tpu.memory_space<hbm>>
    tpu.wait_dma2 semaphore(%arg22 : memref<!tpu.dma_semaphore, #tpu.memory_space<semaphore_mem>>) src(%arg13 : memref<128x128xf32, #tpu.memory_space<vmem_shared>>) dst(%dma_wait3A_2719 : memref<128x128xf32, #tpu.memory_space<hbm>>)
    %dma_wait3A_2720 = arith.constant 0 : i32
    %dma_wait3A_2721 = arith.constant 0 : i32
    %dma_wait3A_2722 = tpu.memref_slice %arg6[%dma_wait3A_2720, %dma_wait3A_2721] : memref<450560x128xf32, #tpu.memory_space<hbm>> -> memref<128x128xf32, #tpu.memory_space<hbm>>
    tpu.wait_dma2 semaphore(%arg22 : memref<!tpu.dma_semaphore, #tpu.memory_space<semaphore_mem>>) src(%arg13 : memref<128x128xf32, #tpu.memory_space<vmem_shared>>) dst(%dma_wait3A_2722 : memref<128x128xf32, #tpu.memory_space<hbm>>)
    %dma_wait3A_2723 = arith.constant 0 : i32
    %dma_wait3A_2724 = arith.constant 0 : i32
    %dma_wait3A_2725 = tpu.memref_slice %arg6[%dma_wait3A_2723, %dma_wait3A_2724] : memref<450560x128xf32, #tpu.memory_space<hbm>> -> memref<128x128xf32, #tpu.memory_space<hbm>>
    tpu.wait_dma2 semaphore(%arg22 : memref<!tpu.dma_semaphore, #tpu.memory_space<semaphore_mem>>) src(%arg13 : memref<128x128xf32, #tpu.memory_space<vmem_shared>>) dst(%dma_wait3A_2725 : memref<128x128xf32, #tpu.memory_space<hbm>>)
    %dma_wait3A_2726 = arith.constant 0 : i32
    %dma_wait3A_2727 = arith.constant 0 : i32
    %dma_wait3A_2728 = tpu.memref_slice %arg6[%dma_wait3A_2726, %dma_wait3A_2727] : memref<450560x128xf32, #tpu.memory_space<hbm>> -> memref<128x128xf32, #tpu.memory_space<hbm>>
    tpu.wait_dma2 semaphore(%arg22 : memref<!tpu.dma_semaphore, #tpu.memory_space<semaphore_mem>>) src(%arg13 : memref<128x128xf32, #tpu.memory_space<vmem_shared>>) dst(%dma_wait3A_2728 : memref<128x128xf32, #tpu.memory_space<hbm>>)
    %dma_wait3A_2729 = arith.constant 0 : i32
    %dma_wait3A_2730 = arith.constant 0 : i32
    %dma_wait3A_2731 = tpu.memref_slice %arg6[%dma_wait3A_2729, %dma_wait3A_2730] : memref<450560x128xf32, #tpu.memory_space<hbm>> -> memref<128x128xf32, #tpu.memory_space<hbm>>
    tpu.wait_dma2 semaphore(%arg22 : memref<!tpu.dma_semaphore, #tpu.memory_space<semaphore_mem>>) src(%arg13 : memref<128x128xf32, #tpu.memory_space<vmem_shared>>) dst(%dma_wait3A_2731 : memref<128x128xf32, #tpu.memory_space<hbm>>)
    %dma_wait3A_2732 = arith.constant 0 : i32
    %dma_wait3A_2733 = arith.constant 0 : i32
    %dma_wait3A_2734 = tpu.memref_slice %arg6[%dma_wait3A_2732, %dma_wait3A_2733] : memref<450560x128xf32, #tpu.memory_space<hbm>> -> memref<128x128xf32, #tpu.memory_space<hbm>>
    tpu.wait_dma2 semaphore(%arg22 : memref<!tpu.dma_semaphore, #tpu.memory_space<semaphore_mem>>) src(%arg13 : memref<128x128xf32, #tpu.memory_space<vmem_shared>>) dst(%dma_wait3A_2734 : memref<128x128xf32, #tpu.memory_space<hbm>>)
    %dma_wait3A_2735 = arith.constant 0 : i32
    %dma_wait3A_2736 = arith.constant 0 : i32
    %dma_wait3A_2737 = tpu.memref_slice %arg6[%dma_wait3A_2735, %dma_wait3A_2736] : memref<450560x128xf32, #tpu.memory_space<hbm>> -> memref<128x128xf32, #tpu.memory_space<hbm>>
    tpu.wait_dma2 semaphore(%arg22 : memref<!tpu.dma_semaphore, #tpu.memory_space<semaphore_mem>>) src(%arg13 : memref<128x128xf32, #tpu.memory_space<vmem_shared>>) dst(%dma_wait3A_2737 : memref<128x128xf32, #tpu.memory_space<hbm>>)
    %dma_wait3A_2738 = arith.constant 0 : i32
    %dma_wait3A_2739 = arith.constant 0 : i32
    %dma_wait3A_2740 = tpu.memref_slice %arg6[%dma_wait3A_2738, %dma_wait3A_2739] : memref<450560x128xf32, #tpu.memory_space<hbm>> -> memref<128x128xf32, #tpu.memory_space<hbm>>
    tpu.wait_dma2 semaphore(%arg22 : memref<!tpu.dma_semaphore, #tpu.memory_space<semaphore_mem>>) src(%arg13 : memref<128x128xf32, #tpu.memory_space<vmem_shared>>) dst(%dma_wait3A_2740 : memref<128x128xf32, #tpu.memory_space<hbm>>)
    %dma_wait3A_2741 = arith.constant 0 : i32
    %dma_wait3A_2742 = arith.constant 0 : i32
    %dma_wait3A_2743 = tpu.memref_slice %arg6[%dma_wait3A_2741, %dma_wait3A_2742] : memref<450560x128xf32, #tpu.memory_space<hbm>> -> memref<128x128xf32, #tpu.memory_space<hbm>>
    tpu.wait_dma2 semaphore(%arg22 : memref<!tpu.dma_semaphore, #tpu.memory_space<semaphore_mem>>) src(%arg13 : memref<128x128xf32, #tpu.memory_space<vmem_shared>>) dst(%dma_wait3A_2743 : memref<128x128xf32, #tpu.memory_space<hbm>>)
    %dma_wait3A_2744 = arith.constant 0 : i32
    %dma_wait3A_2745 = arith.constant 0 : i32
    %dma_wait3A_2746 = tpu.memref_slice %arg6[%dma_wait3A_2744, %dma_wait3A_2745] : memref<450560x128xf32, #tpu.memory_space<hbm>> -> memref<128x128xf32, #tpu.memory_space<hbm>>
    tpu.wait_dma2 semaphore(%arg22 : memref<!tpu.dma_semaphore, #tpu.memory_space<semaphore_mem>>) src(%arg13 : memref<128x128xf32, #tpu.memory_space<vmem_shared>>) dst(%dma_wait3A_2746 : memref<128x128xf32, #tpu.memory_space<hbm>>)
    %dma_wait3A_2747 = arith.constant 0 : i32
    %dma_wait3A_2748 = arith.constant 0 : i32
    %dma_wait3A_2749 = tpu.memref_slice %arg6[%dma_wait3A_2747, %dma_wait3A_2748] : memref<450560x128xf32, #tpu.memory_space<hbm>> -> memref<128x128xf32, #tpu.memory_space<hbm>>
    tpu.wait_dma2 semaphore(%arg22 : memref<!tpu.dma_semaphore, #tpu.memory_space<semaphore_mem>>) src(%arg13 : memref<128x128xf32, #tpu.memory_space<vmem_shared>>) dst(%dma_wait3A_2749 : memref<128x128xf32, #tpu.memory_space<hbm>>)
    %dma_wait3A_2750 = arith.constant 0 : i32
    %dma_wait3A_2751 = arith.constant 0 : i32
    %dma_wait3A_2752 = tpu.memref_slice %arg6[%dma_wait3A_2750, %dma_wait3A_2751] : memref<450560x128xf32, #tpu.memory_space<hbm>> -> memref<128x128xf32, #tpu.memory_space<hbm>>
    tpu.wait_dma2 semaphore(%arg22 : memref<!tpu.dma_semaphore, #tpu.memory_space<semaphore_mem>>) src(%arg13 : memref<128x128xf32, #tpu.memory_space<vmem_shared>>) dst(%dma_wait3A_2752 : memref<128x128xf32, #tpu.memory_space<hbm>>)
    %dma_wait3A_2753 = arith.constant 0 : i32
    %dma_wait3A_2754 = arith.constant 0 : i32
    %dma_wait3A_2755 = tpu.memref_slice %arg6[%dma_wait3A_2753, %dma_wait3A_2754] : memref<450560x128xf32, #tpu.memory_space<hbm>> -> memref<128x128xf32, #tpu.memory_space<hbm>>
    tpu.wait_dma2 semaphore(%arg22 : memref<!tpu.dma_semaphore, #tpu.memory_space<semaphore_mem>>) src(%arg13 : memref<128x128xf32, #tpu.memory_space<vmem_shared>>) dst(%dma_wait3A_2755 : memref<128x128xf32, #tpu.memory_space<hbm>>)
    %dma_wait3A_2756 = arith.constant 0 : i32
    %dma_wait3A_2757 = arith.constant 0 : i32
    %dma_wait3A_2758 = tpu.memref_slice %arg6[%dma_wait3A_2756, %dma_wait3A_2757] : memref<450560x128xf32, #tpu.memory_space<hbm>> -> memref<128x128xf32, #tpu.memory_space<hbm>>
    tpu.wait_dma2 semaphore(%arg22 : memref<!tpu.dma_semaphore, #tpu.memory_space<semaphore_mem>>) src(%arg13 : memref<128x128xf32, #tpu.memory_space<vmem_shared>>) dst(%dma_wait3A_2758 : memref<128x128xf32, #tpu.memory_space<hbm>>)
    %dma_wait3A_2759 = arith.constant 0 : i32
    %dma_wait3A_2760 = arith.constant 0 : i32
    %dma_wait3A_2761 = tpu.memref_slice %arg6[%dma_wait3A_2759, %dma_wait3A_2760] : memref<450560x128xf32, #tpu.memory_space<hbm>> -> memref<128x128xf32, #tpu.memory_space<hbm>>
    tpu.wait_dma2 semaphore(%arg22 : memref<!tpu.dma_semaphore, #tpu.memory_space<semaphore_mem>>) src(%arg13 : memref<128x128xf32, #tpu.memory_space<vmem_shared>>) dst(%dma_wait3A_2761 : memref<128x128xf32, #tpu.memory_space<hbm>>)
    %dma_wait3A_2762 = arith.constant 0 : i32
    %dma_wait3A_2763 = arith.constant 0 : i32
    %dma_wait3A_2764 = tpu.memref_slice %arg6[%dma_wait3A_2762, %dma_wait3A_2763] : memref<450560x128xf32, #tpu.memory_space<hbm>> -> memref<128x128xf32, #tpu.memory_space<hbm>>
    tpu.wait_dma2 semaphore(%arg22 : memref<!tpu.dma_semaphore, #tpu.memory_space<semaphore_mem>>) src(%arg13 : memref<128x128xf32, #tpu.memory_space<vmem_shared>>) dst(%dma_wait3A_2764 : memref<128x128xf32, #tpu.memory_space<hbm>>)
    %dma_wait3A_2765 = arith.constant 0 : i32
    %dma_wait3A_2766 = arith.constant 0 : i32
    %dma_wait3A_2767 = tpu.memref_slice %arg6[%dma_wait3A_2765, %dma_wait3A_2766] : memref<450560x128xf32, #tpu.memory_space<hbm>> -> memref<128x128xf32, #tpu.memory_space<hbm>>
    tpu.wait_dma2 semaphore(%arg22 : memref<!tpu.dma_semaphore, #tpu.memory_space<semaphore_mem>>) src(%arg13 : memref<128x128xf32, #tpu.memory_space<vmem_shared>>) dst(%dma_wait3A_2767 : memref<128x128xf32, #tpu.memory_space<hbm>>)
    %dma_wait3A_2768 = arith.constant 0 : i32
    %dma_wait3A_2769 = arith.constant 0 : i32
    %dma_wait3A_2770 = tpu.memref_slice %arg6[%dma_wait3A_2768, %dma_wait3A_2769] : memref<450560x128xf32, #tpu.memory_space<hbm>> -> memref<128x128xf32, #tpu.memory_space<hbm>>
    tpu.wait_dma2 semaphore(%arg22 : memref<!tpu.dma_semaphore, #tpu.memory_space<semaphore_mem>>) src(%arg13 : memref<128x128xf32, #tpu.memory_space<vmem_shared>>) dst(%dma_wait3A_2770 : memref<128x128xf32, #tpu.memory_space<hbm>>)
    %dma_wait3A_2771 = arith.constant 0 : i32
    %dma_wait3A_2772 = arith.constant 0 : i32
    %dma_wait3A_2773 = tpu.memref_slice %arg6[%dma_wait3A_2771, %dma_wait3A_2772] : memref<450560x128xf32, #tpu.memory_space<hbm>> -> memref<128x128xf32, #tpu.memory_space<hbm>>
    tpu.wait_dma2 semaphore(%arg22 : memref<!tpu.dma_semaphore, #tpu.memory_space<semaphore_mem>>) src(%arg13 : memref<128x128xf32, #tpu.memory_space<vmem_shared>>) dst(%dma_wait3A_2773 : memref<128x128xf32, #tpu.memory_space<hbm>>)
    return
  }
}

</mosaic_0001>

<sc_bundles>
// kernel: kernel.3.cloned.1.call-start
scs
__scs_entry_jumppad:
0x0: {  	(pc) =	sbr.rel $0x88, $3  }
0x1: {  	(tag) =	ssettag $0x0;
	lr =	simm.s32 $0x1  }
0x2: {  	[smem:$0x3F9F] =	sst lr;
	_ =	strace $0xD0000000  }
0x3: {  	_ = 	snop  }
0x4: {  	_ = 	snop  }
0x5: {  	_ = 	snop  }
0x6: {  	_ = 	snop  }
0x7: {  	_ = 	snop  }
__scs_overlays_trampoline_lowered:
0x8: {  	[smem:$0x3FAE] =	sst s0  }
0x9: {  	[smem:$0x3FAF] =	sst s1  }
0xa: {  	[smem:$0x3FB0] =	sst s2  }
0xb: {  	[smem:$0x3FB1] =	sst s3  }
0xc: {  	[smem:$0x3FB2] =	sst s4  }
0xd: {  	[smem:$0x3FB3] =	sst s5  }
0xe: {  	[smem:$0x3FB4] =	sst s6  }
0xf: {  	[smem:$0x3FB5] =	sst s7  }
0x10: {  	[smem:$0x3FB6] =	sst s8  }
0x11: {  	[smem:$0x3FB7] =	sst s9;
	s0 =	simm.s32 @!p0 $0x0  }
0x12: {  	s1 =	sld [smem:$0x3F9D];
	s0 =	simm.s32 @p0 $0x1  }
0x13: {  	[smem:$0x3FB8] =	sst s0;
	s0 =	simm.s32 @!p1 $0x0  }
0x14: {  	s2 =	sld [smem:$0x3F9C];
	s0 =	simm.s32 @p1 $0x1  }
0x15: {  	[smem:$0x3FB9] =	sst s0;
	s0 =	simm.s32 @!p2 $0x0  }
0x16: {  	s3 =	sld [smem:$0x3FDB];
	s0 =	simm.s32 @p2 $0x1  }
0x17: {  	s4 =	simm.s32 $0x1BF5;
	[smem:$0x3FBB] =	sst s0  }
0x18: {  	s0 =	sld [smem:$0x3F9E];
	_ =	swait.ge [sflag:s4], $0x0  }
0x19: {  	s7 =	sld [smem:$0x3F9F]  }
0x1a: {  	s8 =	sadd.s32 $0xFFFFE003, lr  }
0x1b: {  	s9 =	sadd.s32 $0xFFFFFEF7, lr;
	s5 =	simm.s32 $0xFFFFFFFF;
	p2 =	slt.u32 s8, $0xFFFFF086  }
0x1c: {  	p1 =	slt.u32 s9, $0xF7A;
	s5 =	simm.s32 @!p2 $0x0  }
0x1d: {  	s5 =	simm.s32 @p1 $0x1;
	p0 =	seq.s32 s7, s2  }
0x1e: {  	s7 =	smul.u32 @!p0 $0xF7A, s2;
	p2 =	seq.s32 @!p0 s5, $0x0  }
0x1f: {  	s9 =	smul.u32 $0xF7A, s1;
	s8 =	simm.s32 @!p0 $0x1BF5;
	p2 =	por !p2, p0  }
0x20: {  	[sflag:s8] =	ssyncset.s32 @!p0 $0xFFFFF086;
	s6 =	sadd.s32 @!p0 s3, s7;
	s7 =	simm.s32 @!p0 $0x108  }
0x21: {  	s3 =	sadd.s32 s3, s9;
	s6 =	sadd.s32 @!p0 $0x88, s6;
	s7 =	simm.s32 @p2 $0x1082  }
0x22: {  	[simem:s7], [sflag:s8] =	dma.local @!p0 [hbm:s6], $0xF7A  }
0x23: {  	s9 =	sor.u32 $0xD0000000, s2;
	s6 =	simm.s32 $0x108;
	_ =	swait.ge @!p0 [sflag:s8], $0x0  }
0x24: {  	s3 =	sadd.s32 $0x88, s3;
	s6 =	simm.s32 @!p1 $0x1082;
	[sflag:s4] =	ssyncset.s32 $0xFFFFF086  }
0x25: {  	[simem:s6], [sflag:s4] =	dma.local [hbm:s3], $0xF7A  }
0x26: {  	[smem:$0x3F9F] =	sst s1;
	(tag) =	ssettag s2;
	_ =	strace s9  }
0x27: {  	s1 =	sld [smem:$0x3FAF]  }
0x28: {  	s2 =	sld [smem:$0x3FB0]  }
0x29: {  	s4 =	sld [smem:$0x3FB2]  }
0x2a: {  	p0 =	seq.s32 s5, $0x0;
	s5 =	sld [smem:$0x3FB3]  }
0x2b: {  	s6 =	sld [smem:$0x3FB4]  }
0x2c: {  	s7 =	sld [smem:$0x3FB5]  }
0x2d: {  	s3 =	simm.s32 $0x108;
	s8 =	sld [smem:$0x3FB6]  }
0x2e: {  	s3 =	simm.s32 @!p0 $0x1082;
	s9 =	sld [smem:$0x3FB7]  }
0x2f: {  	lr =	sadd.s32 s0, s3;
	s0 =	sld [smem:$0x3FAE]  }
0x30: {  	s3 =	sld [smem:$0x3FB1]  }
0x31: {  	[smem:$0x3FBA] =	sst s10  }
0x32: {  	s10 =	sld [smem:$0x3FB8];
	_ =	sdelay $0x3  }
0x33: {  	p0 =	seq.s32 s10, $0x1;
	s10 =	sld [smem:$0x3FBA];
	_ =	sdelay $0x3  }
0x34: {  	[smem:$0x3FBA] =	sst s10  }
0x35: {  	s10 =	sld [smem:$0x3FB9];
	_ =	sdelay $0x3  }
0x36: {  	p1 =	seq.s32 s10, $0x1;
	s10 =	sld [smem:$0x3FBA];
	_ =	sdelay $0x3  }
0x37: {  	[smem:$0x3FBA] =	sst s10  }
0x38: {  	s10 =	sld [smem:$0x3FBB]  }
0x39: {  	_ = 	snop;
	(pc) =	sbr.ind lr, $3  }
0x3a: {  	_ = 	snop  }
0x3b: {  	_ = 	snop  }
0x3c: {  	p2 =	seq.s32 s10, $0x1;
	s10 =	sld [smem:$0x3FBA]  }
0x3d: {  	_ =	shalt  }
0x3e: {  	_ =	shalt  }
0x3f: {  	_ =	shalt  }
0x40: {  	_ =	shalt  }
0x41: {  	_ =	shalt  }
0x42: {  	_ =	shalt  }
0x43: {  	_ =	shalt  }
0x44: {  	_ =	shalt  }
0x45: {  	_ =	shalt  }
0x46: {  	_ =	shalt  }
0x47: {  	_ =	shalt  }
0x48: {  	_ =	shalt  }
0x49: {  	_ =	shalt  }
0x4a: {  	_ =	shalt  }
0x4b: {  	_ =	shalt  }
0x4c: {  	_ =	shalt  }
0x4d: {  	_ =	shalt  }
0x4e: {  	_ =	shalt  }
0x4f: {  	_ =	shalt  }
0x50: {  	_ =	shalt  }
0x51: {  	_ =	shalt  }
0x52: {  	_ =	shalt  }
0x53: {  	_ =	shalt  }
0x54: {  	_ =	shalt  }
0x55: {  	_ =	shalt  }
0x56: {  	_ =	shalt  }
0x57: {  	_ =	shalt  }
0x58: {  	_ =	shalt  }
0x59: {  	_ =	shalt  }
0x5a: {  	_ =	shalt  }
0x5b: {  	_ =	shalt  }
0x5c: {  	_ =	shalt  }
0x5d: {  	_ =	shalt  }
0x5e: {  	_ =	shalt  }
0x5f: {  	_ =	shalt  }
0x60: {  	_ =	shalt  }
0x61: {  	_ =	shalt  }
0x62: {  	_ =	shalt  }
0x63: {  	_ =	shalt  }
0x64: {  	_ =	shalt  }
0x65: {  	_ =	shalt  }
0x66: {  	_ =	shalt  }
0x67: {  	_ =	shalt  }
0x68: {  	_ =	shalt  }
0x69: {  	_ =	shalt  }
0x6a: {  	_ =	shalt  }
0x6b: {  	_ =	shalt  }
0x6c: {  	_ =	shalt  }
0x6d: {  	_ =	shalt  }
0x6e: {  	_ =	shalt  }
0x6f: {  	_ =	shalt  }
0x70: {  	_ =	shalt  }
0x71: {  	_ =	shalt  }
0x72: {  	_ =	shalt  }
0x73: {  	_ =	shalt  }
0x74: {  	_ =	shalt  }
0x75: {  	_ =	shalt  }
0x76: {  	_ =	shalt  }
0x77: {  	_ =	shalt  }
0x78: {  	_ =	shalt  }
0x79: {  	_ =	shalt  }
0x7a: {  	_ =	shalt  }
0x7b: {  	_ =	shalt  }
0x7c: {  	_ =	shalt  }
0x7d: {  	_ =	shalt  }
0x7e: {  	_ =	shalt  }
0x7f: {  	_ =	shalt  }
0x80: {  	_ =	shalt  }
0x81: {  	_ =	shalt  }
0x82: {  	_ =	shalt  }
0x83: {  	_ =	shalt  }
0x84: {  	_ =	shalt  }
0x85: {  	_ =	shalt  }
0x86: {  	_ =	shalt  }
0x87: {  	_ =	shalt  }
.Lfunc_end0:
.L_simem_size_0:
called_computation_lowered:
.L_overlay_start_0:
0x88: {  	s2 =	sld [smem:$0x3FD9]  }
0x89: {  	s3 =	sld [smem:$0x3FFE];
	_ =	sdelay $0x1  }
0x8a: {  	s1 =	srdreg.scid  }
0x8b: {  	s0 =	sand.u32 $0x1, s1  }
0x8c: {  	s17 =	sshll.u32 s0, $0xA;
	s2 =	sadd.s32 s3, s2  }
0x8d: {  	s2 =	sadd.s32 s2, s17  }
0x8e: {  	[smem:$0x3FC6] =	sst s2  }
0x8f: {  	_ = 	snop  }
0x90: {  	s2 =	sld [smem:$0x3FC9]  }
0x91: {  	s18 =	sld [smem:$0x3FC8]  }
0x92: {  	s4 =	sld [smem:$0x3FD0];
	(tm) =	ssettm $0x1  }
0x93: {  	s5 =	sld [smem:$0x3FFB];
	_ =	sdelay $0x3  }
0x94: {  	_ =	strace s5  }
0x95: {  	s5 =	sld [smem:$0x3FFC];
	_ =	sdelay $0x3  }
0x96: {  	_ =	strace s5  }
0x97: {  	s5 =	sld [smem:$0x3FFD];
	_ =	sdelay $0x3  }
0x98: {  	_ =	strace s5  }
0x99: {  	_ =	strace $0x8FFFFFFF  }
0x9a: {  	s19 =	sld [smem:$0x3FDB];
	_ =	sdelay $0x1  }
0x9b: {  	s6 =	simm.s32 $_scs_section_size  }
0x9c: {  	s7 =	simm.s32 $_size__tile_overlayer_lowered;
	s8 =	simm.s32 $_tile_overlayer_lowered  }
0x9d: {  	s22 =	simm.s32 $0x1BFF;
	s21 =	sshll.u32 s8, $0x1;
	s5 =	sadd.s32 s6, s19  }
0x9e: {  	s9 =	simm.s32 $0x0;
	s20 =	sshll.u32 s7, $0x1;
	s7 =	sadd.s32 s21, s5  }
0x9f: {  	[timem:s9], [sflag:s22] =	dma.local [hbm:s7], s20  }
0xa0: {  	_ =	swait.ge [sflag:s22], s20  }
0xa1: {  	s6 =	ssub.s32 $0x0, s20;
	[sflag:s22] =	ssyncset.done $0x0  }
0xa2: {  	[sflag:s22] =	ssyncadd.s32 s6;
	_ =	sdelay $0x1  }
0xa3: {  	s23 =	simm.s32 $0x1B8B  }
0xa4: {  	_ =	swait.ge [sflag:s23], $0x1  }
0xa5: {  	[sflag:s23] =	ssyncset.done $0x0  }
0xa6: {  	s25 =	simm.s32 $0x1B8E;
	s24 =	sld [smem:$0x3FFE];
	[sflag:s23] =	ssyncadd.s32 $0xFFFFFFFF  }
0xa7: {  	s26 =	simm.s32 $execute0_lowered;
	[smem:$0x3FD2] =	sst s25  }
0xa8: {  	s7 =	sshll.u32 s26, $0x1;
	_ =	strace $0x80000046;
	[dreg:$0x1] =	wrdreg $0xFFFFFFFF  }
0xa9: {  	s28 =	simm.s32 $_size_execute0_lowered;
	s5 =	sadd.s32 s5, s7;
	[dreg:$0x0] =	wrdreg $0x0  }
0xaa: {  	s7 =	sshll.u32 s28, $0x1;
	[dreg:$0x2] =	wrdreg s5  }
0xab: {  	[dreg:$0x3] =	wrdreg s7  }
0xac: {  	[dreg:$0x4] =	wrdreg $0xC0  }
0xad: {  	_ =	task [dreg:s9], $0x5FFFF  }
0xae: {  	[dreg:$0x1] =	wrdreg $0xFFFFFFFF  }
0xaf: {  	[dreg:$0x0] =	wrdreg $0x60  }
0xb0: {  	[dreg:$0x2] =	wrdreg s2  }
0xb1: {  	[dreg:$0x3] =	wrdreg s18  }
0xb2: {  	[dreg:$0x4] =	wrdreg s24  }
0xb3: {  	[dreg:$0x5] =	wrdreg s4  }
0xb4: {  	[dreg:$0x6] =	wrdreg $0x101000  }
0xb5: {  	[dreg:$0x7] =	wrdreg $0x9  }
0xb6: {  	_ =	task.clear_ibuf [dreg:s9], $0x8FFFF;
	_ =	strace $0x90000046  }
0xb7: {  	s29 =	simm.s32 $0x9;
	_ =	strace $0x80000048  }
0xb8: {  	_ =	swait.ge [sflag:s29], $0x1  }
0xb9: {  	[sflag:s29] =	ssyncadd.s32 $0xFFFFFFFF  }
0xba: {  	_ =	strace $0x90000048  }
0xbb: {  	_ =	sfence  }
0xbc: {  	s30 =	sld [smem:$0x0];
	_ =	sdelay $0x2  }
0xbd: {  	s31 =	sshll.u32 s1, $0xD;
	s1 =	sshrl.u32 s1, $0x2  }
0xbe: {  	s3 =	sand.u32 $0x4000, s31;
	s1 =	sadd.s32 s1, s30  }
0xbf: {  	s0 =	sor.u32 s3, s0;
	s1 =	sshll.u32 s1, $0x11  }
0xc0: {  	s0 =	sor.u32 s1, s0  }
0xc1: {  	s0 =	sadd.s32 $0x8F2B, s0  }
0xc2: {  	[sflag:s0] =	ssyncadd.remote.s32 $0x1  }
0xc3: {  	_ =	sfence.sel $0xFFFF  }
0xc4: {  	[dreg:$0x0] =	wrdreg $0xFFFFFFFF;
	(pc) =	sbr.abs _section_cstart, $3  }
0xc5: {  	[dreg:$0x1] =	wrdreg $0xFFFFFFFF  }
0xc6: {  	_ =	task.clear_ibuf [dreg:s9], $0x2FFFF;
	_ =	strace $0x9FFFFFFF  }
0xc7: {  	(tm) =	ssettm $0x7FFFFFFF  }
tec
execute0_lowered:
.L_overlay_start_1:
0x0: {  	(tag) =	ssettag $0x1  }
0x1: {  	s6 =	rddreg [dreg:$0x0]  }
0x2: {  	s0 =	rddreg [dreg:$0x1]  }
0x3: {  	s1 =	rddreg [dreg:$0x3];
	s2 =	srdreg.scid  }
0x4: {  	s3 =	stileid.u32;
	s4 =	rddreg [dreg:$0x4]  }
0x5: {  	[dreg:$0x6] =	wrdreg s0;
	s8 =	sand.u32 $0x1, s2;
	s7 =	sshll.u32 s3, $0x1  }
0x6: {  	s0 =	rddreg [dreg:$0x2];
	s7 =	sor.u32 s8, s7  }
0x7: {  	s5 =	simm.s32 $0x0;
	s2 =	rddreg [dreg:$0x5];
	s9 =	sshll.u32 s7, $0x11  }
0x8: {  	[smem:$0x7FF] =	sst s5;
	s10 =	sadd.s32 $0x200, s0;
	s6 =	sadd.s32 s6, s9  }
0x9: {  	_ =	strace $0x80000047;
	[dreg:$0x7] =	wrdreg s10;
	s9 =	sadd.s32 $0x10, s6  }
0xa: {  	s30 =	sadd.s32 $0x20, s6;
	[dreg:$0x8] =	wrdreg s9  }
0xb: {  	s31 =	sadd.s32 $0x30, s6;
	[dreg:$0x9] =	wrdreg s30  }
0xc: {  	s10 =	sadd.s32 $0x40, s6;
	[dreg:$0xa] =	wrdreg s31  }
0xd: {  	s11 =	sadd.s32 $0x50, s6;
	[dreg:$0xb] =	wrdreg s10  }
0xe: {  	s12 =	sadd.s32 $0x60, s6;
	[dreg:$0xc] =	wrdreg s11  }
0xf: {  	s13 =	sadd.s32 $0x70, s6;
	[dreg:$0xd] =	wrdreg s12  }
0x10: {  	s14 =	sadd.s32 $0x80, s6;
	[dreg:$0xe] =	wrdreg s13  }
0x11: {  	s15 =	sadd.s32 $0x90, s6;
	[dreg:$0xf] =	wrdreg s14  }
0x12: {  	s16 =	sadd.s32 $0xA0, s6;
	[dreg:$0x10] =	wrdreg s15  }
0x13: {  	s17 =	sadd.s32 $0xB0, s6;
	[dreg:$0x11] =	wrdreg s16  }
0x14: {  	s18 =	sadd.s32 $0xC0, s6;
	[dreg:$0x12] =	wrdreg s17  }
0x15: {  	s19 =	sadd.s32 $0xD0, s6;
	[dreg:$0x13] =	wrdreg s18  }
0x16: {  	s20 =	sadd.s32 $0xE0, s6;
	[dreg:$0x14] =	wrdreg s19  }
0x17: {  	s21 =	sadd.s32 $0xF0, s6;
	[dreg:$0x15] =	wrdreg s20  }
0x18: {  	s22 =	sadd.s32 $0x100, s6;
	[dreg:$0x16] =	wrdreg s21  }
0x19: {  	s23 =	sadd.s32 $0x110, s6;
	[dreg:$0x17] =	wrdreg s22  }
0x1a: {  	s24 =	sadd.s32 $0x120, s6;
	[dreg:$0x18] =	wrdreg s23  }
0x1b: {  	s25 =	sadd.s32 $0x130, s6;
	[dreg:$0x19] =	wrdreg s24  }
0x1c: {  	s26 =	sadd.s32 $0x140, s6;
	[dreg:$0x1a] =	wrdreg s25  }
0x1d: {  	s28 =	sadd.s32 $0x150, s6;
	[dreg:$0x1b] =	wrdreg s26  }
0x1e: {  	s29 =	sadd.s32 $0x160, s6;
	[dreg:$0x1c] =	wrdreg s28  }
0x1f: {  	[dreg:$0x1d] =	wrdreg s29;
	s30 =	sadd.s32 $0x170, s6  }
0x20: {  	s31 =	sadd.s32 $0x180, s6;
	[dreg:$0x1e] =	wrdreg s30  }
0x21: {  	s10 =	sadd.s32 $0x190, s6;
	[dreg:$0x1f] =	wrdreg s31  }
0x22: {  	s11 =	sadd.s32 $0x1A0, s6;
	[smem:$0x7D5] =	sst s10  }
0x23: {  	s12 =	sadd.s32 $0x1B0, s6;
	[smem:$0x7D6] =	sst s11  }
0x24: {  	s13 =	sadd.s32 $0x1C0, s6;
	[smem:$0x7D7] =	sst s12  }
0x25: {  	s14 =	sadd.s32 $0x1D0, s6;
	[smem:$0x7D8] =	sst s13  }
0x26: {  	s15 =	sadd.s32 $0x1E0, s6;
	[smem:$0x7D9] =	sst s14  }
0x27: {  	s16 =	sadd.s32 $0x1F0, s6;
	[smem:$0x7DA] =	sst s15  }
0x28: {  	s17 =	sadd.s32 $0x200, s6;
	[smem:$0x7DB] =	sst s16  }
0x29: {  	s18 =	sadd.s32 $0x210, s6;
	[smem:$0x7DC] =	sst s17  }
0x2a: {  	s19 =	sadd.s32 $0x220, s6;
	[smem:$0x7DD] =	sst s18  }
0x2b: {  	s20 =	sadd.s32 $0x230, s6;
	[smem:$0x7DE] =	sst s19  }
0x2c: {  	s21 =	sadd.s32 $0x240, s6;
	[smem:$0x7DF] =	sst s20  }
0x2d: {  	s22 =	sadd.s32 $0x250, s6;
	[smem:$0x7E0] =	sst s21  }
0x2e: {  	s23 =	sadd.s32 $0x260, s6;
	[smem:$0x7E1] =	sst s22  }
0x2f: {  	s24 =	sadd.s32 $0x270, s6;
	[smem:$0x7E2] =	sst s23  }
0x30: {  	s25 =	sadd.s32 $0x280, s6;
	[smem:$0x7E3] =	sst s24  }
0x31: {  	s26 =	sadd.s32 $0x290, s6;
	[smem:$0x7E4] =	sst s25  }
0x32: {  	s28 =	sadd.s32 $0x2A0, s6;
	[smem:$0x7E5] =	sst s26  }
0x33: {  	s29 =	sadd.s32 $0x2B0, s6;
	[smem:$0x7E6] =	sst s28  }
0x34: {  	[smem:$0x7E7] =	sst s29;
	s30 =	sadd.s32 $0x2C0, s6  }
0x35: {  	s31 =	sadd.s32 $0x2D0, s6;
	[smem:$0x7E8] =	sst s30  }
0x36: {  	s10 =	sadd.s32 $0x2E0, s6;
	[smem:$0x7E9] =	sst s31  }
0x37: {  	s11 =	sadd.s32 $0x2F0, s6;
	[smem:$0x7EA] =	sst s10  }
0x38: {  	s12 =	sadd.s32 $0x300, s6;
	[smem:$0x7EB] =	sst s11  }
0x39: {  	s13 =	sadd.s32 $0x310, s6;
	[smem:$0x7EC] =	sst s12  }
0x3a: {  	s14 =	sadd.s32 $0x320, s6;
	[smem:$0x7ED] =	sst s13  }
0x3b: {  	s15 =	sadd.s32 $0x330, s6;
	[smem:$0x7EE] =	sst s14  }
0x3c: {  	s16 =	sadd.s32 $0x340, s6;
	[smem:$0x7EF] =	sst s15  }
0x3d: {  	s17 =	sadd.s32 $0x350, s6;
	[smem:$0x7F0] =	sst s16  }
0x3e: {  	s18 =	sadd.s32 $0x360, s6;
	[smem:$0x7F1] =	sst s17  }
0x3f: {  	s19 =	sadd.s32 $0x370, s6;
	[smem:$0x7F2] =	sst s18  }
0x40: {  	s20 =	sadd.s32 $0x380, s6;
	[smem:$0x7F3] =	sst s19  }
0x41: {  	s21 =	sadd.s32 $0x390, s6;
	[smem:$0x7F4] =	sst s20  }
0x42: {  	s22 =	sadd.s32 $0x3A0, s6;
	[smem:$0x7F5] =	sst s21  }
0x43: {  	p0 =	sne.s32 s3, $0x0;
	s23 =	sadd.s32 $0x3B0, s6;
	[smem:$0x7F6] =	sst s22  }
0x44: {  	s8 =	ssub.s32 $0x2, s8;
	s24 =	sadd.s32 $0x3C0, s6;
	[smem:$0x7F7] =	sst s23  }
0x45: {  	s7 =	sshll.u32 s7, $0xE;
	s25 =	sadd.s32 $0x3D0, s6;
	[smem:$0x7F8] =	sst s24  }
0x46: {  	s9 =	simm.s32 $0xA;
	s26 =	sadd.s32 $0x3E0, s6;
	[smem:$0x7F9] =	sst s25  }
0x47: {  	s28 =	sshrl.u32 s8, $0x1;
	s29 =	sadd.s32 $0x3F0, s6;
	[smem:$0x7FA] =	sst s26  }
0x48: {  	s8 =	ssub.s32 s8, s28;
	[smem:$0x7FB] =	sst s29;
	s30 =	simm.s32 $0x10000  }
0x49: {  	s31 =	simm.s32 $0x10080;
	s10 =	simm.s32 $0x80;
	s11 =	simm.s32 $0x2000  }
0x4a: {  	s12 =	simm.s32 $0x4000;
	s13 =	simm.s32 $0x8000;
	s14 =	simm.s32 $0xC000  }
0x4b: {  	s15 =	simm.s32 $0x1;
	s16 =	simm.s32 $0x2;
	s17 =	simm.s32 $0x5  }
0x4c: {  	s18 =	simm.s32 $0x3;
	s19 =	simm.s32 $0x6;
	s20 =	simm.s32 $0x4  }
0x4d: {  	s21 =	simm.s32 $0x7;
	s22 =	simm.s32 $0x8;
	[smem:$0x7FC] =	sst s30  }
0x4e: {  	s23 =	simm.s32 $0x9;
	s8 =	smax.u32 s8, $0x1;
	[smem:$0x7FD] =	sst s31  }
.LBB2_1:
0x4f: {  	s25 =	sld [smem:$0x7FC];
	_ =	sdelay $0x1  }
0x50: {  	s24 =	rddreg [dreg:$0x6]  }
0x51: {  	[tilespmem:s25], [sflag:$0xA] =	stream.linear.gather [hbm4b:s24+s5], $0x80, $0x38;
	[tilespmem:$0x10500] =	vst v63  }
0x52: {  	_ =	swait.ge [sflag:s9], $0x80  }
0x53: {  	s25 =	sld [smem:$0x7FD]  }
0x54: {  	[sflag:s9] =	ssyncset.done $0x0  }
0x55: {  	[sflag:s9] =	ssyncadd.s32 $0xFFFFFF80  }
0x56: {  	[tilespmem:s25], [sflag:$0xA] =	stream.linear.gather [hbm4b:s0+s5], $0x80, $0x38;
	[tilespmem:$0x10500] =	vst v63  }
0x57: {  	_ =	swait.ge [sflag:s9], $0x80  }
0x58: {  	s26 =	simm.s32 @!p0 $0x1C0A;
	[sflag:s9] =	ssyncset.done $0x0  }
0x59: {  	s25 =	sshrl.u32 @!p0 s4, $0x3;
	s24 =	rddreg [dreg:$0x7];
	[sflag:s9] =	ssyncadd.s32 $0xFFFFFF80  }
0x5a: {  	[spmem:s25], [sflag:s26] =	dma.local @!p0 [hbm:s24], $0x800  }
0x5b: {  	s24 =	simm.s32 @!p0 $0xA  }
0x5c: {  	_ =	swait.ge @!p0 [sflag:s24], $0x800  }
0x5d: {  	[sflag:s24] =	ssyncset.done @!p0 $0x0  }
0x5e: {  	[sflag:s24] =	ssyncadd.s32 @!p0 $0xFFFFF800  }
0x5f: {  	[bflag:$0x0] =	sbarrier.arrive $0xFFFF  }
0x60: {  	v0 =	vld [tilespmem:$0x10080];
	_ =	sdelay $0x4  }
0x61: {  	v0 =	vshll.u32 v0, $0x13  }
0x62: {  	(v2sf) =	vpush v0, $0x0;
	_ =	sdelay $0xe  }
0x63: {  	s26 =	spop (v2sf)  }
0x64: {  	s24 =	sor.u32 s7, s26  }
0x65: {  	s28 =	sshll.u32 s3, $0x6;
	s24 =	sshrl.u32 s24, $0x3  }
0x66: {  	s31 =	sshrl.u32 s4, $0x3;
	s30 =	sor.u32 $0x1C09, s28;
	s29 =	sadd.s32 s1, s24  }
0x67: {  	[hbm:s29], [sflag:s30] =	dma.local [spmem:s31], $0x800  }
0x68: {  	(v2sf) =	vpush v0, $0x1;
	_ =	sdelay $0xe  }
0x69: {  	s26 =	spop (v2sf)  }
0x6a: {  	s26 =	sor.u32 s7, s26  }
0x6b: {  	s26 =	sshrl.u32 s26, $0x3  }
0x6c: {  	s26 =	sadd.s32 s1, s26  }
0x6d: {  	[hbm:s26], [sflag:s30] =	dma.local [spmem:s31], $0x800  }
0x6e: {  	(v2sf) =	vpush v0, $0x2;
	_ =	sdelay $0xe  }
0x6f: {  	s26 =	spop (v2sf)  }
0x70: {  	s26 =	sor.u32 s7, s26  }
0x71: {  	s26 =	sshrl.u32 s26, $0x3  }
0x72: {  	s26 =	sadd.s32 s1, s26  }
0x73: {  	[hbm:s26], [sflag:s30] =	dma.local [spmem:s31], $0x800  }
0x74: {  	(v2sf) =	vpush v0, $0x3;
	_ =	sdelay $0xe  }
0x75: {  	s26 =	spop (v2sf)  }
0x76: {  	s26 =	sor.u32 s7, s26  }
0x77: {  	s26 =	sshrl.u32 s26, $0x3  }
0x78: {  	s26 =	sadd.s32 s1, s26  }
0x79: {  	[hbm:s26], [sflag:s30] =	dma.local [spmem:s31], $0x800  }
0x7a: {  	(v2sf) =	vpush v0, $0x4;
	_ =	sdelay $0xe  }
0x7b: {  	s26 =	spop (v2sf)  }
0x7c: {  	s26 =	sor.u32 s7, s26  }
0x7d: {  	s26 =	sshrl.u32 s26, $0x3  }
0x7e: {  	s26 =	sadd.s32 s1, s26  }
0x7f: {  	[hbm:s26], [sflag:s30] =	dma.local [spmem:s31], $0x800  }
0x80: {  	(v2sf) =	vpush v0, $0x5;
	_ =	sdelay $0xe  }
0x81: {  	s26 =	spop (v2sf)  }
0x82: {  	s26 =	sor.u32 s7, s26  }
0x83: {  	s26 =	sshrl.u32 s26, $0x3  }
0x84: {  	s26 =	sadd.s32 s1, s26  }
0x85: {  	[hbm:s26], [sflag:s30] =	dma.local [spmem:s31], $0x800  }
0x86: {  	(v2sf) =	vpush v0, $0x6;
	_ =	sdelay $0xe  }
0x87: {  	s26 =	spop (v2sf)  }
0x88: {  	s26 =	sor.u32 s7, s26  }
0x89: {  	s26 =	sshrl.u32 s26, $0x3  }
0x8a: {  	s26 =	sadd.s32 s1, s26  }
0x8b: {  	[hbm:s26], [sflag:s30] =	dma.local [spmem:s31], $0x800  }
0x8c: {  	(v2sf) =	vpush v0, $0x7;
	_ =	sdelay $0xe  }
0x8d: {  	s26 =	spop (v2sf)  }
0x8e: {  	s26 =	sor.u32 s7, s26  }
0x8f: {  	s26 =	sshrl.u32 s26, $0x3  }
0x90: {  	s26 =	sadd.s32 s1, s26  }
0x91: {  	[hbm:s26], [sflag:s30] =	dma.local [spmem:s31], $0x800  }
0x92: {  	(v2sf) =	vpush v0, $0x8;
	_ =	sdelay $0xe  }
0x93: {  	s26 =	spop (v2sf)  }
0x94: {  	s26 =	sor.u32 s7, s26  }
0x95: {  	s26 =	sshrl.u32 s26, $0x3  }
0x96: {  	s26 =	sadd.s32 s1, s26  }
0x97: {  	[hbm:s26], [sflag:s30] =	dma.local [spmem:s31], $0x800  }
0x98: {  	(v2sf) =	vpush v0, $0x9;
	_ =	sdelay $0xe  }
0x99: {  	s26 =	spop (v2sf)  }
0x9a: {  	s26 =	sor.u32 s7, s26  }
0x9b: {  	s26 =	sshrl.u32 s26, $0x3  }
0x9c: {  	s26 =	sadd.s32 s1, s26  }
0x9d: {  	[hbm:s26], [sflag:s30] =	dma.local [spmem:s31], $0x800  }
0x9e: {  	(v2sf) =	vpush v0, $0xA;
	_ =	sdelay $0xe  }
0x9f: {  	s26 =	spop (v2sf)  }
0xa0: {  	s26 =	sor.u32 s7, s26  }
0xa1: {  	s26 =	sshrl.u32 s26, $0x3  }
0xa2: {  	s26 =	sadd.s32 s1, s26  }
0xa3: {  	[hbm:s26], [sflag:s30] =	dma.local [spmem:s31], $0x800  }
0xa4: {  	(v2sf) =	vpush v0, $0xB;
	_ =	sdelay $0xe  }
0xa5: {  	s26 =	spop (v2sf)  }
0xa6: {  	s26 =	sor.u32 s7, s26  }
0xa7: {  	s26 =	sshrl.u32 s26, $0x3  }
0xa8: {  	s26 =	sadd.s32 s1, s26  }
0xa9: {  	[hbm:s26], [sflag:s30] =	dma.local [spmem:s31], $0x800  }
0xaa: {  	(v2sf) =	vpush v0, $0xC;
	_ =	sdelay $0xe  }
0xab: {  	s26 =	spop (v2sf)  }
0xac: {  	s26 =	sor.u32 s7, s26  }
0xad: {  	s26 =	sshrl.u32 s26, $0x3  }
0xae: {  	s26 =	sadd.s32 s1, s26  }
0xaf: {  	[hbm:s26], [sflag:s30] =	dma.local [spmem:s31], $0x800  }
0xb0: {  	(v2sf) =	vpush v0, $0xD;
	_ =	sdelay $0xe  }
0xb1: {  	s26 =	spop (v2sf)  }
0xb2: {  	s26 =	sor.u32 s7, s26  }
0xb3: {  	s26 =	sshrl.u32 s26, $0x3  }
0xb4: {  	s26 =	sadd.s32 s1, s26  }
0xb5: {  	[hbm:s26], [sflag:s30] =	dma.local [spmem:s31], $0x800  }
0xb6: {  	(v2sf) =	vpush v0, $0xE;
	_ =	sdelay $0xe  }
0xb7: {  	s26 =	spop (v2sf)  }
0xb8: {  	s26 =	sor.u32 s7, s26  }
0xb9: {  	s26 =	sshrl.u32 s26, $0x3  }
0xba: {  	s26 =	sadd.s32 s1, s26  }
0xbb: {  	[hbm:s26], [sflag:s30] =	dma.local [spmem:s31], $0x800  }
0xbc: {  	(v2sf) =	vpush v0, $0xF;
	_ =	sdelay $0xe  }
0xbd: {  	s26 =	spop (v2sf)  }
0xbe: {  	s26 =	sor.u32 s7, s26  }
0xbf: {  	s26 =	sshrl.u32 s26, $0x3  }
0xc0: {  	s26 =	sadd.s32 s1, s26  }
0xc1: {  	[hbm:s26], [sflag:s30] =	dma.local [spmem:s31], $0x800  }
0xc2: {  	v58 =	vld [tilespmem:$0x10090];
	_ =	sdelay $0x4  }
0xc3: {  	v0 =	vshll.u32 v58, $0x13  }
0xc4: {  	(v2sf) =	vpush v0, $0x0;
	_ =	sdelay $0xe  }
0xc5: {  	s26 =	spop (v2sf)  }
0xc6: {  	s26 =	sor.u32 s7, s26  }
0xc7: {  	s26 =	sshrl.u32 s26, $0x3  }
0xc8: {  	s26 =	sadd.s32 s1, s26  }
0xc9: {  	[hbm:s26], [sflag:s30] =	dma.local [spmem:s31], $0x800  }
0xca: {  	(v2sf) =	vpush v0, $0x1;
	_ =	sdelay $0xe  }
0xcb: {  	s26 =	spop (v2sf)  }
0xcc: {  	s26 =	sor.u32 s7, s26  }
0xcd: {  	s26 =	sshrl.u32 s26, $0x3  }
0xce: {  	s26 =	sadd.s32 s1, s26  }
0xcf: {  	[hbm:s26], [sflag:s30] =	dma.local [spmem:s31], $0x800  }
0xd0: {  	(v2sf) =	vpush v0, $0x2;
	_ =	sdelay $0xe  }
0xd1: {  	s26 =	spop (v2sf)  }
0xd2: {  	s26 =	sor.u32 s7, s26  }
0xd3: {  	s26 =	sshrl.u32 s26, $0x3  }
0xd4: {  	s26 =	sadd.s32 s1, s26  }
0xd5: {  	[hbm:s26], [sflag:s30] =	dma.local [spmem:s31], $0x800  }
0xd6: {  	(v2sf) =	vpush v0, $0x3;
	_ =	sdelay $0xe  }
0xd7: {  	s26 =	spop (v2sf)  }
0xd8: {  	s26 =	sor.u32 s7, s26  }
0xd9: {  	s26 =	sshrl.u32 s26, $0x3  }
0xda: {  	s26 =	sadd.s32 s1, s26  }
0xdb: {  	[hbm:s26], [sflag:s30] =	dma.local [spmem:s31], $0x800  }
0xdc: {  	(v2sf) =	vpush v0, $0x4;
	_ =	sdelay $0xe  }
0xdd: {  	s26 =	spop (v2sf)  }
0xde: {  	s26 =	sor.u32 s7, s26  }
0xdf: {  	s26 =	sshrl.u32 s26, $0x3  }
0xe0: {  	s26 =	sadd.s32 s1, s26  }
0xe1: {  	[hbm:s26], [sflag:s30] =	dma.local [spmem:s31], $0x800  }
0xe2: {  	(v2sf) =	vpush v0, $0x5;
	_ =	sdelay $0xe  }
0xe3: {  	s26 =	spop (v2sf)  }
0xe4: {  	s26 =	sor.u32 s7, s26  }
0xe5: {  	s26 =	sshrl.u32 s26, $0x3  }
0xe6: {  	s26 =	sadd.s32 s1, s26  }
0xe7: {  	[hbm:s26], [sflag:s30] =	dma.local [spmem:s31], $0x800  }
0xe8: {  	(v2sf) =	vpush v0, $0x6;
	_ =	sdelay $0xe  }
0xe9: {  	s26 =	spop (v2sf)  }
0xea: {  	s26 =	sor.u32 s7, s26  }
0xeb: {  	s26 =	sshrl.u32 s26, $0x3  }
0xec: {  	s26 =	sadd.s32 s1, s26  }
0xed: {  	[hbm:s26], [sflag:s30] =	dma.local [spmem:s31], $0x800  }
0xee: {  	(v2sf) =	vpush v0, $0x7;
	_ =	sdelay $0xe  }
0xef: {  	s26 =	spop (v2sf)  }
0xf0: {  	s26 =	sor.u32 s7, s26  }
0xf1: {  	s26 =	sshrl.u32 s26, $0x3  }
0xf2: {  	s26 =	sadd.s32 s1, s26  }
0xf3: {  	[hbm:s26], [sflag:s30] =	dma.local [spmem:s31], $0x800  }
0xf4: {  	(v2sf) =	vpush v0, $0x8;
	_ =	sdelay $0xe  }
0xf5: {  	s26 =	spop (v2sf)  }
0xf6: {  	s26 =	sor.u32 s7, s26  }
0xf7: {  	s26 =	sshrl.u32 s26, $0x3  }
0xf8: {  	s26 =	sadd.s32 s1, s26  }
0xf9: {  	[hbm:s26], [sflag:s30] =	dma.local [spmem:s31], $0x800  }
0xfa: {  	(v2sf) =	vpush v0, $0x9;
	_ =	sdelay $0xe  }
0xfb: {  	s26 =	spop (v2sf)  }
0xfc: {  	s26 =	sor.u32 s7, s26  }
0xfd: {  	s26 =	sshrl.u32 s26, $0x3  }
0xfe: {  	s26 =	sadd.s32 s1, s26  }
0xff: {  	[hbm:s26], [sflag:s30] =	dma.local [spmem:s31], $0x800  }
0x100: {  	(v2sf) =	vpush v0, $0xA;
	_ =	sdelay $0xe  }
0x101: {  	s26 =	spop (v2sf)  }
0x102: {  	s26 =	sor.u32 s7, s26  }
0x103: {  	s26 =	sshrl.u32 s26, $0x3  }
0x104: {  	s26 =	sadd.s32 s1, s26  }
0x105: {  	[hbm:s26], [sflag:s30] =	dma.local [spmem:s31], $0x800  }
0x106: {  	(v2sf) =	vpush v0, $0xB;
	_ =	sdelay $0xe  }
0x107: {  	s26 =	spop (v2sf)  }
0x108: {  	s26 =	sor.u32 s7, s26  }
0x109: {  	s26 =	sshrl.u32 s26, $0x3  }
0x10a: {  	s26 =	sadd.s32 s1, s26  }
0x10b: {  	[hbm:s26], [sflag:s30] =	dma.local [spmem:s31], $0x800  }
0x10c: {  	(v2sf) =	vpush v0, $0xC;
	_ =	sdelay $0xe  }
0x10d: {  	s26 =	spop (v2sf)  }
0x10e: {  	s26 =	sor.u32 s7, s26  }
0x10f: {  	s26 =	sshrl.u32 s26, $0x3  }
0x110: {  	s26 =	sadd.s32 s1, s26  }
0x111: {  	[hbm:s26], [sflag:s30] =	dma.local [spmem:s31], $0x800  }
0x112: {  	(v2sf) =	vpush v0, $0xD;
	_ =	sdelay $0xe  }
0x113: {  	s26 =	spop (v2sf)  }
0x114: {  	s26 =	sor.u32 s7, s26  }
0x115: {  	s26 =	sshrl.u32 s26, $0x3  }
0x116: {  	s26 =	sadd.s32 s1, s26  }
0x117: {  	[hbm:s26], [sflag:s30] =	dma.local [spmem:s31], $0x800  }
0x118: {  	(v2sf) =	vpush v0, $0xE;
	_ =	sdelay $0xe  }
0x119: {  	s26 =	spop (v2sf)  }
0x11a: {  	s26 =	sor.u32 s7, s26  }
0x11b: {  	s26 =	sshrl.u32 s26, $0x3  }
0x11c: {  	s26 =	sadd.s32 s1, s26  }
0x11d: {  	[hbm:s26], [sflag:s30] =	dma.local [spmem:s31], $0x800  }
0x11e: {  	(v2sf) =	vpush v0, $0xF;
	_ =	sdelay $0xe  }
0x11f: {  	s26 =	spop (v2sf)  }
0x120: {  	s26 =	sor.u32 s7, s26  }
0x121: {  	s26 =	sshrl.u32 s26, $0x3  }
0x122: {  	s26 =	sadd.s32 s1, s26  }
0x123: {  	[hbm:s26], [sflag:s30] =	dma.local [spmem:s31], $0x800  }
0x124: {  	v59 =	vld [tilespmem:$0x100A0];
	_ =	sdelay $0x4  }
0x125: {  	v0 =	vshll.u32 v59, $0x13  }
0x126: {  	(v2sf) =	vpush v0, $0x0;
	_ =	sdelay $0xe  }
0x127: {  	s26 =	spop (v2sf)  }
0x128: {  	s26 =	sor.u32 s7, s26  }
0x129: {  	s26 =	sshrl.u32 s26, $0x3  }
0x12a: {  	s26 =	sadd.s32 s1, s26  }
0x12b: {  	[hbm:s26], [sflag:s30] =	dma.local [spmem:s31], $0x800  }
0x12c: {  	(v2sf) =	vpush v0, $0x1;
	_ =	sdelay $0xe  }
0x12d: {  	s26 =	spop (v2sf)  }
0x12e: {  	s26 =	sor.u32 s7, s26  }
0x12f: {  	s26 =	sshrl.u32 s26, $0x3  }
0x130: {  	s26 =	sadd.s32 s1, s26  }
0x131: {  	[hbm:s26], [sflag:s30] =	dma.local [spmem:s31], $0x800  }
0x132: {  	(v2sf) =	vpush v0, $0x2;
	_ =	sdelay $0xe  }
0x133: {  	s26 =	spop (v2sf)  }
0x134: {  	s26 =	sor.u32 s7, s26  }
0x135: {  	s26 =	sshrl.u32 s26, $0x3  }
0x136: {  	s26 =	sadd.s32 s1, s26  }
0x137: {  	[hbm:s26], [sflag:s30] =	dma.local [spmem:s31], $0x800  }
0x138: {  	(v2sf) =	vpush v0, $0x3;
	_ =	sdelay $0xe  }
0x139: {  	s26 =	spop (v2sf)  }
0x13a: {  	s26 =	sor.u32 s7, s26  }
0x13b: {  	s26 =	sshrl.u32 s26, $0x3  }
0x13c: {  	s26 =	sadd.s32 s1, s26  }
0x13d: {  	[hbm:s26], [sflag:s30] =	dma.local [spmem:s31], $0x800  }
0x13e: {  	(v2sf) =	vpush v0, $0x4;
	_ =	sdelay $0xe  }
0x13f: {  	s26 =	spop (v2sf)  }
0x140: {  	s26 =	sor.u32 s7, s26  }
0x141: {  	s26 =	sshrl.u32 s26, $0x3  }
0x142: {  	s26 =	sadd.s32 s1, s26  }
0x143: {  	[hbm:s26], [sflag:s30] =	dma.local [spmem:s31], $0x800  }
0x144: {  	(v2sf) =	vpush v0, $0x5;
	_ =	sdelay $0xe  }
0x145: {  	s26 =	spop (v2sf)  }
0x146: {  	s26 =	sor.u32 s7, s26  }
0x147: {  	s26 =	sshrl.u32 s26, $0x3  }
0x148: {  	s26 =	sadd.s32 s1, s26  }
0x149: {  	[hbm:s26], [sflag:s30] =	dma.local [spmem:s31], $0x800  }
0x14a: {  	(v2sf) =	vpush v0, $0x6;
	_ =	sdelay $0xe  }
0x14b: {  	s26 =	spop (v2sf)  }
0x14c: {  	s26 =	sor.u32 s7, s26  }
0x14d: {  	s26 =	sshrl.u32 s26, $0x3  }
0x14e: {  	s26 =	sadd.s32 s1, s26  }
0x14f: {  	[hbm:s26], [sflag:s30] =	dma.local [spmem:s31], $0x800  }
0x150: {  	(v2sf) =	vpush v0, $0x7;
	_ =	sdelay $0xe  }
0x151: {  	s26 =	spop (v2sf)  }
0x152: {  	s26 =	sor.u32 s7, s26  }
0x153: {  	s26 =	sshrl.u32 s26, $0x3  }
0x154: {  	s26 =	sadd.s32 s1, s26  }
0x155: {  	[hbm:s26], [sflag:s30] =	dma.local [spmem:s31], $0x800  }
0x156: {  	(v2sf) =	vpush v0, $0x8;
	_ =	sdelay $0xe  }
0x157: {  	s26 =	spop (v2sf)  }
0x158: {  	s26 =	sor.u32 s7, s26  }
0x159: {  	s26 =	sshrl.u32 s26, $0x3  }
0x15a: {  	s26 =	sadd.s32 s1, s26  }
0x15b: {  	[hbm:s26], [sflag:s30] =	dma.local [spmem:s31], $0x800  }
0x15c: {  	(v2sf) =	vpush v0, $0x9;
	_ =	sdelay $0xe  }
0x15d: {  	s26 =	spop (v2sf)  }
0x15e: {  	s26 =	sor.u32 s7, s26  }
0x15f: {  	s26 =	sshrl.u32 s26, $0x3  }
0x160: {  	s26 =	sadd.s32 s1, s26  }
0x161: {  	[hbm:s26], [sflag:s30] =	dma.local [spmem:s31], $0x800  }
0x162: {  	(v2sf) =	vpush v0, $0xA;
	_ =	sdelay $0xe  }
0x163: {  	s26 =	spop (v2sf)  }
0x164: {  	s26 =	sor.u32 s7, s26  }
0x165: {  	s26 =	sshrl.u32 s26, $0x3  }
0x166: {  	s26 =	sadd.s32 s1, s26  }
0x167: {  	[hbm:s26], [sflag:s30] =	dma.local [spmem:s31], $0x800  }
0x168: {  	(v2sf) =	vpush v0, $0xB;
	_ =	sdelay $0xe  }
0x169: {  	s26 =	spop (v2sf)  }
0x16a: {  	s26 =	sor.u32 s7, s26  }
0x16b: {  	s26 =	sshrl.u32 s26, $0x3  }
0x16c: {  	s26 =	sadd.s32 s1, s26  }
0x16d: {  	[hbm:s26], [sflag:s30] =	dma.local [spmem:s31], $0x800  }
0x16e: {  	(v2sf) =	vpush v0, $0xC;
	_ =	sdelay $0xe  }
0x16f: {  	s26 =	spop (v2sf)  }
0x170: {  	s26 =	sor.u32 s7, s26  }
0x171: {  	s26 =	sshrl.u32 s26, $0x3  }
0x172: {  	s26 =	sadd.s32 s1, s26  }
0x173: {  	[hbm:s26], [sflag:s30] =	dma.local [spmem:s31], $0x800  }
0x174: {  	(v2sf) =	vpush v0, $0xD;
	_ =	sdelay $0xe  }
0x175: {  	s26 =	spop (v2sf)  }
0x176: {  	s26 =	sor.u32 s7, s26  }
0x177: {  	s26 =	sshrl.u32 s26, $0x3  }
0x178: {  	s26 =	sadd.s32 s1, s26  }
0x179: {  	[hbm:s26], [sflag:s30] =	dma.local [spmem:s31], $0x800  }
0x17a: {  	[tilespmem:s5], [sflag:$0x1] =	stream.strided.gather [hbm4b:s6+s10], $0x4000, s11, s10, $0x38;
	[tilespmem:$0x10500] =	vst v63  }
0x17b: {  	s24 =	rddreg [dreg:$0x8]  }
0x17c: {  	[tilespmem:s12], [sflag:$0x2] =	stream.strided.gather [hbm4b:s24+s10], $0x4000, s11, s10, $0x38;
	[tilespmem:$0x10500] =	vst v63  }
0x17d: {  	s25 =	rddreg [dreg:$0x9]  }
0x17e: {  	[tilespmem:s13], [sflag:$0x3] =	stream.strided.gather [hbm4b:s25+s10], $0x4000, s11, s10, $0x38;
	[tilespmem:$0x10500] =	vst v63  }
0x17f: {  	s26 =	rddreg [dreg:$0xa]  }
0x180: {  	[tilespmem:s14], [sflag:$0x4] =	stream.strided.gather [hbm4b:s26+s10], $0x4000, s11, s10, $0x38;
	[tilespmem:$0x10500] =	vst v63  }
0x181: {  	_ =	swait.ge [sflag:s15], $0x4000  }
0x182: {  	[sflag:s15] =	ssyncset.done $0x0  }
0x183: {  	[sflag:s15] =	ssyncadd.s32 $0xFFFFC000  }
0x184: {  	v60 =	vld [tilespmem:$0x10000];
	_ =	sdelay $0x4  }
0x185: {  	(v2sf) =	vpush v60, $0x0;
	_ =	sdelay $0xe  }
0x186: {  	s28 =	spop (v2sf)  }
0x187: {  	s24 =	sshll.u32 s28, $0x13  }
0x188: {  	s24 =	sor.u32 s7, s24  }
0x189: {  	s24 =	sshrl.u32 s24, $0x3  }
0x18a: {  	s24 =	sadd.s32 s1, s24  }
0x18b: {  	[hbm4b:s24+s5] =	stream.linear.scatter [tilespmem:s5], [sflag:$0x5], $0x4000, $0x38;
	[tilespmem:$0x10500] =	vst v63  }
0x18c: {  	_ =	swait.ge [sflag:s16], $0x4000  }
0x18d: {  	[sflag:s16] =	ssyncset.done $0x0  }
0x18e: {  	[sflag:s16] =	ssyncadd.s32 $0xFFFFC000  }
0x18f: {  	v61 =	vld [tilespmem:$0x10000];
	_ =	sdelay $0x4  }
0x190: {  	(v2sf) =	vpush v61, $0x1;
	_ =	sdelay $0xe  }
0x191: {  	s29 =	spop (v2sf)  }
0x192: {  	s24 =	sshll.u32 s29, $0x13  }
0x193: {  	s24 =	sor.u32 s7, s24  }
0x194: {  	s24 =	sshrl.u32 s24, $0x3  }
0x195: {  	s24 =	sadd.s32 s1, s24  }
0x196: {  	[hbm4b:s24+s5] =	stream.linear.scatter [tilespmem:s12], [sflag:$0x6], $0x4000, $0x38;
	[tilespmem:$0x10500] =	vst v63  }
0x197: {  	_ =	swait.ge [sflag:s17], $0x4000  }
0x198: {  	[sflag:s17] =	ssyncset.done $0x0  }
0x199: {  	s30 =	rddreg [dreg:$0xb];
	[sflag:s17] =	ssyncadd.s32 $0xFFFFC000  }
0x19a: {  	[tilespmem:s5], [sflag:$0x1] =	stream.strided.gather [hbm4b:s30+s10], $0x4000, s11, s10, $0x38;
	[tilespmem:$0x10500] =	vst v63  }
0x19b: {  	_ =	swait.ge [sflag:s18], $0x4000  }
0x19c: {  	[sflag:s18] =	ssyncset.done $0x0  }
0x19d: {  	[sflag:s18] =	ssyncadd.s32 $0xFFFFC000  }
0x19e: {  	v62 =	vld [tilespmem:$0x10000];
	_ =	sdelay $0x4  }
0x19f: {  	(v2sf) =	vpush v62, $0x2;
	_ =	sdelay $0xe  }
0x1a0: {  	s31 =	spop (v2sf)  }
0x1a1: {  	s24 =	sshll.u32 s31, $0x13  }
0x1a2: {  	s24 =	sor.u32 s7, s24  }
0x1a3: {  	s24 =	sshrl.u32 s24, $0x3  }
0x1a4: {  	s24 =	sadd.s32 s1, s24  }
0x1a5: {  	[hbm4b:s24+s5] =	stream.linear.scatter [tilespmem:s13], [sflag:$0x7], $0x4000, $0x38;
	[tilespmem:$0x10500] =	vst v63  }
0x1a6: {  	_ =	swait.ge [sflag:s19], $0x4000  }
0x1a7: {  	[sflag:s19] =	ssyncset.done $0x0  }
0x1a8: {  	s25 =	rddreg [dreg:$0xc];
	[sflag:s19] =	ssyncadd.s32 $0xFFFFC000  }
0x1a9: {  	[tilespmem:s12], [sflag:$0x2] =	stream.strided.gather [hbm4b:s25+s10], $0x4000, s11, s10, $0x38;
	[tilespmem:$0x10500] =	vst v63  }
0x1aa: {  	_ =	swait.ge [sflag:s20], $0x4000  }
0x1ab: {  	[sflag:s20] =	ssyncset.done $0x0  }
0x1ac: {  	[sflag:s20] =	ssyncadd.s32 $0xFFFFC000  }
0x1ad: {  	v63 =	vld [tilespmem:$0x10000];
	_ =	sdelay $0x4  }
0x1ae: {  	(v2sf) =	vpush v63, $0x3;
	_ =	sdelay $0xe  }
0x1af: {  	s26 =	spop (v2sf)  }
0x1b0: {  	s24 =	sshll.u32 s26, $0x13  }
0x1b1: {  	s24 =	sor.u32 s7, s24  }
0x1b2: {  	s24 =	sshrl.u32 s24, $0x3  }
0x1b3: {  	s24 =	sadd.s32 s1, s24  }
0x1b4: {  	[hbm4b:s24+s5] =	stream.linear.scatter [tilespmem:s14], [sflag:$0x8], $0x4000, $0x38;
	[tilespmem:$0x10500] =	vst v63  }
0x1b5: {  	_ =	swait.ge [sflag:s21], $0x4000  }
0x1b6: {  	[sflag:s21] =	ssyncset.done $0x0  }
0x1b7: {  	s28 =	rddreg [dreg:$0xd];
	[sflag:s21] =	ssyncadd.s32 $0xFFFFC000  }
0x1b8: {  	[tilespmem:s13], [sflag:$0x3] =	stream.strided.gather [hbm4b:s28+s10], $0x4000, s11, s10, $0x38;
	[tilespmem:$0x10500] =	vst v63  }
0x1b9: {  	_ =	swait.ge [sflag:s15], $0x4000  }
0x1ba: {  	[sflag:s15] =	ssyncset.done $0x0  }
0x1bb: {  	[sflag:s15] =	ssyncadd.s32 $0xFFFFC000  }
0x1bc: {  	v4 =	vld [tilespmem:$0x10000];
	_ =	sdelay $0x4  }
0x1bd: {  	(v2sf) =	vpush v4, $0x4;
	_ =	sdelay $0xe  }
0x1be: {  	s29 =	spop (v2sf)  }
0x1bf: {  	s24 =	sshll.u32 s29, $0x13  }
0x1c0: {  	s24 =	sor.u32 s7, s24  }
0x1c1: {  	s24 =	sshrl.u32 s24, $0x3  }
0x1c2: {  	s24 =	sadd.s32 s1, s24  }
0x1c3: {  	[hbm4b:s24+s5] =	stream.linear.scatter [tilespmem:s5], [sflag:$0x5], $0x4000, $0x38;
	[tilespmem:$0x10500] =	vst v63  }
0x1c4: {  	_ =	swait.ge [sflag:s22], $0x4000  }
0x1c5: {  	[sflag:s22] =	ssyncset.done $0x0  }
0x1c6: {  	s30 =	rddreg [dreg:$0xe];
	[sflag:s22] =	ssyncadd.s32 $0xFFFFC000  }
0x1c7: {  	[tilespmem:s14], [sflag:$0x4] =	stream.strided.gather [hbm4b:s30+s10], $0x4000, s11, s10, $0x38;
	[tilespmem:$0x10500] =	vst v63  }
0x1c8: {  	_ =	swait.ge [sflag:s16], $0x4000  }
0x1c9: {  	[sflag:s16] =	ssyncset.done $0x0  }
0x1ca: {  	[sflag:s16] =	ssyncadd.s32 $0xFFFFC000  }
0x1cb: {  	v5 =	vld [tilespmem:$0x10000];
	_ =	sdelay $0x4  }
0x1cc: {  	(v2sf) =	vpush v5, $0x5;
	_ =	sdelay $0xe  }
0x1cd: {  	s31 =	spop (v2sf)  }
0x1ce: {  	s24 =	sshll.u32 s31, $0x13  }
0x1cf: {  	s24 =	sor.u32 s7, s24  }
0x1d0: {  	s24 =	sshrl.u32 s24, $0x3  }
0x1d1: {  	s24 =	sadd.s32 s1, s24  }
0x1d2: {  	[hbm4b:s24+s5] =	stream.linear.scatter [tilespmem:s12], [sflag:$0x6], $0x4000, $0x38;
	[tilespmem:$0x10500] =	vst v63  }
0x1d3: {  	_ =	swait.ge [sflag:s17], $0x4000  }
0x1d4: {  	[sflag:s17] =	ssyncset.done $0x0  }
0x1d5: {  	s25 =	rddreg [dreg:$0xf];
	[sflag:s17] =	ssyncadd.s32 $0xFFFFC000  }
0x1d6: {  	[tilespmem:s5], [sflag:$0x1] =	stream.strided.gather [hbm4b:s25+s10], $0x4000, s11, s10, $0x38;
	[tilespmem:$0x10500] =	vst v63  }
0x1d7: {  	_ =	swait.ge [sflag:s18], $0x4000  }
0x1d8: {  	[sflag:s18] =	ssyncset.done $0x0  }
0x1d9: {  	[sflag:s18] =	ssyncadd.s32 $0xFFFFC000  }
0x1da: {  	v6 =	vld [tilespmem:$0x10000];
	_ =	sdelay $0x4  }
0x1db: {  	(v2sf) =	vpush v6, $0x6;
	_ =	sdelay $0xe  }
0x1dc: {  	s26 =	spop (v2sf)  }
0x1dd: {  	s24 =	sshll.u32 s26, $0x13  }
0x1de: {  	s24 =	sor.u32 s7, s24  }
0x1df: {  	s24 =	sshrl.u32 s24, $0x3  }
0x1e0: {  	s24 =	sadd.s32 s1, s24  }
0x1e1: {  	[hbm4b:s24+s5] =	stream.linear.scatter [tilespmem:s13], [sflag:$0x7], $0x4000, $0x38;
	[tilespmem:$0x10500] =	vst v63  }
0x1e2: {  	_ =	swait.ge [sflag:s19], $0x4000  }
0x1e3: {  	[sflag:s19] =	ssyncset.done $0x0  }
0x1e4: {  	s28 =	rddreg [dreg:$0x10];
	[sflag:s19] =	ssyncadd.s32 $0xFFFFC000  }
0x1e5: {  	[tilespmem:s12], [sflag:$0x2] =	stream.strided.gather [hbm4b:s28+s10], $0x4000, s11, s10, $0x38;
	[tilespmem:$0x10500] =	vst v63  }
0x1e6: {  	_ =	swait.ge [sflag:s20], $0x4000  }
0x1e7: {  	[sflag:s20] =	ssyncset.done $0x0  }
0x1e8: {  	[sflag:s20] =	ssyncadd.s32 $0xFFFFC000  }
0x1e9: {  	v7 =	vld [tilespmem:$0x10000];
	_ =	sdelay $0x4  }
0x1ea: {  	(v2sf) =	vpush v7, $0x7;
	_ =	sdelay $0xe  }
0x1eb: {  	s29 =	spop (v2sf)  }
0x1ec: {  	s24 =	sshll.u32 s29, $0x13  }
0x1ed: {  	s24 =	sor.u32 s7, s24  }
0x1ee: {  	s24 =	sshrl.u32 s24, $0x3  }
0x1ef: {  	s24 =	sadd.s32 s1, s24  }
0x1f0: {  	[hbm4b:s24+s5] =	stream.linear.scatter [tilespmem:s14], [sflag:$0x8], $0x4000, $0x38;
	[tilespmem:$0x10500] =	vst v63  }
0x1f1: {  	_ =	swait.ge [sflag:s21], $0x4000  }
0x1f2: {  	[sflag:s21] =	ssyncset.done $0x0  }
0x1f3: {  	s30 =	rddreg [dreg:$0x11];
	[sflag:s21] =	ssyncadd.s32 $0xFFFFC000  }
0x1f4: {  	[tilespmem:s13], [sflag:$0x3] =	stream.strided.gather [hbm4b:s30+s10], $0x4000, s11, s10, $0x38;
	[tilespmem:$0x10500] =	vst v63  }
0x1f5: {  	_ =	swait.ge [sflag:s15], $0x4000  }
0x1f6: {  	[sflag:s15] =	ssyncset.done $0x0  }
0x1f7: {  	[sflag:s15] =	ssyncadd.s32 $0xFFFFC000  }
0x1f8: {  	v8 =	vld [tilespmem:$0x10000];
	_ =	sdelay $0x4  }
0x1f9: {  	(v2sf) =	vpush v8, $0x8;
	_ =	sdelay $0xe  }
0x1fa: {  	s31 =	spop (v2sf)  }
0x1fb: {  	s24 =	sshll.u32 s31, $0x13  }
0x1fc: {  	s24 =	sor.u32 s7, s24  }
0x1fd: {  	s24 =	sshrl.u32 s24, $0x3  }
0x1fe: {  	s24 =	sadd.s32 s1, s24  }
0x1ff: {  	[hbm4b:s24+s5] =	stream.linear.scatter [tilespmem:s5], [sflag:$0x5], $0x4000, $0x38;
	[tilespmem:$0x10500] =	vst v63  }
0x200: {  	_ =	swait.ge [sflag:s22], $0x4000  }
0x201: {  	[sflag:s22] =	ssyncset.done $0x0  }
0x202: {  	s25 =	rddreg [dreg:$0x12];
	[sflag:s22] =	ssyncadd.s32 $0xFFFFC000  }
0x203: {  	[tilespmem:s14], [sflag:$0x4] =	stream.strided.gather [hbm4b:s25+s10], $0x4000, s11, s10, $0x38;
	[tilespmem:$0x10500] =	vst v63  }
0x204: {  	_ =	swait.ge [sflag:s16], $0x4000  }
0x205: {  	[sflag:s16] =	ssyncset.done $0x0  }
0x206: {  	[sflag:s16] =	ssyncadd.s32 $0xFFFFC000  }
0x207: {  	v9 =	vld [tilespmem:$0x10000];
	_ =	sdelay $0x4  }
0x208: {  	(v2sf) =	vpush v9, $0x9;
	_ =	sdelay $0xe  }
0x209: {  	s26 =	spop (v2sf)  }
0x20a: {  	s24 =	sshll.u32 s26, $0x13  }
0x20b: {  	s24 =	sor.u32 s7, s24  }
0x20c: {  	s24 =	sshrl.u32 s24, $0x3  }
0x20d: {  	s24 =	sadd.s32 s1, s24  }
0x20e: {  	[hbm4b:s24+s5] =	stream.linear.scatter [tilespmem:s12], [sflag:$0x6], $0x4000, $0x38;
	[tilespmem:$0x10500] =	vst v63  }
0x20f: {  	_ =	swait.ge [sflag:s17], $0x4000  }
0x210: {  	[sflag:s17] =	ssyncset.done $0x0  }
0x211: {  	s28 =	rddreg [dreg:$0x13];
	[sflag:s17] =	ssyncadd.s32 $0xFFFFC000  }
0x212: {  	[tilespmem:s5], [sflag:$0x1] =	stream.strided.gather [hbm4b:s28+s10], $0x4000, s11, s10, $0x38;
	[tilespmem:$0x10500] =	vst v63  }
0x213: {  	_ =	swait.ge [sflag:s18], $0x4000  }
0x214: {  	[sflag:s18] =	ssyncset.done $0x0  }
0x215: {  	[sflag:s18] =	ssyncadd.s32 $0xFFFFC000  }
0x216: {  	v10 =	vld [tilespmem:$0x10000];
	_ =	sdelay $0x4  }
0x217: {  	(v2sf) =	vpush v10, $0xA;
	_ =	sdelay $0xe  }
0x218: {  	s29 =	spop (v2sf)  }
0x219: {  	s24 =	sshll.u32 s29, $0x13  }
0x21a: {  	s24 =	sor.u32 s7, s24  }
0x21b: {  	s24 =	sshrl.u32 s24, $0x3  }
0x21c: {  	s24 =	sadd.s32 s1, s24  }
0x21d: {  	[hbm4b:s24+s5] =	stream.linear.scatter [tilespmem:s13], [sflag:$0x7], $0x4000, $0x38;
	[tilespmem:$0x10500] =	vst v63  }
0x21e: {  	_ =	swait.ge [sflag:s19], $0x4000  }
0x21f: {  	[sflag:s19] =	ssyncset.done $0x0  }
0x220: {  	s30 =	rddreg [dreg:$0x14];
	[sflag:s19] =	ssyncadd.s32 $0xFFFFC000  }
0x221: {  	[tilespmem:s12], [sflag:$0x2] =	stream.strided.gather [hbm4b:s30+s10], $0x4000, s11, s10, $0x38;
	[tilespmem:$0x10500] =	vst v63  }
0x222: {  	_ =	swait.ge [sflag:s20], $0x4000  }
0x223: {  	[sflag:s20] =	ssyncset.done $0x0  }
0x224: {  	[sflag:s20] =	ssyncadd.s32 $0xFFFFC000  }
0x225: {  	v11 =	vld [tilespmem:$0x10000];
	_ =	sdelay $0x4  }
0x226: {  	(v2sf) =	vpush v11, $0xB;
	_ =	sdelay $0xe  }
0x227: {  	s31 =	spop (v2sf)  }
0x228: {  	s24 =	sshll.u32 s31, $0x13  }
0x229: {  	s24 =	sor.u32 s7, s24  }
0x22a: {  	s24 =	sshrl.u32 s24, $0x3  }
0x22b: {  	s24 =	sadd.s32 s1, s24  }
0x22c: {  	[hbm4b:s24+s5] =	stream.linear.scatter [tilespmem:s14], [sflag:$0x8], $0x4000, $0x38;
	[tilespmem:$0x10500] =	vst v63  }
0x22d: {  	_ =	swait.ge [sflag:s21], $0x4000  }
0x22e: {  	[sflag:s21] =	ssyncset.done $0x0  }
0x22f: {  	s25 =	rddreg [dreg:$0x15];
	[sflag:s21] =	ssyncadd.s32 $0xFFFFC000  }
0x230: {  	[tilespmem:s13], [sflag:$0x3] =	stream.strided.gather [hbm4b:s25+s10], $0x4000, s11, s10, $0x38;
	[tilespmem:$0x10500] =	vst v63  }
0x231: {  	_ =	swait.ge [sflag:s15], $0x4000  }
0x232: {  	[sflag:s15] =	ssyncset.done $0x0  }
0x233: {  	[sflag:s15] =	ssyncadd.s32 $0xFFFFC000  }
0x234: {  	v12 =	vld [tilespmem:$0x10000];
	_ =	sdelay $0x4  }
0x235: {  	(v2sf) =	vpush v12, $0xC;
	_ =	sdelay $0xe  }
0x236: {  	s26 =	spop (v2sf)  }
0x237: {  	s24 =	sshll.u32 s26, $0x13  }
0x238: {  	s24 =	sor.u32 s7, s24  }
0x239: {  	s24 =	sshrl.u32 s24, $0x3  }
0x23a: {  	s24 =	sadd.s32 s1, s24  }
0x23b: {  	[hbm4b:s24+s5] =	stream.linear.scatter [tilespmem:s5], [sflag:$0x5], $0x4000, $0x38;
	[tilespmem:$0x10500] =	vst v63  }
0x23c: {  	_ =	swait.ge [sflag:s22], $0x4000  }
0x23d: {  	[sflag:s22] =	ssyncset.done $0x0  }
0x23e: {  	s28 =	rddreg [dreg:$0x16];
	[sflag:s22] =	ssyncadd.s32 $0xFFFFC000  }
0x23f: {  	[tilespmem:s14], [sflag:$0x4] =	stream.strided.gather [hbm4b:s28+s10], $0x4000, s11, s10, $0x38;
	[tilespmem:$0x10500] =	vst v63  }
0x240: {  	_ =	swait.ge [sflag:s16], $0x4000  }
0x241: {  	[sflag:s16] =	ssyncset.done $0x0  }
0x242: {  	[sflag:s16] =	ssyncadd.s32 $0xFFFFC000  }
0x243: {  	v13 =	vld [tilespmem:$0x10000];
	_ =	sdelay $0x4  }
0x244: {  	(v2sf) =	vpush v13, $0xD;
	_ =	sdelay $0xe  }
0x245: {  	s29 =	spop (v2sf)  }
0x246: {  	s24 =	sshll.u32 s29, $0x13  }
0x247: {  	s24 =	sor.u32 s7, s24  }
0x248: {  	s24 =	sshrl.u32 s24, $0x3  }
0x249: {  	s24 =	sadd.s32 s1, s24  }
0x24a: {  	[hbm4b:s24+s5] =	stream.linear.scatter [tilespmem:s12], [sflag:$0x6], $0x4000, $0x38;
	[tilespmem:$0x10500] =	vst v63  }
0x24b: {  	_ =	swait.ge [sflag:s17], $0x4000  }
0x24c: {  	[sflag:s17] =	ssyncset.done $0x0  }
0x24d: {  	s30 =	rddreg [dreg:$0x17];
	[sflag:s17] =	ssyncadd.s32 $0xFFFFC000  }
0x24e: {  	[tilespmem:s5], [sflag:$0x1] =	stream.strided.gather [hbm4b:s30+s10], $0x4000, s11, s10, $0x38;
	[tilespmem:$0x10500] =	vst v63  }
0x24f: {  	_ =	swait.ge [sflag:s18], $0x4000  }
0x250: {  	[sflag:s18] =	ssyncset.done $0x0  }
0x251: {  	[sflag:s18] =	ssyncadd.s32 $0xFFFFC000  }
0x252: {  	v14 =	vld [tilespmem:$0x10000];
	_ =	sdelay $0x4  }
0x253: {  	(v2sf) =	vpush v14, $0xE;
	_ =	sdelay $0xe  }
0x254: {  	s31 =	spop (v2sf)  }
0x255: {  	s24 =	sshll.u32 s31, $0x13  }
0x256: {  	s24 =	sor.u32 s7, s24  }
0x257: {  	s24 =	sshrl.u32 s24, $0x3  }
0x258: {  	s24 =	sadd.s32 s1, s24  }
0x259: {  	[hbm4b:s24+s5] =	stream.linear.scatter [tilespmem:s13], [sflag:$0x7], $0x4000, $0x38;
	[tilespmem:$0x10500] =	vst v63  }
0x25a: {  	_ =	swait.ge [sflag:s19], $0x4000  }
0x25b: {  	[sflag:s19] =	ssyncset.done $0x0  }
0x25c: {  	s25 =	rddreg [dreg:$0x18];
	[sflag:s19] =	ssyncadd.s32 $0xFFFFC000  }
0x25d: {  	[tilespmem:s12], [sflag:$0x2] =	stream.strided.gather [hbm4b:s25+s10], $0x4000, s11, s10, $0x38;
	[tilespmem:$0x10500] =	vst v63  }
0x25e: {  	_ =	swait.ge [sflag:s20], $0x4000  }
0x25f: {  	[sflag:s20] =	ssyncset.done $0x0  }
0x260: {  	[sflag:s20] =	ssyncadd.s32 $0xFFFFC000  }
0x261: {  	v15 =	vld [tilespmem:$0x10000];
	_ =	sdelay $0x4  }
0x262: {  	(v2sf) =	vpush v15, $0xF;
	_ =	sdelay $0xe  }
0x263: {  	s26 =	spop (v2sf)  }
0x264: {  	s24 =	sshll.u32 s26, $0x13  }
0x265: {  	s24 =	sor.u32 s7, s24  }
0x266: {  	s24 =	sshrl.u32 s24, $0x3  }
0x267: {  	s24 =	sadd.s32 s1, s24  }
0x268: {  	[hbm4b:s24+s5] =	stream.linear.scatter [tilespmem:s14], [sflag:$0x8], $0x4000, $0x38;
	[tilespmem:$0x10500] =	vst v63  }
0x269: {  	_ =	swait.ge [sflag:s21], $0x4000  }
0x26a: {  	[sflag:s21] =	ssyncset.done $0x0  }
0x26b: {  	s28 =	rddreg [dreg:$0x19];
	[sflag:s21] =	ssyncadd.s32 $0xFFFFC000  }
0x26c: {  	[tilespmem:s13], [sflag:$0x3] =	stream.strided.gather [hbm4b:s28+s10], $0x4000, s11, s10, $0x38;
	[tilespmem:$0x10500] =	vst v63  }
0x26d: {  	_ =	swait.ge [sflag:s15], $0x4000  }
0x26e: {  	[sflag:s15] =	ssyncset.done $0x0  }
0x26f: {  	[sflag:s15] =	ssyncadd.s32 $0xFFFFC000  }
0x270: {  	v16 =	vld [tilespmem:$0x10010];
	_ =	sdelay $0x4  }
0x271: {  	(v2sf) =	vpush v16, $0x0;
	_ =	sdelay $0xe  }
0x272: {  	s29 =	spop (v2sf)  }
0x273: {  	s24 =	sshll.u32 s29, $0x13  }
0x274: {  	s24 =	sor.u32 s7, s24  }
0x275: {  	s24 =	sshrl.u32 s24, $0x3  }
0x276: {  	s24 =	sadd.s32 s1, s24  }
0x277: {  	[hbm4b:s24+s5] =	stream.linear.scatter [tilespmem:s5], [sflag:$0x5], $0x4000, $0x38;
	[tilespmem:$0x10500] =	vst v63  }
0x278: {  	_ =	swait.ge [sflag:s22], $0x4000  }
0x279: {  	[sflag:s22] =	ssyncset.done $0x0  }
0x27a: {  	s30 =	rddreg [dreg:$0x1a];
	[sflag:s22] =	ssyncadd.s32 $0xFFFFC000  }
0x27b: {  	[tilespmem:s14], [sflag:$0x4] =	stream.strided.gather [hbm4b:s30+s10], $0x4000, s11, s10, $0x38;
	[tilespmem:$0x10500] =	vst v63  }
0x27c: {  	_ =	swait.ge [sflag:s16], $0x4000  }
0x27d: {  	[sflag:s16] =	ssyncset.done $0x0  }
0x27e: {  	[sflag:s16] =	ssyncadd.s32 $0xFFFFC000  }
0x27f: {  	v17 =	vld [tilespmem:$0x10010];
	_ =	sdelay $0x4  }
0x280: {  	(v2sf) =	vpush v17, $0x1;
	_ =	sdelay $0xe  }
0x281: {  	s31 =	spop (v2sf)  }
0x282: {  	s24 =	sshll.u32 s31, $0x13  }
0x283: {  	s24 =	sor.u32 s7, s24  }
0x284: {  	s24 =	sshrl.u32 s24, $0x3  }
0x285: {  	s24 =	sadd.s32 s1, s24  }
0x286: {  	[hbm4b:s24+s5] =	stream.linear.scatter [tilespmem:s12], [sflag:$0x6], $0x4000, $0x38;
	[tilespmem:$0x10500] =	vst v63  }
0x287: {  	_ =	swait.ge [sflag:s17], $0x4000  }
0x288: {  	[sflag:s17] =	ssyncset.done $0x0  }
0x289: {  	s25 =	rddreg [dreg:$0x1b];
	[sflag:s17] =	ssyncadd.s32 $0xFFFFC000  }
0x28a: {  	[tilespmem:s5], [sflag:$0x1] =	stream.strided.gather [hbm4b:s25+s10], $0x4000, s11, s10, $0x38;
	[tilespmem:$0x10500] =	vst v63  }
0x28b: {  	_ =	swait.ge [sflag:s18], $0x4000  }
0x28c: {  	[sflag:s18] =	ssyncset.done $0x0  }
0x28d: {  	[sflag:s18] =	ssyncadd.s32 $0xFFFFC000  }
0x28e: {  	v18 =	vld [tilespmem:$0x10010];
	_ =	sdelay $0x4  }
0x28f: {  	(v2sf) =	vpush v18, $0x2;
	_ =	sdelay $0xe  }
0x290: {  	s26 =	spop (v2sf)  }
0x291: {  	s24 =	sshll.u32 s26, $0x13  }
0x292: {  	s24 =	sor.u32 s7, s24  }
0x293: {  	s24 =	sshrl.u32 s24, $0x3  }
0x294: {  	s24 =	sadd.s32 s1, s24  }
0x295: {  	[hbm4b:s24+s5] =	stream.linear.scatter [tilespmem:s13], [sflag:$0x7], $0x4000, $0x38;
	[tilespmem:$0x10500] =	vst v63  }
0x296: {  	_ =	swait.ge [sflag:s19], $0x4000  }
0x297: {  	[sflag:s19] =	ssyncset.done $0x0  }
0x298: {  	s28 =	rddreg [dreg:$0x1c];
	[sflag:s19] =	ssyncadd.s32 $0xFFFFC000  }
0x299: {  	[tilespmem:s12], [sflag:$0x2] =	stream.strided.gather [hbm4b:s28+s10], $0x4000, s11, s10, $0x38;
	[tilespmem:$0x10500] =	vst v63  }
0x29a: {  	_ =	swait.ge [sflag:s20], $0x4000  }
0x29b: {  	[sflag:s20] =	ssyncset.done $0x0  }
0x29c: {  	[sflag:s20] =	ssyncadd.s32 $0xFFFFC000  }
0x29d: {  	v19 =	vld [tilespmem:$0x10010];
	_ =	sdelay $0x4  }
0x29e: {  	(v2sf) =	vpush v19, $0x3;
	_ =	sdelay $0xe  }
0x29f: {  	s29 =	spop (v2sf)  }
0x2a0: {  	s24 =	sshll.u32 s29, $0x13  }
0x2a1: {  	s24 =	sor.u32 s7, s24  }
0x2a2: {  	s24 =	sshrl.u32 s24, $0x3  }
0x2a3: {  	s24 =	sadd.s32 s1, s24  }
0x2a4: {  	[hbm4b:s24+s5] =	stream.linear.scatter [tilespmem:s14], [sflag:$0x8], $0x4000, $0x38;
	[tilespmem:$0x10500] =	vst v63  }
0x2a5: {  	_ =	swait.ge [sflag:s21], $0x4000  }
0x2a6: {  	[sflag:s21] =	ssyncset.done $0x0  }
0x2a7: {  	s30 =	rddreg [dreg:$0x1d];
	[sflag:s21] =	ssyncadd.s32 $0xFFFFC000  }
0x2a8: {  	[tilespmem:s13], [sflag:$0x3] =	stream.strided.gather [hbm4b:s30+s10], $0x4000, s11, s10, $0x38;
	[tilespmem:$0x10500] =	vst v63  }
0x2a9: {  	_ =	swait.ge [sflag:s15], $0x4000  }
0x2aa: {  	[sflag:s15] =	ssyncset.done $0x0  }
0x2ab: {  	[sflag:s15] =	ssyncadd.s32 $0xFFFFC000  }
0x2ac: {  	v20 =	vld [tilespmem:$0x10010];
	_ =	sdelay $0x4  }
0x2ad: {  	(v2sf) =	vpush v20, $0x4;
	_ =	sdelay $0xe  }
0x2ae: {  	s31 =	spop (v2sf)  }
0x2af: {  	s24 =	sshll.u32 s31, $0x13  }
0x2b0: {  	s24 =	sor.u32 s7, s24  }
0x2b1: {  	s24 =	sshrl.u32 s24, $0x3  }
0x2b2: {  	s24 =	sadd.s32 s1, s24  }
0x2b3: {  	[hbm4b:s24+s5] =	stream.linear.scatter [tilespmem:s5], [sflag:$0x5], $0x4000, $0x38;
	[tilespmem:$0x10500] =	vst v63  }
0x2b4: {  	_ =	swait.ge [sflag:s22], $0x4000  }
0x2b5: {  	[sflag:s22] =	ssyncset.done $0x0  }
0x2b6: {  	s25 =	rddreg [dreg:$0x1e];
	[sflag:s22] =	ssyncadd.s32 $0xFFFFC000  }
0x2b7: {  	[tilespmem:s14], [sflag:$0x4] =	stream.strided.gather [hbm4b:s25+s10], $0x4000, s11, s10, $0x38;
	[tilespmem:$0x10500] =	vst v63  }
0x2b8: {  	_ =	swait.ge [sflag:s16], $0x4000  }
0x2b9: {  	[sflag:s16] =	ssyncset.done $0x0  }
0x2ba: {  	[sflag:s16] =	ssyncadd.s32 $0xFFFFC000  }
0x2bb: {  	v21 =	vld [tilespmem:$0x10010];
	_ =	sdelay $0x4  }
0x2bc: {  	(v2sf) =	vpush v21, $0x5;
	_ =	sdelay $0xe  }
0x2bd: {  	s26 =	spop (v2sf)  }
0x2be: {  	s24 =	sshll.u32 s26, $0x13  }
0x2bf: {  	s24 =	sor.u32 s7, s24  }
0x2c0: {  	s24 =	sshrl.u32 s24, $0x3  }
0x2c1: {  	s24 =	sadd.s32 s1, s24  }
0x2c2: {  	[hbm4b:s24+s5] =	stream.linear.scatter [tilespmem:s12], [sflag:$0x6], $0x4000, $0x38;
	[tilespmem:$0x10500] =	vst v63  }
0x2c3: {  	_ =	swait.ge [sflag:s17], $0x4000  }
0x2c4: {  	[sflag:s17] =	ssyncset.done $0x0  }
0x2c5: {  	s28 =	rddreg [dreg:$0x1f];
	[sflag:s17] =	ssyncadd.s32 $0xFFFFC000  }
0x2c6: {  	[tilespmem:s5], [sflag:$0x1] =	stream.strided.gather [hbm4b:s28+s10], $0x4000, s11, s10, $0x38;
	[tilespmem:$0x10500] =	vst v63  }
0x2c7: {  	_ =	swait.ge [sflag:s18], $0x4000  }
0x2c8: {  	[sflag:s18] =	ssyncset.done $0x0  }
0x2c9: {  	[sflag:s18] =	ssyncadd.s32 $0xFFFFC000  }
0x2ca: {  	v22 =	vld [tilespmem:$0x10010];
	_ =	sdelay $0x4  }
0x2cb: {  	(v2sf) =	vpush v22, $0x6;
	_ =	sdelay $0xe  }
0x2cc: {  	s29 =	spop (v2sf)  }
0x2cd: {  	s24 =	sshll.u32 s29, $0x13  }
0x2ce: {  	s24 =	sor.u32 s7, s24  }
0x2cf: {  	s24 =	sshrl.u32 s24, $0x3  }
0x2d0: {  	s24 =	sadd.s32 s1, s24  }
0x2d1: {  	[hbm4b:s24+s5] =	stream.linear.scatter [tilespmem:s13], [sflag:$0x7], $0x4000, $0x38;
	[tilespmem:$0x10500] =	vst v63  }
0x2d2: {  	_ =	swait.ge [sflag:s19], $0x4000  }
0x2d3: {  	[sflag:s19] =	ssyncset.done $0x0  }
0x2d4: {  	[sflag:s19] =	ssyncadd.s32 $0xFFFFC000  }
0x2d5: {  	s30 =	sld [smem:$0x7D5];
	_ =	sdelay $0x2  }
0x2d6: {  	[tilespmem:s12], [sflag:$0x2] =	stream.strided.gather [hbm4b:s30+s10], $0x4000, s11, s10, $0x38;
	[tilespmem:$0x10500] =	vst v63  }
0x2d7: {  	_ =	swait.ge [sflag:s20], $0x4000  }
0x2d8: {  	[sflag:s20] =	ssyncset.done $0x0  }
0x2d9: {  	[sflag:s20] =	ssyncadd.s32 $0xFFFFC000  }
0x2da: {  	v23 =	vld [tilespmem:$0x10010];
	_ =	sdelay $0x4  }
0x2db: {  	(v2sf) =	vpush v23, $0x7;
	_ =	sdelay $0xe  }
0x2dc: {  	s31 =	spop (v2sf)  }
0x2dd: {  	s24 =	sshll.u32 s31, $0x13  }
0x2de: {  	s24 =	sor.u32 s7, s24  }
0x2df: {  	s24 =	sshrl.u32 s24, $0x3  }
0x2e0: {  	s24 =	sadd.s32 s1, s24  }
0x2e1: {  	[hbm4b:s24+s5] =	stream.linear.scatter [tilespmem:s14], [sflag:$0x8], $0x4000, $0x38;
	[tilespmem:$0x10500] =	vst v63  }
0x2e2: {  	_ =	swait.ge [sflag:s21], $0x4000  }
0x2e3: {  	s25 =	sld [smem:$0x7D6]  }
0x2e4: {  	[sflag:s21] =	ssyncset.done $0x0  }
0x2e5: {  	[sflag:s21] =	ssyncadd.s32 $0xFFFFC000  }
0x2e6: {  	[tilespmem:s13], [sflag:$0x3] =	stream.strided.gather [hbm4b:s25+s10], $0x4000, s11, s10, $0x38;
	[tilespmem:$0x10500] =	vst v63  }
0x2e7: {  	_ =	swait.ge [sflag:s15], $0x4000  }
0x2e8: {  	[sflag:s15] =	ssyncset.done $0x0  }
0x2e9: {  	[sflag:s15] =	ssyncadd.s32 $0xFFFFC000  }
0x2ea: {  	v24 =	vld [tilespmem:$0x10010];
	_ =	sdelay $0x4  }
0x2eb: {  	(v2sf) =	vpush v24, $0x8;
	_ =	sdelay $0xe  }
0x2ec: {  	s26 =	spop (v2sf)  }
0x2ed: {  	s24 =	sshll.u32 s26, $0x13  }
0x2ee: {  	s24 =	sor.u32 s7, s24  }
0x2ef: {  	s24 =	sshrl.u32 s24, $0x3  }
0x2f0: {  	s24 =	sadd.s32 s1, s24  }
0x2f1: {  	[hbm4b:s24+s5] =	stream.linear.scatter [tilespmem:s5], [sflag:$0x5], $0x4000, $0x38;
	[tilespmem:$0x10500] =	vst v63  }
0x2f2: {  	_ =	swait.ge [sflag:s22], $0x4000  }
0x2f3: {  	s28 =	sld [smem:$0x7D7]  }
0x2f4: {  	[sflag:s22] =	ssyncset.done $0x0  }
0x2f5: {  	[sflag:s22] =	ssyncadd.s32 $0xFFFFC000  }
0x2f6: {  	[tilespmem:s14], [sflag:$0x4] =	stream.strided.gather [hbm4b:s28+s10], $0x4000, s11, s10, $0x38;
	[tilespmem:$0x10500] =	vst v63  }
0x2f7: {  	_ =	swait.ge [sflag:s16], $0x4000  }
0x2f8: {  	[sflag:s16] =	ssyncset.done $0x0  }
0x2f9: {  	[sflag:s16] =	ssyncadd.s32 $0xFFFFC000  }
0x2fa: {  	v25 =	vld [tilespmem:$0x10010];
	_ =	sdelay $0x4  }
0x2fb: {  	(v2sf) =	vpush v25, $0x9;
	_ =	sdelay $0xe  }
0x2fc: {  	s29 =	spop (v2sf)  }
0x2fd: {  	s24 =	sshll.u32 s29, $0x13  }
0x2fe: {  	s24 =	sor.u32 s7, s24  }
0x2ff: {  	s24 =	sshrl.u32 s24, $0x3  }
0x300: {  	s24 =	sadd.s32 s1, s24  }
0x301: {  	[hbm4b:s24+s5] =	stream.linear.scatter [tilespmem:s12], [sflag:$0x6], $0x4000, $0x38;
	[tilespmem:$0x10500] =	vst v63  }
0x302: {  	_ =	swait.ge [sflag:s17], $0x4000  }
0x303: {  	s30 =	sld [smem:$0x7D8]  }
0x304: {  	[sflag:s17] =	ssyncset.done $0x0  }
0x305: {  	[sflag:s17] =	ssyncadd.s32 $0xFFFFC000  }
0x306: {  	[tilespmem:s5], [sflag:$0x1] =	stream.strided.gather [hbm4b:s30+s10], $0x4000, s11, s10, $0x38;
	[tilespmem:$0x10500] =	vst v63  }
0x307: {  	_ =	swait.ge [sflag:s18], $0x4000  }
0x308: {  	[sflag:s18] =	ssyncset.done $0x0  }
0x309: {  	[sflag:s18] =	ssyncadd.s32 $0xFFFFC000  }
0x30a: {  	v26 =	vld [tilespmem:$0x10010];
	_ =	sdelay $0x4  }
0x30b: {  	(v2sf) =	vpush v26, $0xA;
	_ =	sdelay $0xe  }
0x30c: {  	s31 =	spop (v2sf)  }
0x30d: {  	s24 =	sshll.u32 s31, $0x13  }
0x30e: {  	s24 =	sor.u32 s7, s24  }
0x30f: {  	s24 =	sshrl.u32 s24, $0x3  }
0x310: {  	s24 =	sadd.s32 s1, s24  }
0x311: {  	[hbm4b:s24+s5] =	stream.linear.scatter [tilespmem:s13], [sflag:$0x7], $0x4000, $0x38;
	[tilespmem:$0x10500] =	vst v63  }
0x312: {  	_ =	swait.ge [sflag:s19], $0x4000  }
0x313: {  	s25 =	sld [smem:$0x7D9]  }
0x314: {  	[sflag:s19] =	ssyncset.done $0x0  }
0x315: {  	[sflag:s19] =	ssyncadd.s32 $0xFFFFC000  }
0x316: {  	[tilespmem:s12], [sflag:$0x2] =	stream.strided.gather [hbm4b:s25+s10], $0x4000, s11, s10, $0x38;
	[tilespmem:$0x10500] =	vst v63  }
0x317: {  	_ =	swait.ge [sflag:s20], $0x4000  }
0x318: {  	[sflag:s20] =	ssyncset.done $0x0  }
0x319: {  	[sflag:s20] =	ssyncadd.s32 $0xFFFFC000  }
0x31a: {  	v27 =	vld [tilespmem:$0x10010];
	_ =	sdelay $0x4  }
0x31b: {  	(v2sf) =	vpush v27, $0xB;
	_ =	sdelay $0xe  }
0x31c: {  	s26 =	spop (v2sf)  }
0x31d: {  	s24 =	sshll.u32 s26, $0x13  }
0x31e: {  	s24 =	sor.u32 s7, s24  }
0x31f: {  	s24 =	sshrl.u32 s24, $0x3  }
0x320: {  	s24 =	sadd.s32 s1, s24  }
0x321: {  	[hbm4b:s24+s5] =	stream.linear.scatter [tilespmem:s14], [sflag:$0x8], $0x4000, $0x38;
	[tilespmem:$0x10500] =	vst v63  }
0x322: {  	_ =	swait.ge [sflag:s21], $0x4000  }
0x323: {  	s28 =	sld [smem:$0x7DA]  }
0x324: {  	[sflag:s21] =	ssyncset.done $0x0  }
0x325: {  	[sflag:s21] =	ssyncadd.s32 $0xFFFFC000  }
0x326: {  	[tilespmem:s13], [sflag:$0x3] =	stream.strided.gather [hbm4b:s28+s10], $0x4000, s11, s10, $0x38;
	[tilespmem:$0x10500] =	vst v63  }
0x327: {  	_ =	swait.ge [sflag:s15], $0x4000  }
0x328: {  	[sflag:s15] =	ssyncset.done $0x0  }
0x329: {  	[sflag:s15] =	ssyncadd.s32 $0xFFFFC000  }
0x32a: {  	v28 =	vld [tilespmem:$0x10010];
	_ =	sdelay $0x4  }
0x32b: {  	(v2sf) =	vpush v28, $0xC;
	_ =	sdelay $0xe  }
0x32c: {  	s29 =	spop (v2sf)  }
0x32d: {  	s24 =	sshll.u32 s29, $0x13  }
0x32e: {  	s24 =	sor.u32 s7, s24  }
0x32f: {  	s24 =	sshrl.u32 s24, $0x3  }
0x330: {  	s24 =	sadd.s32 s1, s24  }
0x331: {  	[hbm4b:s24+s5] =	stream.linear.scatter [tilespmem:s5], [sflag:$0x5], $0x4000, $0x38;
	[tilespmem:$0x10500] =	vst v63  }
0x332: {  	_ =	swait.ge [sflag:s22], $0x4000  }
0x333: {  	s30 =	sld [smem:$0x7DB]  }
0x334: {  	[sflag:s22] =	ssyncset.done $0x0  }
0x335: {  	[sflag:s22] =	ssyncadd.s32 $0xFFFFC000  }
0x336: {  	[tilespmem:s14], [sflag:$0x4] =	stream.strided.gather [hbm4b:s30+s10], $0x4000, s11, s10, $0x38;
	[tilespmem:$0x10500] =	vst v63  }
0x337: {  	_ =	swait.ge [sflag:s16], $0x4000  }
0x338: {  	[sflag:s16] =	ssyncset.done $0x0  }
0x339: {  	[sflag:s16] =	ssyncadd.s32 $0xFFFFC000  }
0x33a: {  	v29 =	vld [tilespmem:$0x10010];
	_ =	sdelay $0x4  }
0x33b: {  	(v2sf) =	vpush v29, $0xD;
	_ =	sdelay $0xe  }
0x33c: {  	s31 =	spop (v2sf)  }
0x33d: {  	s24 =	sshll.u32 s31, $0x13  }
0x33e: {  	s24 =	sor.u32 s7, s24  }
0x33f: {  	s24 =	sshrl.u32 s24, $0x3  }
0x340: {  	s24 =	sadd.s32 s1, s24  }
0x341: {  	[hbm4b:s24+s5] =	stream.linear.scatter [tilespmem:s12], [sflag:$0x6], $0x4000, $0x38;
	[tilespmem:$0x10500] =	vst v63  }
0x342: {  	_ =	swait.ge [sflag:s17], $0x4000  }
0x343: {  	s25 =	sld [smem:$0x7DC]  }
0x344: {  	[sflag:s17] =	ssyncset.done $0x0  }
0x345: {  	[sflag:s17] =	ssyncadd.s32 $0xFFFFC000  }
0x346: {  	[tilespmem:s5], [sflag:$0x1] =	stream.strided.gather [hbm4b:s25+s10], $0x4000, s11, s10, $0x38;
	[tilespmem:$0x10500] =	vst v63  }
0x347: {  	_ =	swait.ge [sflag:s18], $0x4000  }
0x348: {  	[sflag:s18] =	ssyncset.done $0x0  }
0x349: {  	[sflag:s18] =	ssyncadd.s32 $0xFFFFC000  }
0x34a: {  	v30 =	vld [tilespmem:$0x10010];
	_ =	sdelay $0x4  }
0x34b: {  	(v2sf) =	vpush v30, $0xE;
	_ =	sdelay $0xe  }
0x34c: {  	s26 =	spop (v2sf)  }
0x34d: {  	s24 =	sshll.u32 s26, $0x13  }
0x34e: {  	s24 =	sor.u32 s7, s24  }
0x34f: {  	s24 =	sshrl.u32 s24, $0x3  }
0x350: {  	s24 =	sadd.s32 s1, s24  }
0x351: {  	[hbm4b:s24+s5] =	stream.linear.scatter [tilespmem:s13], [sflag:$0x7], $0x4000, $0x38;
	[tilespmem:$0x10500] =	vst v63  }
0x352: {  	_ =	swait.ge [sflag:s19], $0x4000  }
0x353: {  	s28 =	sld [smem:$0x7DD]  }
0x354: {  	[sflag:s19] =	ssyncset.done $0x0  }
0x355: {  	[sflag:s19] =	ssyncadd.s32 $0xFFFFC000  }
0x356: {  	[tilespmem:s12], [sflag:$0x2] =	stream.strided.gather [hbm4b:s28+s10], $0x4000, s11, s10, $0x38;
	[tilespmem:$0x10500] =	vst v63  }
0x357: {  	_ =	swait.ge [sflag:s20], $0x4000  }
0x358: {  	[sflag:s20] =	ssyncset.done $0x0  }
0x359: {  	[sflag:s20] =	ssyncadd.s32 $0xFFFFC000  }
0x35a: {  	v31 =	vld [tilespmem:$0x10010];
	_ =	sdelay $0x4  }
0x35b: {  	(v2sf) =	vpush v31, $0xF;
	_ =	sdelay $0xe  }
0x35c: {  	s29 =	spop (v2sf)  }
0x35d: {  	s24 =	sshll.u32 s29, $0x13  }
0x35e: {  	s24 =	sor.u32 s7, s24  }
0x35f: {  	s24 =	sshrl.u32 s24, $0x3  }
0x360: {  	s24 =	sadd.s32 s1, s24  }
0x361: {  	[hbm4b:s24+s5] =	stream.linear.scatter [tilespmem:s14], [sflag:$0x8], $0x4000, $0x38;
	[tilespmem:$0x10500] =	vst v63  }
0x362: {  	_ =	swait.ge [sflag:s21], $0x4000  }
0x363: {  	s30 =	sld [smem:$0x7DE]  }
0x364: {  	[sflag:s21] =	ssyncset.done $0x0  }
0x365: {  	[sflag:s21] =	ssyncadd.s32 $0xFFFFC000  }
0x366: {  	[tilespmem:s13], [sflag:$0x3] =	stream.strided.gather [hbm4b:s30+s10], $0x4000, s11, s10, $0x38;
	[tilespmem:$0x10500] =	vst v63  }
0x367: {  	_ =	swait.ge [sflag:s15], $0x4000  }
0x368: {  	[sflag:s15] =	ssyncset.done $0x0  }
0x369: {  	[sflag:s15] =	ssyncadd.s32 $0xFFFFC000  }
0x36a: {  	v32 =	vld [tilespmem:$0x10020];
	_ =	sdelay $0x4  }
0x36b: {  	(v2sf) =	vpush v32, $0x0;
	_ =	sdelay $0xe  }
0x36c: {  	s31 =	spop (v2sf)  }
0x36d: {  	s24 =	sshll.u32 s31, $0x13  }
0x36e: {  	s24 =	sor.u32 s7, s24  }
0x36f: {  	s24 =	sshrl.u32 s24, $0x3  }
0x370: {  	s24 =	sadd.s32 s1, s24  }
0x371: {  	[hbm4b:s24+s5] =	stream.linear.scatter [tilespmem:s5], [sflag:$0x5], $0x4000, $0x38;
	[tilespmem:$0x10500] =	vst v63  }
0x372: {  	_ =	swait.ge [sflag:s22], $0x4000  }
0x373: {  	s25 =	sld [smem:$0x7DF]  }
0x374: {  	[sflag:s22] =	ssyncset.done $0x0  }
0x375: {  	[sflag:s22] =	ssyncadd.s32 $0xFFFFC000  }
0x376: {  	[tilespmem:s14], [sflag:$0x4] =	stream.strided.gather [hbm4b:s25+s10], $0x4000, s11, s10, $0x38;
	[tilespmem:$0x10500] =	vst v63  }
0x377: {  	_ =	swait.ge [sflag:s16], $0x4000  }
0x378: {  	[sflag:s16] =	ssyncset.done $0x0  }
0x379: {  	[sflag:s16] =	ssyncadd.s32 $0xFFFFC000  }
0x37a: {  	v33 =	vld [tilespmem:$0x10020];
	_ =	sdelay $0x4  }
0x37b: {  	(v2sf) =	vpush v33, $0x1;
	_ =	sdelay $0xe  }
0x37c: {  	s26 =	spop (v2sf)  }
0x37d: {  	s24 =	sshll.u32 s26, $0x13  }
0x37e: {  	s24 =	sor.u32 s7, s24  }
0x37f: {  	s24 =	sshrl.u32 s24, $0x3  }
0x380: {  	s24 =	sadd.s32 s1, s24  }
0x381: {  	[hbm4b:s24+s5] =	stream.linear.scatter [tilespmem:s12], [sflag:$0x6], $0x4000, $0x38;
	[tilespmem:$0x10500] =	vst v63  }
0x382: {  	_ =	swait.ge [sflag:s17], $0x4000  }
0x383: {  	s28 =	sld [smem:$0x7E0]  }
0x384: {  	[sflag:s17] =	ssyncset.done $0x0  }
0x385: {  	[sflag:s17] =	ssyncadd.s32 $0xFFFFC000  }
0x386: {  	[tilespmem:s5], [sflag:$0x1] =	stream.strided.gather [hbm4b:s28+s10], $0x4000, s11, s10, $0x38;
	[tilespmem:$0x10500] =	vst v63  }
0x387: {  	_ =	swait.ge [sflag:s18], $0x4000  }
0x388: {  	[sflag:s18] =	ssyncset.done $0x0  }
0x389: {  	[sflag:s18] =	ssyncadd.s32 $0xFFFFC000  }
0x38a: {  	v34 =	vld [tilespmem:$0x10020];
	_ =	sdelay $0x4  }
0x38b: {  	(v2sf) =	vpush v34, $0x2;
	_ =	sdelay $0xe  }
0x38c: {  	s29 =	spop (v2sf)  }
0x38d: {  	s24 =	sshll.u32 s29, $0x13  }
0x38e: {  	s24 =	sor.u32 s7, s24  }
0x38f: {  	s24 =	sshrl.u32 s24, $0x3  }
0x390: {  	s24 =	sadd.s32 s1, s24  }
0x391: {  	[hbm4b:s24+s5] =	stream.linear.scatter [tilespmem:s13], [sflag:$0x7], $0x4000, $0x38;
	[tilespmem:$0x10500] =	vst v63  }
0x392: {  	_ =	swait.ge [sflag:s19], $0x4000  }
0x393: {  	s30 =	sld [smem:$0x7E1]  }
0x394: {  	[sflag:s19] =	ssyncset.done $0x0  }
0x395: {  	[sflag:s19] =	ssyncadd.s32 $0xFFFFC000  }
0x396: {  	[tilespmem:s12], [sflag:$0x2] =	stream.strided.gather [hbm4b:s30+s10], $0x4000, s11, s10, $0x38;
	[tilespmem:$0x10500] =	vst v63  }
0x397: {  	_ =	swait.ge [sflag:s20], $0x4000  }
0x398: {  	[sflag:s20] =	ssyncset.done $0x0  }
0x399: {  	[sflag:s20] =	ssyncadd.s32 $0xFFFFC000  }
0x39a: {  	v35 =	vld [tilespmem:$0x10020];
	_ =	sdelay $0x4  }
0x39b: {  	(v2sf) =	vpush v35, $0x3;
	_ =	sdelay $0xe  }
0x39c: {  	s31 =	spop (v2sf)  }
0x39d: {  	s24 =	sshll.u32 s31, $0x13  }
0x39e: {  	s24 =	sor.u32 s7, s24  }
0x39f: {  	s24 =	sshrl.u32 s24, $0x3  }
0x3a0: {  	s24 =	sadd.s32 s1, s24  }
0x3a1: {  	[hbm4b:s24+s5] =	stream.linear.scatter [tilespmem:s14], [sflag:$0x8], $0x4000, $0x38;
	[tilespmem:$0x10500] =	vst v63  }
0x3a2: {  	_ =	swait.ge [sflag:s21], $0x4000  }
0x3a3: {  	s25 =	sld [smem:$0x7E2]  }
0x3a4: {  	[sflag:s21] =	ssyncset.done $0x0  }
0x3a5: {  	[sflag:s21] =	ssyncadd.s32 $0xFFFFC000  }
0x3a6: {  	[tilespmem:s13], [sflag:$0x3] =	stream.strided.gather [hbm4b:s25+s10], $0x4000, s11, s10, $0x38;
	[tilespmem:$0x10500] =	vst v63  }
0x3a7: {  	_ =	swait.ge [sflag:s15], $0x4000  }
0x3a8: {  	[sflag:s15] =	ssyncset.done $0x0  }
0x3a9: {  	[sflag:s15] =	ssyncadd.s32 $0xFFFFC000  }
0x3aa: {  	v36 =	vld [tilespmem:$0x10020];
	_ =	sdelay $0x4  }
0x3ab: {  	(v2sf) =	vpush v36, $0x4;
	_ =	sdelay $0xe  }
0x3ac: {  	s26 =	spop (v2sf)  }
0x3ad: {  	s24 =	sshll.u32 s26, $0x13  }
0x3ae: {  	s24 =	sor.u32 s7, s24  }
0x3af: {  	s24 =	sshrl.u32 s24, $0x3  }
0x3b0: {  	s24 =	sadd.s32 s1, s24  }
0x3b1: {  	[hbm4b:s24+s5] =	stream.linear.scatter [tilespmem:s5], [sflag:$0x5], $0x4000, $0x38;
	[tilespmem:$0x10500] =	vst v63  }
0x3b2: {  	_ =	swait.ge [sflag:s22], $0x4000  }
0x3b3: {  	s28 =	sld [smem:$0x7E3]  }
0x3b4: {  	[sflag:s22] =	ssyncset.done $0x0  }
0x3b5: {  	[sflag:s22] =	ssyncadd.s32 $0xFFFFC000  }
0x3b6: {  	[tilespmem:s14], [sflag:$0x4] =	stream.strided.gather [hbm4b:s28+s10], $0x4000, s11, s10, $0x38;
	[tilespmem:$0x10500] =	vst v63  }
0x3b7: {  	_ =	swait.ge [sflag:s16], $0x4000  }
0x3b8: {  	[sflag:s16] =	ssyncset.done $0x0  }
0x3b9: {  	[sflag:s16] =	ssyncadd.s32 $0xFFFFC000  }
0x3ba: {  	v37 =	vld [tilespmem:$0x10020];
	_ =	sdelay $0x4  }
0x3bb: {  	(v2sf) =	vpush v37, $0x5;
	_ =	sdelay $0xe  }
0x3bc: {  	s29 =	spop (v2sf)  }
0x3bd: {  	s24 =	sshll.u32 s29, $0x13  }
0x3be: {  	s24 =	sor.u32 s7, s24  }
0x3bf: {  	s24 =	sshrl.u32 s24, $0x3  }
0x3c0: {  	s24 =	sadd.s32 s1, s24  }
0x3c1: {  	[hbm4b:s24+s5] =	stream.linear.scatter [tilespmem:s12], [sflag:$0x6], $0x4000, $0x38;
	[tilespmem:$0x10500] =	vst v63  }
0x3c2: {  	_ =	swait.ge [sflag:s17], $0x4000  }
0x3c3: {  	s30 =	sld [smem:$0x7E4]  }
0x3c4: {  	[sflag:s17] =	ssyncset.done $0x0  }
0x3c5: {  	[sflag:s17] =	ssyncadd.s32 $0xFFFFC000  }
0x3c6: {  	[tilespmem:s5], [sflag:$0x1] =	stream.strided.gather [hbm4b:s30+s10], $0x4000, s11, s10, $0x38;
	[tilespmem:$0x10500] =	vst v63  }
0x3c7: {  	_ =	swait.ge [sflag:s18], $0x4000  }
0x3c8: {  	[sflag:s18] =	ssyncset.done $0x0  }
0x3c9: {  	[sflag:s18] =	ssyncadd.s32 $0xFFFFC000  }
0x3ca: {  	v38 =	vld [tilespmem:$0x10020];
	_ =	sdelay $0x4  }
0x3cb: {  	(v2sf) =	vpush v38, $0x6;
	_ =	sdelay $0xe  }
0x3cc: {  	s31 =	spop (v2sf)  }
0x3cd: {  	s24 =	sshll.u32 s31, $0x13  }
0x3ce: {  	s24 =	sor.u32 s7, s24  }
0x3cf: {  	s24 =	sshrl.u32 s24, $0x3  }
0x3d0: {  	s24 =	sadd.s32 s1, s24  }
0x3d1: {  	[hbm4b:s24+s5] =	stream.linear.scatter [tilespmem:s13], [sflag:$0x7], $0x4000, $0x38;
	[tilespmem:$0x10500] =	vst v63  }
0x3d2: {  	_ =	swait.ge [sflag:s19], $0x4000  }
0x3d3: {  	s25 =	sld [smem:$0x7E5]  }
0x3d4: {  	[sflag:s19] =	ssyncset.done $0x0  }
0x3d5: {  	[sflag:s19] =	ssyncadd.s32 $0xFFFFC000  }
0x3d6: {  	[tilespmem:s12], [sflag:$0x2] =	stream.strided.gather [hbm4b:s25+s10], $0x4000, s11, s10, $0x38;
	[tilespmem:$0x10500] =	vst v63  }
0x3d7: {  	_ =	swait.ge [sflag:s20], $0x4000  }
0x3d8: {  	[sflag:s20] =	ssyncset.done $0x0  }
0x3d9: {  	[sflag:s20] =	ssyncadd.s32 $0xFFFFC000  }
0x3da: {  	v39 =	vld [tilespmem:$0x10020];
	_ =	sdelay $0x4  }
0x3db: {  	(v2sf) =	vpush v39, $0x7;
	_ =	sdelay $0xe  }
0x3dc: {  	s26 =	spop (v2sf)  }
0x3dd: {  	s24 =	sshll.u32 s26, $0x13  }
0x3de: {  	s24 =	sor.u32 s7, s24  }
0x3df: {  	s24 =	sshrl.u32 s24, $0x3  }
0x3e0: {  	s24 =	sadd.s32 s1, s24  }
0x3e1: {  	[hbm4b:s24+s5] =	stream.linear.scatter [tilespmem:s14], [sflag:$0x8], $0x4000, $0x38;
	[tilespmem:$0x10500] =	vst v63  }
0x3e2: {  	_ =	swait.ge [sflag:s21], $0x4000  }
0x3e3: {  	s28 =	sld [smem:$0x7E6]  }
0x3e4: {  	[sflag:s21] =	ssyncset.done $0x0  }
0x3e5: {  	[sflag:s21] =	ssyncadd.s32 $0xFFFFC000  }
0x3e6: {  	[tilespmem:s13], [sflag:$0x3] =	stream.strided.gather [hbm4b:s28+s10], $0x4000, s11, s10, $0x38;
	[tilespmem:$0x10500] =	vst v63  }
0x3e7: {  	_ =	swait.ge [sflag:s15], $0x4000  }
0x3e8: {  	[sflag:s15] =	ssyncset.done $0x0  }
0x3e9: {  	[sflag:s15] =	ssyncadd.s32 $0xFFFFC000  }
0x3ea: {  	v40 =	vld [tilespmem:$0x10020];
	_ =	sdelay $0x4  }
0x3eb: {  	(v2sf) =	vpush v40, $0x8;
	_ =	sdelay $0xe  }
0x3ec: {  	s29 =	spop (v2sf)  }
0x3ed: {  	s24 =	sshll.u32 s29, $0x13  }
0x3ee: {  	s24 =	sor.u32 s7, s24  }
0x3ef: {  	s24 =	sshrl.u32 s24, $0x3  }
0x3f0: {  	s24 =	sadd.s32 s1, s24  }
0x3f1: {  	[hbm4b:s24+s5] =	stream.linear.scatter [tilespmem:s5], [sflag:$0x5], $0x4000, $0x38;
	[tilespmem:$0x10500] =	vst v63  }
0x3f2: {  	_ =	swait.ge [sflag:s22], $0x4000  }
0x3f3: {  	s30 =	sld [smem:$0x7E7]  }
0x3f4: {  	[sflag:s22] =	ssyncset.done $0x0  }
0x3f5: {  	[sflag:s22] =	ssyncadd.s32 $0xFFFFC000  }
0x3f6: {  	[tilespmem:s14], [sflag:$0x4] =	stream.strided.gather [hbm4b:s30+s10], $0x4000, s11, s10, $0x38;
	[tilespmem:$0x10500] =	vst v63  }
0x3f7: {  	_ =	swait.ge [sflag:s16], $0x4000  }
0x3f8: {  	[sflag:s16] =	ssyncset.done $0x0  }
0x3f9: {  	[sflag:s16] =	ssyncadd.s32 $0xFFFFC000  }
0x3fa: {  	v41 =	vld [tilespmem:$0x10020];
	_ =	sdelay $0x4  }
0x3fb: {  	(v2sf) =	vpush v41, $0x9;
	_ =	sdelay $0xe  }
0x3fc: {  	s31 =	spop (v2sf)  }
0x3fd: {  	s24 =	sshll.u32 s31, $0x13  }
0x3fe: {  	s24 =	sor.u32 s7, s24  }
0x3ff: {  	s24 =	sshrl.u32 s24, $0x3  }
0x400: {  	s24 =	sadd.s32 s1, s24  }
0x401: {  	[hbm4b:s24+s5] =	stream.linear.scatter [tilespmem:s12], [sflag:$0x6], $0x4000, $0x38;
	[tilespmem:$0x10500] =	vst v63  }
0x402: {  	_ =	swait.ge [sflag:s17], $0x4000  }
0x403: {  	s25 =	sld [smem:$0x7E8]  }
0x404: {  	[sflag:s17] =	ssyncset.done $0x0  }
0x405: {  	[sflag:s17] =	ssyncadd.s32 $0xFFFFC000  }
0x406: {  	[tilespmem:s5], [sflag:$0x1] =	stream.strided.gather [hbm4b:s25+s10], $0x4000, s11, s10, $0x38;
	[tilespmem:$0x10500] =	vst v63  }
0x407: {  	_ =	swait.ge [sflag:s18], $0x4000  }
0x408: {  	[sflag:s18] =	ssyncset.done $0x0  }
0x409: {  	[sflag:s18] =	ssyncadd.s32 $0xFFFFC000  }
0x40a: {  	v42 =	vld [tilespmem:$0x10020];
	_ =	sdelay $0x4  }
0x40b: {  	(v2sf) =	vpush v42, $0xA;
	_ =	sdelay $0xe  }
0x40c: {  	s26 =	spop (v2sf)  }
0x40d: {  	s24 =	sshll.u32 s26, $0x13  }
0x40e: {  	s24 =	sor.u32 s7, s24  }
0x40f: {  	s24 =	sshrl.u32 s24, $0x3  }
0x410: {  	s24 =	sadd.s32 s1, s24  }
0x411: {  	[hbm4b:s24+s5] =	stream.linear.scatter [tilespmem:s13], [sflag:$0x7], $0x4000, $0x38;
	[tilespmem:$0x10500] =	vst v63  }
0x412: {  	_ =	swait.ge [sflag:s19], $0x4000  }
0x413: {  	s28 =	sld [smem:$0x7E9]  }
0x414: {  	[sflag:s19] =	ssyncset.done $0x0  }
0x415: {  	[sflag:s19] =	ssyncadd.s32 $0xFFFFC000  }
0x416: {  	[tilespmem:s12], [sflag:$0x2] =	stream.strided.gather [hbm4b:s28+s10], $0x4000, s11, s10, $0x38;
	[tilespmem:$0x10500] =	vst v63  }
0x417: {  	_ =	swait.ge [sflag:s20], $0x4000  }
0x418: {  	[sflag:s20] =	ssyncset.done $0x0  }
0x419: {  	[sflag:s20] =	ssyncadd.s32 $0xFFFFC000  }
0x41a: {  	v43 =	vld [tilespmem:$0x10020];
	_ =	sdelay $0x4  }
0x41b: {  	(v2sf) =	vpush v43, $0xB;
	_ =	sdelay $0xe  }
0x41c: {  	s29 =	spop (v2sf)  }
0x41d: {  	s24 =	sshll.u32 s29, $0x13  }
0x41e: {  	s24 =	sor.u32 s7, s24  }
0x41f: {  	s24 =	sshrl.u32 s24, $0x3  }
0x420: {  	s24 =	sadd.s32 s1, s24  }
0x421: {  	[hbm4b:s24+s5] =	stream.linear.scatter [tilespmem:s14], [sflag:$0x8], $0x4000, $0x38;
	[tilespmem:$0x10500] =	vst v63  }
0x422: {  	_ =	swait.ge [sflag:s21], $0x4000  }
0x423: {  	s30 =	sld [smem:$0x7EA]  }
0x424: {  	[sflag:s21] =	ssyncset.done $0x0  }
0x425: {  	[sflag:s21] =	ssyncadd.s32 $0xFFFFC000  }
0x426: {  	[tilespmem:s13], [sflag:$0x3] =	stream.strided.gather [hbm4b:s30+s10], $0x4000, s11, s10, $0x38;
	[tilespmem:$0x10500] =	vst v63  }
0x427: {  	_ =	swait.ge [sflag:s15], $0x4000  }
0x428: {  	[sflag:s15] =	ssyncset.done $0x0  }
0x429: {  	[sflag:s15] =	ssyncadd.s32 $0xFFFFC000  }
0x42a: {  	v44 =	vld [tilespmem:$0x10020];
	_ =	sdelay $0x4  }
0x42b: {  	(v2sf) =	vpush v44, $0xC;
	_ =	sdelay $0xe  }
0x42c: {  	s31 =	spop (v2sf)  }
0x42d: {  	s24 =	sshll.u32 s31, $0x13  }
0x42e: {  	s24 =	sor.u32 s7, s24  }
0x42f: {  	s24 =	sshrl.u32 s24, $0x3  }
0x430: {  	s24 =	sadd.s32 s1, s24  }
0x431: {  	[hbm4b:s24+s5] =	stream.linear.scatter [tilespmem:s5], [sflag:$0x5], $0x4000, $0x38;
	[tilespmem:$0x10500] =	vst v63  }
0x432: {  	_ =	swait.ge [sflag:s22], $0x4000  }
0x433: {  	s25 =	sld [smem:$0x7EB]  }
0x434: {  	[sflag:s22] =	ssyncset.done $0x0  }
0x435: {  	[sflag:s22] =	ssyncadd.s32 $0xFFFFC000  }
0x436: {  	[tilespmem:s14], [sflag:$0x4] =	stream.strided.gather [hbm4b:s25+s10], $0x4000, s11, s10, $0x38;
	[tilespmem:$0x10500] =	vst v63  }
0x437: {  	_ =	swait.ge [sflag:s16], $0x4000  }
0x438: {  	[sflag:s16] =	ssyncset.done $0x0  }
0x439: {  	[sflag:s16] =	ssyncadd.s32 $0xFFFFC000  }
0x43a: {  	v45 =	vld [tilespmem:$0x10020];
	_ =	sdelay $0x4  }
0x43b: {  	(v2sf) =	vpush v45, $0xD;
	_ =	sdelay $0xe  }
0x43c: {  	s26 =	spop (v2sf)  }
0x43d: {  	s24 =	sshll.u32 s26, $0x13  }
0x43e: {  	s24 =	sor.u32 s7, s24  }
0x43f: {  	s24 =	sshrl.u32 s24, $0x3  }
0x440: {  	s24 =	sadd.s32 s1, s24  }
0x441: {  	[hbm4b:s24+s5] =	stream.linear.scatter [tilespmem:s12], [sflag:$0x6], $0x4000, $0x38;
	[tilespmem:$0x10500] =	vst v63  }
0x442: {  	_ =	swait.ge [sflag:s17], $0x4000  }
0x443: {  	s28 =	sld [smem:$0x7EC]  }
0x444: {  	[sflag:s17] =	ssyncset.done $0x0  }
0x445: {  	[sflag:s17] =	ssyncadd.s32 $0xFFFFC000  }
0x446: {  	[tilespmem:s5], [sflag:$0x1] =	stream.strided.gather [hbm4b:s28+s10], $0x4000, s11, s10, $0x38;
	[tilespmem:$0x10500] =	vst v63  }
0x447: {  	_ =	swait.ge [sflag:s18], $0x4000  }
0x448: {  	[sflag:s18] =	ssyncset.done $0x0  }
0x449: {  	[sflag:s18] =	ssyncadd.s32 $0xFFFFC000  }
0x44a: {  	v46 =	vld [tilespmem:$0x10020];
	_ =	sdelay $0x4  }
0x44b: {  	(v2sf) =	vpush v46, $0xE;
	_ =	sdelay $0xe  }
0x44c: {  	s29 =	spop (v2sf)  }
0x44d: {  	s24 =	sshll.u32 s29, $0x13  }
0x44e: {  	s24 =	sor.u32 s7, s24  }
0x44f: {  	s24 =	sshrl.u32 s24, $0x3  }
0x450: {  	s24 =	sadd.s32 s1, s24  }
0x451: {  	[hbm4b:s24+s5] =	stream.linear.scatter [tilespmem:s13], [sflag:$0x7], $0x4000, $0x38;
	[tilespmem:$0x10500] =	vst v63  }
0x452: {  	_ =	swait.ge [sflag:s19], $0x4000  }
0x453: {  	s30 =	sld [smem:$0x7ED]  }
0x454: {  	[sflag:s19] =	ssyncset.done $0x0  }
0x455: {  	[sflag:s19] =	ssyncadd.s32 $0xFFFFC000  }
0x456: {  	[tilespmem:s12], [sflag:$0x2] =	stream.strided.gather [hbm4b:s30+s10], $0x4000, s11, s10, $0x38;
	[tilespmem:$0x10500] =	vst v63  }
0x457: {  	_ =	swait.ge [sflag:s20], $0x4000  }
0x458: {  	[sflag:s20] =	ssyncset.done $0x0  }
0x459: {  	[sflag:s20] =	ssyncadd.s32 $0xFFFFC000  }
0x45a: {  	v47 =	vld [tilespmem:$0x10020];
	_ =	sdelay $0x4  }
0x45b: {  	(v2sf) =	vpush v47, $0xF;
	_ =	sdelay $0xe  }
0x45c: {  	s31 =	spop (v2sf)  }
0x45d: {  	s24 =	sshll.u32 s31, $0x13  }
0x45e: {  	s24 =	sor.u32 s7, s24  }
0x45f: {  	s24 =	sshrl.u32 s24, $0x3  }
0x460: {  	s24 =	sadd.s32 s1, s24  }
0x461: {  	[hbm4b:s24+s5] =	stream.linear.scatter [tilespmem:s14], [sflag:$0x8], $0x4000, $0x38;
	[tilespmem:$0x10500] =	vst v63  }
0x462: {  	_ =	swait.ge [sflag:s21], $0x4000  }
0x463: {  	s25 =	sld [smem:$0x7EE]  }
0x464: {  	[sflag:s21] =	ssyncset.done $0x0  }
0x465: {  	[sflag:s21] =	ssyncadd.s32 $0xFFFFC000  }
0x466: {  	[tilespmem:s13], [sflag:$0x3] =	stream.strided.gather [hbm4b:s25+s10], $0x4000, s11, s10, $0x38;
	[tilespmem:$0x10500] =	vst v63  }
0x467: {  	_ =	swait.ge [sflag:s15], $0x4000  }
0x468: {  	[sflag:s15] =	ssyncset.done $0x0  }
0x469: {  	[sflag:s15] =	ssyncadd.s32 $0xFFFFC000  }
0x46a: {  	v48 =	vld [tilespmem:$0x10030];
	_ =	sdelay $0x4  }
0x46b: {  	(v2sf) =	vpush v48, $0x0;
	_ =	sdelay $0xe  }
0x46c: {  	s26 =	spop (v2sf)  }
0x46d: {  	s24 =	sshll.u32 s26, $0x13  }
0x46e: {  	s24 =	sor.u32 s7, s24  }
0x46f: {  	s24 =	sshrl.u32 s24, $0x3  }
0x470: {  	s24 =	sadd.s32 s1, s24  }
0x471: {  	[hbm4b:s24+s5] =	stream.linear.scatter [tilespmem:s5], [sflag:$0x5], $0x4000, $0x38;
	[tilespmem:$0x10500] =	vst v63  }
0x472: {  	_ =	swait.ge [sflag:s22], $0x4000  }
0x473: {  	s28 =	sld [smem:$0x7EF]  }
0x474: {  	[sflag:s22] =	ssyncset.done $0x0  }
0x475: {  	[sflag:s22] =	ssyncadd.s32 $0xFFFFC000  }
0x476: {  	[tilespmem:s14], [sflag:$0x4] =	stream.strided.gather [hbm4b:s28+s10], $0x4000, s11, s10, $0x38;
	[tilespmem:$0x10500] =	vst v63  }
0x477: {  	_ =	swait.ge [sflag:s16], $0x4000  }
0x478: {  	[sflag:s16] =	ssyncset.done $0x0  }
0x479: {  	[sflag:s16] =	ssyncadd.s32 $0xFFFFC000  }
0x47a: {  	v49 =	vld [tilespmem:$0x10030];
	_ =	sdelay $0x4  }
0x47b: {  	(v2sf) =	vpush v49, $0x1;
	_ =	sdelay $0xe  }
0x47c: {  	s29 =	spop (v2sf)  }
0x47d: {  	s24 =	sshll.u32 s29, $0x13  }
0x47e: {  	s24 =	sor.u32 s7, s24  }
0x47f: {  	s24 =	sshrl.u32 s24, $0x3  }
0x480: {  	s24 =	sadd.s32 s1, s24  }
0x481: {  	[hbm4b:s24+s5] =	stream.linear.scatter [tilespmem:s12], [sflag:$0x6], $0x4000, $0x38;
	[tilespmem:$0x10500] =	vst v63  }
0x482: {  	_ =	swait.ge [sflag:s17], $0x4000  }
0x483: {  	s30 =	sld [smem:$0x7F0]  }
0x484: {  	[sflag:s17] =	ssyncset.done $0x0  }
0x485: {  	[sflag:s17] =	ssyncadd.s32 $0xFFFFC000  }
0x486: {  	[tilespmem:s5], [sflag:$0x1] =	stream.strided.gather [hbm4b:s30+s10], $0x4000, s11, s10, $0x38;
	[tilespmem:$0x10500] =	vst v63  }
0x487: {  	_ =	swait.ge [sflag:s18], $0x4000  }
0x488: {  	[sflag:s18] =	ssyncset.done $0x0  }
0x489: {  	[sflag:s18] =	ssyncadd.s32 $0xFFFFC000  }
0x48a: {  	v50 =	vld [tilespmem:$0x10030];
	_ =	sdelay $0x4  }
0x48b: {  	(v2sf) =	vpush v50, $0x2;
	_ =	sdelay $0xe  }
0x48c: {  	s31 =	spop (v2sf)  }
0x48d: {  	s24 =	sshll.u32 s31, $0x13  }
0x48e: {  	s24 =	sor.u32 s7, s24  }
0x48f: {  	s24 =	sshrl.u32 s24, $0x3  }
0x490: {  	s24 =	sadd.s32 s1, s24  }
0x491: {  	[hbm4b:s24+s5] =	stream.linear.scatter [tilespmem:s13], [sflag:$0x7], $0x4000, $0x38;
	[tilespmem:$0x10500] =	vst v63  }
0x492: {  	_ =	swait.ge [sflag:s19], $0x4000  }
0x493: {  	s25 =	sld [smem:$0x7F1]  }
0x494: {  	[sflag:s19] =	ssyncset.done $0x0  }
0x495: {  	[sflag:s19] =	ssyncadd.s32 $0xFFFFC000  }
0x496: {  	[tilespmem:s12], [sflag:$0x2] =	stream.strided.gather [hbm4b:s25+s10], $0x4000, s11, s10, $0x38;
	[tilespmem:$0x10500] =	vst v63  }
0x497: {  	_ =	swait.ge [sflag:s20], $0x4000  }
0x498: {  	[sflag:s20] =	ssyncset.done $0x0  }
0x499: {  	[sflag:s20] =	ssyncadd.s32 $0xFFFFC000  }
0x49a: {  	v51 =	vld [tilespmem:$0x10030];
	_ =	sdelay $0x4  }
0x49b: {  	(v2sf) =	vpush v51, $0x3;
	_ =	sdelay $0xe  }
0x49c: {  	s26 =	spop (v2sf)  }
0x49d: {  	s24 =	sshll.u32 s26, $0x13  }
0x49e: {  	s24 =	sor.u32 s7, s24  }
0x49f: {  	s24 =	sshrl.u32 s24, $0x3  }
0x4a0: {  	s24 =	sadd.s32 s1, s24  }
0x4a1: {  	[hbm4b:s24+s5] =	stream.linear.scatter [tilespmem:s14], [sflag:$0x8], $0x4000, $0x38;
	[tilespmem:$0x10500] =	vst v63  }
0x4a2: {  	_ =	swait.ge [sflag:s21], $0x4000  }
0x4a3: {  	s28 =	sld [smem:$0x7F2]  }
0x4a4: {  	[sflag:s21] =	ssyncset.done $0x0  }
0x4a5: {  	[sflag:s21] =	ssyncadd.s32 $0xFFFFC000  }
0x4a6: {  	[tilespmem:s13], [sflag:$0x3] =	stream.strided.gather [hbm4b:s28+s10], $0x4000, s11, s10, $0x38;
	[tilespmem:$0x10500] =	vst v63  }
0x4a7: {  	_ =	swait.ge [sflag:s15], $0x4000  }
0x4a8: {  	[sflag:s15] =	ssyncset.done $0x0  }
0x4a9: {  	[sflag:s15] =	ssyncadd.s32 $0xFFFFC000  }
0x4aa: {  	v52 =	vld [tilespmem:$0x10030];
	_ =	sdelay $0x4  }
0x4ab: {  	(v2sf) =	vpush v52, $0x4;
	_ =	sdelay $0xe  }
0x4ac: {  	s29 =	spop (v2sf)  }
0x4ad: {  	s24 =	sshll.u32 s29, $0x13  }
0x4ae: {  	s24 =	sor.u32 s7, s24  }
0x4af: {  	s24 =	sshrl.u32 s24, $0x3  }
0x4b0: {  	s24 =	sadd.s32 s1, s24  }
0x4b1: {  	[hbm4b:s24+s5] =	stream.linear.scatter [tilespmem:s5], [sflag:$0x5], $0x4000, $0x38;
	[tilespmem:$0x10500] =	vst v63  }
0x4b2: {  	_ =	swait.ge [sflag:s22], $0x4000  }
0x4b3: {  	s30 =	sld [smem:$0x7F3]  }
0x4b4: {  	[sflag:s22] =	ssyncset.done $0x0  }
0x4b5: {  	[sflag:s22] =	ssyncadd.s32 $0xFFFFC000  }
0x4b6: {  	[tilespmem:s14], [sflag:$0x4] =	stream.strided.gather [hbm4b:s30+s10], $0x4000, s11, s10, $0x38;
	[tilespmem:$0x10500] =	vst v63  }
0x4b7: {  	_ =	swait.ge [sflag:s16], $0x4000  }
0x4b8: {  	[sflag:s16] =	ssyncset.done $0x0  }
0x4b9: {  	[sflag:s16] =	ssyncadd.s32 $0xFFFFC000  }
0x4ba: {  	v53 =	vld [tilespmem:$0x10030];
	_ =	sdelay $0x4  }
0x4bb: {  	(v2sf) =	vpush v53, $0x5;
	_ =	sdelay $0xe  }
0x4bc: {  	s31 =	spop (v2sf)  }
0x4bd: {  	s24 =	sshll.u32 s31, $0x13  }
0x4be: {  	s24 =	sor.u32 s7, s24  }
0x4bf: {  	s24 =	sshrl.u32 s24, $0x3  }
0x4c0: {  	s24 =	sadd.s32 s1, s24  }
0x4c1: {  	[hbm4b:s24+s5] =	stream.linear.scatter [tilespmem:s12], [sflag:$0x6], $0x4000, $0x38;
	[tilespmem:$0x10500] =	vst v63  }
0x4c2: {  	_ =	swait.ge [sflag:s17], $0x4000  }
0x4c3: {  	s25 =	sld [smem:$0x7F4]  }
0x4c4: {  	[sflag:s17] =	ssyncset.done $0x0  }
0x4c5: {  	[sflag:s17] =	ssyncadd.s32 $0xFFFFC000  }
0x4c6: {  	[tilespmem:s5], [sflag:$0x1] =	stream.strided.gather [hbm4b:s25+s10], $0x4000, s11, s10, $0x38;
	[tilespmem:$0x10500] =	vst v63  }
0x4c7: {  	_ =	swait.ge [sflag:s18], $0x4000  }
0x4c8: {  	[sflag:s18] =	ssyncset.done $0x0  }
0x4c9: {  	[sflag:s18] =	ssyncadd.s32 $0xFFFFC000  }
0x4ca: {  	v54 =	vld [tilespmem:$0x10030];
	_ =	sdelay $0x4  }
0x4cb: {  	(v2sf) =	vpush v54, $0x6;
	_ =	sdelay $0xe  }
0x4cc: {  	s26 =	spop (v2sf)  }
0x4cd: {  	s24 =	sshll.u32 s26, $0x13  }
0x4ce: {  	s24 =	sor.u32 s7, s24  }
0x4cf: {  	s24 =	sshrl.u32 s24, $0x3  }
0x4d0: {  	s24 =	sadd.s32 s1, s24  }
0x4d1: {  	[hbm4b:s24+s5] =	stream.linear.scatter [tilespmem:s13], [sflag:$0x7], $0x4000, $0x38;
	[tilespmem:$0x10500] =	vst v63  }
0x4d2: {  	_ =	swait.ge [sflag:s19], $0x4000  }
0x4d3: {  	s28 =	sld [smem:$0x7F5]  }
0x4d4: {  	[sflag:s19] =	ssyncset.done $0x0  }
0x4d5: {  	[sflag:s19] =	ssyncadd.s32 $0xFFFFC000  }
0x4d6: {  	[tilespmem:s12], [sflag:$0x2] =	stream.strided.gather [hbm4b:s28+s10], $0x4000, s11, s10, $0x38;
	[tilespmem:$0x10500] =	vst v63  }
0x4d7: {  	_ =	swait.ge [sflag:s20], $0x4000  }
0x4d8: {  	[sflag:s20] =	ssyncset.done $0x0  }
0x4d9: {  	[sflag:s20] =	ssyncadd.s32 $0xFFFFC000  }
0x4da: {  	v55 =	vld [tilespmem:$0x10030];
	_ =	sdelay $0x4  }
0x4db: {  	(v2sf) =	vpush v55, $0x7;
	_ =	sdelay $0xe  }
0x4dc: {  	s29 =	spop (v2sf)  }
0x4dd: {  	s24 =	sshll.u32 s29, $0x13  }
0x4de: {  	s24 =	sor.u32 s7, s24  }
0x4df: {  	s24 =	sshrl.u32 s24, $0x3  }
0x4e0: {  	s24 =	sadd.s32 s1, s24  }
0x4e1: {  	[hbm4b:s24+s5] =	stream.linear.scatter [tilespmem:s14], [sflag:$0x8], $0x4000, $0x38;
	[tilespmem:$0x10500] =	vst v63  }
0x4e2: {  	_ =	swait.ge [sflag:s21], $0x4000  }
0x4e3: {  	s30 =	sld [smem:$0x7F6]  }
0x4e4: {  	[sflag:s21] =	ssyncset.done $0x0  }
0x4e5: {  	[sflag:s21] =	ssyncadd.s32 $0xFFFFC000  }
0x4e6: {  	[tilespmem:s13], [sflag:$0x3] =	stream.strided.gather [hbm4b:s30+s10], $0x4000, s11, s10, $0x38;
	[tilespmem:$0x10500] =	vst v63  }
0x4e7: {  	_ =	swait.ge [sflag:s15], $0x4000  }
0x4e8: {  	[sflag:s15] =	ssyncset.done $0x0  }
0x4e9: {  	[sflag:s15] =	ssyncadd.s32 $0xFFFFC000  }
0x4ea: {  	v56 =	vld [tilespmem:$0x10030];
	_ =	sdelay $0x4  }
0x4eb: {  	(v2sf) =	vpush v56, $0x8;
	_ =	sdelay $0xe  }
0x4ec: {  	s31 =	spop (v2sf)  }
0x4ed: {  	s24 =	sshll.u32 s31, $0x13  }
0x4ee: {  	s24 =	sor.u32 s7, s24  }
0x4ef: {  	s24 =	sshrl.u32 s24, $0x3  }
0x4f0: {  	s24 =	sadd.s32 s1, s24  }
0x4f1: {  	[hbm4b:s24+s5] =	stream.linear.scatter [tilespmem:s5], [sflag:$0x5], $0x4000, $0x38;
	[tilespmem:$0x10500] =	vst v63  }
0x4f2: {  	_ =	swait.ge [sflag:s22], $0x4000  }
0x4f3: {  	s25 =	sld [smem:$0x7F7]  }
0x4f4: {  	[sflag:s22] =	ssyncset.done $0x0  }
0x4f5: {  	[sflag:s22] =	ssyncadd.s32 $0xFFFFC000  }
0x4f6: {  	[tilespmem:s14], [sflag:$0x4] =	stream.strided.gather [hbm4b:s25+s10], $0x4000, s11, s10, $0x38;
	[tilespmem:$0x10500] =	vst v63  }
0x4f7: {  	_ =	swait.ge [sflag:s16], $0x4000  }
0x4f8: {  	[sflag:s16] =	ssyncset.done $0x0  }
0x4f9: {  	[sflag:s16] =	ssyncadd.s32 $0xFFFFC000  }
0x4fa: {  	v57 =	vld [tilespmem:$0x10030];
	_ =	sdelay $0x4  }
0x4fb: {  	(v2sf) =	vpush v57, $0x9;
	_ =	sdelay $0xe  }
0x4fc: {  	s26 =	spop (v2sf)  }
0x4fd: {  	s24 =	sshll.u32 s26, $0x13  }
0x4fe: {  	s24 =	sor.u32 s7, s24  }
0x4ff: {  	s24 =	sshrl.u32 s24, $0x3  }
0x500: {  	s24 =	sadd.s32 s1, s24  }
0x501: {  	[hbm4b:s24+s5] =	stream.linear.scatter [tilespmem:s12], [sflag:$0x6], $0x4000, $0x38;
	[tilespmem:$0x10500] =	vst v63  }
0x502: {  	_ =	swait.ge [sflag:s17], $0x4000  }
0x503: {  	s28 =	sld [smem:$0x7F8]  }
0x504: {  	[sflag:s17] =	ssyncset.done $0x0  }
0x505: {  	[sflag:s17] =	ssyncadd.s32 $0xFFFFC000  }
0x506: {  	[tilespmem:s5], [sflag:$0x1] =	stream.strided.gather [hbm4b:s28+s10], $0x4000, s11, s10, $0x38;
	[tilespmem:$0x10500] =	vst v63  }
0x507: {  	_ =	swait.ge [sflag:s18], $0x4000  }
0x508: {  	[sflag:s18] =	ssyncset.done $0x0  }
0x509: {  	[sflag:s18] =	ssyncadd.s32 $0xFFFFC000  }
0x50a: {  	v58 =	vld [tilespmem:$0x10030];
	_ =	sdelay $0x4  }
0x50b: {  	(v2sf) =	vpush v58, $0xA;
	_ =	sdelay $0xe  }
0x50c: {  	s29 =	spop (v2sf)  }
0x50d: {  	s24 =	sshll.u32 s29, $0x13  }
0x50e: {  	s24 =	sor.u32 s7, s24  }
0x50f: {  	s24 =	sshrl.u32 s24, $0x3  }
0x510: {  	s24 =	sadd.s32 s1, s24  }
0x511: {  	[hbm4b:s24+s5] =	stream.linear.scatter [tilespmem:s13], [sflag:$0x7], $0x4000, $0x38;
	[tilespmem:$0x10500] =	vst v63  }
0x512: {  	_ =	swait.ge [sflag:s19], $0x4000  }
0x513: {  	s30 =	sld [smem:$0x7F9]  }
0x514: {  	[sflag:s19] =	ssyncset.done $0x0  }
0x515: {  	[sflag:s19] =	ssyncadd.s32 $0xFFFFC000  }
0x516: {  	[tilespmem:s12], [sflag:$0x2] =	stream.strided.gather [hbm4b:s30+s10], $0x4000, s11, s10, $0x38;
	[tilespmem:$0x10500] =	vst v63  }
0x517: {  	_ =	swait.ge [sflag:s20], $0x4000  }
0x518: {  	[sflag:s20] =	ssyncset.done $0x0  }
0x519: {  	[sflag:s20] =	ssyncadd.s32 $0xFFFFC000  }
0x51a: {  	v59 =	vld [tilespmem:$0x10030];
	_ =	sdelay $0x4  }
0x51b: {  	(v2sf) =	vpush v59, $0xB;
	_ =	sdelay $0xe  }
0x51c: {  	s31 =	spop (v2sf)  }
0x51d: {  	s24 =	sshll.u32 s31, $0x13  }
0x51e: {  	s24 =	sor.u32 s7, s24  }
0x51f: {  	s24 =	sshrl.u32 s24, $0x3  }
0x520: {  	s24 =	sadd.s32 s1, s24  }
0x521: {  	[hbm4b:s24+s5] =	stream.linear.scatter [tilespmem:s14], [sflag:$0x8], $0x4000, $0x38;
	[tilespmem:$0x10500] =	vst v63  }
0x522: {  	_ =	swait.ge [sflag:s21], $0x4000  }
0x523: {  	s25 =	sld [smem:$0x7FA]  }
0x524: {  	[sflag:s21] =	ssyncset.done $0x0  }
0x525: {  	[sflag:s21] =	ssyncadd.s32 $0xFFFFC000  }
0x526: {  	[tilespmem:s13], [sflag:$0x3] =	stream.strided.gather [hbm4b:s25+s10], $0x4000, s11, s10, $0x38;
	[tilespmem:$0x10500] =	vst v63  }
0x527: {  	_ =	swait.ge [sflag:s15], $0x4000  }
0x528: {  	[sflag:s15] =	ssyncset.done $0x0  }
0x529: {  	[sflag:s15] =	ssyncadd.s32 $0xFFFFC000  }
0x52a: {  	v60 =	vld [tilespmem:$0x10030];
	_ =	sdelay $0x4  }
0x52b: {  	(v2sf) =	vpush v60, $0xC;
	_ =	sdelay $0xe  }
0x52c: {  	s26 =	spop (v2sf)  }
0x52d: {  	s24 =	sshll.u32 s26, $0x13  }
0x52e: {  	s24 =	sor.u32 s7, s24  }
0x52f: {  	s24 =	sshrl.u32 s24, $0x3  }
0x530: {  	s24 =	sadd.s32 s1, s24  }
0x531: {  	[hbm4b:s24+s5] =	stream.linear.scatter [tilespmem:s5], [sflag:$0x5], $0x4000, $0x38;
	[tilespmem:$0x10500] =	vst v63  }
0x532: {  	_ =	swait.ge [sflag:s22], $0x4000  }
0x533: {  	s28 =	sld [smem:$0x7FB]  }
0x534: {  	[sflag:s22] =	ssyncset.done $0x0  }
0x535: {  	[sflag:s22] =	ssyncadd.s32 $0xFFFFC000  }
0x536: {  	[tilespmem:s14], [sflag:$0x4] =	stream.strided.gather [hbm4b:s28+s10], $0x4000, s11, s10, $0x38;
	[tilespmem:$0x10500] =	vst v63  }
0x537: {  	_ =	swait.ge [sflag:s16], $0x4000  }
0x538: {  	[sflag:s16] =	ssyncset.done $0x0  }
0x539: {  	[sflag:s16] =	ssyncadd.s32 $0xFFFFC000  }
0x53a: {  	v61 =	vld [tilespmem:$0x10030];
	_ =	sdelay $0x4  }
0x53b: {  	(v2sf) =	vpush v61, $0xD;
	_ =	sdelay $0xe  }
0x53c: {  	s29 =	spop (v2sf)  }
0x53d: {  	s24 =	sshll.u32 s29, $0x13  }
0x53e: {  	s24 =	sor.u32 s7, s24  }
0x53f: {  	s24 =	sshrl.u32 s24, $0x3  }
0x540: {  	s24 =	sadd.s32 s1, s24  }
0x541: {  	[hbm4b:s24+s5] =	stream.linear.scatter [tilespmem:s12], [sflag:$0x6], $0x4000, $0x38;
	[tilespmem:$0x10500] =	vst v63  }
0x542: {  	_ =	swait.ge [sflag:s18], $0x4000  }
0x543: {  	[sflag:s18] =	ssyncset.done $0x0  }
0x544: {  	[sflag:s18] =	ssyncadd.s32 $0xFFFFC000  }
0x545: {  	v62 =	vld [tilespmem:$0x10030];
	_ =	sdelay $0x4  }
0x546: {  	(v2sf) =	vpush v62, $0xE;
	_ =	sdelay $0xe  }
0x547: {  	s30 =	spop (v2sf)  }
0x548: {  	s24 =	sshll.u32 s30, $0x13  }
0x549: {  	s24 =	sor.u32 s7, s24  }
0x54a: {  	s24 =	sshrl.u32 s24, $0x3  }
0x54b: {  	s24 =	sadd.s32 s1, s24  }
0x54c: {  	[hbm4b:s24+s5] =	stream.linear.scatter [tilespmem:s13], [sflag:$0x7], $0x4000, $0x38;
	[tilespmem:$0x10500] =	vst v63  }
0x54d: {  	_ =	swait.ge [sflag:s20], $0x4000  }
0x54e: {  	[sflag:s20] =	ssyncset.done $0x0  }
0x54f: {  	[sflag:s20] =	ssyncadd.s32 $0xFFFFC000  }
0x550: {  	v63 =	vld [tilespmem:$0x10030];
	_ =	sdelay $0x4  }
0x551: {  	(v2sf) =	vpush v63, $0xF;
	_ =	sdelay $0xe  }
0x552: {  	s31 =	spop (v2sf)  }
0x553: {  	s24 =	sshll.u32 s31, $0x13  }
0x554: {  	s24 =	sor.u32 s7, s24  }
0x555: {  	s24 =	sshrl.u32 s24, $0x3  }
0x556: {  	s24 =	sadd.s32 s1, s24  }
0x557: {  	[hbm4b:s24+s5] =	stream.linear.scatter [tilespmem:s14], [sflag:$0x8], $0x4000, $0x38;
	[tilespmem:$0x10500] =	vst v63  }
0x558: {  	_ =	swait.ge [sflag:s17], $0x4000  }
0x559: {  	[sflag:s17] =	ssyncset.done $0x0  }
0x55a: {  	[sflag:s17] =	ssyncadd.s32 $0xFFFFC000  }
0x55b: {  	_ =	swait.ge [sflag:s19], $0x4000  }
0x55c: {  	[sflag:s19] =	ssyncset.done $0x0  }
0x55d: {  	[sflag:s19] =	ssyncadd.s32 $0xFFFFC000  }
0x55e: {  	_ =	swait.ge [sflag:s21], $0x4000  }
0x55f: {  	[sflag:s21] =	ssyncset.done $0x0  }
0x560: {  	[sflag:s21] =	ssyncadd.s32 $0xFFFFC000  }
0x561: {  	_ =	swait.ge [sflag:s22], $0x4000  }
0x562: {  	[sflag:s22] =	ssyncset.done $0x0  }
0x563: {  	[sflag:s22] =	ssyncadd.s32 $0xFFFFC000  }
0x564: {  	_ =	swait.ge [sflag:s23], $0x800  }
0x565: {  	[sflag:s23] =	ssyncset.done $0x0  }
0x566: {  	[sflag:s23] =	ssyncadd.s32 $0xFFFFF800  }
0x567: {  	_ =	swait.ge [sflag:s23], $0x800  }
0x568: {  	[sflag:s23] =	ssyncset.done $0x0  }
0x569: {  	[sflag:s23] =	ssyncadd.s32 $0xFFFFF800  }
0x56a: {  	_ =	swait.ge [sflag:s23], $0x800  }
0x56b: {  	[sflag:s23] =	ssyncset.done $0x0  }
0x56c: {  	[sflag:s23] =	ssyncadd.s32 $0xFFFFF800  }
0x56d: {  	_ =	swait.ge [sflag:s23], $0x800  }
0x56e: {  	[sflag:s23] =	ssyncset.done $0x0  }
0x56f: {  	[sflag:s23] =	ssyncadd.s32 $0xFFFFF800  }
0x570: {  	_ =	swait.ge [sflag:s23], $0x800  }
0x571: {  	[sflag:s23] =	ssyncset.done $0x0  }
0x572: {  	[sflag:s23] =	ssyncadd.s32 $0xFFFFF800  }
0x573: {  	_ =	swait.ge [sflag:s23], $0x800  }
0x574: {  	[sflag:s23] =	ssyncset.done $0x0  }
0x575: {  	[sflag:s23] =	ssyncadd.s32 $0xFFFFF800  }
0x576: {  	_ =	swait.ge [sflag:s23], $0x800  }
0x577: {  	[sflag:s23] =	ssyncset.done $0x0  }
0x578: {  	[sflag:s23] =	ssyncadd.s32 $0xFFFFF800  }
0x579: {  	_ =	swait.ge [sflag:s23], $0x800  }
0x57a: {  	[sflag:s23] =	ssyncset.done $0x0  }
0x57b: {  	[sflag:s23] =	ssyncadd.s32 $0xFFFFF800  }
0x57c: {  	_ =	swait.ge [sflag:s23], $0x800  }
0x57d: {  	[sflag:s23] =	ssyncset.done $0x0  }
0x57e: {  	[sflag:s23] =	ssyncadd.s32 $0xFFFFF800  }
0x57f: {  	_ =	swait.ge [sflag:s23], $0x800  }
0x580: {  	[sflag:s23] =	ssyncset.done $0x0  }
0x581: {  	[sflag:s23] =	ssyncadd.s32 $0xFFFFF800  }
0x582: {  	_ =	swait.ge [sflag:s23], $0x800  }
0x583: {  	[sflag:s23] =	ssyncset.done $0x0  }
0x584: {  	[sflag:s23] =	ssyncadd.s32 $0xFFFFF800  }
0x585: {  	_ =	swait.ge [sflag:s23], $0x800  }
0x586: {  	[sflag:s23] =	ssyncset.done $0x0  }
0x587: {  	[sflag:s23] =	ssyncadd.s32 $0xFFFFF800  }
0x588: {  	_ =	swait.ge [sflag:s23], $0x800  }
0x589: {  	[sflag:s23] =	ssyncset.done $0x0  }
0x58a: {  	[sflag:s23] =	ssyncadd.s32 $0xFFFFF800  }
0x58b: {  	_ =	swait.ge [sflag:s23], $0x800  }
0x58c: {  	[sflag:s23] =	ssyncset.done $0x0  }
0x58d: {  	[sflag:s23] =	ssyncadd.s32 $0xFFFFF800  }
0x58e: {  	_ =	swait.ge [sflag:s23], $0x800  }
0x58f: {  	[sflag:s23] =	ssyncset.done $0x0  }
0x590: {  	[sflag:s23] =	ssyncadd.s32 $0xFFFFF800  }
0x591: {  	_ =	swait.ge [sflag:s23], $0x800  }
0x592: {  	[sflag:s23] =	ssyncset.done $0x0  }
0x593: {  	[sflag:s23] =	ssyncadd.s32 $0xFFFFF800  }
0x594: {  	_ =	swait.ge [sflag:s23], $0x800  }
0x595: {  	[sflag:s23] =	ssyncset.done $0x0  }
0x596: {  	[sflag:s23] =	ssyncadd.s32 $0xFFFFF800  }
0x597: {  	_ =	swait.ge [sflag:s23], $0x800  }
0x598: {  	[sflag:s23] =	ssyncset.done $0x0  }
0x599: {  	[sflag:s23] =	ssyncadd.s32 $0xFFFFF800  }
0x59a: {  	_ =	swait.ge [sflag:s23], $0x800  }
0x59b: {  	[sflag:s23] =	ssyncset.done $0x0  }
0x59c: {  	[sflag:s23] =	ssyncadd.s32 $0xFFFFF800  }
0x59d: {  	_ =	swait.ge [sflag:s23], $0x800  }
0x59e: {  	[sflag:s23] =	ssyncset.done $0x0  }
0x59f: {  	[sflag:s23] =	ssyncadd.s32 $0xFFFFF800  }
0x5a0: {  	_ =	swait.ge [sflag:s23], $0x800  }
0x5a1: {  	[sflag:s23] =	ssyncset.done $0x0  }
0x5a2: {  	[sflag:s23] =	ssyncadd.s32 $0xFFFFF800  }
0x5a3: {  	_ =	swait.ge [sflag:s23], $0x800  }
0x5a4: {  	[sflag:s23] =	ssyncset.done $0x0  }
0x5a5: {  	[sflag:s23] =	ssyncadd.s32 $0xFFFFF800  }
0x5a6: {  	_ =	swait.ge [sflag:s23], $0x800  }
0x5a7: {  	[sflag:s23] =	ssyncset.done $0x0  }
0x5a8: {  	[sflag:s23] =	ssyncadd.s32 $0xFFFFF800  }
0x5a9: {  	_ =	swait.ge [sflag:s23], $0x800  }
0x5aa: {  	[sflag:s23] =	ssyncset.done $0x0  }
0x5ab: {  	[sflag:s23] =	ssyncadd.s32 $0xFFFFF800  }
0x5ac: {  	_ =	swait.ge [sflag:s23], $0x800  }
0x5ad: {  	[sflag:s23] =	ssyncset.done $0x0  }
0x5ae: {  	[sflag:s23] =	ssyncadd.s32 $0xFFFFF800  }
0x5af: {  	_ =	swait.ge [sflag:s23], $0x800  }
0x5b0: {  	[sflag:s23] =	ssyncset.done $0x0  }
0x5b1: {  	[sflag:s23] =	ssyncadd.s32 $0xFFFFF800  }
0x5b2: {  	_ =	swait.ge [sflag:s23], $0x800  }
0x5b3: {  	[sflag:s23] =	ssyncset.done $0x0  }
0x5b4: {  	[sflag:s23] =	ssyncadd.s32 $0xFFFFF800  }
0x5b5: {  	_ =	swait.ge [sflag:s23], $0x800  }
0x5b6: {  	[sflag:s23] =	ssyncset.done $0x0  }
0x5b7: {  	[sflag:s23] =	ssyncadd.s32 $0xFFFFF800  }
0x5b8: {  	_ =	swait.ge [sflag:s23], $0x800  }
0x5b9: {  	[sflag:s23] =	ssyncset.done $0x0  }
0x5ba: {  	[sflag:s23] =	ssyncadd.s32 $0xFFFFF800  }
0x5bb: {  	_ =	swait.ge [sflag:s23], $0x800  }
0x5bc: {  	[sflag:s23] =	ssyncset.done $0x0  }
0x5bd: {  	[sflag:s23] =	ssyncadd.s32 $0xFFFFF800  }
0x5be: {  	_ =	swait.ge [sflag:s23], $0x800  }
0x5bf: {  	[sflag:s23] =	ssyncset.done $0x0  }
0x5c0: {  	[sflag:s23] =	ssyncadd.s32 $0xFFFFF800  }
0x5c1: {  	_ =	swait.ge [sflag:s23], $0x800  }
0x5c2: {  	[sflag:s23] =	ssyncset.done $0x0  }
0x5c3: {  	[sflag:s23] =	ssyncadd.s32 $0xFFFFF800  }
0x5c4: {  	_ =	swait.ge [sflag:s23], $0x800  }
0x5c5: {  	[sflag:s23] =	ssyncset.done $0x0  }
0x5c6: {  	[sflag:s23] =	ssyncadd.s32 $0xFFFFF800  }
0x5c7: {  	_ =	swait.ge [sflag:s23], $0x800  }
0x5c8: {  	[sflag:s23] =	ssyncset.done $0x0  }
0x5c9: {  	[sflag:s23] =	ssyncadd.s32 $0xFFFFF800  }
0x5ca: {  	_ =	swait.ge [sflag:s23], $0x800  }
0x5cb: {  	[sflag:s23] =	ssyncset.done $0x0  }
0x5cc: {  	[sflag:s23] =	ssyncadd.s32 $0xFFFFF800  }
0x5cd: {  	_ =	swait.ge [sflag:s23], $0x800  }
0x5ce: {  	[sflag:s23] =	ssyncset.done $0x0  }
0x5cf: {  	[sflag:s23] =	ssyncadd.s32 $0xFFFFF800  }
0x5d0: {  	_ =	swait.ge [sflag:s23], $0x800  }
0x5d1: {  	[sflag:s23] =	ssyncset.done $0x0  }
0x5d2: {  	[sflag:s23] =	ssyncadd.s32 $0xFFFFF800  }
0x5d3: {  	_ =	swait.ge [sflag:s23], $0x800  }
0x5d4: {  	[sflag:s23] =	ssyncset.done $0x0  }
0x5d5: {  	[sflag:s23] =	ssyncadd.s32 $0xFFFFF800  }
0x5d6: {  	_ =	swait.ge [sflag:s23], $0x800  }
0x5d7: {  	[sflag:s23] =	ssyncset.done $0x0  }
0x5d8: {  	[sflag:s23] =	ssyncadd.s32 $0xFFFFF800  }
0x5d9: {  	_ =	swait.ge [sflag:s23], $0x800  }
0x5da: {  	[sflag:s23] =	ssyncset.done $0x0  }
0x5db: {  	[sflag:s23] =	ssyncadd.s32 $0xFFFFF800  }
0x5dc: {  	_ =	swait.ge [sflag:s23], $0x800  }
0x5dd: {  	[sflag:s23] =	ssyncset.done $0x0  }
0x5de: {  	[sflag:s23] =	ssyncadd.s32 $0xFFFFF800  }
0x5df: {  	_ =	swait.ge [sflag:s23], $0x800  }
0x5e0: {  	[sflag:s23] =	ssyncset.done $0x0  }
0x5e1: {  	[sflag:s23] =	ssyncadd.s32 $0xFFFFF800  }
0x5e2: {  	_ =	swait.ge [sflag:s23], $0x800  }
0x5e3: {  	[sflag:s23] =	ssyncset.done $0x0  }
0x5e4: {  	[sflag:s23] =	ssyncadd.s32 $0xFFFFF800  }
0x5e5: {  	_ =	swait.ge [sflag:s23], $0x800  }
0x5e6: {  	[sflag:s23] =	ssyncset.done $0x0  }
0x5e7: {  	s8 =	sadd.s32 $0xFFFFFFFF, s8;
	[sflag:s23] =	ssyncadd.s32 $0xFFFFF800  }
0x5e8: {  	p1 =	sne.s32 s8, $0x0;
	_ =	swait.ge [sflag:s23], $0x800  }
.Ltmp0:
0x5e9: {  	[sflag:s23] =	ssyncset.done $0x0;
	(pc) =	sbr.rel @p1 .LBB2_1-.Ltmp0, $4  }
0x5ea: {  	[sflag:s23] =	ssyncadd.s32 $0xFFFFF800  }
0x5eb: {  	_ =	swait.ge [sflag:s23], $0x800  }
0x5ec: {  	[sflag:s23] =	ssyncset.done $0x0  }
0x5ed: {  	[sflag:s23] =	ssyncadd.s32 $0xFFFFF800  }
0x5ee: {  	_ =	sfence.sel $0x180000  }
0x5ef: {  	[bflag:$0x0] =	sbarrier.arrive $0xFFFF  }
0x5f0: {  	_ =	strace $0x90000047  }
0x5f1: {  	s0 =	sadd.s32 @!p0 $0x100000, s2;
	[bflag:$0x2] =	sbarrier.arrive $0xFFFF  }
0x5f2: {  	[sflag:s0] =	ssyncadd.tile.s32 @!p0 $0x1;
	_ =	shalt  }
.Lfunc_end2:
_tile_overlayer_lowered:
.L_overlay_start_2:
0x5f3: {  	(tag) =	ssettag $0x2  }
0x5f4: {  	s0 =	rddreg [dreg:$0x0];
	s2 =	stileid.u32  }
0x5f5: {  	s1 =	rddreg [dreg:$0x1];
	p0 =	sne.s32 s2, $0x0  }
0x5f6: {  	s3 =	rddreg [dreg:$0x2];
	[bflag:$0x3] =	sbarrier.arrive $0xFFFF;
	s2 =	simm.s32 @!p0 $0x1C0A  }
0x5f7: {  	[timem:s3], [sflag:s2] =	dma.local @!p0 [hbm:s0], s1  }
0x5f8: {  	s0 =	simm.s32 @!p0 $0xA  }
0x5f9: {  	_ =	swait.ge @!p0 [sflag:s0], s1  }
0x5fa: {  	s1 =	ssub.s32 @!p0 $0x0, s1;
	[sflag:s0] =	ssyncset.done @!p0 $0x0  }
0x5fb: {  	[sflag:s0] =	ssyncadd.s32 @!p0 s1  }
0x5fc: {  	[bflag:$0x3] =	sbarrier.arrive $0xFFFF  }
0x5fd: {  	_ =	shalt  }

</sc_bundles>
